<compile_context>
chip_gen: v7x
topology: tpu7x:2x2x1
jax: 0.10.2.dev20260603
libtpu: 0.0.44.dev20260713+nightly
codegen_flags: <defaults>
</compile_context>

<pallas_src>
import functools

import jax
import jax.numpy as jnp
from jax import lax
from jax.experimental import pallas as pl
from jax.experimental.pallas import tpu as pltpu
from jax.experimental.pallas import tpu_sc as plsc

L = 16


def _div3_small(n):
    return (n * 43691) >> 17


def _div384(n):
    return _div3_small(n >> 7)


@functools.lru_cache(maxsize=None)
def _build_warp(B, H, W, C):
    N = B * H * W
    info = plsc.get_sparse_core_info()
    NC, NS = info.num_cores, info.num_subcores
    NW = NC * NS
    assert N % NW == 0
    P = N // NW
    NB = 64
    assert P % (2 * NB) == 0
    NBLK = P // NB
    CG = C // L
    assert C % L == 0
    CP = 128

    mesh = plsc.VectorSubcoreMesh(core_axis_name="c", subcore_axis_name="s")

    @functools.partial(
        pl.kernel,
        mesh=mesh,
        compiler_params=pltpu.CompilerParams(
            use_tc_tiling_on_sc=True, needs_layout_passes=False),
        out_type=jax.ShapeDtypeStruct((N * CP,), jnp.float32),
        scratch_types=[
            [pltpu.VMEM((NB,), jnp.float32) for _ in range(2)],
            [pltpu.VMEM((NB,), jnp.float32) for _ in range(2)],
            [[pltpu.VMEM((NB,), jnp.int32) for _ in range(4)]
             for _ in range(2)],
            [pltpu.VMEM((4 * NB,), jnp.float32) for _ in range(2)],
            [pltpu.VMEM((4 * NB, CP), jnp.float32) for _ in range(2)],
            [pltpu.VMEM((NB * CP,), jnp.float32) for _ in range(2)],
            [pltpu.SemaphoreType.DMA for _ in range(2)],
            [pltpu.SemaphoreType.DMA for _ in range(2)],
            [pltpu.SemaphoreType.DMA for _ in range(2)],
        ],
    )
    def warp(img_hbm, fy_hbm, fx_hbm, out_hbm,
             fy, fx, idx, w, rows, out, sem_f, sem_g, sem_o):
        wid = lax.axis_index("s") * NC + lax.axis_index("c")
        base = wid * P

        def compute_idx(s, p):
            for jj in range(NB // L):
                pix = s + jj * L + lax.iota(jnp.int32, L)
                q1 = _div384(pix)
                xg = pix - q1 * W
                bg = _div384(q1)
                yg = q1 - bg * H
                sl = pl.ds(jj * L, L)
                qy = yg.astype(jnp.float32) - fy[p][sl]
                qx = xg.astype(jnp.float32) - fx[p][sl]
                qyc = jnp.clip(qy, 0.0, float(H - 2))
                qxc = jnp.clip(qx, 0.0, float(W - 2))
                y0 = qyc.astype(jnp.int32)
                x0 = qxc.astype(jnp.int32)
                ay = jnp.clip(qy - y0.astype(jnp.float32), 0.0, 1.0)
                ax = jnp.clip(qx - x0.astype(jnp.float32), 0.0, 1.0)
                r = bg * (H * W) + y0 * W + x0
                idx[p][0][sl] = r
                idx[p][1][sl] = r + 1
                idx[p][2][sl] = r + W
                idx[p][3][sl] = r + W + 1
                byc = 1.0 - ay
                bxc = 1.0 - ax
                w[p][sl] = byc * bxc
                w[p][pl.ds(NB + jj * L, L)] = byc * ax
                w[p][pl.ds(2 * NB + jj * L, L)] = ay * bxc
                w[p][pl.ds(3 * NB + jj * L, L)] = ay * ax

        def gather_copies(p):
            return [
                pltpu.make_async_copy(
                    img_hbm.at[idx[p][k]], rows[p].at[pl.ds(k * NB, NB)],
                    sem_g[p])
                for k in range(4)
            ]

        def fire_flow(s, p):
            pltpu.async_copy(fy_hbm.at[pl.ds(s, NB)], fy[p], sem_f[p])
            pltpu.async_copy(fx_hbm.at[pl.ds(s, NB)], fx[p], sem_f[p])

        def wait_flow(s, p):
            pltpu.make_async_copy(
                fy_hbm.at[pl.ds(s, NB)], fy[p], sem_f[p]).wait()
            pltpu.make_async_copy(
                fx_hbm.at[pl.ds(s, NB)], fx[p], sem_f[p]).wait()

        def blend(p):
            def pix(j, carry):
                jv = jnp.full((L,), j, jnp.int32)
                wtl = plsc.load_gather(w[p], [jv])
                wtr = plsc.load_gather(w[p], [jv + NB])
                wbl = plsc.load_gather(w[p], [jv + 2 * NB])
                wbr = plsc.load_gather(w[p], [jv + 3 * NB])
                for cg in range(CG):
                    csl = pl.ds(cg * L, L)
                    acc = wtl * rows[p][j, csl]
                    acc = acc + wtr * rows[p][NB + j, csl]
                    acc = acc + wbl * rows[p][2 * NB + j, csl]
                    acc = acc + wbr * rows[p][3 * NB + j, csl]
                    out[p][pl.ds(j * CP + cg * L, L)] = acc
                return carry

            lax.fori_loop(0, NB, pix, 0, unroll=4)

        def half(x, p):
            q = 1 - p
            s = base + x * NB

            @pl.when(x + 1 < NBLK)
            def _():
                wait_flow(s + NB, q)
                compute_idx(s + NB, q)
                for cp in gather_copies(q):
                    cp.start()

            @pl.when(x + 2 < NBLK)
            def _():
                fire_flow(s + 2 * NB, p)

            for cp in gather_copies(p):
                cp.wait()

            @pl.when(x >= 2)
            def _():
                pltpu.make_async_copy(
                    out[p], out_hbm.at[pl.ds(s * CP, NB * CP)],
                    sem_o[p]).wait()

            blend(p)
            pltpu.async_copy(
                out[p], out_hbm.at[pl.ds(s * CP, NB * CP)], sem_o[p])

        pltpu.sync_copy(fy_hbm.at[pl.ds(base, NB)], fy[0])
        pltpu.sync_copy(fx_hbm.at[pl.ds(base, NB)], fx[0])
        compute_idx(base, 0)
        for cp0 in gather_copies(0):
            cp0.start()
        fire_flow(base + NB, 1)

        def pair(ii, carry):
            half(2 * ii, 0)
            half(2 * ii + 1, 1)
            return carry

        lax.fori_loop(0, NBLK // 2, pair, 0)

        for p_ in range(2):
            pltpu.make_async_copy(
                out[p_], out_hbm.at[pl.ds(base * CP, NB * CP)],
                sem_o[p_]).wait()

    return warp


def kernel(image, flow):
    B, H, W, C = image.shape
    img_pad = jnp.pad(image.reshape(B * H * W, C), ((0, 0), (0, 128 - C)))
    fy = flow[..., 0].reshape(-1)
    fx = flow[..., 1].reshape(-1)
    out = _build_warp(B, H, W, C)(img_pad, fy, fx)
    return out.reshape(B * H * W, 128)[:, :C].reshape(B, H, W, C)

# --- scband reference (transcript-rebuilt; emitter-appended) ---
"""Pipeline reference for scband-back-warp-35158602285813 (READ-ONLY COPY).

The authoritative reference and input builder live on the scoring server;
editing this copy changes nothing except your own understanding.
"""

import jax, jax.numpy as jnp
import numpy as np


def setup_inputs(seed: int = 0) -> dict:
    key = jax.random.key(seed)
    k1, k2 = jax.random.split(key)
    image = jax.random.normal(k1, (4, 384, 384, 96), dtype=jnp.float32)
    flow = jax.random.normal(k2, (4, 384, 384, 2), dtype=jnp.float32)
    return {"image": image, "flow": flow}


def _interpolate_bilinear(grid, query_points):
    # grid: [B, H, W, C]; query_points: [B, N, 2] with indexing 'ij'
    B, H, W, C = grid.shape
    N = query_points.shape[1]
    alphas = []
    floors = []
    ceils = []
    for i, dim in enumerate([0, 1]):  # index_order for 'ij'
        queries = query_points[:, :, dim]
        size_in_indexing_dimension = grid.shape[i + 1]
        max_floor = jnp.asarray(size_in_indexing_dimension - 2, dtype=queries.dtype)
        floor = jnp.minimum(jnp.maximum(jnp.asarray(0.0, queries.dtype), jnp.floor(queries)), max_floor)
        int_floor = floor.astype(jnp.int32)
        floors.append(int_floor)
        ceils.append(int_floor + 1)
        alpha = (queries - floor).astype(grid.dtype)
        alpha = jnp.minimum(jnp.maximum(jnp.asarray(0.0, grid.dtype), alpha), jnp.asarray(1.0, grid.dtype))
        alphas.append(alpha[:, :, None])
    flattened_grid = grid.reshape(B * H * W, C)
    batch_offsets = (jnp.arange(B) * H * W).reshape(B, 1)

    def gather(y_coords, x_coords):
        linear_coordinates = batch_offsets + y_coords * W + x_coords
        gathered = jnp.take(flattened_grid, linear_coordinates.reshape(-1), axis=0)
        return gathered.reshape(B, N, C)

    top_left = gather(floors[0], floors[1])
    top_right = gather(floors[0], ceils[1])
    bottom_left = gather(ceils[0], floors[1])
    bottom_right = gather(ceils[0], ceils[1])
    interp_top = alphas[1] * (top_right - top_left) + top_left
    interp_bottom = alphas[1] * (bottom_right - bottom_left) + bottom_left
    interp = alphas[0] * (interp_bottom - interp_top) + interp_top
    return interp


def reference(image, flow):
    B, H, W, C = image.shape
    grid_x, grid_y = jnp.meshgrid(jnp.arange(W), jnp.arange(H))
    stacked_grid = jnp.stack([grid_y, grid_x], axis=2).astype(flow.dtype)
    batched_grid = stacked_grid[None, ...]
    query_points_on_grid = batched_grid - flow
    query_points_flattened = query_points_on_grid.reshape(B, H * W, 2)
    interpolated = _interpolate_bilinear(image, query_points_flattened)
    return interpolated.reshape(B, H, W, C)

if __name__ == "__main__":
    import jax
    _d = setup_inputs()
    print(jax.jit(kernel)(*tuple(_d.values())))

</pallas_src>

<mosaic_0001>
#map = affine_map<(d0, d1) -> (0, 0)>
#map1 = affine_map<(d0, d1) -> (0)>
module attributes {stable_mosaic.version = 14 : i64} {
  func.func @warp(%arg0: i32, %arg1: i32, %arg2: memref<589824x128xf32, #tpu.memory_space<hbm>>, %arg3: memref<589824xf32, #tpu.memory_space<hbm>>, %arg4: memref<589824xf32, #tpu.memory_space<hbm>>, %arg5: memref<75497472xf32, #tpu.memory_space<hbm>>, %arg6: memref<64xf32, #tpu.memory_space<vmem>>, %arg7: memref<64xf32, #tpu.memory_space<vmem>>, %arg8: memref<64xf32, #tpu.memory_space<vmem>>, %arg9: memref<64xf32, #tpu.memory_space<vmem>>, %arg10: memref<64xi32, #tpu.memory_space<vmem>>, %arg11: memref<64xi32, #tpu.memory_space<vmem>>, %arg12: memref<64xi32, #tpu.memory_space<vmem>>, %arg13: memref<64xi32, #tpu.memory_space<vmem>>, %arg14: memref<64xi32, #tpu.memory_space<vmem>>, %arg15: memref<64xi32, #tpu.memory_space<vmem>>, %arg16: memref<64xi32, #tpu.memory_space<vmem>>, %arg17: memref<64xi32, #tpu.memory_space<vmem>>, %arg18: memref<256xf32, #tpu.memory_space<vmem>>, %arg19: memref<256xf32, #tpu.memory_space<vmem>>, %arg20: memref<256x128xf32, #tpu.memory_space<vmem>>, %arg21: memref<256x128xf32, #tpu.memory_space<vmem>>, %arg22: memref<8192xf32, #tpu.memory_space<vmem>>, %arg23: memref<8192xf32, #tpu.memory_space<vmem>>, %arg24: memref<!tpu.dma_semaphore, #tpu.memory_space<semaphore_mem>>, %arg25: memref<!tpu.dma_semaphore, #tpu.memory_space<semaphore_mem>>, %arg26: memref<!tpu.dma_semaphore, #tpu.memory_space<semaphore_mem>>, %arg27: memref<!tpu.dma_semaphore, #tpu.memory_space<semaphore_mem>>, %arg28: memref<!tpu.dma_semaphore, #tpu.memory_space<semaphore_mem>>, %arg29: memref<!tpu.dma_semaphore, #tpu.memory_space<semaphore_mem>>) attributes {dimension_semantics = [#tpu.dimension_semantics<core_parallel>, #tpu.dimension_semantics<subcore_parallel>], iteration_bounds = array<i64: 2, 16>, scalar_prefetch = 0 : i64, scratch_operands = 24 : i64, tpu.core_type = #tpu.core_type<sc_vector_subcore>, window_params = [{transform_indices = #map}, {transform_indices = #map1}, {transform_indices = #map1}, {transform_indices = #map1}]} {
    %mul3A = arith.constant 2 : i32
    %mul3A_0 = arith.muli %arg1, %mul3A : i32
    %add3A = arith.addi %mul3A_0, %arg0 : i32
    %mul3A_1 = arith.constant 18432 : i32
    %mul3A_2 = arith.muli %add3A, %mul3A_1 : i32
    "tpu.region"() ({
      %run_scoped3A = tpu.sem_alloc : memref<!tpu.dma_semaphore, #tpu.memory_space<semaphore_mem>>
      %dma_start3A_495 = tpu.memref_slice %arg3[%mul3A_2] : memref<589824xf32, #tpu.memory_space<hbm>> -> memref<64xf32, #tpu.memory_space<hbm>>
      %dma_start3A_496 = tpu.memref_slice %arg3[%mul3A_2] : memref<589824xf32, #tpu.memory_space<hbm>> -> memref<64xf32, #tpu.memory_space<hbm>>
      tpu.enqueue_dma source(%dma_start3A_496 : memref<64xf32, #tpu.memory_space<hbm>>) target(%arg6 : memref<64xf32, #tpu.memory_space<vmem>>) target_semaphore(%run_scoped3A : memref<!tpu.dma_semaphore, #tpu.memory_space<semaphore_mem>>)
      %dma_wait3A_497 = tpu.memref_slice %arg3[%mul3A_2] : memref<589824xf32, #tpu.memory_space<hbm>> -> memref<64xf32, #tpu.memory_space<hbm>>
      %dma_wait3A_498 = tpu.memref_slice %arg3[%mul3A_2] : memref<589824xf32, #tpu.memory_space<hbm>> -> memref<64xf32, #tpu.memory_space<hbm>>
      tpu.wait_dma2 semaphore(%run_scoped3A : memref<!tpu.dma_semaphore, #tpu.memory_space<semaphore_mem>>) src(%dma_wait3A_498 : memref<64xf32, #tpu.memory_space<hbm>>) dst(%arg6 : memref<64xf32, #tpu.memory_space<vmem>>)
      tpu.yield
    }) : () -> ()
    "tpu.region"() ({
      %run_scoped3A = tpu.sem_alloc : memref<!tpu.dma_semaphore, #tpu.memory_space<semaphore_mem>>
      %dma_start3A_495 = tpu.memref_slice %arg4[%mul3A_2] : memref<589824xf32, #tpu.memory_space<hbm>> -> memref<64xf32, #tpu.memory_space<hbm>>
      %dma_start3A_496 = tpu.memref_slice %arg4[%mul3A_2] : memref<589824xf32, #tpu.memory_space<hbm>> -> memref<64xf32, #tpu.memory_space<hbm>>
      tpu.enqueue_dma source(%dma_start3A_496 : memref<64xf32, #tpu.memory_space<hbm>>) target(%arg8 : memref<64xf32, #tpu.memory_space<vmem>>) target_semaphore(%run_scoped3A : memref<!tpu.dma_semaphore, #tpu.memory_space<semaphore_mem>>)
      %dma_wait3A_497 = tpu.memref_slice %arg4[%mul3A_2] : memref<589824xf32, #tpu.memory_space<hbm>> -> memref<64xf32, #tpu.memory_space<hbm>>
      %dma_wait3A_498 = tpu.memref_slice %arg4[%mul3A_2] : memref<589824xf32, #tpu.memory_space<hbm>> -> memref<64xf32, #tpu.memory_space<hbm>>
      tpu.wait_dma2 semaphore(%run_scoped3A : memref<!tpu.dma_semaphore, #tpu.memory_space<semaphore_mem>>) src(%dma_wait3A_498 : memref<64xf32, #tpu.memory_space<hbm>>) dst(%arg8 : memref<64xf32, #tpu.memory_space<vmem>>)
      tpu.yield
    }) : () -> ()
    %add3A_3 = arith.constant 0 : i32
    %add3A_4 = arith.addi %mul3A_2, %add3A_3 : i32
    %iota3A = tpu.iota {dimensions = array<i32: 0>} : vector<16xi32>
    %add3A_5 = vector.broadcast %add3A_4 : i32 to vector<16xi32>
    %add3A_6 = arith.addi %add3A_5, %iota3A : vector<16xi32>
    %shift_right_arithmetic3A = arith.constant 7 : i32
    %shift_right_arithmetic3A_7 = vector.broadcast %shift_right_arithmetic3A : i32 to vector<16xi32>
    %shift_right_arithmetic3A_8 = arith.shrsi %add3A_6, %shift_right_arithmetic3A_7 : vector<16xi32>
    %mul3A_9 = arith.constant 43691 : i32
    %mul3A_10 = vector.broadcast %mul3A_9 : i32 to vector<16xi32>
    %mul3A_11 = arith.muli %shift_right_arithmetic3A_8, %mul3A_10 : vector<16xi32>
    %shift_right_arithmetic3A_12 = arith.constant 17 : i32
    %shift_right_arithmetic3A_13 = vector.broadcast %shift_right_arithmetic3A_12 : i32 to vector<16xi32>
    %shift_right_arithmetic3A_14 = arith.shrsi %mul3A_11, %shift_right_arithmetic3A_13 : vector<16xi32>
    %mul3A_15 = arith.constant 384 : i32
    %mul3A_16 = vector.broadcast %mul3A_15 : i32 to vector<16xi32>
    %mul3A_17 = arith.muli %shift_right_arithmetic3A_14, %mul3A_16 : vector<16xi32>
    %sub3A = arith.subi %add3A_6, %mul3A_17 : vector<16xi32>
    %shift_right_arithmetic3A_18 = arith.constant 7 : i32
    %shift_right_arithmetic3A_19 = vector.broadcast %shift_right_arithmetic3A_18 : i32 to vector<16xi32>
    %shift_right_arithmetic3A_20 = arith.shrsi %shift_right_arithmetic3A_14, %shift_right_arithmetic3A_19 : vector<16xi32>
    %mul3A_21 = arith.constant 43691 : i32
    %mul3A_22 = vector.broadcast %mul3A_21 : i32 to vector<16xi32>
    %mul3A_23 = arith.muli %shift_right_arithmetic3A_20, %mul3A_22 : vector<16xi32>
    %shift_right_arithmetic3A_24 = arith.constant 17 : i32
    %shift_right_arithmetic3A_25 = vector.broadcast %shift_right_arithmetic3A_24 : i32 to vector<16xi32>
    %shift_right_arithmetic3A_26 = arith.shrsi %mul3A_23, %shift_right_arithmetic3A_25 : vector<16xi32>
    %mul3A_27 = arith.constant 384 : i32
    %mul3A_28 = vector.broadcast %mul3A_27 : i32 to vector<16xi32>
    %mul3A_29 = arith.muli %shift_right_arithmetic3A_26, %mul3A_28 : vector<16xi32>
    %sub3A_30 = arith.subi %shift_right_arithmetic3A_14, %mul3A_29 : vector<16xi32>
    %convert_element_type3A = arith.sitofp %sub3A_30 : vector<16xi32> to vector<16xf32>
    %get3A = arith.constant 0 : index
    %get3A_31 = tpu.vector_load %arg6[%get3A] {strides = array<i32>} : memref<64xf32, #tpu.memory_space<vmem>>, vector<16xf32>,
    %sub3A_32 = arith.subf %convert_element_type3A, %get3A_31 : vector<16xf32>
    %convert_element_type3A_33 = arith.sitofp %sub3A : vector<16xi32> to vector<16xf32>
    %get3A_34 = arith.constant 0 : index
    %get3A_35 = tpu.vector_load %arg8[%get3A_34] {strides = array<i32>} : memref<64xf32, #tpu.memory_space<vmem>>, vector<16xf32>,
    %sub3A_36 = arith.subf %convert_element_type3A_33, %get3A_35 : vector<16xf32>
    %jit3A = arith.constant 0.000000e+00 : f32
    %jit3A_37 = arith.constant 3.820000e+02 : f32
    %max3A = vector.broadcast %jit3A : f32 to vector<16xf32>
    %max3A_38 = arith.maximumf %max3A, %sub3A_32 : vector<16xf32>
    %min3A = vector.broadcast %jit3A_37 : f32 to vector<16xf32>
    %min3A_39 = arith.minimumf %min3A, %max3A_38 : vector<16xf32>
    %jit3A_40 = arith.constant 0.000000e+00 : f32
    %jit3A_41 = arith.constant 3.820000e+02 : f32
    %max3A_42 = vector.broadcast %jit3A_40 : f32 to vector<16xf32>
    %max3A_43 = arith.maximumf %max3A_42, %sub3A_36 : vector<16xf32>
    %min3A_44 = vector.broadcast %jit3A_41 : f32 to vector<16xf32>
    %min3A_45 = arith.minimumf %min3A_44, %max3A_43 : vector<16xf32>
    %convert_element_type3A_46 = arith.fptosi %min3A_39 : vector<16xf32> to vector<16xi32>
    %convert_element_type3A_47 = arith.fptosi %min3A_45 : vector<16xf32> to vector<16xi32>
    %convert_element_type3A_48 = arith.sitofp %convert_element_type3A_46 : vector<16xi32> to vector<16xf32>
    %sub3A_49 = arith.subf %sub3A_32, %convert_element_type3A_48 : vector<16xf32>
    %jit3A_50 = arith.constant 0.000000e+00 : f32
    %jit3A_51 = arith.constant 1.000000e+00 : f32
    %max3A_52 = vector.broadcast %jit3A_50 : f32 to vector<16xf32>
    %max3A_53 = arith.maximumf %max3A_52, %sub3A_49 : vector<16xf32>
    %min3A_54 = vector.broadcast %jit3A_51 : f32 to vector<16xf32>
    %min3A_55 = arith.minimumf %min3A_54, %max3A_53 : vector<16xf32>
    %convert_element_type3A_56 = arith.sitofp %convert_element_type3A_47 : vector<16xi32> to vector<16xf32>
    %sub3A_57 = arith.subf %sub3A_36, %convert_element_type3A_56 : vector<16xf32>
    %jit3A_58 = arith.constant 0.000000e+00 : f32
    %jit3A_59 = arith.constant 1.000000e+00 : f32
    %max3A_60 = vector.broadcast %jit3A_58 : f32 to vector<16xf32>
    %max3A_61 = arith.maximumf %max3A_60, %sub3A_57 : vector<16xf32>
    %min3A_62 = vector.broadcast %jit3A_59 : f32 to vector<16xf32>
    %min3A_63 = arith.minimumf %min3A_62, %max3A_61 : vector<16xf32>
    %mul3A_64 = arith.constant 147456 : i32
    %mul3A_65 = vector.broadcast %mul3A_64 : i32 to vector<16xi32>
    %mul3A_66 = arith.muli %shift_right_arithmetic3A_26, %mul3A_65 : vector<16xi32>
    %mul3A_67 = arith.constant 384 : i32
    %mul3A_68 = vector.broadcast %mul3A_67 : i32 to vector<16xi32>
    %mul3A_69 = arith.muli %convert_element_type3A_46, %mul3A_68 : vector<16xi32>
    %add3A_70 = arith.addi %mul3A_66, %mul3A_69 : vector<16xi32>
    %add3A_71 = arith.addi %add3A_70, %convert_element_type3A_47 : vector<16xi32>
    %swap3A = arith.constant 0 : index
    %swap3A_72 = tpu.vector_load %arg10[%swap3A] {strides = array<i32>} : memref<64xi32, #tpu.memory_space<vmem>>, vector<16xi32>,
    tpu.vector_store %arg10[%swap3A], %add3A_71 {strides = array<i32>} : memref<64xi32, #tpu.memory_space<vmem>>, vector<16xi32>,
    %add3A_73 = arith.constant 1 : i32
    %add3A_74 = vector.broadcast %add3A_73 : i32 to vector<16xi32>
    %add3A_75 = arith.addi %add3A_71, %add3A_74 : vector<16xi32>
    %swap3A_76 = arith.constant 0 : index
    %swap3A_77 = tpu.vector_load %arg11[%swap3A_76] {strides = array<i32>} : memref<64xi32, #tpu.memory_space<vmem>>, vector<16xi32>,
    tpu.vector_store %arg11[%swap3A_76], %add3A_75 {strides = array<i32>} : memref<64xi32, #tpu.memory_space<vmem>>, vector<16xi32>,
    %add3A_78 = arith.constant 384 : i32
    %add3A_79 = vector.broadcast %add3A_78 : i32 to vector<16xi32>
    %add3A_80 = arith.addi %add3A_71, %add3A_79 : vector<16xi32>
    %swap3A_81 = arith.constant 0 : index
    %swap3A_82 = tpu.vector_load %arg12[%swap3A_81] {strides = array<i32>} : memref<64xi32, #tpu.memory_space<vmem>>, vector<16xi32>,
    tpu.vector_store %arg12[%swap3A_81], %add3A_80 {strides = array<i32>} : memref<64xi32, #tpu.memory_space<vmem>>, vector<16xi32>,
    %add3A_83 = arith.constant 384 : i32
    %add3A_84 = vector.broadcast %add3A_83 : i32 to vector<16xi32>
    %add3A_85 = arith.addi %add3A_71, %add3A_84 : vector<16xi32>
    %add3A_86 = arith.constant 1 : i32
    %add3A_87 = vector.broadcast %add3A_86 : i32 to vector<16xi32>
    %add3A_88 = arith.addi %add3A_85, %add3A_87 : vector<16xi32>
    %swap3A_89 = arith.constant 0 : index
    %swap3A_90 = tpu.vector_load %arg13[%swap3A_89] {strides = array<i32>} : memref<64xi32, #tpu.memory_space<vmem>>, vector<16xi32>,
    tpu.vector_store %arg13[%swap3A_89], %add3A_88 {strides = array<i32>} : memref<64xi32, #tpu.memory_space<vmem>>, vector<16xi32>,
    %sub3A_91 = arith.constant 1.000000e+00 : f32
    %sub3A_92 = vector.broadcast %sub3A_91 : f32 to vector<16xf32>
    %sub3A_93 = arith.subf %sub3A_92, %min3A_55 : vector<16xf32>
    %sub3A_94 = arith.constant 1.000000e+00 : f32
    %sub3A_95 = vector.broadcast %sub3A_94 : f32 to vector<16xf32>
    %sub3A_96 = arith.subf %sub3A_95, %min3A_63 : vector<16xf32>
    %mul3A_97 = arith.mulf %sub3A_93, %sub3A_96 : vector<16xf32>
    %swap3A_98 = arith.constant 0 : index
    %swap3A_99 = tpu.vector_load %arg18[%swap3A_98] {strides = array<i32>} : memref<256xf32, #tpu.memory_space<vmem>>, vector<16xf32>,
    tpu.vector_store %arg18[%swap3A_98], %mul3A_97 {strides = array<i32>} : memref<256xf32, #tpu.memory_space<vmem>>, vector<16xf32>,
    %mul3A_100 = arith.mulf %sub3A_93, %min3A_63 : vector<16xf32>
    %swap3A_101 = arith.constant 64 : index
    %swap3A_102 = tpu.vector_load %arg18[%swap3A_101] {strides = array<i32>} : memref<256xf32, #tpu.memory_space<vmem>>, vector<16xf32>,
    tpu.vector_store %arg18[%swap3A_101], %mul3A_100 {strides = array<i32>} : memref<256xf32, #tpu.memory_space<vmem>>, vector<16xf32>,
    %mul3A_103 = arith.mulf %min3A_55, %sub3A_96 : vector<16xf32>
    %swap3A_104 = arith.constant 128 : index
    %swap3A_105 = tpu.vector_load %arg18[%swap3A_104] {strides = array<i32>} : memref<256xf32, #tpu.memory_space<vmem>>, vector<16xf32>,
    tpu.vector_store %arg18[%swap3A_104], %mul3A_103 {strides = array<i32>} : memref<256xf32, #tpu.memory_space<vmem>>, vector<16xf32>,
    %mul3A_106 = arith.mulf %min3A_55, %min3A_63 : vector<16xf32>
    %swap3A_107 = arith.constant 192 : index
    %swap3A_108 = tpu.vector_load %arg18[%swap3A_107] {strides = array<i32>} : memref<256xf32, #tpu.memory_space<vmem>>, vector<16xf32>,
    tpu.vector_store %arg18[%swap3A_107], %mul3A_106 {strides = array<i32>} : memref<256xf32, #tpu.memory_space<vmem>>, vector<16xf32>,
    %add3A_109 = arith.constant 16 : i32
    %add3A_110 = arith.addi %mul3A_2, %add3A_109 : i32
    %iota3A_111 = tpu.iota {dimensions = array<i32: 0>} : vector<16xi32>
    %add3A_112 = vector.broadcast %add3A_110 : i32 to vector<16xi32>
    %add3A_113 = arith.addi %add3A_112, %iota3A_111 : vector<16xi32>
    %shift_right_arithmetic3A_114 = arith.constant 7 : i32
    %shift_right_arithmetic3A_115 = vector.broadcast %shift_right_arithmetic3A_114 : i32 to vector<16xi32>
    %shift_right_arithmetic3A_116 = arith.shrsi %add3A_113, %shift_right_arithmetic3A_115 : vector<16xi32>
    %mul3A_117 = arith.constant 43691 : i32
    %mul3A_118 = vector.broadcast %mul3A_117 : i32 to vector<16xi32>
    %mul3A_119 = arith.muli %shift_right_arithmetic3A_116, %mul3A_118 : vector<16xi32>
    %shift_right_arithmetic3A_120 = arith.constant 17 : i32
    %shift_right_arithmetic3A_121 = vector.broadcast %shift_right_arithmetic3A_120 : i32 to vector<16xi32>
    %shift_right_arithmetic3A_122 = arith.shrsi %mul3A_119, %shift_right_arithmetic3A_121 : vector<16xi32>
    %mul3A_123 = arith.constant 384 : i32
    %mul3A_124 = vector.broadcast %mul3A_123 : i32 to vector<16xi32>
    %mul3A_125 = arith.muli %shift_right_arithmetic3A_122, %mul3A_124 : vector<16xi32>
    %sub3A_126 = arith.subi %add3A_113, %mul3A_125 : vector<16xi32>
    %shift_right_arithmetic3A_127 = arith.constant 7 : i32
    %shift_right_arithmetic3A_128 = vector.broadcast %shift_right_arithmetic3A_127 : i32 to vector<16xi32>
    %shift_right_arithmetic3A_129 = arith.shrsi %shift_right_arithmetic3A_122, %shift_right_arithmetic3A_128 : vector<16xi32>
    %mul3A_130 = arith.constant 43691 : i32
    %mul3A_131 = vector.broadcast %mul3A_130 : i32 to vector<16xi32>
    %mul3A_132 = arith.muli %shift_right_arithmetic3A_129, %mul3A_131 : vector<16xi32>
    %shift_right_arithmetic3A_133 = arith.constant 17 : i32
    %shift_right_arithmetic3A_134 = vector.broadcast %shift_right_arithmetic3A_133 : i32 to vector<16xi32>
    %shift_right_arithmetic3A_135 = arith.shrsi %mul3A_132, %shift_right_arithmetic3A_134 : vector<16xi32>
    %mul3A_136 = arith.constant 384 : i32
    %mul3A_137 = vector.broadcast %mul3A_136 : i32 to vector<16xi32>
    %mul3A_138 = arith.muli %shift_right_arithmetic3A_135, %mul3A_137 : vector<16xi32>
    %sub3A_139 = arith.subi %shift_right_arithmetic3A_122, %mul3A_138 : vector<16xi32>
    %convert_element_type3A_140 = arith.sitofp %sub3A_139 : vector<16xi32> to vector<16xf32>
    %get3A_141 = arith.constant 16 : index
    %get3A_142 = tpu.vector_load %arg6[%get3A_141] {strides = array<i32>} : memref<64xf32, #tpu.memory_space<vmem>>, vector<16xf32>,
    %sub3A_143 = arith.subf %convert_element_type3A_140, %get3A_142 : vector<16xf32>
    %convert_element_type3A_144 = arith.sitofp %sub3A_126 : vector<16xi32> to vector<16xf32>
    %get3A_145 = arith.constant 16 : index
    %get3A_146 = tpu.vector_load %arg8[%get3A_145] {strides = array<i32>} : memref<64xf32, #tpu.memory_space<vmem>>, vector<16xf32>,
    %sub3A_147 = arith.subf %convert_element_type3A_144, %get3A_146 : vector<16xf32>
    %jit3A_148 = arith.constant 0.000000e+00 : f32
    %jit3A_149 = arith.constant 3.820000e+02 : f32
    %max3A_150 = vector.broadcast %jit3A_148 : f32 to vector<16xf32>
    %max3A_151 = arith.maximumf %max3A_150, %sub3A_143 : vector<16xf32>
    %min3A_152 = vector.broadcast %jit3A_149 : f32 to vector<16xf32>
    %min3A_153 = arith.minimumf %min3A_152, %max3A_151 : vector<16xf32>
    %jit3A_154 = arith.constant 0.000000e+00 : f32
    %jit3A_155 = arith.constant 3.820000e+02 : f32
    %max3A_156 = vector.broadcast %jit3A_154 : f32 to vector<16xf32>
    %max3A_157 = arith.maximumf %max3A_156, %sub3A_147 : vector<16xf32>
    %min3A_158 = vector.broadcast %jit3A_155 : f32 to vector<16xf32>
    %min3A_159 = arith.minimumf %min3A_158, %max3A_157 : vector<16xf32>
    %convert_element_type3A_160 = arith.fptosi %min3A_153 : vector<16xf32> to vector<16xi32>
    %convert_element_type3A_161 = arith.fptosi %min3A_159 : vector<16xf32> to vector<16xi32>
    %convert_element_type3A_162 = arith.sitofp %convert_element_type3A_160 : vector<16xi32> to vector<16xf32>
    %sub3A_163 = arith.subf %sub3A_143, %convert_element_type3A_162 : vector<16xf32>
    %jit3A_164 = arith.constant 0.000000e+00 : f32
    %jit3A_165 = arith.constant 1.000000e+00 : f32
    %max3A_166 = vector.broadcast %jit3A_164 : f32 to vector<16xf32>
    %max3A_167 = arith.maximumf %max3A_166, %sub3A_163 : vector<16xf32>
    %min3A_168 = vector.broadcast %jit3A_165 : f32 to vector<16xf32>
    %min3A_169 = arith.minimumf %min3A_168, %max3A_167 : vector<16xf32>
    %convert_element_type3A_170 = arith.sitofp %convert_element_type3A_161 : vector<16xi32> to vector<16xf32>
    %sub3A_171 = arith.subf %sub3A_147, %convert_element_type3A_170 : vector<16xf32>
    %jit3A_172 = arith.constant 0.000000e+00 : f32
    %jit3A_173 = arith.constant 1.000000e+00 : f32
    %max3A_174 = vector.broadcast %jit3A_172 : f32 to vector<16xf32>
    %max3A_175 = arith.maximumf %max3A_174, %sub3A_171 : vector<16xf32>
    %min3A_176 = vector.broadcast %jit3A_173 : f32 to vector<16xf32>
    %min3A_177 = arith.minimumf %min3A_176, %max3A_175 : vector<16xf32>
    %mul3A_178 = arith.constant 147456 : i32
    %mul3A_179 = vector.broadcast %mul3A_178 : i32 to vector<16xi32>
    %mul3A_180 = arith.muli %shift_right_arithmetic3A_135, %mul3A_179 : vector<16xi32>
    %mul3A_181 = arith.constant 384 : i32
    %mul3A_182 = vector.broadcast %mul3A_181 : i32 to vector<16xi32>
    %mul3A_183 = arith.muli %convert_element_type3A_160, %mul3A_182 : vector<16xi32>
    %add3A_184 = arith.addi %mul3A_180, %mul3A_183 : vector<16xi32>
    %add3A_185 = arith.addi %add3A_184, %convert_element_type3A_161 : vector<16xi32>
    %swap3A_186 = arith.constant 16 : index
    %swap3A_187 = tpu.vector_load %arg10[%swap3A_186] {strides = array<i32>} : memref<64xi32, #tpu.memory_space<vmem>>, vector<16xi32>,
    tpu.vector_store %arg10[%swap3A_186], %add3A_185 {strides = array<i32>} : memref<64xi32, #tpu.memory_space<vmem>>, vector<16xi32>,
    %add3A_188 = arith.constant 1 : i32
    %add3A_189 = vector.broadcast %add3A_188 : i32 to vector<16xi32>
    %add3A_190 = arith.addi %add3A_185, %add3A_189 : vector<16xi32>
    %swap3A_191 = arith.constant 16 : index
    %swap3A_192 = tpu.vector_load %arg11[%swap3A_191] {strides = array<i32>} : memref<64xi32, #tpu.memory_space<vmem>>, vector<16xi32>,
    tpu.vector_store %arg11[%swap3A_191], %add3A_190 {strides = array<i32>} : memref<64xi32, #tpu.memory_space<vmem>>, vector<16xi32>,
    %add3A_193 = arith.constant 384 : i32
    %add3A_194 = vector.broadcast %add3A_193 : i32 to vector<16xi32>
    %add3A_195 = arith.addi %add3A_185, %add3A_194 : vector<16xi32>
    %swap3A_196 = arith.constant 16 : index
    %swap3A_197 = tpu.vector_load %arg12[%swap3A_196] {strides = array<i32>} : memref<64xi32, #tpu.memory_space<vmem>>, vector<16xi32>,
    tpu.vector_store %arg12[%swap3A_196], %add3A_195 {strides = array<i32>} : memref<64xi32, #tpu.memory_space<vmem>>, vector<16xi32>,
    %add3A_198 = arith.constant 384 : i32
    %add3A_199 = vector.broadcast %add3A_198 : i32 to vector<16xi32>
    %add3A_200 = arith.addi %add3A_185, %add3A_199 : vector<16xi32>
    %add3A_201 = arith.constant 1 : i32
    %add3A_202 = vector.broadcast %add3A_201 : i32 to vector<16xi32>
    %add3A_203 = arith.addi %add3A_200, %add3A_202 : vector<16xi32>
    %swap3A_204 = arith.constant 16 : index
    %swap3A_205 = tpu.vector_load %arg13[%swap3A_204] {strides = array<i32>} : memref<64xi32, #tpu.memory_space<vmem>>, vector<16xi32>,
    tpu.vector_store %arg13[%swap3A_204], %add3A_203 {strides = array<i32>} : memref<64xi32, #tpu.memory_space<vmem>>, vector<16xi32>,
    %sub3A_206 = arith.constant 1.000000e+00 : f32
    %sub3A_207 = vector.broadcast %sub3A_206 : f32 to vector<16xf32>
    %sub3A_208 = arith.subf %sub3A_207, %min3A_169 : vector<16xf32>
    %sub3A_209 = arith.constant 1.000000e+00 : f32
    %sub3A_210 = vector.broadcast %sub3A_209 : f32 to vector<16xf32>
    %sub3A_211 = arith.subf %sub3A_210, %min3A_177 : vector<16xf32>
    %mul3A_212 = arith.mulf %sub3A_208, %sub3A_211 : vector<16xf32>
    %swap3A_213 = arith.constant 16 : index
    %swap3A_214 = tpu.vector_load %arg18[%swap3A_213] {strides = array<i32>} : memref<256xf32, #tpu.memory_space<vmem>>, vector<16xf32>,
    tpu.vector_store %arg18[%swap3A_213], %mul3A_212 {strides = array<i32>} : memref<256xf32, #tpu.memory_space<vmem>>, vector<16xf32>,
    %mul3A_215 = arith.mulf %sub3A_208, %min3A_177 : vector<16xf32>
    %swap3A_216 = arith.constant 80 : index
    %swap3A_217 = tpu.vector_load %arg18[%swap3A_216] {strides = array<i32>} : memref<256xf32, #tpu.memory_space<vmem>>, vector<16xf32>,
    tpu.vector_store %arg18[%swap3A_216], %mul3A_215 {strides = array<i32>} : memref<256xf32, #tpu.memory_space<vmem>>, vector<16xf32>,
    %mul3A_218 = arith.mulf %min3A_169, %sub3A_211 : vector<16xf32>
    %swap3A_219 = arith.constant 144 : index
    %swap3A_220 = tpu.vector_load %arg18[%swap3A_219] {strides = array<i32>} : memref<256xf32, #tpu.memory_space<vmem>>, vector<16xf32>,
    tpu.vector_store %arg18[%swap3A_219], %mul3A_218 {strides = array<i32>} : memref<256xf32, #tpu.memory_space<vmem>>, vector<16xf32>,
    %mul3A_221 = arith.mulf %min3A_169, %min3A_177 : vector<16xf32>
    %swap3A_222 = arith.constant 208 : index
    %swap3A_223 = tpu.vector_load %arg18[%swap3A_222] {strides = array<i32>} : memref<256xf32, #tpu.memory_space<vmem>>, vector<16xf32>,
    tpu.vector_store %arg18[%swap3A_222], %mul3A_221 {strides = array<i32>} : memref<256xf32, #tpu.memory_space<vmem>>, vector<16xf32>,
    %add3A_224 = arith.constant 32 : i32
    %add3A_225 = arith.addi %mul3A_2, %add3A_224 : i32
    %iota3A_226 = tpu.iota {dimensions = array<i32: 0>} : vector<16xi32>
    %add3A_227 = vector.broadcast %add3A_225 : i32 to vector<16xi32>
    %add3A_228 = arith.addi %add3A_227, %iota3A_226 : vector<16xi32>
    %shift_right_arithmetic3A_229 = arith.constant 7 : i32
    %shift_right_arithmetic3A_230 = vector.broadcast %shift_right_arithmetic3A_229 : i32 to vector<16xi32>
    %shift_right_arithmetic3A_231 = arith.shrsi %add3A_228, %shift_right_arithmetic3A_230 : vector<16xi32>
    %mul3A_232 = arith.constant 43691 : i32
    %mul3A_233 = vector.broadcast %mul3A_232 : i32 to vector<16xi32>
    %mul3A_234 = arith.muli %shift_right_arithmetic3A_231, %mul3A_233 : vector<16xi32>
    %shift_right_arithmetic3A_235 = arith.constant 17 : i32
    %shift_right_arithmetic3A_236 = vector.broadcast %shift_right_arithmetic3A_235 : i32 to vector<16xi32>
    %shift_right_arithmetic3A_237 = arith.shrsi %mul3A_234, %shift_right_arithmetic3A_236 : vector<16xi32>
    %mul3A_238 = arith.constant 384 : i32
    %mul3A_239 = vector.broadcast %mul3A_238 : i32 to vector<16xi32>
    %mul3A_240 = arith.muli %shift_right_arithmetic3A_237, %mul3A_239 : vector<16xi32>
    %sub3A_241 = arith.subi %add3A_228, %mul3A_240 : vector<16xi32>
    %shift_right_arithmetic3A_242 = arith.constant 7 : i32
    %shift_right_arithmetic3A_243 = vector.broadcast %shift_right_arithmetic3A_242 : i32 to vector<16xi32>
    %shift_right_arithmetic3A_244 = arith.shrsi %shift_right_arithmetic3A_237, %shift_right_arithmetic3A_243 : vector<16xi32>
    %mul3A_245 = arith.constant 43691 : i32
    %mul3A_246 = vector.broadcast %mul3A_245 : i32 to vector<16xi32>
    %mul3A_247 = arith.muli %shift_right_arithmetic3A_244, %mul3A_246 : vector<16xi32>
    %shift_right_arithmetic3A_248 = arith.constant 17 : i32
    %shift_right_arithmetic3A_249 = vector.broadcast %shift_right_arithmetic3A_248 : i32 to vector<16xi32>
    %shift_right_arithmetic3A_250 = arith.shrsi %mul3A_247, %shift_right_arithmetic3A_249 : vector<16xi32>
    %mul3A_251 = arith.constant 384 : i32
    %mul3A_252 = vector.broadcast %mul3A_251 : i32 to vector<16xi32>
    %mul3A_253 = arith.muli %shift_right_arithmetic3A_250, %mul3A_252 : vector<16xi32>
    %sub3A_254 = arith.subi %shift_right_arithmetic3A_237, %mul3A_253 : vector<16xi32>
    %convert_element_type3A_255 = arith.sitofp %sub3A_254 : vector<16xi32> to vector<16xf32>
    %get3A_256 = arith.constant 32 : index
    %get3A_257 = tpu.vector_load %arg6[%get3A_256] {strides = array<i32>} : memref<64xf32, #tpu.memory_space<vmem>>, vector<16xf32>,
    %sub3A_258 = arith.subf %convert_element_type3A_255, %get3A_257 : vector<16xf32>
    %convert_element_type3A_259 = arith.sitofp %sub3A_241 : vector<16xi32> to vector<16xf32>
    %get3A_260 = arith.constant 32 : index
    %get3A_261 = tpu.vector_load %arg8[%get3A_260] {strides = array<i32>} : memref<64xf32, #tpu.memory_space<vmem>>, vector<16xf32>,
    %sub3A_262 = arith.subf %convert_element_type3A_259, %get3A_261 : vector<16xf32>
    %jit3A_263 = arith.constant 0.000000e+00 : f32
    %jit3A_264 = arith.constant 3.820000e+02 : f32
    %max3A_265 = vector.broadcast %jit3A_263 : f32 to vector<16xf32>
    %max3A_266 = arith.maximumf %max3A_265, %sub3A_258 : vector<16xf32>
    %min3A_267 = vector.broadcast %jit3A_264 : f32 to vector<16xf32>
    %min3A_268 = arith.minimumf %min3A_267, %max3A_266 : vector<16xf32>
    %jit3A_269 = arith.constant 0.000000e+00 : f32
    %jit3A_270 = arith.constant 3.820000e+02 : f32
    %max3A_271 = vector.broadcast %jit3A_269 : f32 to vector<16xf32>
    %max3A_272 = arith.maximumf %max3A_271, %sub3A_262 : vector<16xf32>
    %min3A_273 = vector.broadcast %jit3A_270 : f32 to vector<16xf32>
    %min3A_274 = arith.minimumf %min3A_273, %max3A_272 : vector<16xf32>
    %convert_element_type3A_275 = arith.fptosi %min3A_268 : vector<16xf32> to vector<16xi32>
    %convert_element_type3A_276 = arith.fptosi %min3A_274 : vector<16xf32> to vector<16xi32>
    %convert_element_type3A_277 = arith.sitofp %convert_element_type3A_275 : vector<16xi32> to vector<16xf32>
    %sub3A_278 = arith.subf %sub3A_258, %convert_element_type3A_277 : vector<16xf32>
    %jit3A_279 = arith.constant 0.000000e+00 : f32
    %jit3A_280 = arith.constant 1.000000e+00 : f32
    %max3A_281 = vector.broadcast %jit3A_279 : f32 to vector<16xf32>
    %max3A_282 = arith.maximumf %max3A_281, %sub3A_278 : vector<16xf32>
    %min3A_283 = vector.broadcast %jit3A_280 : f32 to vector<16xf32>
    %min3A_284 = arith.minimumf %min3A_283, %max3A_282 : vector<16xf32>
    %convert_element_type3A_285 = arith.sitofp %convert_element_type3A_276 : vector<16xi32> to vector<16xf32>
    %sub3A_286 = arith.subf %sub3A_262, %convert_element_type3A_285 : vector<16xf32>
    %jit3A_287 = arith.constant 0.000000e+00 : f32
    %jit3A_288 = arith.constant 1.000000e+00 : f32
    %max3A_289 = vector.broadcast %jit3A_287 : f32 to vector<16xf32>
    %max3A_290 = arith.maximumf %max3A_289, %sub3A_286 : vector<16xf32>
    %min3A_291 = vector.broadcast %jit3A_288 : f32 to vector<16xf32>
    %min3A_292 = arith.minimumf %min3A_291, %max3A_290 : vector<16xf32>
    %mul3A_293 = arith.constant 147456 : i32
    %mul3A_294 = vector.broadcast %mul3A_293 : i32 to vector<16xi32>
    %mul3A_295 = arith.muli %shift_right_arithmetic3A_250, %mul3A_294 : vector<16xi32>
    %mul3A_296 = arith.constant 384 : i32
    %mul3A_297 = vector.broadcast %mul3A_296 : i32 to vector<16xi32>
    %mul3A_298 = arith.muli %convert_element_type3A_275, %mul3A_297 : vector<16xi32>
    %add3A_299 = arith.addi %mul3A_295, %mul3A_298 : vector<16xi32>
    %add3A_300 = arith.addi %add3A_299, %convert_element_type3A_276 : vector<16xi32>
    %swap3A_301 = arith.constant 32 : index
    %swap3A_302 = tpu.vector_load %arg10[%swap3A_301] {strides = array<i32>} : memref<64xi32, #tpu.memory_space<vmem>>, vector<16xi32>,
    tpu.vector_store %arg10[%swap3A_301], %add3A_300 {strides = array<i32>} : memref<64xi32, #tpu.memory_space<vmem>>, vector<16xi32>,
    %add3A_303 = arith.constant 1 : i32
    %add3A_304 = vector.broadcast %add3A_303 : i32 to vector<16xi32>
    %add3A_305 = arith.addi %add3A_300, %add3A_304 : vector<16xi32>
    %swap3A_306 = arith.constant 32 : index
    %swap3A_307 = tpu.vector_load %arg11[%swap3A_306] {strides = array<i32>} : memref<64xi32, #tpu.memory_space<vmem>>, vector<16xi32>,
    tpu.vector_store %arg11[%swap3A_306], %add3A_305 {strides = array<i32>} : memref<64xi32, #tpu.memory_space<vmem>>, vector<16xi32>,
    %add3A_308 = arith.constant 384 : i32
    %add3A_309 = vector.broadcast %add3A_308 : i32 to vector<16xi32>
    %add3A_310 = arith.addi %add3A_300, %add3A_309 : vector<16xi32>
    %swap3A_311 = arith.constant 32 : index
    %swap3A_312 = tpu.vector_load %arg12[%swap3A_311] {strides = array<i32>} : memref<64xi32, #tpu.memory_space<vmem>>, vector<16xi32>,
    tpu.vector_store %arg12[%swap3A_311], %add3A_310 {strides = array<i32>} : memref<64xi32, #tpu.memory_space<vmem>>, vector<16xi32>,
    %add3A_313 = arith.constant 384 : i32
    %add3A_314 = vector.broadcast %add3A_313 : i32 to vector<16xi32>
    %add3A_315 = arith.addi %add3A_300, %add3A_314 : vector<16xi32>
    %add3A_316 = arith.constant 1 : i32
    %add3A_317 = vector.broadcast %add3A_316 : i32 to vector<16xi32>
    %add3A_318 = arith.addi %add3A_315, %add3A_317 : vector<16xi32>
    %swap3A_319 = arith.constant 32 : index
    %swap3A_320 = tpu.vector_load %arg13[%swap3A_319] {strides = array<i32>} : memref<64xi32, #tpu.memory_space<vmem>>, vector<16xi32>,
    tpu.vector_store %arg13[%swap3A_319], %add3A_318 {strides = array<i32>} : memref<64xi32, #tpu.memory_space<vmem>>, vector<16xi32>,
    %sub3A_321 = arith.constant 1.000000e+00 : f32
    %sub3A_322 = vector.broadcast %sub3A_321 : f32 to vector<16xf32>
    %sub3A_323 = arith.subf %sub3A_322, %min3A_284 : vector<16xf32>
    %sub3A_324 = arith.constant 1.000000e+00 : f32
    %sub3A_325 = vector.broadcast %sub3A_324 : f32 to vector<16xf32>
    %sub3A_326 = arith.subf %sub3A_325, %min3A_292 : vector<16xf32>
    %mul3A_327 = arith.mulf %sub3A_323, %sub3A_326 : vector<16xf32>
    %swap3A_328 = arith.constant 32 : index
    %swap3A_329 = tpu.vector_load %arg18[%swap3A_328] {strides = array<i32>} : memref<256xf32, #tpu.memory_space<vmem>>, vector<16xf32>,
    tpu.vector_store %arg18[%swap3A_328], %mul3A_327 {strides = array<i32>} : memref<256xf32, #tpu.memory_space<vmem>>, vector<16xf32>,
    %mul3A_330 = arith.mulf %sub3A_323, %min3A_292 : vector<16xf32>
    %swap3A_331 = arith.constant 96 : index
    %swap3A_332 = tpu.vector_load %arg18[%swap3A_331] {strides = array<i32>} : memref<256xf32, #tpu.memory_space<vmem>>, vector<16xf32>,
    tpu.vector_store %arg18[%swap3A_331], %mul3A_330 {strides = array<i32>} : memref<256xf32, #tpu.memory_space<vmem>>, vector<16xf32>,
    %mul3A_333 = arith.mulf %min3A_284, %sub3A_326 : vector<16xf32>
    %swap3A_334 = arith.constant 160 : index
    %swap3A_335 = tpu.vector_load %arg18[%swap3A_334] {strides = array<i32>} : memref<256xf32, #tpu.memory_space<vmem>>, vector<16xf32>,
    tpu.vector_store %arg18[%swap3A_334], %mul3A_333 {strides = array<i32>} : memref<256xf32, #tpu.memory_space<vmem>>, vector<16xf32>,
    %mul3A_336 = arith.mulf %min3A_284, %min3A_292 : vector<16xf32>
    %swap3A_337 = arith.constant 224 : index
    %swap3A_338 = tpu.vector_load %arg18[%swap3A_337] {strides = array<i32>} : memref<256xf32, #tpu.memory_space<vmem>>, vector<16xf32>,
    tpu.vector_store %arg18[%swap3A_337], %mul3A_336 {strides = array<i32>} : memref<256xf32, #tpu.memory_space<vmem>>, vector<16xf32>,
    %add3A_339 = arith.constant 48 : i32
    %add3A_340 = arith.addi %mul3A_2, %add3A_339 : i32
    %iota3A_341 = tpu.iota {dimensions = array<i32: 0>} : vector<16xi32>
    %add3A_342 = vector.broadcast %add3A_340 : i32 to vector<16xi32>
    %add3A_343 = arith.addi %add3A_342, %iota3A_341 : vector<16xi32>
    %shift_right_arithmetic3A_344 = arith.constant 7 : i32
    %shift_right_arithmetic3A_345 = vector.broadcast %shift_right_arithmetic3A_344 : i32 to vector<16xi32>
    %shift_right_arithmetic3A_346 = arith.shrsi %add3A_343, %shift_right_arithmetic3A_345 : vector<16xi32>
    %mul3A_347 = arith.constant 43691 : i32
    %mul3A_348 = vector.broadcast %mul3A_347 : i32 to vector<16xi32>
    %mul3A_349 = arith.muli %shift_right_arithmetic3A_346, %mul3A_348 : vector<16xi32>
    %shift_right_arithmetic3A_350 = arith.constant 17 : i32
    %shift_right_arithmetic3A_351 = vector.broadcast %shift_right_arithmetic3A_350 : i32 to vector<16xi32>
    %shift_right_arithmetic3A_352 = arith.shrsi %mul3A_349, %shift_right_arithmetic3A_351 : vector<16xi32>
    %mul3A_353 = arith.constant 384 : i32
    %mul3A_354 = vector.broadcast %mul3A_353 : i32 to vector<16xi32>
    %mul3A_355 = arith.muli %shift_right_arithmetic3A_352, %mul3A_354 : vector<16xi32>
    %sub3A_356 = arith.subi %add3A_343, %mul3A_355 : vector<16xi32>
    %shift_right_arithmetic3A_357 = arith.constant 7 : i32
    %shift_right_arithmetic3A_358 = vector.broadcast %shift_right_arithmetic3A_357 : i32 to vector<16xi32>
    %shift_right_arithmetic3A_359 = arith.shrsi %shift_right_arithmetic3A_352, %shift_right_arithmetic3A_358 : vector<16xi32>
    %mul3A_360 = arith.constant 43691 : i32
    %mul3A_361 = vector.broadcast %mul3A_360 : i32 to vector<16xi32>
    %mul3A_362 = arith.muli %shift_right_arithmetic3A_359, %mul3A_361 : vector<16xi32>
    %shift_right_arithmetic3A_363 = arith.constant 17 : i32
    %shift_right_arithmetic3A_364 = vector.broadcast %shift_right_arithmetic3A_363 : i32 to vector<16xi32>
    %shift_right_arithmetic3A_365 = arith.shrsi %mul3A_362, %shift_right_arithmetic3A_364 : vector<16xi32>
    %mul3A_366 = arith.constant 384 : i32
    %mul3A_367 = vector.broadcast %mul3A_366 : i32 to vector<16xi32>
    %mul3A_368 = arith.muli %shift_right_arithmetic3A_365, %mul3A_367 : vector<16xi32>
    %sub3A_369 = arith.subi %shift_right_arithmetic3A_352, %mul3A_368 : vector<16xi32>
    %convert_element_type3A_370 = arith.sitofp %sub3A_369 : vector<16xi32> to vector<16xf32>
    %get3A_371 = arith.constant 48 : index
    %get3A_372 = tpu.vector_load %arg6[%get3A_371] {strides = array<i32>} : memref<64xf32, #tpu.memory_space<vmem>>, vector<16xf32>,
    %sub3A_373 = arith.subf %convert_element_type3A_370, %get3A_372 : vector<16xf32>
    %convert_element_type3A_374 = arith.sitofp %sub3A_356 : vector<16xi32> to vector<16xf32>
    %get3A_375 = arith.constant 48 : index
    %get3A_376 = tpu.vector_load %arg8[%get3A_375] {strides = array<i32>} : memref<64xf32, #tpu.memory_space<vmem>>, vector<16xf32>,
    %sub3A_377 = arith.subf %convert_element_type3A_374, %get3A_376 : vector<16xf32>
    %jit3A_378 = arith.constant 0.000000e+00 : f32
    %jit3A_379 = arith.constant 3.820000e+02 : f32
    %max3A_380 = vector.broadcast %jit3A_378 : f32 to vector<16xf32>
    %max3A_381 = arith.maximumf %max3A_380, %sub3A_373 : vector<16xf32>
    %min3A_382 = vector.broadcast %jit3A_379 : f32 to vector<16xf32>
    %min3A_383 = arith.minimumf %min3A_382, %max3A_381 : vector<16xf32>
    %jit3A_384 = arith.constant 0.000000e+00 : f32
    %jit3A_385 = arith.constant 3.820000e+02 : f32
    %max3A_386 = vector.broadcast %jit3A_384 : f32 to vector<16xf32>
    %max3A_387 = arith.maximumf %max3A_386, %sub3A_377 : vector<16xf32>
    %min3A_388 = vector.broadcast %jit3A_385 : f32 to vector<16xf32>
    %min3A_389 = arith.minimumf %min3A_388, %max3A_387 : vector<16xf32>
    %convert_element_type3A_390 = arith.fptosi %min3A_383 : vector<16xf32> to vector<16xi32>
    %convert_element_type3A_391 = arith.fptosi %min3A_389 : vector<16xf32> to vector<16xi32>
    %convert_element_type3A_392 = arith.sitofp %convert_element_type3A_390 : vector<16xi32> to vector<16xf32>
    %sub3A_393 = arith.subf %sub3A_373, %convert_element_type3A_392 : vector<16xf32>
    %jit3A_394 = arith.constant 0.000000e+00 : f32
    %jit3A_395 = arith.constant 1.000000e+00 : f32
    %max3A_396 = vector.broadcast %jit3A_394 : f32 to vector<16xf32>
    %max3A_397 = arith.maximumf %max3A_396, %sub3A_393 : vector<16xf32>
    %min3A_398 = vector.broadcast %jit3A_395 : f32 to vector<16xf32>
    %min3A_399 = arith.minimumf %min3A_398, %max3A_397 : vector<16xf32>
    %convert_element_type3A_400 = arith.sitofp %convert_element_type3A_391 : vector<16xi32> to vector<16xf32>
    %sub3A_401 = arith.subf %sub3A_377, %convert_element_type3A_400 : vector<16xf32>
    %jit3A_402 = arith.constant 0.000000e+00 : f32
    %jit3A_403 = arith.constant 1.000000e+00 : f32
    %max3A_404 = vector.broadcast %jit3A_402 : f32 to vector<16xf32>
    %max3A_405 = arith.maximumf %max3A_404, %sub3A_401 : vector<16xf32>
    %min3A_406 = vector.broadcast %jit3A_403 : f32 to vector<16xf32>
    %min3A_407 = arith.minimumf %min3A_406, %max3A_405 : vector<16xf32>
    %mul3A_408 = arith.constant 147456 : i32
    %mul3A_409 = vector.broadcast %mul3A_408 : i32 to vector<16xi32>
    %mul3A_410 = arith.muli %shift_right_arithmetic3A_365, %mul3A_409 : vector<16xi32>
    %mul3A_411 = arith.constant 384 : i32
    %mul3A_412 = vector.broadcast %mul3A_411 : i32 to vector<16xi32>
    %mul3A_413 = arith.muli %convert_element_type3A_390, %mul3A_412 : vector<16xi32>
    %add3A_414 = arith.addi %mul3A_410, %mul3A_413 : vector<16xi32>
    %add3A_415 = arith.addi %add3A_414, %convert_element_type3A_391 : vector<16xi32>
    %swap3A_416 = arith.constant 48 : index
    %swap3A_417 = tpu.vector_load %arg10[%swap3A_416] {strides = array<i32>} : memref<64xi32, #tpu.memory_space<vmem>>, vector<16xi32>,
    tpu.vector_store %arg10[%swap3A_416], %add3A_415 {strides = array<i32>} : memref<64xi32, #tpu.memory_space<vmem>>, vector<16xi32>,
    %add3A_418 = arith.constant 1 : i32
    %add3A_419 = vector.broadcast %add3A_418 : i32 to vector<16xi32>
    %add3A_420 = arith.addi %add3A_415, %add3A_419 : vector<16xi32>
    %swap3A_421 = arith.constant 48 : index
    %swap3A_422 = tpu.vector_load %arg11[%swap3A_421] {strides = array<i32>} : memref<64xi32, #tpu.memory_space<vmem>>, vector<16xi32>,
    tpu.vector_store %arg11[%swap3A_421], %add3A_420 {strides = array<i32>} : memref<64xi32, #tpu.memory_space<vmem>>, vector<16xi32>,
    %add3A_423 = arith.constant 384 : i32
    %add3A_424 = vector.broadcast %add3A_423 : i32 to vector<16xi32>
    %add3A_425 = arith.addi %add3A_415, %add3A_424 : vector<16xi32>
    %swap3A_426 = arith.constant 48 : index
    %swap3A_427 = tpu.vector_load %arg12[%swap3A_426] {strides = array<i32>} : memref<64xi32, #tpu.memory_space<vmem>>, vector<16xi32>,
    tpu.vector_store %arg12[%swap3A_426], %add3A_425 {strides = array<i32>} : memref<64xi32, #tpu.memory_space<vmem>>, vector<16xi32>,
    %add3A_428 = arith.constant 384 : i32
    %add3A_429 = vector.broadcast %add3A_428 : i32 to vector<16xi32>
    %add3A_430 = arith.addi %add3A_415, %add3A_429 : vector<16xi32>
    %add3A_431 = arith.constant 1 : i32
    %add3A_432 = vector.broadcast %add3A_431 : i32 to vector<16xi32>
    %add3A_433 = arith.addi %add3A_430, %add3A_432 : vector<16xi32>
    %swap3A_434 = arith.constant 48 : index
    %swap3A_435 = tpu.vector_load %arg13[%swap3A_434] {strides = array<i32>} : memref<64xi32, #tpu.memory_space<vmem>>, vector<16xi32>,
    tpu.vector_store %arg13[%swap3A_434], %add3A_433 {strides = array<i32>} : memref<64xi32, #tpu.memory_space<vmem>>, vector<16xi32>,
    %sub3A_436 = arith.constant 1.000000e+00 : f32
    %sub3A_437 = vector.broadcast %sub3A_436 : f32 to vector<16xf32>
    %sub3A_438 = arith.subf %sub3A_437, %min3A_399 : vector<16xf32>
    %sub3A_439 = arith.constant 1.000000e+00 : f32
    %sub3A_440 = vector.broadcast %sub3A_439 : f32 to vector<16xf32>
    %sub3A_441 = arith.subf %sub3A_440, %min3A_407 : vector<16xf32>
    %mul3A_442 = arith.mulf %sub3A_438, %sub3A_441 : vector<16xf32>
    %swap3A_443 = arith.constant 48 : index
    %swap3A_444 = tpu.vector_load %arg18[%swap3A_443] {strides = array<i32>} : memref<256xf32, #tpu.memory_space<vmem>>, vector<16xf32>,
    tpu.vector_store %arg18[%swap3A_443], %mul3A_442 {strides = array<i32>} : memref<256xf32, #tpu.memory_space<vmem>>, vector<16xf32>,
    %mul3A_445 = arith.mulf %sub3A_438, %min3A_407 : vector<16xf32>
    %swap3A_446 = arith.constant 112 : index
    %swap3A_447 = tpu.vector_load %arg18[%swap3A_446] {strides = array<i32>} : memref<256xf32, #tpu.memory_space<vmem>>, vector<16xf32>,
    tpu.vector_store %arg18[%swap3A_446], %mul3A_445 {strides = array<i32>} : memref<256xf32, #tpu.memory_space<vmem>>, vector<16xf32>,
    %mul3A_448 = arith.mulf %min3A_399, %sub3A_441 : vector<16xf32>
    %swap3A_449 = arith.constant 176 : index
    %swap3A_450 = tpu.vector_load %arg18[%swap3A_449] {strides = array<i32>} : memref<256xf32, #tpu.memory_space<vmem>>, vector<16xf32>,
    tpu.vector_store %arg18[%swap3A_449], %mul3A_448 {strides = array<i32>} : memref<256xf32, #tpu.memory_space<vmem>>, vector<16xf32>,
    %mul3A_451 = arith.mulf %min3A_399, %min3A_407 : vector<16xf32>
    %swap3A_452 = arith.constant 240 : index
    %swap3A_453 = tpu.vector_load %arg18[%swap3A_452] {strides = array<i32>} : memref<256xf32, #tpu.memory_space<vmem>>, vector<16xf32>,
    tpu.vector_store %arg18[%swap3A_452], %mul3A_451 {strides = array<i32>} : memref<256xf32, #tpu.memory_space<vmem>>, vector<16xf32>,
    %dma_start3A = arith.constant 0 : i32
    %dma_start3A_454 = arith.constant 0 : i32
    %dma_start3A_455 = tpu.memref_slice %arg20[%dma_start3A, %dma_start3A_454] : memref<256x128xf32, #tpu.memory_space<vmem>> -> memref<64x128xf32, #tpu.memory_space<vmem>>
    %dma_start3A_456 = arith.constant 0 : i32
    %dma_start3A_457 = arith.constant 0 : i32
    %dma_start3A_458 = tpu.memref_slice %arg2[%dma_start3A_456, %dma_start3A_457] : memref<589824x128xf32, #tpu.memory_space<hbm>> -> memref<589824x128xf32, #tpu.memory_space<hbm>>
    tpu.enqueue_indirect_dma source(%dma_start3A_458 : memref<589824x128xf32, #tpu.memory_space<hbm>>) target(%dma_start3A_455 : memref<64x128xf32, #tpu.memory_space<vmem>>) offsets(%arg10 : memref<64xi32, #tpu.memory_space<vmem>>) semaphore(%arg26 : memref<!tpu.dma_semaphore, #tpu.memory_space<semaphore_mem>>)
    %dma_start3A_459 = arith.constant 64 : i32
    %dma_start3A_460 = arith.constant 0 : i32
    %dma_start3A_461 = tpu.memref_slice %arg20[%dma_start3A_459, %dma_start3A_460] : memref<256x128xf32, #tpu.memory_space<vmem>> -> memref<64x128xf32, #tpu.memory_space<vmem>>
    %dma_start3A_462 = arith.constant 0 : i32
    %dma_start3A_463 = arith.constant 0 : i32
    %dma_start3A_464 = tpu.memref_slice %arg2[%dma_start3A_462, %dma_start3A_463] : memref<589824x128xf32, #tpu.memory_space<hbm>> -> memref<589824x128xf32, #tpu.memory_space<hbm>>
    tpu.enqueue_indirect_dma source(%dma_start3A_464 : memref<589824x128xf32, #tpu.memory_space<hbm>>) target(%dma_start3A_461 : memref<64x128xf32, #tpu.memory_space<vmem>>) offsets(%arg11 : memref<64xi32, #tpu.memory_space<vmem>>) semaphore(%arg26 : memref<!tpu.dma_semaphore, #tpu.memory_space<semaphore_mem>>)
    %dma_start3A_465 = arith.constant 128 : i32
    %dma_start3A_466 = arith.constant 0 : i32
    %dma_start3A_467 = tpu.memref_slice %arg20[%dma_start3A_465, %dma_start3A_466] : memref<256x128xf32, #tpu.memory_space<vmem>> -> memref<64x128xf32, #tpu.memory_space<vmem>>
    %dma_start3A_468 = arith.constant 0 : i32
    %dma_start3A_469 = arith.constant 0 : i32
    %dma_start3A_470 = tpu.memref_slice %arg2[%dma_start3A_468, %dma_start3A_469] : memref<589824x128xf32, #tpu.memory_space<hbm>> -> memref<589824x128xf32, #tpu.memory_space<hbm>>
    tpu.enqueue_indirect_dma source(%dma_start3A_470 : memref<589824x128xf32, #tpu.memory_space<hbm>>) target(%dma_start3A_467 : memref<64x128xf32, #tpu.memory_space<vmem>>) offsets(%arg12 : memref<64xi32, #tpu.memory_space<vmem>>) semaphore(%arg26 : memref<!tpu.dma_semaphore, #tpu.memory_space<semaphore_mem>>)
    %dma_start3A_471 = arith.constant 192 : i32
    %dma_start3A_472 = arith.constant 0 : i32
    %dma_start3A_473 = tpu.memref_slice %arg20[%dma_start3A_471, %dma_start3A_472] : memref<256x128xf32, #tpu.memory_space<vmem>> -> memref<64x128xf32, #tpu.memory_space<vmem>>
    %dma_start3A_474 = arith.constant 0 : i32
    %dma_start3A_475 = arith.constant 0 : i32
    %dma_start3A_476 = tpu.memref_slice %arg2[%dma_start3A_474, %dma_start3A_475] : memref<589824x128xf32, #tpu.memory_space<hbm>> -> memref<589824x128xf32, #tpu.memory_space<hbm>>
    tpu.enqueue_indirect_dma source(%dma_start3A_476 : memref<589824x128xf32, #tpu.memory_space<hbm>>) target(%dma_start3A_473 : memref<64x128xf32, #tpu.memory_space<vmem>>) offsets(%arg13 : memref<64xi32, #tpu.memory_space<vmem>>) semaphore(%arg26 : memref<!tpu.dma_semaphore, #tpu.memory_space<semaphore_mem>>)
    %add3A_477 = arith.constant 64 : i32
    %add3A_478 = arith.addi %mul3A_2, %add3A_477 : i32
    %dma_start3A_479 = tpu.memref_slice %arg3[%add3A_478] : memref<589824xf32, #tpu.memory_space<hbm>> -> memref<64xf32, #tpu.memory_space<hbm>>
    %dma_start3A_480 = tpu.memref_slice %arg3[%add3A_478] : memref<589824xf32, #tpu.memory_space<hbm>> -> memref<64xf32, #tpu.memory_space<hbm>>
    tpu.enqueue_dma source(%dma_start3A_480 : memref<64xf32, #tpu.memory_space<hbm>>) target(%arg7 : memref<64xf32, #tpu.memory_space<vmem>>) target_semaphore(%arg25 : memref<!tpu.dma_semaphore, #tpu.memory_space<semaphore_mem>>)
    %dma_start3A_481 = tpu.memref_slice %arg4[%add3A_478] : memref<589824xf32, #tpu.memory_space<hbm>> -> memref<64xf32, #tpu.memory_space<hbm>>
    %dma_start3A_482 = tpu.memref_slice %arg4[%add3A_478] : memref<589824xf32, #tpu.memory_space<hbm>> -> memref<64xf32, #tpu.memory_space<hbm>>
    tpu.enqueue_dma source(%dma_start3A_482 : memref<64xf32, #tpu.memory_space<hbm>>) target(%arg9 : memref<64xf32, #tpu.memory_space<vmem>>) target_semaphore(%arg25 : memref<!tpu.dma_semaphore, #tpu.memory_space<semaphore_mem>>)
    %scan3A = arith.constant 0 : i32
    %scan3A_483 = arith.constant 0 : i32
    %scan3A_484 = arith.constant 144 : i32
    %scan3A_485 = arith.addi %scan3A_483, %scan3A_484 : i32
    %scan3A_486 = arith.constant 1 : i32
    scf.for %scan3A_495 = %scan3A_483 to %scan3A_485 step %scan3A_486  : i32 {
      %mul3A_496 = arith.constant 2 : i32
      %mul3A_497 = arith.muli %mul3A_496, %scan3A_495 : i32
      %mul3A_498 = arith.constant 64 : i32
      %mul3A_499 = arith.muli %mul3A_497, %mul3A_498 : i32
      %add3A_500 = arith.addi %mul3A_2, %mul3A_499 : i32
      %add3A_501 = arith.constant 1 : i32
      %add3A_502 = arith.addi %mul3A_497, %add3A_501 : i32
      %lt3A = arith.constant 288 : i32
      %lt3A_503 = arith.cmpi slt, %add3A_502, %lt3A : i32
      %convert_element_type3A_504 = arith.extui %lt3A_503 : i1 to i32
      %cond3A = arith.constant 0 : i32
      %cond3A_505 = arith.cmpi ne, %convert_element_type3A_504, %cond3A : i32
      scf.if %cond3A_505 {
        %add3A_611 = arith.constant 64 : i32
        %add3A_612 = arith.addi %add3A_500, %add3A_611 : i32
        %dma_wait3A_613 = tpu.memref_slice %arg3[%add3A_612] : memref<589824xf32, #tpu.memory_space<hbm>> -> memref<64xf32, #tpu.memory_space<hbm>>
        %dma_wait3A_614 = tpu.memref_slice %arg3[%add3A_612] : memref<589824xf32, #tpu.memory_space<hbm>> -> memref<64xf32, #tpu.memory_space<hbm>>
        tpu.wait_dma2 semaphore(%arg25 : memref<!tpu.dma_semaphore, #tpu.memory_space<semaphore_mem>>) src(%dma_wait3A_614 : memref<64xf32, #tpu.memory_space<hbm>>) dst(%arg7 : memref<64xf32, #tpu.memory_space<vmem>>)
        %dma_wait3A_615 = tpu.memref_slice %arg4[%add3A_612] : memref<589824xf32, #tpu.memory_space<hbm>> -> memref<64xf32, #tpu.memory_space<hbm>>
        %dma_wait3A_616 = tpu.memref_slice %arg4[%add3A_612] : memref<589824xf32, #tpu.memory_space<hbm>> -> memref<64xf32, #tpu.memory_space<hbm>>
        tpu.wait_dma2 semaphore(%arg25 : memref<!tpu.dma_semaphore, #tpu.memory_space<semaphore_mem>>) src(%dma_wait3A_616 : memref<64xf32, #tpu.memory_space<hbm>>) dst(%arg9 : memref<64xf32, #tpu.memory_space<vmem>>)
        %add3A_617 = arith.constant 64 : i32
        %add3A_618 = arith.addi %add3A_500, %add3A_617 : i32
        %add3A_619 = arith.constant 0 : i32
        %add3A_620 = arith.addi %add3A_618, %add3A_619 : i32
        %iota3A_621 = tpu.iota {dimensions = array<i32: 0>} : vector<16xi32>
        %add3A_622 = vector.broadcast %add3A_620 : i32 to vector<16xi32>
        %add3A_623 = arith.addi %add3A_622, %iota3A_621 : vector<16xi32>
        %shift_right_arithmetic3A_624 = arith.constant 7 : i32
        %shift_right_arithmetic3A_625 = vector.broadcast %shift_right_arithmetic3A_624 : i32 to vector<16xi32>
        %shift_right_arithmetic3A_626 = arith.shrsi %add3A_623, %shift_right_arithmetic3A_625 : vector<16xi32>
        %mul3A_627 = arith.constant 43691 : i32
        %mul3A_628 = vector.broadcast %mul3A_627 : i32 to vector<16xi32>
        %mul3A_629 = arith.muli %shift_right_arithmetic3A_626, %mul3A_628 : vector<16xi32>
        %shift_right_arithmetic3A_630 = arith.constant 17 : i32
        %shift_right_arithmetic3A_631 = vector.broadcast %shift_right_arithmetic3A_630 : i32 to vector<16xi32>
        %shift_right_arithmetic3A_632 = arith.shrsi %mul3A_629, %shift_right_arithmetic3A_631 : vector<16xi32>
        %mul3A_633 = arith.constant 384 : i32
        %mul3A_634 = vector.broadcast %mul3A_633 : i32 to vector<16xi32>
        %mul3A_635 = arith.muli %shift_right_arithmetic3A_632, %mul3A_634 : vector<16xi32>
        %sub3A_636 = arith.subi %add3A_623, %mul3A_635 : vector<16xi32>
        %shift_right_arithmetic3A_637 = arith.constant 7 : i32
        %shift_right_arithmetic3A_638 = vector.broadcast %shift_right_arithmetic3A_637 : i32 to vector<16xi32>
        %shift_right_arithmetic3A_639 = arith.shrsi %shift_right_arithmetic3A_632, %shift_right_arithmetic3A_638 : vector<16xi32>
        %mul3A_640 = arith.constant 43691 : i32
        %mul3A_641 = vector.broadcast %mul3A_640 : i32 to vector<16xi32>
        %mul3A_642 = arith.muli %shift_right_arithmetic3A_639, %mul3A_641 : vector<16xi32>
        %shift_right_arithmetic3A_643 = arith.constant 17 : i32
        %shift_right_arithmetic3A_644 = vector.broadcast %shift_right_arithmetic3A_643 : i32 to vector<16xi32>
        %shift_right_arithmetic3A_645 = arith.shrsi %mul3A_642, %shift_right_arithmetic3A_644 : vector<16xi32>
        %mul3A_646 = arith.constant 384 : i32
        %mul3A_647 = vector.broadcast %mul3A_646 : i32 to vector<16xi32>
        %mul3A_648 = arith.muli %shift_right_arithmetic3A_645, %mul3A_647 : vector<16xi32>
        %sub3A_649 = arith.subi %shift_right_arithmetic3A_632, %mul3A_648 : vector<16xi32>
        %convert_element_type3A_650 = arith.sitofp %sub3A_649 : vector<16xi32> to vector<16xf32>
        %get3A_651 = arith.constant 0 : index
        %get3A_652 = tpu.vector_load %arg7[%get3A_651] {strides = array<i32>} : memref<64xf32, #tpu.memory_space<vmem>>, vector<16xf32>,
        %sub3A_653 = arith.subf %convert_element_type3A_650, %get3A_652 : vector<16xf32>
        %convert_element_type3A_654 = arith.sitofp %sub3A_636 : vector<16xi32> to vector<16xf32>
        %get3A_655 = arith.constant 0 : index
        %get3A_656 = tpu.vector_load %arg9[%get3A_655] {strides = array<i32>} : memref<64xf32, #tpu.memory_space<vmem>>, vector<16xf32>,
        %sub3A_657 = arith.subf %convert_element_type3A_654, %get3A_656 : vector<16xf32>
        %jit3A_658 = arith.constant 0.000000e+00 : f32
        %jit3A_659 = arith.constant 3.820000e+02 : f32
        %max3A_660 = vector.broadcast %jit3A_658 : f32 to vector<16xf32>
        %max3A_661 = arith.maximumf %max3A_660, %sub3A_653 : vector<16xf32>
        %min3A_662 = vector.broadcast %jit3A_659 : f32 to vector<16xf32>
        %min3A_663 = arith.minimumf %min3A_662, %max3A_661 : vector<16xf32>
        %jit3A_664 = arith.constant 0.000000e+00 : f32
        %jit3A_665 = arith.constant 3.820000e+02 : f32
        %max3A_666 = vector.broadcast %jit3A_664 : f32 to vector<16xf32>
        %max3A_667 = arith.maximumf %max3A_666, %sub3A_657 : vector<16xf32>
        %min3A_668 = vector.broadcast %jit3A_665 : f32 to vector<16xf32>
        %min3A_669 = arith.minimumf %min3A_668, %max3A_667 : vector<16xf32>
        %convert_element_type3A_670 = arith.fptosi %min3A_663 : vector<16xf32> to vector<16xi32>
        %convert_element_type3A_671 = arith.fptosi %min3A_669 : vector<16xf32> to vector<16xi32>
        %convert_element_type3A_672 = arith.sitofp %convert_element_type3A_670 : vector<16xi32> to vector<16xf32>
        %sub3A_673 = arith.subf %sub3A_653, %convert_element_type3A_672 : vector<16xf32>
        %jit3A_674 = arith.constant 0.000000e+00 : f32
        %jit3A_675 = arith.constant 1.000000e+00 : f32
        %max3A_676 = vector.broadcast %jit3A_674 : f32 to vector<16xf32>
        %max3A_677 = arith.maximumf %max3A_676, %sub3A_673 : vector<16xf32>
        %min3A_678 = vector.broadcast %jit3A_675 : f32 to vector<16xf32>
        %min3A_679 = arith.minimumf %min3A_678, %max3A_677 : vector<16xf32>
        %convert_element_type3A_680 = arith.sitofp %convert_element_type3A_671 : vector<16xi32> to vector<16xf32>
        %sub3A_681 = arith.subf %sub3A_657, %convert_element_type3A_680 : vector<16xf32>
        %jit3A_682 = arith.constant 0.000000e+00 : f32
        %jit3A_683 = arith.constant 1.000000e+00 : f32
        %max3A_684 = vector.broadcast %jit3A_682 : f32 to vector<16xf32>
        %max3A_685 = arith.maximumf %max3A_684, %sub3A_681 : vector<16xf32>
        %min3A_686 = vector.broadcast %jit3A_683 : f32 to vector<16xf32>
        %min3A_687 = arith.minimumf %min3A_686, %max3A_685 : vector<16xf32>
        %mul3A_688 = arith.constant 147456 : i32
        %mul3A_689 = vector.broadcast %mul3A_688 : i32 to vector<16xi32>
        %mul3A_690 = arith.muli %shift_right_arithmetic3A_645, %mul3A_689 : vector<16xi32>
        %mul3A_691 = arith.constant 384 : i32
        %mul3A_692 = vector.broadcast %mul3A_691 : i32 to vector<16xi32>
        %mul3A_693 = arith.muli %convert_element_type3A_670, %mul3A_692 : vector<16xi32>
        %add3A_694 = arith.addi %mul3A_690, %mul3A_693 : vector<16xi32>
        %add3A_695 = arith.addi %add3A_694, %convert_element_type3A_671 : vector<16xi32>
        %swap3A_696 = arith.constant 0 : index
        %swap3A_697 = tpu.vector_load %arg14[%swap3A_696] {strides = array<i32>} : memref<64xi32, #tpu.memory_space<vmem>>, vector<16xi32>,
        tpu.vector_store %arg14[%swap3A_696], %add3A_695 {strides = array<i32>} : memref<64xi32, #tpu.memory_space<vmem>>, vector<16xi32>,
        %add3A_698 = arith.constant 1 : i32
        %add3A_699 = vector.broadcast %add3A_698 : i32 to vector<16xi32>
        %add3A_700 = arith.addi %add3A_695, %add3A_699 : vector<16xi32>
        %swap3A_701 = arith.constant 0 : index
        %swap3A_702 = tpu.vector_load %arg15[%swap3A_701] {strides = array<i32>} : memref<64xi32, #tpu.memory_space<vmem>>, vector<16xi32>,
        tpu.vector_store %arg15[%swap3A_701], %add3A_700 {strides = array<i32>} : memref<64xi32, #tpu.memory_space<vmem>>, vector<16xi32>,
        %add3A_703 = arith.constant 384 : i32
        %add3A_704 = vector.broadcast %add3A_703 : i32 to vector<16xi32>
        %add3A_705 = arith.addi %add3A_695, %add3A_704 : vector<16xi32>
        %swap3A_706 = arith.constant 0 : index
        %swap3A_707 = tpu.vector_load %arg16[%swap3A_706] {strides = array<i32>} : memref<64xi32, #tpu.memory_space<vmem>>, vector<16xi32>,
        tpu.vector_store %arg16[%swap3A_706], %add3A_705 {strides = array<i32>} : memref<64xi32, #tpu.memory_space<vmem>>, vector<16xi32>,
        %add3A_708 = arith.constant 384 : i32
        %add3A_709 = vector.broadcast %add3A_708 : i32 to vector<16xi32>
        %add3A_710 = arith.addi %add3A_695, %add3A_709 : vector<16xi32>
        %add3A_711 = arith.constant 1 : i32
        %add3A_712 = vector.broadcast %add3A_711 : i32 to vector<16xi32>
        %add3A_713 = arith.addi %add3A_710, %add3A_712 : vector<16xi32>
        %swap3A_714 = arith.constant 0 : index
        %swap3A_715 = tpu.vector_load %arg17[%swap3A_714] {strides = array<i32>} : memref<64xi32, #tpu.memory_space<vmem>>, vector<16xi32>,
        tpu.vector_store %arg17[%swap3A_714], %add3A_713 {strides = array<i32>} : memref<64xi32, #tpu.memory_space<vmem>>, vector<16xi32>,
        %sub3A_716 = arith.constant 1.000000e+00 : f32
        %sub3A_717 = vector.broadcast %sub3A_716 : f32 to vector<16xf32>
        %sub3A_718 = arith.subf %sub3A_717, %min3A_679 : vector<16xf32>
        %sub3A_719 = arith.constant 1.000000e+00 : f32
        %sub3A_720 = vector.broadcast %sub3A_719 : f32 to vector<16xf32>
        %sub3A_721 = arith.subf %sub3A_720, %min3A_687 : vector<16xf32>
        %mul3A_722 = arith.mulf %sub3A_718, %sub3A_721 : vector<16xf32>
        %swap3A_723 = arith.constant 0 : index
        %swap3A_724 = tpu.vector_load %arg19[%swap3A_723] {strides = array<i32>} : memref<256xf32, #tpu.memory_space<vmem>>, vector<16xf32>,
        tpu.vector_store %arg19[%swap3A_723], %mul3A_722 {strides = array<i32>} : memref<256xf32, #tpu.memory_space<vmem>>, vector<16xf32>,
        %mul3A_725 = arith.mulf %sub3A_718, %min3A_687 : vector<16xf32>
        %swap3A_726 = arith.constant 64 : index
        %swap3A_727 = tpu.vector_load %arg19[%swap3A_726] {strides = array<i32>} : memref<256xf32, #tpu.memory_space<vmem>>, vector<16xf32>,
        tpu.vector_store %arg19[%swap3A_726], %mul3A_725 {strides = array<i32>} : memref<256xf32, #tpu.memory_space<vmem>>, vector<16xf32>,
        %mul3A_728 = arith.mulf %min3A_679, %sub3A_721 : vector<16xf32>
        %swap3A_729 = arith.constant 128 : index
        %swap3A_730 = tpu.vector_load %arg19[%swap3A_729] {strides = array<i32>} : memref<256xf32, #tpu.memory_space<vmem>>, vector<16xf32>,
        tpu.vector_store %arg19[%swap3A_729], %mul3A_728 {strides = array<i32>} : memref<256xf32, #tpu.memory_space<vmem>>, vector<16xf32>,
        %mul3A_731 = arith.mulf %min3A_679, %min3A_687 : vector<16xf32>
        %swap3A_732 = arith.constant 192 : index
        %swap3A_733 = tpu.vector_load %arg19[%swap3A_732] {strides = array<i32>} : memref<256xf32, #tpu.memory_space<vmem>>, vector<16xf32>,
        tpu.vector_store %arg19[%swap3A_732], %mul3A_731 {strides = array<i32>} : memref<256xf32, #tpu.memory_space<vmem>>, vector<16xf32>,
        %add3A_734 = arith.constant 16 : i32
        %add3A_735 = arith.addi %add3A_618, %add3A_734 : i32
        %iota3A_736 = tpu.iota {dimensions = array<i32: 0>} : vector<16xi32>
        %add3A_737 = vector.broadcast %add3A_735 : i32 to vector<16xi32>
        %add3A_738 = arith.addi %add3A_737, %iota3A_736 : vector<16xi32>
        %shift_right_arithmetic3A_739 = arith.constant 7 : i32
        %shift_right_arithmetic3A_740 = vector.broadcast %shift_right_arithmetic3A_739 : i32 to vector<16xi32>
        %shift_right_arithmetic3A_741 = arith.shrsi %add3A_738, %shift_right_arithmetic3A_740 : vector<16xi32>
        %mul3A_742 = arith.constant 43691 : i32
        %mul3A_743 = vector.broadcast %mul3A_742 : i32 to vector<16xi32>
        %mul3A_744 = arith.muli %shift_right_arithmetic3A_741, %mul3A_743 : vector<16xi32>
        %shift_right_arithmetic3A_745 = arith.constant 17 : i32
        %shift_right_arithmetic3A_746 = vector.broadcast %shift_right_arithmetic3A_745 : i32 to vector<16xi32>
        %shift_right_arithmetic3A_747 = arith.shrsi %mul3A_744, %shift_right_arithmetic3A_746 : vector<16xi32>
        %mul3A_748 = arith.constant 384 : i32
        %mul3A_749 = vector.broadcast %mul3A_748 : i32 to vector<16xi32>
        %mul3A_750 = arith.muli %shift_right_arithmetic3A_747, %mul3A_749 : vector<16xi32>
        %sub3A_751 = arith.subi %add3A_738, %mul3A_750 : vector<16xi32>
        %shift_right_arithmetic3A_752 = arith.constant 7 : i32
        %shift_right_arithmetic3A_753 = vector.broadcast %shift_right_arithmetic3A_752 : i32 to vector<16xi32>
        %shift_right_arithmetic3A_754 = arith.shrsi %shift_right_arithmetic3A_747, %shift_right_arithmetic3A_753 : vector<16xi32>
        %mul3A_755 = arith.constant 43691 : i32
        %mul3A_756 = vector.broadcast %mul3A_755 : i32 to vector<16xi32>
        %mul3A_757 = arith.muli %shift_right_arithmetic3A_754, %mul3A_756 : vector<16xi32>
        %shift_right_arithmetic3A_758 = arith.constant 17 : i32
        %shift_right_arithmetic3A_759 = vector.broadcast %shift_right_arithmetic3A_758 : i32 to vector<16xi32>
        %shift_right_arithmetic3A_760 = arith.shrsi %mul3A_757, %shift_right_arithmetic3A_759 : vector<16xi32>
        %mul3A_761 = arith.constant 384 : i32
        %mul3A_762 = vector.broadcast %mul3A_761 : i32 to vector<16xi32>
        %mul3A_763 = arith.muli %shift_right_arithmetic3A_760, %mul3A_762 : vector<16xi32>
        %sub3A_764 = arith.subi %shift_right_arithmetic3A_747, %mul3A_763 : vector<16xi32>
        %convert_element_type3A_765 = arith.sitofp %sub3A_764 : vector<16xi32> to vector<16xf32>
        %get3A_766 = arith.constant 16 : index
        %get3A_767 = tpu.vector_load %arg7[%get3A_766] {strides = array<i32>} : memref<64xf32, #tpu.memory_space<vmem>>, vector<16xf32>,
        %sub3A_768 = arith.subf %convert_element_type3A_765, %get3A_767 : vector<16xf32>
        %convert_element_type3A_769 = arith.sitofp %sub3A_751 : vector<16xi32> to vector<16xf32>
        %get3A_770 = arith.constant 16 : index
        %get3A_771 = tpu.vector_load %arg9[%get3A_770] {strides = array<i32>} : memref<64xf32, #tpu.memory_space<vmem>>, vector<16xf32>,
        %sub3A_772 = arith.subf %convert_element_type3A_769, %get3A_771 : vector<16xf32>
        %jit3A_773 = arith.constant 0.000000e+00 : f32
        %jit3A_774 = arith.constant 3.820000e+02 : f32
        %max3A_775 = vector.broadcast %jit3A_773 : f32 to vector<16xf32>
        %max3A_776 = arith.maximumf %max3A_775, %sub3A_768 : vector<16xf32>
        %min3A_777 = vector.broadcast %jit3A_774 : f32 to vector<16xf32>
        %min3A_778 = arith.minimumf %min3A_777, %max3A_776 : vector<16xf32>
        %jit3A_779 = arith.constant 0.000000e+00 : f32
        %jit3A_780 = arith.constant 3.820000e+02 : f32
        %max3A_781 = vector.broadcast %jit3A_779 : f32 to vector<16xf32>
        %max3A_782 = arith.maximumf %max3A_781, %sub3A_772 : vector<16xf32>
        %min3A_783 = vector.broadcast %jit3A_780 : f32 to vector<16xf32>
        %min3A_784 = arith.minimumf %min3A_783, %max3A_782 : vector<16xf32>
        %convert_element_type3A_785 = arith.fptosi %min3A_778 : vector<16xf32> to vector<16xi32>
        %convert_element_type3A_786 = arith.fptosi %min3A_784 : vector<16xf32> to vector<16xi32>
        %convert_element_type3A_787 = arith.sitofp %convert_element_type3A_785 : vector<16xi32> to vector<16xf32>
        %sub3A_788 = arith.subf %sub3A_768, %convert_element_type3A_787 : vector<16xf32>
        %jit3A_789 = arith.constant 0.000000e+00 : f32
        %jit3A_790 = arith.constant 1.000000e+00 : f32
        %max3A_791 = vector.broadcast %jit3A_789 : f32 to vector<16xf32>
        %max3A_792 = arith.maximumf %max3A_791, %sub3A_788 : vector<16xf32>
        %min3A_793 = vector.broadcast %jit3A_790 : f32 to vector<16xf32>
        %min3A_794 = arith.minimumf %min3A_793, %max3A_792 : vector<16xf32>
        %convert_element_type3A_795 = arith.sitofp %convert_element_type3A_786 : vector<16xi32> to vector<16xf32>
        %sub3A_796 = arith.subf %sub3A_772, %convert_element_type3A_795 : vector<16xf32>
        %jit3A_797 = arith.constant 0.000000e+00 : f32
        %jit3A_798 = arith.constant 1.000000e+00 : f32
        %max3A_799 = vector.broadcast %jit3A_797 : f32 to vector<16xf32>
        %max3A_800 = arith.maximumf %max3A_799, %sub3A_796 : vector<16xf32>
        %min3A_801 = vector.broadcast %jit3A_798 : f32 to vector<16xf32>
        %min3A_802 = arith.minimumf %min3A_801, %max3A_800 : vector<16xf32>
        %mul3A_803 = arith.constant 147456 : i32
        %mul3A_804 = vector.broadcast %mul3A_803 : i32 to vector<16xi32>
        %mul3A_805 = arith.muli %shift_right_arithmetic3A_760, %mul3A_804 : vector<16xi32>
        %mul3A_806 = arith.constant 384 : i32
        %mul3A_807 = vector.broadcast %mul3A_806 : i32 to vector<16xi32>
        %mul3A_808 = arith.muli %convert_element_type3A_785, %mul3A_807 : vector<16xi32>
        %add3A_809 = arith.addi %mul3A_805, %mul3A_808 : vector<16xi32>
        %add3A_810 = arith.addi %add3A_809, %convert_element_type3A_786 : vector<16xi32>
        %swap3A_811 = arith.constant 16 : index
        %swap3A_812 = tpu.vector_load %arg14[%swap3A_811] {strides = array<i32>} : memref<64xi32, #tpu.memory_space<vmem>>, vector<16xi32>,
        tpu.vector_store %arg14[%swap3A_811], %add3A_810 {strides = array<i32>} : memref<64xi32, #tpu.memory_space<vmem>>, vector<16xi32>,
        %add3A_813 = arith.constant 1 : i32
        %add3A_814 = vector.broadcast %add3A_813 : i32 to vector<16xi32>
        %add3A_815 = arith.addi %add3A_810, %add3A_814 : vector<16xi32>
        %swap3A_816 = arith.constant 16 : index
        %swap3A_817 = tpu.vector_load %arg15[%swap3A_816] {strides = array<i32>} : memref<64xi32, #tpu.memory_space<vmem>>, vector<16xi32>,
        tpu.vector_store %arg15[%swap3A_816], %add3A_815 {strides = array<i32>} : memref<64xi32, #tpu.memory_space<vmem>>, vector<16xi32>,
        %add3A_818 = arith.constant 384 : i32
        %add3A_819 = vector.broadcast %add3A_818 : i32 to vector<16xi32>
        %add3A_820 = arith.addi %add3A_810, %add3A_819 : vector<16xi32>
        %swap3A_821 = arith.constant 16 : index
        %swap3A_822 = tpu.vector_load %arg16[%swap3A_821] {strides = array<i32>} : memref<64xi32, #tpu.memory_space<vmem>>, vector<16xi32>,
        tpu.vector_store %arg16[%swap3A_821], %add3A_820 {strides = array<i32>} : memref<64xi32, #tpu.memory_space<vmem>>, vector<16xi32>,
        %add3A_823 = arith.constant 384 : i32
        %add3A_824 = vector.broadcast %add3A_823 : i32 to vector<16xi32>
        %add3A_825 = arith.addi %add3A_810, %add3A_824 : vector<16xi32>
        %add3A_826 = arith.constant 1 : i32
        %add3A_827 = vector.broadcast %add3A_826 : i32 to vector<16xi32>
        %add3A_828 = arith.addi %add3A_825, %add3A_827 : vector<16xi32>
        %swap3A_829 = arith.constant 16 : index
        %swap3A_830 = tpu.vector_load %arg17[%swap3A_829] {strides = array<i32>} : memref<64xi32, #tpu.memory_space<vmem>>, vector<16xi32>,
        tpu.vector_store %arg17[%swap3A_829], %add3A_828 {strides = array<i32>} : memref<64xi32, #tpu.memory_space<vmem>>, vector<16xi32>,
        %sub3A_831 = arith.constant 1.000000e+00 : f32
        %sub3A_832 = vector.broadcast %sub3A_831 : f32 to vector<16xf32>
        %sub3A_833 = arith.subf %sub3A_832, %min3A_794 : vector<16xf32>
        %sub3A_834 = arith.constant 1.000000e+00 : f32
        %sub3A_835 = vector.broadcast %sub3A_834 : f32 to vector<16xf32>
        %sub3A_836 = arith.subf %sub3A_835, %min3A_802 : vector<16xf32>
        %mul3A_837 = arith.mulf %sub3A_833, %sub3A_836 : vector<16xf32>
        %swap3A_838 = arith.constant 16 : index
        %swap3A_839 = tpu.vector_load %arg19[%swap3A_838] {strides = array<i32>} : memref<256xf32, #tpu.memory_space<vmem>>, vector<16xf32>,
        tpu.vector_store %arg19[%swap3A_838], %mul3A_837 {strides = array<i32>} : memref<256xf32, #tpu.memory_space<vmem>>, vector<16xf32>,
        %mul3A_840 = arith.mulf %sub3A_833, %min3A_802 : vector<16xf32>
        %swap3A_841 = arith.constant 80 : index
        %swap3A_842 = tpu.vector_load %arg19[%swap3A_841] {strides = array<i32>} : memref<256xf32, #tpu.memory_space<vmem>>, vector<16xf32>,
        tpu.vector_store %arg19[%swap3A_841], %mul3A_840 {strides = array<i32>} : memref<256xf32, #tpu.memory_space<vmem>>, vector<16xf32>,
        %mul3A_843 = arith.mulf %min3A_794, %sub3A_836 : vector<16xf32>
        %swap3A_844 = arith.constant 144 : index
        %swap3A_845 = tpu.vector_load %arg19[%swap3A_844] {strides = array<i32>} : memref<256xf32, #tpu.memory_space<vmem>>, vector<16xf32>,
        tpu.vector_store %arg19[%swap3A_844], %mul3A_843 {strides = array<i32>} : memref<256xf32, #tpu.memory_space<vmem>>, vector<16xf32>,
        %mul3A_846 = arith.mulf %min3A_794, %min3A_802 : vector<16xf32>
        %swap3A_847 = arith.constant 208 : index
        %swap3A_848 = tpu.vector_load %arg19[%swap3A_847] {strides = array<i32>} : memref<256xf32, #tpu.memory_space<vmem>>, vector<16xf32>,
        tpu.vector_store %arg19[%swap3A_847], %mul3A_846 {strides = array<i32>} : memref<256xf32, #tpu.memory_space<vmem>>, vector<16xf32>,
        %add3A_849 = arith.constant 32 : i32
        %add3A_850 = arith.addi %add3A_618, %add3A_849 : i32
        %iota3A_851 = tpu.iota {dimensions = array<i32: 0>} : vector<16xi32>
        %add3A_852 = vector.broadcast %add3A_850 : i32 to vector<16xi32>
        %add3A_853 = arith.addi %add3A_852, %iota3A_851 : vector<16xi32>
        %shift_right_arithmetic3A_854 = arith.constant 7 : i32
        %shift_right_arithmetic3A_855 = vector.broadcast %shift_right_arithmetic3A_854 : i32 to vector<16xi32>
        %shift_right_arithmetic3A_856 = arith.shrsi %add3A_853, %shift_right_arithmetic3A_855 : vector<16xi32>
        %mul3A_857 = arith.constant 43691 : i32
        %mul3A_858 = vector.broadcast %mul3A_857 : i32 to vector<16xi32>
        %mul3A_859 = arith.muli %shift_right_arithmetic3A_856, %mul3A_858 : vector<16xi32>
        %shift_right_arithmetic3A_860 = arith.constant 17 : i32
        %shift_right_arithmetic3A_861 = vector.broadcast %shift_right_arithmetic3A_860 : i32 to vector<16xi32>
        %shift_right_arithmetic3A_862 = arith.shrsi %mul3A_859, %shift_right_arithmetic3A_861 : vector<16xi32>
        %mul3A_863 = arith.constant 384 : i32
        %mul3A_864 = vector.broadcast %mul3A_863 : i32 to vector<16xi32>
        %mul3A_865 = arith.muli %shift_right_arithmetic3A_862, %mul3A_864 : vector<16xi32>
        %sub3A_866 = arith.subi %add3A_853, %mul3A_865 : vector<16xi32>
        %shift_right_arithmetic3A_867 = arith.constant 7 : i32
        %shift_right_arithmetic3A_868 = vector.broadcast %shift_right_arithmetic3A_867 : i32 to vector<16xi32>
        %shift_right_arithmetic3A_869 = arith.shrsi %shift_right_arithmetic3A_862, %shift_right_arithmetic3A_868 : vector<16xi32>
        %mul3A_870 = arith.constant 43691 : i32
        %mul3A_871 = vector.broadcast %mul3A_870 : i32 to vector<16xi32>
        %mul3A_872 = arith.muli %shift_right_arithmetic3A_869, %mul3A_871 : vector<16xi32>
        %shift_right_arithmetic3A_873 = arith.constant 17 : i32
        %shift_right_arithmetic3A_874 = vector.broadcast %shift_right_arithmetic3A_873 : i32 to vector<16xi32>
        %shift_right_arithmetic3A_875 = arith.shrsi %mul3A_872, %shift_right_arithmetic3A_874 : vector<16xi32>
        %mul3A_876 = arith.constant 384 : i32
        %mul3A_877 = vector.broadcast %mul3A_876 : i32 to vector<16xi32>
        %mul3A_878 = arith.muli %shift_right_arithmetic3A_875, %mul3A_877 : vector<16xi32>
        %sub3A_879 = arith.subi %shift_right_arithmetic3A_862, %mul3A_878 : vector<16xi32>
        %convert_element_type3A_880 = arith.sitofp %sub3A_879 : vector<16xi32> to vector<16xf32>
        %get3A_881 = arith.constant 32 : index
        %get3A_882 = tpu.vector_load %arg7[%get3A_881] {strides = array<i32>} : memref<64xf32, #tpu.memory_space<vmem>>, vector<16xf32>,
        %sub3A_883 = arith.subf %convert_element_type3A_880, %get3A_882 : vector<16xf32>
        %convert_element_type3A_884 = arith.sitofp %sub3A_866 : vector<16xi32> to vector<16xf32>
        %get3A_885 = arith.constant 32 : index
        %get3A_886 = tpu.vector_load %arg9[%get3A_885] {strides = array<i32>} : memref<64xf32, #tpu.memory_space<vmem>>, vector<16xf32>,
        %sub3A_887 = arith.subf %convert_element_type3A_884, %get3A_886 : vector<16xf32>
        %jit3A_888 = arith.constant 0.000000e+00 : f32
        %jit3A_889 = arith.constant 3.820000e+02 : f32
        %max3A_890 = vector.broadcast %jit3A_888 : f32 to vector<16xf32>
        %max3A_891 = arith.maximumf %max3A_890, %sub3A_883 : vector<16xf32>
        %min3A_892 = vector.broadcast %jit3A_889 : f32 to vector<16xf32>
        %min3A_893 = arith.minimumf %min3A_892, %max3A_891 : vector<16xf32>
        %jit3A_894 = arith.constant 0.000000e+00 : f32
        %jit3A_895 = arith.constant 3.820000e+02 : f32
        %max3A_896 = vector.broadcast %jit3A_894 : f32 to vector<16xf32>
        %max3A_897 = arith.maximumf %max3A_896, %sub3A_887 : vector<16xf32>
        %min3A_898 = vector.broadcast %jit3A_895 : f32 to vector<16xf32>
        %min3A_899 = arith.minimumf %min3A_898, %max3A_897 : vector<16xf32>
        %convert_element_type3A_900 = arith.fptosi %min3A_893 : vector<16xf32> to vector<16xi32>
        %convert_element_type3A_901 = arith.fptosi %min3A_899 : vector<16xf32> to vector<16xi32>
        %convert_element_type3A_902 = arith.sitofp %convert_element_type3A_900 : vector<16xi32> to vector<16xf32>
        %sub3A_903 = arith.subf %sub3A_883, %convert_element_type3A_902 : vector<16xf32>
        %jit3A_904 = arith.constant 0.000000e+00 : f32
        %jit3A_905 = arith.constant 1.000000e+00 : f32
        %max3A_906 = vector.broadcast %jit3A_904 : f32 to vector<16xf32>
        %max3A_907 = arith.maximumf %max3A_906, %sub3A_903 : vector<16xf32>
        %min3A_908 = vector.broadcast %jit3A_905 : f32 to vector<16xf32>
        %min3A_909 = arith.minimumf %min3A_908, %max3A_907 : vector<16xf32>
        %convert_element_type3A_910 = arith.sitofp %convert_element_type3A_901 : vector<16xi32> to vector<16xf32>
        %sub3A_911 = arith.subf %sub3A_887, %convert_element_type3A_910 : vector<16xf32>
        %jit3A_912 = arith.constant 0.000000e+00 : f32
        %jit3A_913 = arith.constant 1.000000e+00 : f32
        %max3A_914 = vector.broadcast %jit3A_912 : f32 to vector<16xf32>
        %max3A_915 = arith.maximumf %max3A_914, %sub3A_911 : vector<16xf32>
        %min3A_916 = vector.broadcast %jit3A_913 : f32 to vector<16xf32>
        %min3A_917 = arith.minimumf %min3A_916, %max3A_915 : vector<16xf32>
        %mul3A_918 = arith.constant 147456 : i32
        %mul3A_919 = vector.broadcast %mul3A_918 : i32 to vector<16xi32>
        %mul3A_920 = arith.muli %shift_right_arithmetic3A_875, %mul3A_919 : vector<16xi32>
        %mul3A_921 = arith.constant 384 : i32
        %mul3A_922 = vector.broadcast %mul3A_921 : i32 to vector<16xi32>
        %mul3A_923 = arith.muli %convert_element_type3A_900, %mul3A_922 : vector<16xi32>
        %add3A_924 = arith.addi %mul3A_920, %mul3A_923 : vector<16xi32>
        %add3A_925 = arith.addi %add3A_924, %convert_element_type3A_901 : vector<16xi32>
        %swap3A_926 = arith.constant 32 : index
        %swap3A_927 = tpu.vector_load %arg14[%swap3A_926] {strides = array<i32>} : memref<64xi32, #tpu.memory_space<vmem>>, vector<16xi32>,
        tpu.vector_store %arg14[%swap3A_926], %add3A_925 {strides = array<i32>} : memref<64xi32, #tpu.memory_space<vmem>>, vector<16xi32>,
        %add3A_928 = arith.constant 1 : i32
        %add3A_929 = vector.broadcast %add3A_928 : i32 to vector<16xi32>
        %add3A_930 = arith.addi %add3A_925, %add3A_929 : vector<16xi32>
        %swap3A_931 = arith.constant 32 : index
        %swap3A_932 = tpu.vector_load %arg15[%swap3A_931] {strides = array<i32>} : memref<64xi32, #tpu.memory_space<vmem>>, vector<16xi32>,
        tpu.vector_store %arg15[%swap3A_931], %add3A_930 {strides = array<i32>} : memref<64xi32, #tpu.memory_space<vmem>>, vector<16xi32>,
        %add3A_933 = arith.constant 384 : i32
        %add3A_934 = vector.broadcast %add3A_933 : i32 to vector<16xi32>
        %add3A_935 = arith.addi %add3A_925, %add3A_934 : vector<16xi32>
        %swap3A_936 = arith.constant 32 : index
        %swap3A_937 = tpu.vector_load %arg16[%swap3A_936] {strides = array<i32>} : memref<64xi32, #tpu.memory_space<vmem>>, vector<16xi32>,
        tpu.vector_store %arg16[%swap3A_936], %add3A_935 {strides = array<i32>} : memref<64xi32, #tpu.memory_space<vmem>>, vector<16xi32>,
        %add3A_938 = arith.constant 384 : i32
        %add3A_939 = vector.broadcast %add3A_938 : i32 to vector<16xi32>
        %add3A_940 = arith.addi %add3A_925, %add3A_939 : vector<16xi32>
        %add3A_941 = arith.constant 1 : i32
        %add3A_942 = vector.broadcast %add3A_941 : i32 to vector<16xi32>
        %add3A_943 = arith.addi %add3A_940, %add3A_942 : vector<16xi32>
        %swap3A_944 = arith.constant 32 : index
        %swap3A_945 = tpu.vector_load %arg17[%swap3A_944] {strides = array<i32>} : memref<64xi32, #tpu.memory_space<vmem>>, vector<16xi32>,
        tpu.vector_store %arg17[%swap3A_944], %add3A_943 {strides = array<i32>} : memref<64xi32, #tpu.memory_space<vmem>>, vector<16xi32>,
        %sub3A_946 = arith.constant 1.000000e+00 : f32
        %sub3A_947 = vector.broadcast %sub3A_946 : f32 to vector<16xf32>
        %sub3A_948 = arith.subf %sub3A_947, %min3A_909 : vector<16xf32>
        %sub3A_949 = arith.constant 1.000000e+00 : f32
        %sub3A_950 = vector.broadcast %sub3A_949 : f32 to vector<16xf32>
        %sub3A_951 = arith.subf %sub3A_950, %min3A_917 : vector<16xf32>
        %mul3A_952 = arith.mulf %sub3A_948, %sub3A_951 : vector<16xf32>
        %swap3A_953 = arith.constant 32 : index
        %swap3A_954 = tpu.vector_load %arg19[%swap3A_953] {strides = array<i32>} : memref<256xf32, #tpu.memory_space<vmem>>, vector<16xf32>,
        tpu.vector_store %arg19[%swap3A_953], %mul3A_952 {strides = array<i32>} : memref<256xf32, #tpu.memory_space<vmem>>, vector<16xf32>,
        %mul3A_955 = arith.mulf %sub3A_948, %min3A_917 : vector<16xf32>
        %swap3A_956 = arith.constant 96 : index
        %swap3A_957 = tpu.vector_load %arg19[%swap3A_956] {strides = array<i32>} : memref<256xf32, #tpu.memory_space<vmem>>, vector<16xf32>,
        tpu.vector_store %arg19[%swap3A_956], %mul3A_955 {strides = array<i32>} : memref<256xf32, #tpu.memory_space<vmem>>, vector<16xf32>,
        %mul3A_958 = arith.mulf %min3A_909, %sub3A_951 : vector<16xf32>
        %swap3A_959 = arith.constant 160 : index
        %swap3A_960 = tpu.vector_load %arg19[%swap3A_959] {strides = array<i32>} : memref<256xf32, #tpu.memory_space<vmem>>, vector<16xf32>,
        tpu.vector_store %arg19[%swap3A_959], %mul3A_958 {strides = array<i32>} : memref<256xf32, #tpu.memory_space<vmem>>, vector<16xf32>,
        %mul3A_961 = arith.mulf %min3A_909, %min3A_917 : vector<16xf32>
        %swap3A_962 = arith.constant 224 : index
        %swap3A_963 = tpu.vector_load %arg19[%swap3A_962] {strides = array<i32>} : memref<256xf32, #tpu.memory_space<vmem>>, vector<16xf32>,
        tpu.vector_store %arg19[%swap3A_962], %mul3A_961 {strides = array<i32>} : memref<256xf32, #tpu.memory_space<vmem>>, vector<16xf32>,
        %add3A_964 = arith.constant 48 : i32
        %add3A_965 = arith.addi %add3A_618, %add3A_964 : i32
        %iota3A_966 = tpu.iota {dimensions = array<i32: 0>} : vector<16xi32>
        %add3A_967 = vector.broadcast %add3A_965 : i32 to vector<16xi32>
        %add3A_968 = arith.addi %add3A_967, %iota3A_966 : vector<16xi32>
        %shift_right_arithmetic3A_969 = arith.constant 7 : i32
        %shift_right_arithmetic3A_970 = vector.broadcast %shift_right_arithmetic3A_969 : i32 to vector<16xi32>
        %shift_right_arithmetic3A_971 = arith.shrsi %add3A_968, %shift_right_arithmetic3A_970 : vector<16xi32>
        %mul3A_972 = arith.constant 43691 : i32
        %mul3A_973 = vector.broadcast %mul3A_972 : i32 to vector<16xi32>
        %mul3A_974 = arith.muli %shift_right_arithmetic3A_971, %mul3A_973 : vector<16xi32>
        %shift_right_arithmetic3A_975 = arith.constant 17 : i32
        %shift_right_arithmetic3A_976 = vector.broadcast %shift_right_arithmetic3A_975 : i32 to vector<16xi32>
        %shift_right_arithmetic3A_977 = arith.shrsi %mul3A_974, %shift_right_arithmetic3A_976 : vector<16xi32>
        %mul3A_978 = arith.constant 384 : i32
        %mul3A_979 = vector.broadcast %mul3A_978 : i32 to vector<16xi32>
        %mul3A_980 = arith.muli %shift_right_arithmetic3A_977, %mul3A_979 : vector<16xi32>
        %sub3A_981 = arith.subi %add3A_968, %mul3A_980 : vector<16xi32>
        %shift_right_arithmetic3A_982 = arith.constant 7 : i32
        %shift_right_arithmetic3A_983 = vector.broadcast %shift_right_arithmetic3A_982 : i32 to vector<16xi32>
        %shift_right_arithmetic3A_984 = arith.shrsi %shift_right_arithmetic3A_977, %shift_right_arithmetic3A_983 : vector<16xi32>
        %mul3A_985 = arith.constant 43691 : i32
        %mul3A_986 = vector.broadcast %mul3A_985 : i32 to vector<16xi32>
        %mul3A_987 = arith.muli %shift_right_arithmetic3A_984, %mul3A_986 : vector<16xi32>
        %shift_right_arithmetic3A_988 = arith.constant 17 : i32
        %shift_right_arithmetic3A_989 = vector.broadcast %shift_right_arithmetic3A_988 : i32 to vector<16xi32>
        %shift_right_arithmetic3A_990 = arith.shrsi %mul3A_987, %shift_right_arithmetic3A_989 : vector<16xi32>
        %mul3A_991 = arith.constant 384 : i32
        %mul3A_992 = vector.broadcast %mul3A_991 : i32 to vector<16xi32>
        %mul3A_993 = arith.muli %shift_right_arithmetic3A_990, %mul3A_992 : vector<16xi32>
        %sub3A_994 = arith.subi %shift_right_arithmetic3A_977, %mul3A_993 : vector<16xi32>
        %convert_element_type3A_995 = arith.sitofp %sub3A_994 : vector<16xi32> to vector<16xf32>
        %get3A_996 = arith.constant 48 : index
        %get3A_997 = tpu.vector_load %arg7[%get3A_996] {strides = array<i32>} : memref<64xf32, #tpu.memory_space<vmem>>, vector<16xf32>,
        %sub3A_998 = arith.subf %convert_element_type3A_995, %get3A_997 : vector<16xf32>
        %convert_element_type3A_999 = arith.sitofp %sub3A_981 : vector<16xi32> to vector<16xf32>
        %get3A_1000 = arith.constant 48 : index
        %get3A_1001 = tpu.vector_load %arg9[%get3A_1000] {strides = array<i32>} : memref<64xf32, #tpu.memory_space<vmem>>, vector<16xf32>,
        %sub3A_1002 = arith.subf %convert_element_type3A_999, %get3A_1001 : vector<16xf32>
        %jit3A_1003 = arith.constant 0.000000e+00 : f32
        %jit3A_1004 = arith.constant 3.820000e+02 : f32
        %max3A_1005 = vector.broadcast %jit3A_1003 : f32 to vector<16xf32>
        %max3A_1006 = arith.maximumf %max3A_1005, %sub3A_998 : vector<16xf32>
        %min3A_1007 = vector.broadcast %jit3A_1004 : f32 to vector<16xf32>
        %min3A_1008 = arith.minimumf %min3A_1007, %max3A_1006 : vector<16xf32>
        %jit3A_1009 = arith.constant 0.000000e+00 : f32
        %jit3A_1010 = arith.constant 3.820000e+02 : f32
        %max3A_1011 = vector.broadcast %jit3A_1009 : f32 to vector<16xf32>
        %max3A_1012 = arith.maximumf %max3A_1011, %sub3A_1002 : vector<16xf32>
        %min3A_1013 = vector.broadcast %jit3A_1010 : f32 to vector<16xf32>
        %min3A_1014 = arith.minimumf %min3A_1013, %max3A_1012 : vector<16xf32>
        %convert_element_type3A_1015 = arith.fptosi %min3A_1008 : vector<16xf32> to vector<16xi32>
        %convert_element_type3A_1016 = arith.fptosi %min3A_1014 : vector<16xf32> to vector<16xi32>
        %convert_element_type3A_1017 = arith.sitofp %convert_element_type3A_1015 : vector<16xi32> to vector<16xf32>
        %sub3A_1018 = arith.subf %sub3A_998, %convert_element_type3A_1017 : vector<16xf32>
        %jit3A_1019 = arith.constant 0.000000e+00 : f32
        %jit3A_1020 = arith.constant 1.000000e+00 : f32
        %max3A_1021 = vector.broadcast %jit3A_1019 : f32 to vector<16xf32>
        %max3A_1022 = arith.maximumf %max3A_1021, %sub3A_1018 : vector<16xf32>
        %min3A_1023 = vector.broadcast %jit3A_1020 : f32 to vector<16xf32>
        %min3A_1024 = arith.minimumf %min3A_1023, %max3A_1022 : vector<16xf32>
        %convert_element_type3A_1025 = arith.sitofp %convert_element_type3A_1016 : vector<16xi32> to vector<16xf32>
        %sub3A_1026 = arith.subf %sub3A_1002, %convert_element_type3A_1025 : vector<16xf32>
        %jit3A_1027 = arith.constant 0.000000e+00 : f32
        %jit3A_1028 = arith.constant 1.000000e+00 : f32
        %max3A_1029 = vector.broadcast %jit3A_1027 : f32 to vector<16xf32>
        %max3A_1030 = arith.maximumf %max3A_1029, %sub3A_1026 : vector<16xf32>
        %min3A_1031 = vector.broadcast %jit3A_1028 : f32 to vector<16xf32>
        %min3A_1032 = arith.minimumf %min3A_1031, %max3A_1030 : vector<16xf32>
        %mul3A_1033 = arith.constant 147456 : i32
        %mul3A_1034 = vector.broadcast %mul3A_1033 : i32 to vector<16xi32>
        %mul3A_1035 = arith.muli %shift_right_arithmetic3A_990, %mul3A_1034 : vector<16xi32>
        %mul3A_1036 = arith.constant 384 : i32
        %mul3A_1037 = vector.broadcast %mul3A_1036 : i32 to vector<16xi32>
        %mul3A_1038 = arith.muli %convert_element_type3A_1015, %mul3A_1037 : vector<16xi32>
        %add3A_1039 = arith.addi %mul3A_1035, %mul3A_1038 : vector<16xi32>
        %add3A_1040 = arith.addi %add3A_1039, %convert_element_type3A_1016 : vector<16xi32>
        %swap3A_1041 = arith.constant 48 : index
        %swap3A_1042 = tpu.vector_load %arg14[%swap3A_1041] {strides = array<i32>} : memref<64xi32, #tpu.memory_space<vmem>>, vector<16xi32>,
        tpu.vector_store %arg14[%swap3A_1041], %add3A_1040 {strides = array<i32>} : memref<64xi32, #tpu.memory_space<vmem>>, vector<16xi32>,
        %add3A_1043 = arith.constant 1 : i32
        %add3A_1044 = vector.broadcast %add3A_1043 : i32 to vector<16xi32>
        %add3A_1045 = arith.addi %add3A_1040, %add3A_1044 : vector<16xi32>
        %swap3A_1046 = arith.constant 48 : index
        %swap3A_1047 = tpu.vector_load %arg15[%swap3A_1046] {strides = array<i32>} : memref<64xi32, #tpu.memory_space<vmem>>, vector<16xi32>,
        tpu.vector_store %arg15[%swap3A_1046], %add3A_1045 {strides = array<i32>} : memref<64xi32, #tpu.memory_space<vmem>>, vector<16xi32>,
        %add3A_1048 = arith.constant 384 : i32
        %add3A_1049 = vector.broadcast %add3A_1048 : i32 to vector<16xi32>
        %add3A_1050 = arith.addi %add3A_1040, %add3A_1049 : vector<16xi32>
        %swap3A_1051 = arith.constant 48 : index
        %swap3A_1052 = tpu.vector_load %arg16[%swap3A_1051] {strides = array<i32>} : memref<64xi32, #tpu.memory_space<vmem>>, vector<16xi32>,
        tpu.vector_store %arg16[%swap3A_1051], %add3A_1050 {strides = array<i32>} : memref<64xi32, #tpu.memory_space<vmem>>, vector<16xi32>,
        %add3A_1053 = arith.constant 384 : i32
        %add3A_1054 = vector.broadcast %add3A_1053 : i32 to vector<16xi32>
        %add3A_1055 = arith.addi %add3A_1040, %add3A_1054 : vector<16xi32>
        %add3A_1056 = arith.constant 1 : i32
        %add3A_1057 = vector.broadcast %add3A_1056 : i32 to vector<16xi32>
        %add3A_1058 = arith.addi %add3A_1055, %add3A_1057 : vector<16xi32>
        %swap3A_1059 = arith.constant 48 : index
        %swap3A_1060 = tpu.vector_load %arg17[%swap3A_1059] {strides = array<i32>} : memref<64xi32, #tpu.memory_space<vmem>>, vector<16xi32>,
        tpu.vector_store %arg17[%swap3A_1059], %add3A_1058 {strides = array<i32>} : memref<64xi32, #tpu.memory_space<vmem>>, vector<16xi32>,
        %sub3A_1061 = arith.constant 1.000000e+00 : f32
        %sub3A_1062 = vector.broadcast %sub3A_1061 : f32 to vector<16xf32>
        %sub3A_1063 = arith.subf %sub3A_1062, %min3A_1024 : vector<16xf32>
        %sub3A_1064 = arith.constant 1.000000e+00 : f32
        %sub3A_1065 = vector.broadcast %sub3A_1064 : f32 to vector<16xf32>
        %sub3A_1066 = arith.subf %sub3A_1065, %min3A_1032 : vector<16xf32>
        %mul3A_1067 = arith.mulf %sub3A_1063, %sub3A_1066 : vector<16xf32>
        %swap3A_1068 = arith.constant 48 : index
        %swap3A_1069 = tpu.vector_load %arg19[%swap3A_1068] {strides = array<i32>} : memref<256xf32, #tpu.memory_space<vmem>>, vector<16xf32>,
        tpu.vector_store %arg19[%swap3A_1068], %mul3A_1067 {strides = array<i32>} : memref<256xf32, #tpu.memory_space<vmem>>, vector<16xf32>,
        %mul3A_1070 = arith.mulf %sub3A_1063, %min3A_1032 : vector<16xf32>
        %swap3A_1071 = arith.constant 112 : index
        %swap3A_1072 = tpu.vector_load %arg19[%swap3A_1071] {strides = array<i32>} : memref<256xf32, #tpu.memory_space<vmem>>, vector<16xf32>,
        tpu.vector_store %arg19[%swap3A_1071], %mul3A_1070 {strides = array<i32>} : memref<256xf32, #tpu.memory_space<vmem>>, vector<16xf32>,
        %mul3A_1073 = arith.mulf %min3A_1024, %sub3A_1066 : vector<16xf32>
        %swap3A_1074 = arith.constant 176 : index
        %swap3A_1075 = tpu.vector_load %arg19[%swap3A_1074] {strides = array<i32>} : memref<256xf32, #tpu.memory_space<vmem>>, vector<16xf32>,
        tpu.vector_store %arg19[%swap3A_1074], %mul3A_1073 {strides = array<i32>} : memref<256xf32, #tpu.memory_space<vmem>>, vector<16xf32>,
        %mul3A_1076 = arith.mulf %min3A_1024, %min3A_1032 : vector<16xf32>
        %swap3A_1077 = arith.constant 240 : index
        %swap3A_1078 = tpu.vector_load %arg19[%swap3A_1077] {strides = array<i32>} : memref<256xf32, #tpu.memory_space<vmem>>, vector<16xf32>,
        tpu.vector_store %arg19[%swap3A_1077], %mul3A_1076 {strides = array<i32>} : memref<256xf32, #tpu.memory_space<vmem>>, vector<16xf32>,
        %dma_start3A_1079 = arith.constant 0 : i32
        %dma_start3A_1080 = arith.constant 0 : i32
        %dma_start3A_1081 = tpu.memref_slice %arg21[%dma_start3A_1079, %dma_start3A_1080] : memref<256x128xf32, #tpu.memory_space<vmem>> -> memref<64x128xf32, #tpu.memory_space<vmem>>
        %dma_start3A_1082 = arith.constant 0 : i32
        %dma_start3A_1083 = arith.constant 0 : i32
        %dma_start3A_1084 = tpu.memref_slice %arg2[%dma_start3A_1082, %dma_start3A_1083] : memref<589824x128xf32, #tpu.memory_space<hbm>> -> memref<589824x128xf32, #tpu.memory_space<hbm>>
        tpu.enqueue_indirect_dma source(%dma_start3A_1084 : memref<589824x128xf32, #tpu.memory_space<hbm>>) target(%dma_start3A_1081 : memref<64x128xf32, #tpu.memory_space<vmem>>) offsets(%arg14 : memref<64xi32, #tpu.memory_space<vmem>>) semaphore(%arg27 : memref<!tpu.dma_semaphore, #tpu.memory_space<semaphore_mem>>)
        %dma_start3A_1085 = arith.constant 64 : i32
        %dma_start3A_1086 = arith.constant 0 : i32
        %dma_start3A_1087 = tpu.memref_slice %arg21[%dma_start3A_1085, %dma_start3A_1086] : memref<256x128xf32, #tpu.memory_space<vmem>> -> memref<64x128xf32, #tpu.memory_space<vmem>>
        %dma_start3A_1088 = arith.constant 0 : i32
        %dma_start3A_1089 = arith.constant 0 : i32
        %dma_start3A_1090 = tpu.memref_slice %arg2[%dma_start3A_1088, %dma_start3A_1089] : memref<589824x128xf32, #tpu.memory_space<hbm>> -> memref<589824x128xf32, #tpu.memory_space<hbm>>
        tpu.enqueue_indirect_dma source(%dma_start3A_1090 : memref<589824x128xf32, #tpu.memory_space<hbm>>) target(%dma_start3A_1087 : memref<64x128xf32, #tpu.memory_space<vmem>>) offsets(%arg15 : memref<64xi32, #tpu.memory_space<vmem>>) semaphore(%arg27 : memref<!tpu.dma_semaphore, #tpu.memory_space<semaphore_mem>>)
        %dma_start3A_1091 = arith.constant 128 : i32
        %dma_start3A_1092 = arith.constant 0 : i32
        %dma_start3A_1093 = tpu.memref_slice %arg21[%dma_start3A_1091, %dma_start3A_1092] : memref<256x128xf32, #tpu.memory_space<vmem>> -> memref<64x128xf32, #tpu.memory_space<vmem>>
        %dma_start3A_1094 = arith.constant 0 : i32
        %dma_start3A_1095 = arith.constant 0 : i32
        %dma_start3A_1096 = tpu.memref_slice %arg2[%dma_start3A_1094, %dma_start3A_1095] : memref<589824x128xf32, #tpu.memory_space<hbm>> -> memref<589824x128xf32, #tpu.memory_space<hbm>>
        tpu.enqueue_indirect_dma source(%dma_start3A_1096 : memref<589824x128xf32, #tpu.memory_space<hbm>>) target(%dma_start3A_1093 : memref<64x128xf32, #tpu.memory_space<vmem>>) offsets(%arg16 : memref<64xi32, #tpu.memory_space<vmem>>) semaphore(%arg27 : memref<!tpu.dma_semaphore, #tpu.memory_space<semaphore_mem>>)
        %dma_start3A_1097 = arith.constant 192 : i32
        %dma_start3A_1098 = arith.constant 0 : i32
        %dma_start3A_1099 = tpu.memref_slice %arg21[%dma_start3A_1097, %dma_start3A_1098] : memref<256x128xf32, #tpu.memory_space<vmem>> -> memref<64x128xf32, #tpu.memory_space<vmem>>
        %dma_start3A_1100 = arith.constant 0 : i32
        %dma_start3A_1101 = arith.constant 0 : i32
        %dma_start3A_1102 = tpu.memref_slice %arg2[%dma_start3A_1100, %dma_start3A_1101] : memref<589824x128xf32, #tpu.memory_space<hbm>> -> memref<589824x128xf32, #tpu.memory_space<hbm>>
        tpu.enqueue_indirect_dma source(%dma_start3A_1102 : memref<589824x128xf32, #tpu.memory_space<hbm>>) target(%dma_start3A_1099 : memref<64x128xf32, #tpu.memory_space<vmem>>) offsets(%arg17 : memref<64xi32, #tpu.memory_space<vmem>>) semaphore(%arg27 : memref<!tpu.dma_semaphore, #tpu.memory_space<semaphore_mem>>)
      } else {
      }
      %add3A_506 = arith.constant 2 : i32
      %add3A_507 = arith.addi %mul3A_497, %add3A_506 : i32
      %lt3A_508 = arith.constant 288 : i32
      %lt3A_509 = arith.cmpi slt, %add3A_507, %lt3A_508 : i32
      %convert_element_type3A_510 = arith.extui %lt3A_509 : i1 to i32
      %cond3A_511 = arith.constant 0 : i32
      %cond3A_512 = arith.cmpi ne, %convert_element_type3A_510, %cond3A_511 : i32
      scf.if %cond3A_512 {
        %add3A_611 = arith.constant 128 : i32
        %add3A_612 = arith.addi %add3A_500, %add3A_611 : i32
        %dma_start3A_613 = tpu.memref_slice %arg3[%add3A_612] : memref<589824xf32, #tpu.memory_space<hbm>> -> memref<64xf32, #tpu.memory_space<hbm>>
        %dma_start3A_614 = tpu.memref_slice %arg3[%add3A_612] : memref<589824xf32, #tpu.memory_space<hbm>> -> memref<64xf32, #tpu.memory_space<hbm>>
        tpu.enqueue_dma source(%dma_start3A_614 : memref<64xf32, #tpu.memory_space<hbm>>) target(%arg6 : memref<64xf32, #tpu.memory_space<vmem>>) target_semaphore(%arg24 : memref<!tpu.dma_semaphore, #tpu.memory_space<semaphore_mem>>)
        %dma_start3A_615 = tpu.memref_slice %arg4[%add3A_612] : memref<589824xf32, #tpu.memory_space<hbm>> -> memref<64xf32, #tpu.memory_space<hbm>>
        %dma_start3A_616 = tpu.memref_slice %arg4[%add3A_612] : memref<589824xf32, #tpu.memory_space<hbm>> -> memref<64xf32, #tpu.memory_space<hbm>>
        tpu.enqueue_dma source(%dma_start3A_616 : memref<64xf32, #tpu.memory_space<hbm>>) target(%arg8 : memref<64xf32, #tpu.memory_space<vmem>>) target_semaphore(%arg24 : memref<!tpu.dma_semaphore, #tpu.memory_space<semaphore_mem>>)
      } else {
      }
      %dma_wait3A_513 = arith.constant 0 : i32
      %dma_wait3A_514 = arith.constant 0 : i32
      %dma_wait3A_515 = tpu.memref_slice %arg20[%dma_wait3A_513, %dma_wait3A_514] : memref<256x128xf32, #tpu.memory_space<vmem>> -> memref<64x128xf32, #tpu.memory_space<vmem>>
      %dma_wait3A_516 = arith.constant 0 : i32
      %dma_wait3A_517 = arith.constant 0 : i32
      %dma_wait3A_518 = tpu.memref_slice %arg2[%dma_wait3A_516, %dma_wait3A_517] : memref<589824x128xf32, #tpu.memory_space<hbm>> -> memref<589824x128xf32, #tpu.memory_space<hbm>>
      tpu.wait_indirect_dma semaphore(%arg26 : memref<!tpu.dma_semaphore, #tpu.memory_space<semaphore_mem>>) src(%dma_wait3A_518 : memref<589824x128xf32, #tpu.memory_space<hbm>>) dst(%dma_wait3A_515 : memref<64x128xf32, #tpu.memory_space<vmem>>)
      %dma_wait3A_519 = arith.constant 64 : i32
      %dma_wait3A_520 = arith.constant 0 : i32
      %dma_wait3A_521 = tpu.memref_slice %arg20[%dma_wait3A_519, %dma_wait3A_520] : memref<256x128xf32, #tpu.memory_space<vmem>> -> memref<64x128xf32, #tpu.memory_space<vmem>>
      %dma_wait3A_522 = arith.constant 0 : i32
      %dma_wait3A_523 = arith.constant 0 : i32
      %dma_wait3A_524 = tpu.memref_slice %arg2[%dma_wait3A_522, %dma_wait3A_523] : memref<589824x128xf32, #tpu.memory_space<hbm>> -> memref<589824x128xf32, #tpu.memory_space<hbm>>
      tpu.wait_indirect_dma semaphore(%arg26 : memref<!tpu.dma_semaphore, #tpu.memory_space<semaphore_mem>>) src(%dma_wait3A_524 : memref<589824x128xf32, #tpu.memory_space<hbm>>) dst(%dma_wait3A_521 : memref<64x128xf32, #tpu.memory_space<vmem>>)
      %dma_wait3A_525 = arith.constant 128 : i32
      %dma_wait3A_526 = arith.constant 0 : i32
      %dma_wait3A_527 = tpu.memref_slice %arg20[%dma_wait3A_525, %dma_wait3A_526] : memref<256x128xf32, #tpu.memory_space<vmem>> -> memref<64x128xf32, #tpu.memory_space<vmem>>
      %dma_wait3A_528 = arith.constant 0 : i32
      %dma_wait3A_529 = arith.constant 0 : i32
      %dma_wait3A_530 = tpu.memref_slice %arg2[%dma_wait3A_528, %dma_wait3A_529] : memref<589824x128xf32, #tpu.memory_space<hbm>> -> memref<589824x128xf32, #tpu.memory_space<hbm>>
      tpu.wait_indirect_dma semaphore(%arg26 : memref<!tpu.dma_semaphore, #tpu.memory_space<semaphore_mem>>) src(%dma_wait3A_530 : memref<589824x128xf32, #tpu.memory_space<hbm>>) dst(%dma_wait3A_527 : memref<64x128xf32, #tpu.memory_space<vmem>>)
      %dma_wait3A_531 = arith.constant 192 : i32
      %dma_wait3A_532 = arith.constant 0 : i32
      %dma_wait3A_533 = tpu.memref_slice %arg20[%dma_wait3A_531, %dma_wait3A_532] : memref<256x128xf32, #tpu.memory_space<vmem>> -> memref<64x128xf32, #tpu.memory_space<vmem>>
      %dma_wait3A_534 = arith.constant 0 : i32
      %dma_wait3A_535 = arith.constant 0 : i32
      %dma_wait3A_536 = tpu.memref_slice %arg2[%dma_wait3A_534, %dma_wait3A_535] : memref<589824x128xf32, #tpu.memory_space<hbm>> -> memref<589824x128xf32, #tpu.memory_space<hbm>>
      tpu.wait_indirect_dma semaphore(%arg26 : memref<!tpu.dma_semaphore, #tpu.memory_space<semaphore_mem>>) src(%dma_wait3A_536 : memref<589824x128xf32, #tpu.memory_space<hbm>>) dst(%dma_wait3A_533 : memref<64x128xf32, #tpu.memory_space<vmem>>)
      %ge3A = arith.constant 2 : i32
      %ge3A_537 = arith.cmpi sge, %mul3A_497, %ge3A : i32
      %convert_element_type3A_538 = arith.extui %ge3A_537 : i1 to i32
      %cond3A_539 = arith.constant 0 : i32
      %cond3A_540 = arith.cmpi ne, %convert_element_type3A_538, %cond3A_539 : i32
      scf.if %cond3A_540 {
        %mul3A_611 = arith.constant 128 : i32
        %mul3A_612 = arith.muli %add3A_500, %mul3A_611 : i32
        %dma_wait3A_613 = tpu.memref_slice %arg5[%mul3A_612] : memref<75497472xf32, #tpu.memory_space<hbm>> -> memref<8192xf32, #tpu.memory_space<hbm>>
        %dma_wait3A_614 = tpu.memref_slice %arg5[%mul3A_612] : memref<75497472xf32, #tpu.memory_space<hbm>> -> memref<8192xf32, #tpu.memory_space<hbm>>
        tpu.wait_dma2 semaphore(%arg28 : memref<!tpu.dma_semaphore, #tpu.memory_space<semaphore_mem>>) src(%arg22 : memref<8192xf32, #tpu.memory_space<vmem>>) dst(%dma_wait3A_614 : memref<8192xf32, #tpu.memory_space<hbm>>)
      } else {
      }
      %scan3A_541 = arith.constant 0 : i32
      %scan3A_542 = arith.constant 0 : i32
      %scan3A_543 = arith.constant 64 : i32
      %scan3A_544 = arith.addi %scan3A_542, %scan3A_543 : i32
      %scan3A_545 = arith.constant 4 : i32
      scf.for %scan3A_611 = %scan3A_542 to %scan3A_544 step %scan3A_545  : i32 {
        %broadcast_in_dim3A = vector.broadcast %scan3A_611 : i32 to vector<16xi32>
        %gather3A = tpu.vector_load_idx %arg18[%broadcast_in_dim3A] : memref<256xf32, #tpu.memory_space<vmem>>[vector<16xi32>], vector<16xf32>,
        %add3A_612 = arith.constant 64 : i32
        %add3A_613 = vector.broadcast %add3A_612 : i32 to vector<16xi32>
        %add3A_614 = arith.addi %broadcast_in_dim3A, %add3A_613 : vector<16xi32>
        %gather3A_615 = tpu.vector_load_idx %arg18[%add3A_614] : memref<256xf32, #tpu.memory_space<vmem>>[vector<16xi32>], vector<16xf32>,
        %add3A_616 = arith.constant 128 : i32
        %add3A_617 = vector.broadcast %add3A_616 : i32 to vector<16xi32>
        %add3A_618 = arith.addi %broadcast_in_dim3A, %add3A_617 : vector<16xi32>
        %gather3A_619 = tpu.vector_load_idx %arg18[%add3A_618] : memref<256xf32, #tpu.memory_space<vmem>>[vector<16xi32>], vector<16xf32>,
        %add3A_620 = arith.constant 192 : i32
        %add3A_621 = vector.broadcast %add3A_620 : i32 to vector<16xi32>
        %add3A_622 = arith.addi %broadcast_in_dim3A, %add3A_621 : vector<16xi32>
        %gather3A_623 = tpu.vector_load_idx %arg18[%add3A_622] : memref<256xf32, #tpu.memory_space<vmem>>[vector<16xi32>], vector<16xf32>,
        %get3A_624 = arith.index_cast %scan3A_611 : i32 to index
        %get3A_625 = arith.constant 0 : index
        %get3A_626 = tpu.vector_load %arg20[%get3A_624, %get3A_625] {strides = array<i32>} : memref<256x128xf32, #tpu.memory_space<vmem>>, vector<16xf32>,
        %mul3A_627 = arith.mulf %gather3A, %get3A_626 : vector<16xf32>
        %add3A_628 = arith.constant 64 : i32
        %add3A_629 = arith.addi %add3A_628, %scan3A_611 : i32
        %get3A_630 = arith.index_cast %add3A_629 : i32 to index
        %get3A_631 = arith.constant 0 : index
        %get3A_632 = tpu.vector_load %arg20[%get3A_630, %get3A_631] {strides = array<i32>} : memref<256x128xf32, #tpu.memory_space<vmem>>, vector<16xf32>,
        %mul3A_633 = arith.mulf %gather3A_615, %get3A_632 : vector<16xf32>
        %add3A_634 = arith.addf %mul3A_627, %mul3A_633 : vector<16xf32>
        %add3A_635 = arith.constant 128 : i32
        %add3A_636 = arith.addi %add3A_635, %scan3A_611 : i32
        %get3A_637 = arith.index_cast %add3A_636 : i32 to index
        %get3A_638 = arith.constant 0 : index
        %get3A_639 = tpu.vector_load %arg20[%get3A_637, %get3A_638] {strides = array<i32>} : memref<256x128xf32, #tpu.memory_space<vmem>>, vector<16xf32>,
        %mul3A_640 = arith.mulf %gather3A_619, %get3A_639 : vector<16xf32>
        %add3A_641 = arith.addf %add3A_634, %mul3A_640 : vector<16xf32>
        %add3A_642 = arith.constant 192 : i32
        %add3A_643 = arith.addi %add3A_642, %scan3A_611 : i32
        %get3A_644 = arith.index_cast %add3A_643 : i32 to index
        %get3A_645 = arith.constant 0 : index
        %get3A_646 = tpu.vector_load %arg20[%get3A_644, %get3A_645] {strides = array<i32>} : memref<256x128xf32, #tpu.memory_space<vmem>>, vector<16xf32>,
        %mul3A_647 = arith.mulf %gather3A_623, %get3A_646 : vector<16xf32>
        %add3A_648 = arith.addf %add3A_641, %mul3A_647 : vector<16xf32>
        %mul3A_649 = arith.constant 128 : i32
        %mul3A_650 = arith.muli %scan3A_611, %mul3A_649 : i32
        %add3A_651 = arith.constant 0 : i32
        %add3A_652 = arith.addi %mul3A_650, %add3A_651 : i32
        %swap3A_653 = arith.index_cast %add3A_652 : i32 to index
        %swap3A_654 = tpu.vector_load %arg22[%swap3A_653] {strides = array<i32>} : memref<8192xf32, #tpu.memory_space<vmem>>, vector<16xf32>,
        tpu.vector_store %arg22[%swap3A_653], %add3A_648 {strides = array<i32>} : memref<8192xf32, #tpu.memory_space<vmem>>, vector<16xf32>,
        %get3A_655 = arith.index_cast %scan3A_611 : i32 to index
        %get3A_656 = arith.constant 16 : index
        %get3A_657 = tpu.vector_load %arg20[%get3A_655, %get3A_656] {strides = array<i32>} : memref<256x128xf32, #tpu.memory_space<vmem>>, vector<16xf32>,
        %mul3A_658 = arith.mulf %gather3A, %get3A_657 : vector<16xf32>
        %add3A_659 = arith.constant 64 : i32
        %add3A_660 = arith.addi %add3A_659, %scan3A_611 : i32
        %get3A_661 = arith.index_cast %add3A_660 : i32 to index
        %get3A_662 = arith.constant 16 : index
        %get3A_663 = tpu.vector_load %arg20[%get3A_661, %get3A_662] {strides = array<i32>} : memref<256x128xf32, #tpu.memory_space<vmem>>, vector<16xf32>,
        %mul3A_664 = arith.mulf %gather3A_615, %get3A_663 : vector<16xf32>
        %add3A_665 = arith.addf %mul3A_658, %mul3A_664 : vector<16xf32>
        %add3A_666 = arith.constant 128 : i32
        %add3A_667 = arith.addi %add3A_666, %scan3A_611 : i32
        %get3A_668 = arith.index_cast %add3A_667 : i32 to index
        %get3A_669 = arith.constant 16 : index
        %get3A_670 = tpu.vector_load %arg20[%get3A_668, %get3A_669] {strides = array<i32>} : memref<256x128xf32, #tpu.memory_space<vmem>>, vector<16xf32>,
        %mul3A_671 = arith.mulf %gather3A_619, %get3A_670 : vector<16xf32>
        %add3A_672 = arith.addf %add3A_665, %mul3A_671 : vector<16xf32>
        %add3A_673 = arith.constant 192 : i32
        %add3A_674 = arith.addi %add3A_673, %scan3A_611 : i32
        %get3A_675 = arith.index_cast %add3A_674 : i32 to index
        %get3A_676 = arith.constant 16 : index
        %get3A_677 = tpu.vector_load %arg20[%get3A_675, %get3A_676] {strides = array<i32>} : memref<256x128xf32, #tpu.memory_space<vmem>>, vector<16xf32>,
        %mul3A_678 = arith.mulf %gather3A_623, %get3A_677 : vector<16xf32>
        %add3A_679 = arith.addf %add3A_672, %mul3A_678 : vector<16xf32>
        %mul3A_680 = arith.constant 128 : i32
        %mul3A_681 = arith.muli %scan3A_611, %mul3A_680 : i32
        %add3A_682 = arith.constant 16 : i32
        %add3A_683 = arith.addi %mul3A_681, %add3A_682 : i32
        %swap3A_684 = arith.index_cast %add3A_683 : i32 to index
        %swap3A_685 = tpu.vector_load %arg22[%swap3A_684] {strides = array<i32>} : memref<8192xf32, #tpu.memory_space<vmem>>, vector<16xf32>,
        tpu.vector_store %arg22[%swap3A_684], %add3A_679 {strides = array<i32>} : memref<8192xf32, #tpu.memory_space<vmem>>, vector<16xf32>,
        %get3A_686 = arith.index_cast %scan3A_611 : i32 to index
        %get3A_687 = arith.constant 32 : index
        %get3A_688 = tpu.vector_load %arg20[%get3A_686, %get3A_687] {strides = array<i32>} : memref<256x128xf32, #tpu.memory_space<vmem>>, vector<16xf32>,
        %mul3A_689 = arith.mulf %gather3A, %get3A_688 : vector<16xf32>
        %add3A_690 = arith.constant 64 : i32
        %add3A_691 = arith.addi %add3A_690, %scan3A_611 : i32
        %get3A_692 = arith.index_cast %add3A_691 : i32 to index
        %get3A_693 = arith.constant 32 : index
        %get3A_694 = tpu.vector_load %arg20[%get3A_692, %get3A_693] {strides = array<i32>} : memref<256x128xf32, #tpu.memory_space<vmem>>, vector<16xf32>,
        %mul3A_695 = arith.mulf %gather3A_615, %get3A_694 : vector<16xf32>
        %add3A_696 = arith.addf %mul3A_689, %mul3A_695 : vector<16xf32>
        %add3A_697 = arith.constant 128 : i32
        %add3A_698 = arith.addi %add3A_697, %scan3A_611 : i32
        %get3A_699 = arith.index_cast %add3A_698 : i32 to index
        %get3A_700 = arith.constant 32 : index
        %get3A_701 = tpu.vector_load %arg20[%get3A_699, %get3A_700] {strides = array<i32>} : memref<256x128xf32, #tpu.memory_space<vmem>>, vector<16xf32>,
        %mul3A_702 = arith.mulf %gather3A_619, %get3A_701 : vector<16xf32>
        %add3A_703 = arith.addf %add3A_696, %mul3A_702 : vector<16xf32>
        %add3A_704 = arith.constant 192 : i32
        %add3A_705 = arith.addi %add3A_704, %scan3A_611 : i32
        %get3A_706 = arith.index_cast %add3A_705 : i32 to index
        %get3A_707 = arith.constant 32 : index
        %get3A_708 = tpu.vector_load %arg20[%get3A_706, %get3A_707] {strides = array<i32>} : memref<256x128xf32, #tpu.memory_space<vmem>>, vector<16xf32>,
        %mul3A_709 = arith.mulf %gather3A_623, %get3A_708 : vector<16xf32>
        %add3A_710 = arith.addf %add3A_703, %mul3A_709 : vector<16xf32>
        %mul3A_711 = arith.constant 128 : i32
        %mul3A_712 = arith.muli %scan3A_611, %mul3A_711 : i32
        %add3A_713 = arith.constant 32 : i32
        %add3A_714 = arith.addi %mul3A_712, %add3A_713 : i32
        %swap3A_715 = arith.index_cast %add3A_714 : i32 to index
        %swap3A_716 = tpu.vector_load %arg22[%swap3A_715] {strides = array<i32>} : memref<8192xf32, #tpu.memory_space<vmem>>, vector<16xf32>,
        tpu.vector_store %arg22[%swap3A_715], %add3A_710 {strides = array<i32>} : memref<8192xf32, #tpu.memory_space<vmem>>, vector<16xf32>,
        %get3A_717 = arith.index_cast %scan3A_611 : i32 to index
        %get3A_718 = arith.constant 48 : index
        %get3A_719 = tpu.vector_load %arg20[%get3A_717, %get3A_718] {strides = array<i32>} : memref<256x128xf32, #tpu.memory_space<vmem>>, vector<16xf32>,
        %mul3A_720 = arith.mulf %gather3A, %get3A_719 : vector<16xf32>
        %add3A_721 = arith.constant 64 : i32
        %add3A_722 = arith.addi %add3A_721, %scan3A_611 : i32
        %get3A_723 = arith.index_cast %add3A_722 : i32 to index
        %get3A_724 = arith.constant 48 : index
        %get3A_725 = tpu.vector_load %arg20[%get3A_723, %get3A_724] {strides = array<i32>} : memref<256x128xf32, #tpu.memory_space<vmem>>, vector<16xf32>,
        %mul3A_726 = arith.mulf %gather3A_615, %get3A_725 : vector<16xf32>
        %add3A_727 = arith.addf %mul3A_720, %mul3A_726 : vector<16xf32>
        %add3A_728 = arith.constant 128 : i32
        %add3A_729 = arith.addi %add3A_728, %scan3A_611 : i32
        %get3A_730 = arith.index_cast %add3A_729 : i32 to index
        %get3A_731 = arith.constant 48 : index
        %get3A_732 = tpu.vector_load %arg20[%get3A_730, %get3A_731] {strides = array<i32>} : memref<256x128xf32, #tpu.memory_space<vmem>>, vector<16xf32>,
        %mul3A_733 = arith.mulf %gather3A_619, %get3A_732 : vector<16xf32>
        %add3A_734 = arith.addf %add3A_727, %mul3A_733 : vector<16xf32>
        %add3A_735 = arith.constant 192 : i32
        %add3A_736 = arith.addi %add3A_735, %scan3A_611 : i32
        %get3A_737 = arith.index_cast %add3A_736 : i32 to index
        %get3A_738 = arith.constant 48 : index
        %get3A_739 = tpu.vector_load %arg20[%get3A_737, %get3A_738] {strides = array<i32>} : memref<256x128xf32, #tpu.memory_space<vmem>>, vector<16xf32>,
        %mul3A_740 = arith.mulf %gather3A_623, %get3A_739 : vector<16xf32>
        %add3A_741 = arith.addf %add3A_734, %mul3A_740 : vector<16xf32>
        %mul3A_742 = arith.constant 128 : i32
        %mul3A_743 = arith.muli %scan3A_611, %mul3A_742 : i32
        %add3A_744 = arith.constant 48 : i32
        %add3A_745 = arith.addi %mul3A_743, %add3A_744 : i32
        %swap3A_746 = arith.index_cast %add3A_745 : i32 to index
        %swap3A_747 = tpu.vector_load %arg22[%swap3A_746] {strides = array<i32>} : memref<8192xf32, #tpu.memory_space<vmem>>, vector<16xf32>,
        tpu.vector_store %arg22[%swap3A_746], %add3A_741 {strides = array<i32>} : memref<8192xf32, #tpu.memory_space<vmem>>, vector<16xf32>,
        %get3A_748 = arith.index_cast %scan3A_611 : i32 to index
        %get3A_749 = arith.constant 64 : index
        %get3A_750 = tpu.vector_load %arg20[%get3A_748, %get3A_749] {strides = array<i32>} : memref<256x128xf32, #tpu.memory_space<vmem>>, vector<16xf32>,
        %mul3A_751 = arith.mulf %gather3A, %get3A_750 : vector<16xf32>
        %add3A_752 = arith.constant 64 : i32
        %add3A_753 = arith.addi %add3A_752, %scan3A_611 : i32
        %get3A_754 = arith.index_cast %add3A_753 : i32 to index
        %get3A_755 = arith.constant 64 : index
        %get3A_756 = tpu.vector_load %arg20[%get3A_754, %get3A_755] {strides = array<i32>} : memref<256x128xf32, #tpu.memory_space<vmem>>, vector<16xf32>,
        %mul3A_757 = arith.mulf %gather3A_615, %get3A_756 : vector<16xf32>
        %add3A_758 = arith.addf %mul3A_751, %mul3A_757 : vector<16xf32>
        %add3A_759 = arith.constant 128 : i32
        %add3A_760 = arith.addi %add3A_759, %scan3A_611 : i32
        %get3A_761 = arith.index_cast %add3A_760 : i32 to index
        %get3A_762 = arith.constant 64 : index
        %get3A_763 = tpu.vector_load %arg20[%get3A_761, %get3A_762] {strides = array<i32>} : memref<256x128xf32, #tpu.memory_space<vmem>>, vector<16xf32>,
        %mul3A_764 = arith.mulf %gather3A_619, %get3A_763 : vector<16xf32>
        %add3A_765 = arith.addf %add3A_758, %mul3A_764 : vector<16xf32>
        %add3A_766 = arith.constant 192 : i32
        %add3A_767 = arith.addi %add3A_766, %scan3A_611 : i32
        %get3A_768 = arith.index_cast %add3A_767 : i32 to index
        %get3A_769 = arith.constant 64 : index
        %get3A_770 = tpu.vector_load %arg20[%get3A_768, %get3A_769] {strides = array<i32>} : memref<256x128xf32, #tpu.memory_space<vmem>>, vector<16xf32>,
        %mul3A_771 = arith.mulf %gather3A_623, %get3A_770 : vector<16xf32>
        %add3A_772 = arith.addf %add3A_765, %mul3A_771 : vector<16xf32>
        %mul3A_773 = arith.constant 128 : i32
        %mul3A_774 = arith.muli %scan3A_611, %mul3A_773 : i32
        %add3A_775 = arith.constant 64 : i32
        %add3A_776 = arith.addi %mul3A_774, %add3A_775 : i32
        %swap3A_777 = arith.index_cast %add3A_776 : i32 to index
        %swap3A_778 = tpu.vector_load %arg22[%swap3A_777] {strides = array<i32>} : memref<8192xf32, #tpu.memory_space<vmem>>, vector<16xf32>,
        tpu.vector_store %arg22[%swap3A_777], %add3A_772 {strides = array<i32>} : memref<8192xf32, #tpu.memory_space<vmem>>, vector<16xf32>,
        %get3A_779 = arith.index_cast %scan3A_611 : i32 to index
        %get3A_780 = arith.constant 80 : index
        %get3A_781 = tpu.vector_load %arg20[%get3A_779, %get3A_780] {strides = array<i32>} : memref<256x128xf32, #tpu.memory_space<vmem>>, vector<16xf32>,
        %mul3A_782 = arith.mulf %gather3A, %get3A_781 : vector<16xf32>
        %add3A_783 = arith.constant 64 : i32
        %add3A_784 = arith.addi %add3A_783, %scan3A_611 : i32
        %get3A_785 = arith.index_cast %add3A_784 : i32 to index
        %get3A_786 = arith.constant 80 : index
        %get3A_787 = tpu.vector_load %arg20[%get3A_785, %get3A_786] {strides = array<i32>} : memref<256x128xf32, #tpu.memory_space<vmem>>, vector<16xf32>,
        %mul3A_788 = arith.mulf %gather3A_615, %get3A_787 : vector<16xf32>
        %add3A_789 = arith.addf %mul3A_782, %mul3A_788 : vector<16xf32>
        %add3A_790 = arith.constant 128 : i32
        %add3A_791 = arith.addi %add3A_790, %scan3A_611 : i32
        %get3A_792 = arith.index_cast %add3A_791 : i32 to index
        %get3A_793 = arith.constant 80 : index
        %get3A_794 = tpu.vector_load %arg20[%get3A_792, %get3A_793] {strides = array<i32>} : memref<256x128xf32, #tpu.memory_space<vmem>>, vector<16xf32>,
        %mul3A_795 = arith.mulf %gather3A_619, %get3A_794 : vector<16xf32>
        %add3A_796 = arith.addf %add3A_789, %mul3A_795 : vector<16xf32>
        %add3A_797 = arith.constant 192 : i32
        %add3A_798 = arith.addi %add3A_797, %scan3A_611 : i32
        %get3A_799 = arith.index_cast %add3A_798 : i32 to index
        %get3A_800 = arith.constant 80 : index
        %get3A_801 = tpu.vector_load %arg20[%get3A_799, %get3A_800] {strides = array<i32>} : memref<256x128xf32, #tpu.memory_space<vmem>>, vector<16xf32>,
        %mul3A_802 = arith.mulf %gather3A_623, %get3A_801 : vector<16xf32>
        %add3A_803 = arith.addf %add3A_796, %mul3A_802 : vector<16xf32>
        %mul3A_804 = arith.constant 128 : i32
        %mul3A_805 = arith.muli %scan3A_611, %mul3A_804 : i32
        %add3A_806 = arith.constant 80 : i32
        %add3A_807 = arith.addi %mul3A_805, %add3A_806 : i32
        %swap3A_808 = arith.index_cast %add3A_807 : i32 to index
        %swap3A_809 = tpu.vector_load %arg22[%swap3A_808] {strides = array<i32>} : memref<8192xf32, #tpu.memory_space<vmem>>, vector<16xf32>,
        tpu.vector_store %arg22[%swap3A_808], %add3A_803 {strides = array<i32>} : memref<8192xf32, #tpu.memory_space<vmem>>, vector<16xf32>,
        %scan3A_810 = arith.constant 1 : i32
        %scan3A_811 = arith.addi %scan3A_611, %scan3A_810 : i32
        %broadcast_in_dim3A_812 = vector.broadcast %scan3A_811 : i32 to vector<16xi32>
        %gather3A_813 = tpu.vector_load_idx %arg18[%broadcast_in_dim3A_812] : memref<256xf32, #tpu.memory_space<vmem>>[vector<16xi32>], vector<16xf32>,
        %add3A_814 = arith.constant 64 : i32
        %add3A_815 = vector.broadcast %add3A_814 : i32 to vector<16xi32>
        %add3A_816 = arith.addi %broadcast_in_dim3A_812, %add3A_815 : vector<16xi32>
        %gather3A_817 = tpu.vector_load_idx %arg18[%add3A_816] : memref<256xf32, #tpu.memory_space<vmem>>[vector<16xi32>], vector<16xf32>,
        %add3A_818 = arith.constant 128 : i32
        %add3A_819 = vector.broadcast %add3A_818 : i32 to vector<16xi32>
        %add3A_820 = arith.addi %broadcast_in_dim3A_812, %add3A_819 : vector<16xi32>
        %gather3A_821 = tpu.vector_load_idx %arg18[%add3A_820] : memref<256xf32, #tpu.memory_space<vmem>>[vector<16xi32>], vector<16xf32>,
        %add3A_822 = arith.constant 192 : i32
        %add3A_823 = vector.broadcast %add3A_822 : i32 to vector<16xi32>
        %add3A_824 = arith.addi %broadcast_in_dim3A_812, %add3A_823 : vector<16xi32>
        %gather3A_825 = tpu.vector_load_idx %arg18[%add3A_824] : memref<256xf32, #tpu.memory_space<vmem>>[vector<16xi32>], vector<16xf32>,
        %get3A_826 = arith.index_cast %scan3A_811 : i32 to index
        %get3A_827 = arith.constant 0 : index
        %get3A_828 = tpu.vector_load %arg20[%get3A_826, %get3A_827] {strides = array<i32>} : memref<256x128xf32, #tpu.memory_space<vmem>>, vector<16xf32>,
        %mul3A_829 = arith.mulf %gather3A_813, %get3A_828 : vector<16xf32>
        %add3A_830 = arith.constant 64 : i32
        %add3A_831 = arith.addi %add3A_830, %scan3A_811 : i32
        %get3A_832 = arith.index_cast %add3A_831 : i32 to index
        %get3A_833 = arith.constant 0 : index
        %get3A_834 = tpu.vector_load %arg20[%get3A_832, %get3A_833] {strides = array<i32>} : memref<256x128xf32, #tpu.memory_space<vmem>>, vector<16xf32>,
        %mul3A_835 = arith.mulf %gather3A_817, %get3A_834 : vector<16xf32>
        %add3A_836 = arith.addf %mul3A_829, %mul3A_835 : vector<16xf32>
        %add3A_837 = arith.constant 128 : i32
        %add3A_838 = arith.addi %add3A_837, %scan3A_811 : i32
        %get3A_839 = arith.index_cast %add3A_838 : i32 to index
        %get3A_840 = arith.constant 0 : index
        %get3A_841 = tpu.vector_load %arg20[%get3A_839, %get3A_840] {strides = array<i32>} : memref<256x128xf32, #tpu.memory_space<vmem>>, vector<16xf32>,
        %mul3A_842 = arith.mulf %gather3A_821, %get3A_841 : vector<16xf32>
        %add3A_843 = arith.addf %add3A_836, %mul3A_842 : vector<16xf32>
        %add3A_844 = arith.constant 192 : i32
        %add3A_845 = arith.addi %add3A_844, %scan3A_811 : i32
        %get3A_846 = arith.index_cast %add3A_845 : i32 to index
        %get3A_847 = arith.constant 0 : index
        %get3A_848 = tpu.vector_load %arg20[%get3A_846, %get3A_847] {strides = array<i32>} : memref<256x128xf32, #tpu.memory_space<vmem>>, vector<16xf32>,
        %mul3A_849 = arith.mulf %gather3A_825, %get3A_848 : vector<16xf32>
        %add3A_850 = arith.addf %add3A_843, %mul3A_849 : vector<16xf32>
        %mul3A_851 = arith.constant 128 : i32
        %mul3A_852 = arith.muli %scan3A_811, %mul3A_851 : i32
        %add3A_853 = arith.constant 0 : i32
        %add3A_854 = arith.addi %mul3A_852, %add3A_853 : i32
        %swap3A_855 = arith.index_cast %add3A_854 : i32 to index
        %swap3A_856 = tpu.vector_load %arg22[%swap3A_855] {strides = array<i32>} : memref<8192xf32, #tpu.memory_space<vmem>>, vector<16xf32>,
        tpu.vector_store %arg22[%swap3A_855], %add3A_850 {strides = array<i32>} : memref<8192xf32, #tpu.memory_space<vmem>>, vector<16xf32>,
        %get3A_857 = arith.index_cast %scan3A_811 : i32 to index
        %get3A_858 = arith.constant 16 : index
        %get3A_859 = tpu.vector_load %arg20[%get3A_857, %get3A_858] {strides = array<i32>} : memref<256x128xf32, #tpu.memory_space<vmem>>, vector<16xf32>,
        %mul3A_860 = arith.mulf %gather3A_813, %get3A_859 : vector<16xf32>
        %add3A_861 = arith.constant 64 : i32
        %add3A_862 = arith.addi %add3A_861, %scan3A_811 : i32
        %get3A_863 = arith.index_cast %add3A_862 : i32 to index
        %get3A_864 = arith.constant 16 : index
        %get3A_865 = tpu.vector_load %arg20[%get3A_863, %get3A_864] {strides = array<i32>} : memref<256x128xf32, #tpu.memory_space<vmem>>, vector<16xf32>,
        %mul3A_866 = arith.mulf %gather3A_817, %get3A_865 : vector<16xf32>
        %add3A_867 = arith.addf %mul3A_860, %mul3A_866 : vector<16xf32>
        %add3A_868 = arith.constant 128 : i32
        %add3A_869 = arith.addi %add3A_868, %scan3A_811 : i32
        %get3A_870 = arith.index_cast %add3A_869 : i32 to index
        %get3A_871 = arith.constant 16 : index
        %get3A_872 = tpu.vector_load %arg20[%get3A_870, %get3A_871] {strides = array<i32>} : memref<256x128xf32, #tpu.memory_space<vmem>>, vector<16xf32>,
        %mul3A_873 = arith.mulf %gather3A_821, %get3A_872 : vector<16xf32>
        %add3A_874 = arith.addf %add3A_867, %mul3A_873 : vector<16xf32>
        %add3A_875 = arith.constant 192 : i32
        %add3A_876 = arith.addi %add3A_875, %scan3A_811 : i32
        %get3A_877 = arith.index_cast %add3A_876 : i32 to index
        %get3A_878 = arith.constant 16 : index
        %get3A_879 = tpu.vector_load %arg20[%get3A_877, %get3A_878] {strides = array<i32>} : memref<256x128xf32, #tpu.memory_space<vmem>>, vector<16xf32>,
        %mul3A_880 = arith.mulf %gather3A_825, %get3A_879 : vector<16xf32>
        %add3A_881 = arith.addf %add3A_874, %mul3A_880 : vector<16xf32>
        %mul3A_882 = arith.constant 128 : i32
        %mul3A_883 = arith.muli %scan3A_811, %mul3A_882 : i32
        %add3A_884 = arith.constant 16 : i32
        %add3A_885 = arith.addi %mul3A_883, %add3A_884 : i32
        %swap3A_886 = arith.index_cast %add3A_885 : i32 to index
        %swap3A_887 = tpu.vector_load %arg22[%swap3A_886] {strides = array<i32>} : memref<8192xf32, #tpu.memory_space<vmem>>, vector<16xf32>,
        tpu.vector_store %arg22[%swap3A_886], %add3A_881 {strides = array<i32>} : memref<8192xf32, #tpu.memory_space<vmem>>, vector<16xf32>,
        %get3A_888 = arith.index_cast %scan3A_811 : i32 to index
        %get3A_889 = arith.constant 32 : index
        %get3A_890 = tpu.vector_load %arg20[%get3A_888, %get3A_889] {strides = array<i32>} : memref<256x128xf32, #tpu.memory_space<vmem>>, vector<16xf32>,
        %mul3A_891 = arith.mulf %gather3A_813, %get3A_890 : vector<16xf32>
        %add3A_892 = arith.constant 64 : i32
        %add3A_893 = arith.addi %add3A_892, %scan3A_811 : i32
        %get3A_894 = arith.index_cast %add3A_893 : i32 to index
        %get3A_895 = arith.constant 32 : index
        %get3A_896 = tpu.vector_load %arg20[%get3A_894, %get3A_895] {strides = array<i32>} : memref<256x128xf32, #tpu.memory_space<vmem>>, vector<16xf32>,
        %mul3A_897 = arith.mulf %gather3A_817, %get3A_896 : vector<16xf32>
        %add3A_898 = arith.addf %mul3A_891, %mul3A_897 : vector<16xf32>
        %add3A_899 = arith.constant 128 : i32
        %add3A_900 = arith.addi %add3A_899, %scan3A_811 : i32
        %get3A_901 = arith.index_cast %add3A_900 : i32 to index
        %get3A_902 = arith.constant 32 : index
        %get3A_903 = tpu.vector_load %arg20[%get3A_901, %get3A_902] {strides = array<i32>} : memref<256x128xf32, #tpu.memory_space<vmem>>, vector<16xf32>,
        %mul3A_904 = arith.mulf %gather3A_821, %get3A_903 : vector<16xf32>
        %add3A_905 = arith.addf %add3A_898, %mul3A_904 : vector<16xf32>
        %add3A_906 = arith.constant 192 : i32
        %add3A_907 = arith.addi %add3A_906, %scan3A_811 : i32
        %get3A_908 = arith.index_cast %add3A_907 : i32 to index
        %get3A_909 = arith.constant 32 : index
        %get3A_910 = tpu.vector_load %arg20[%get3A_908, %get3A_909] {strides = array<i32>} : memref<256x128xf32, #tpu.memory_space<vmem>>, vector<16xf32>,
        %mul3A_911 = arith.mulf %gather3A_825, %get3A_910 : vector<16xf32>
        %add3A_912 = arith.addf %add3A_905, %mul3A_911 : vector<16xf32>
        %mul3A_913 = arith.constant 128 : i32
        %mul3A_914 = arith.muli %scan3A_811, %mul3A_913 : i32
        %add3A_915 = arith.constant 32 : i32
        %add3A_916 = arith.addi %mul3A_914, %add3A_915 : i32
        %swap3A_917 = arith.index_cast %add3A_916 : i32 to index
        %swap3A_918 = tpu.vector_load %arg22[%swap3A_917] {strides = array<i32>} : memref<8192xf32, #tpu.memory_space<vmem>>, vector<16xf32>,
        tpu.vector_store %arg22[%swap3A_917], %add3A_912 {strides = array<i32>} : memref<8192xf32, #tpu.memory_space<vmem>>, vector<16xf32>,
        %get3A_919 = arith.index_cast %scan3A_811 : i32 to index
        %get3A_920 = arith.constant 48 : index
        %get3A_921 = tpu.vector_load %arg20[%get3A_919, %get3A_920] {strides = array<i32>} : memref<256x128xf32, #tpu.memory_space<vmem>>, vector<16xf32>,
        %mul3A_922 = arith.mulf %gather3A_813, %get3A_921 : vector<16xf32>
        %add3A_923 = arith.constant 64 : i32
        %add3A_924 = arith.addi %add3A_923, %scan3A_811 : i32
        %get3A_925 = arith.index_cast %add3A_924 : i32 to index
        %get3A_926 = arith.constant 48 : index
        %get3A_927 = tpu.vector_load %arg20[%get3A_925, %get3A_926] {strides = array<i32>} : memref<256x128xf32, #tpu.memory_space<vmem>>, vector<16xf32>,
        %mul3A_928 = arith.mulf %gather3A_817, %get3A_927 : vector<16xf32>
        %add3A_929 = arith.addf %mul3A_922, %mul3A_928 : vector<16xf32>
        %add3A_930 = arith.constant 128 : i32
        %add3A_931 = arith.addi %add3A_930, %scan3A_811 : i32
        %get3A_932 = arith.index_cast %add3A_931 : i32 to index
        %get3A_933 = arith.constant 48 : index
        %get3A_934 = tpu.vector_load %arg20[%get3A_932, %get3A_933] {strides = array<i32>} : memref<256x128xf32, #tpu.memory_space<vmem>>, vector<16xf32>,
        %mul3A_935 = arith.mulf %gather3A_821, %get3A_934 : vector<16xf32>
        %add3A_936 = arith.addf %add3A_929, %mul3A_935 : vector<16xf32>
        %add3A_937 = arith.constant 192 : i32
        %add3A_938 = arith.addi %add3A_937, %scan3A_811 : i32
        %get3A_939 = arith.index_cast %add3A_938 : i32 to index
        %get3A_940 = arith.constant 48 : index
        %get3A_941 = tpu.vector_load %arg20[%get3A_939, %get3A_940] {strides = array<i32>} : memref<256x128xf32, #tpu.memory_space<vmem>>, vector<16xf32>,
        %mul3A_942 = arith.mulf %gather3A_825, %get3A_941 : vector<16xf32>
        %add3A_943 = arith.addf %add3A_936, %mul3A_942 : vector<16xf32>
        %mul3A_944 = arith.constant 128 : i32
        %mul3A_945 = arith.muli %scan3A_811, %mul3A_944 : i32
        %add3A_946 = arith.constant 48 : i32
        %add3A_947 = arith.addi %mul3A_945, %add3A_946 : i32
        %swap3A_948 = arith.index_cast %add3A_947 : i32 to index
        %swap3A_949 = tpu.vector_load %arg22[%swap3A_948] {strides = array<i32>} : memref<8192xf32, #tpu.memory_space<vmem>>, vector<16xf32>,
        tpu.vector_store %arg22[%swap3A_948], %add3A_943 {strides = array<i32>} : memref<8192xf32, #tpu.memory_space<vmem>>, vector<16xf32>,
        %get3A_950 = arith.index_cast %scan3A_811 : i32 to index
        %get3A_951 = arith.constant 64 : index
        %get3A_952 = tpu.vector_load %arg20[%get3A_950, %get3A_951] {strides = array<i32>} : memref<256x128xf32, #tpu.memory_space<vmem>>, vector<16xf32>,
        %mul3A_953 = arith.mulf %gather3A_813, %get3A_952 : vector<16xf32>
        %add3A_954 = arith.constant 64 : i32
        %add3A_955 = arith.addi %add3A_954, %scan3A_811 : i32
        %get3A_956 = arith.index_cast %add3A_955 : i32 to index
        %get3A_957 = arith.constant 64 : index
        %get3A_958 = tpu.vector_load %arg20[%get3A_956, %get3A_957] {strides = array<i32>} : memref<256x128xf32, #tpu.memory_space<vmem>>, vector<16xf32>,
        %mul3A_959 = arith.mulf %gather3A_817, %get3A_958 : vector<16xf32>
        %add3A_960 = arith.addf %mul3A_953, %mul3A_959 : vector<16xf32>
        %add3A_961 = arith.constant 128 : i32
        %add3A_962 = arith.addi %add3A_961, %scan3A_811 : i32
        %get3A_963 = arith.index_cast %add3A_962 : i32 to index
        %get3A_964 = arith.constant 64 : index
        %get3A_965 = tpu.vector_load %arg20[%get3A_963, %get3A_964] {strides = array<i32>} : memref<256x128xf32, #tpu.memory_space<vmem>>, vector<16xf32>,
        %mul3A_966 = arith.mulf %gather3A_821, %get3A_965 : vector<16xf32>
        %add3A_967 = arith.addf %add3A_960, %mul3A_966 : vector<16xf32>
        %add3A_968 = arith.constant 192 : i32
        %add3A_969 = arith.addi %add3A_968, %scan3A_811 : i32
        %get3A_970 = arith.index_cast %add3A_969 : i32 to index
        %get3A_971 = arith.constant 64 : index
        %get3A_972 = tpu.vector_load %arg20[%get3A_970, %get3A_971] {strides = array<i32>} : memref<256x128xf32, #tpu.memory_space<vmem>>, vector<16xf32>,
        %mul3A_973 = arith.mulf %gather3A_825, %get3A_972 : vector<16xf32>
        %add3A_974 = arith.addf %add3A_967, %mul3A_973 : vector<16xf32>
        %mul3A_975 = arith.constant 128 : i32
        %mul3A_976 = arith.muli %scan3A_811, %mul3A_975 : i32
        %add3A_977 = arith.constant 64 : i32
        %add3A_978 = arith.addi %mul3A_976, %add3A_977 : i32
        %swap3A_979 = arith.index_cast %add3A_978 : i32 to index
        %swap3A_980 = tpu.vector_load %arg22[%swap3A_979] {strides = array<i32>} : memref<8192xf32, #tpu.memory_space<vmem>>, vector<16xf32>,
        tpu.vector_store %arg22[%swap3A_979], %add3A_974 {strides = array<i32>} : memref<8192xf32, #tpu.memory_space<vmem>>, vector<16xf32>,
        %get3A_981 = arith.index_cast %scan3A_811 : i32 to index
        %get3A_982 = arith.constant 80 : index
        %get3A_983 = tpu.vector_load %arg20[%get3A_981, %get3A_982] {strides = array<i32>} : memref<256x128xf32, #tpu.memory_space<vmem>>, vector<16xf32>,
        %mul3A_984 = arith.mulf %gather3A_813, %get3A_983 : vector<16xf32>
        %add3A_985 = arith.constant 64 : i32
        %add3A_986 = arith.addi %add3A_985, %scan3A_811 : i32
        %get3A_987 = arith.index_cast %add3A_986 : i32 to index
        %get3A_988 = arith.constant 80 : index
        %get3A_989 = tpu.vector_load %arg20[%get3A_987, %get3A_988] {strides = array<i32>} : memref<256x128xf32, #tpu.memory_space<vmem>>, vector<16xf32>,
        %mul3A_990 = arith.mulf %gather3A_817, %get3A_989 : vector<16xf32>
        %add3A_991 = arith.addf %mul3A_984, %mul3A_990 : vector<16xf32>
        %add3A_992 = arith.constant 128 : i32
        %add3A_993 = arith.addi %add3A_992, %scan3A_811 : i32
        %get3A_994 = arith.index_cast %add3A_993 : i32 to index
        %get3A_995 = arith.constant 80 : index
        %get3A_996 = tpu.vector_load %arg20[%get3A_994, %get3A_995] {strides = array<i32>} : memref<256x128xf32, #tpu.memory_space<vmem>>, vector<16xf32>,
        %mul3A_997 = arith.mulf %gather3A_821, %get3A_996 : vector<16xf32>
        %add3A_998 = arith.addf %add3A_991, %mul3A_997 : vector<16xf32>
        %add3A_999 = arith.constant 192 : i32
        %add3A_1000 = arith.addi %add3A_999, %scan3A_811 : i32
        %get3A_1001 = arith.index_cast %add3A_1000 : i32 to index
        %get3A_1002 = arith.constant 80 : index
        %get3A_1003 = tpu.vector_load %arg20[%get3A_1001, %get3A_1002] {strides = array<i32>} : memref<256x128xf32, #tpu.memory_space<vmem>>, vector<16xf32>,
        %mul3A_1004 = arith.mulf %gather3A_825, %get3A_1003 : vector<16xf32>
        %add3A_1005 = arith.addf %add3A_998, %mul3A_1004 : vector<16xf32>
        %mul3A_1006 = arith.constant 128 : i32
        %mul3A_1007 = arith.muli %scan3A_811, %mul3A_1006 : i32
        %add3A_1008 = arith.constant 80 : i32
        %add3A_1009 = arith.addi %mul3A_1007, %add3A_1008 : i32
        %swap3A_1010 = arith.index_cast %add3A_1009 : i32 to index
        %swap3A_1011 = tpu.vector_load %arg22[%swap3A_1010] {strides = array<i32>} : memref<8192xf32, #tpu.memory_space<vmem>>, vector<16xf32>,
        tpu.vector_store %arg22[%swap3A_1010], %add3A_1005 {strides = array<i32>} : memref<8192xf32, #tpu.memory_space<vmem>>, vector<16xf32>,
        %scan3A_1012 = arith.constant 2 : i32
        %scan3A_1013 = arith.addi %scan3A_611, %scan3A_1012 : i32
        %broadcast_in_dim3A_1014 = vector.broadcast %scan3A_1013 : i32 to vector<16xi32>
        %gather3A_1015 = tpu.vector_load_idx %arg18[%broadcast_in_dim3A_1014] : memref<256xf32, #tpu.memory_space<vmem>>[vector<16xi32>], vector<16xf32>,
        %add3A_1016 = arith.constant 64 : i32
        %add3A_1017 = vector.broadcast %add3A_1016 : i32 to vector<16xi32>
        %add3A_1018 = arith.addi %broadcast_in_dim3A_1014, %add3A_1017 : vector<16xi32>
        %gather3A_1019 = tpu.vector_load_idx %arg18[%add3A_1018] : memref<256xf32, #tpu.memory_space<vmem>>[vector<16xi32>], vector<16xf32>,
        %add3A_1020 = arith.constant 128 : i32
        %add3A_1021 = vector.broadcast %add3A_1020 : i32 to vector<16xi32>
        %add3A_1022 = arith.addi %broadcast_in_dim3A_1014, %add3A_1021 : vector<16xi32>
        %gather3A_1023 = tpu.vector_load_idx %arg18[%add3A_1022] : memref<256xf32, #tpu.memory_space<vmem>>[vector<16xi32>], vector<16xf32>,
        %add3A_1024 = arith.constant 192 : i32
        %add3A_1025 = vector.broadcast %add3A_1024 : i32 to vector<16xi32>
        %add3A_1026 = arith.addi %broadcast_in_dim3A_1014, %add3A_1025 : vector<16xi32>
        %gather3A_1027 = tpu.vector_load_idx %arg18[%add3A_1026] : memref<256xf32, #tpu.memory_space<vmem>>[vector<16xi32>], vector<16xf32>,
        %get3A_1028 = arith.index_cast %scan3A_1013 : i32 to index
        %get3A_1029 = arith.constant 0 : index
        %get3A_1030 = tpu.vector_load %arg20[%get3A_1028, %get3A_1029] {strides = array<i32>} : memref<256x128xf32, #tpu.memory_space<vmem>>, vector<16xf32>,
        %mul3A_1031 = arith.mulf %gather3A_1015, %get3A_1030 : vector<16xf32>
        %add3A_1032 = arith.constant 64 : i32
        %add3A_1033 = arith.addi %add3A_1032, %scan3A_1013 : i32
        %get3A_1034 = arith.index_cast %add3A_1033 : i32 to index
        %get3A_1035 = arith.constant 0 : index
        %get3A_1036 = tpu.vector_load %arg20[%get3A_1034, %get3A_1035] {strides = array<i32>} : memref<256x128xf32, #tpu.memory_space<vmem>>, vector<16xf32>,
        %mul3A_1037 = arith.mulf %gather3A_1019, %get3A_1036 : vector<16xf32>
        %add3A_1038 = arith.addf %mul3A_1031, %mul3A_1037 : vector<16xf32>
        %add3A_1039 = arith.constant 128 : i32
        %add3A_1040 = arith.addi %add3A_1039, %scan3A_1013 : i32
        %get3A_1041 = arith.index_cast %add3A_1040 : i32 to index
        %get3A_1042 = arith.constant 0 : index
        %get3A_1043 = tpu.vector_load %arg20[%get3A_1041, %get3A_1042] {strides = array<i32>} : memref<256x128xf32, #tpu.memory_space<vmem>>, vector<16xf32>,
        %mul3A_1044 = arith.mulf %gather3A_1023, %get3A_1043 : vector<16xf32>
        %add3A_1045 = arith.addf %add3A_1038, %mul3A_1044 : vector<16xf32>
        %add3A_1046 = arith.constant 192 : i32
        %add3A_1047 = arith.addi %add3A_1046, %scan3A_1013 : i32
        %get3A_1048 = arith.index_cast %add3A_1047 : i32 to index
        %get3A_1049 = arith.constant 0 : index
        %get3A_1050 = tpu.vector_load %arg20[%get3A_1048, %get3A_1049] {strides = array<i32>} : memref<256x128xf32, #tpu.memory_space<vmem>>, vector<16xf32>,
        %mul3A_1051 = arith.mulf %gather3A_1027, %get3A_1050 : vector<16xf32>
        %add3A_1052 = arith.addf %add3A_1045, %mul3A_1051 : vector<16xf32>
        %mul3A_1053 = arith.constant 128 : i32
        %mul3A_1054 = arith.muli %scan3A_1013, %mul3A_1053 : i32
        %add3A_1055 = arith.constant 0 : i32
        %add3A_1056 = arith.addi %mul3A_1054, %add3A_1055 : i32
        %swap3A_1057 = arith.index_cast %add3A_1056 : i32 to index
        %swap3A_1058 = tpu.vector_load %arg22[%swap3A_1057] {strides = array<i32>} : memref<8192xf32, #tpu.memory_space<vmem>>, vector<16xf32>,
        tpu.vector_store %arg22[%swap3A_1057], %add3A_1052 {strides = array<i32>} : memref<8192xf32, #tpu.memory_space<vmem>>, vector<16xf32>,
        %get3A_1059 = arith.index_cast %scan3A_1013 : i32 to index
        %get3A_1060 = arith.constant 16 : index
        %get3A_1061 = tpu.vector_load %arg20[%get3A_1059, %get3A_1060] {strides = array<i32>} : memref<256x128xf32, #tpu.memory_space<vmem>>, vector<16xf32>,
        %mul3A_1062 = arith.mulf %gather3A_1015, %get3A_1061 : vector<16xf32>
        %add3A_1063 = arith.constant 64 : i32
        %add3A_1064 = arith.addi %add3A_1063, %scan3A_1013 : i32
        %get3A_1065 = arith.index_cast %add3A_1064 : i32 to index
        %get3A_1066 = arith.constant 16 : index
        %get3A_1067 = tpu.vector_load %arg20[%get3A_1065, %get3A_1066] {strides = array<i32>} : memref<256x128xf32, #tpu.memory_space<vmem>>, vector<16xf32>,
        %mul3A_1068 = arith.mulf %gather3A_1019, %get3A_1067 : vector<16xf32>
        %add3A_1069 = arith.addf %mul3A_1062, %mul3A_1068 : vector<16xf32>
        %add3A_1070 = arith.constant 128 : i32
        %add3A_1071 = arith.addi %add3A_1070, %scan3A_1013 : i32
        %get3A_1072 = arith.index_cast %add3A_1071 : i32 to index
        %get3A_1073 = arith.constant 16 : index
        %get3A_1074 = tpu.vector_load %arg20[%get3A_1072, %get3A_1073] {strides = array<i32>} : memref<256x128xf32, #tpu.memory_space<vmem>>, vector<16xf32>,
        %mul3A_1075 = arith.mulf %gather3A_1023, %get3A_1074 : vector<16xf32>
        %add3A_1076 = arith.addf %add3A_1069, %mul3A_1075 : vector<16xf32>
        %add3A_1077 = arith.constant 192 : i32
        %add3A_1078 = arith.addi %add3A_1077, %scan3A_1013 : i32
        %get3A_1079 = arith.index_cast %add3A_1078 : i32 to index
        %get3A_1080 = arith.constant 16 : index
        %get3A_1081 = tpu.vector_load %arg20[%get3A_1079, %get3A_1080] {strides = array<i32>} : memref<256x128xf32, #tpu.memory_space<vmem>>, vector<16xf32>,
        %mul3A_1082 = arith.mulf %gather3A_1027, %get3A_1081 : vector<16xf32>
        %add3A_1083 = arith.addf %add3A_1076, %mul3A_1082 : vector<16xf32>
        %mul3A_1084 = arith.constant 128 : i32
        %mul3A_1085 = arith.muli %scan3A_1013, %mul3A_1084 : i32
        %add3A_1086 = arith.constant 16 : i32
        %add3A_1087 = arith.addi %mul3A_1085, %add3A_1086 : i32
        %swap3A_1088 = arith.index_cast %add3A_1087 : i32 to index
        %swap3A_1089 = tpu.vector_load %arg22[%swap3A_1088] {strides = array<i32>} : memref<8192xf32, #tpu.memory_space<vmem>>, vector<16xf32>,
        tpu.vector_store %arg22[%swap3A_1088], %add3A_1083 {strides = array<i32>} : memref<8192xf32, #tpu.memory_space<vmem>>, vector<16xf32>,
        %get3A_1090 = arith.index_cast %scan3A_1013 : i32 to index
        %get3A_1091 = arith.constant 32 : index
        %get3A_1092 = tpu.vector_load %arg20[%get3A_1090, %get3A_1091] {strides = array<i32>} : memref<256x128xf32, #tpu.memory_space<vmem>>, vector<16xf32>,
        %mul3A_1093 = arith.mulf %gather3A_1015, %get3A_1092 : vector<16xf32>
        %add3A_1094 = arith.constant 64 : i32
        %add3A_1095 = arith.addi %add3A_1094, %scan3A_1013 : i32
        %get3A_1096 = arith.index_cast %add3A_1095 : i32 to index
        %get3A_1097 = arith.constant 32 : index
        %get3A_1098 = tpu.vector_load %arg20[%get3A_1096, %get3A_1097] {strides = array<i32>} : memref<256x128xf32, #tpu.memory_space<vmem>>, vector<16xf32>,
        %mul3A_1099 = arith.mulf %gather3A_1019, %get3A_1098 : vector<16xf32>
        %add3A_1100 = arith.addf %mul3A_1093, %mul3A_1099 : vector<16xf32>
        %add3A_1101 = arith.constant 128 : i32
        %add3A_1102 = arith.addi %add3A_1101, %scan3A_1013 : i32
        %get3A_1103 = arith.index_cast %add3A_1102 : i32 to index
        %get3A_1104 = arith.constant 32 : index
        %get3A_1105 = tpu.vector_load %arg20[%get3A_1103, %get3A_1104] {strides = array<i32>} : memref<256x128xf32, #tpu.memory_space<vmem>>, vector<16xf32>,
        %mul3A_1106 = arith.mulf %gather3A_1023, %get3A_1105 : vector<16xf32>
        %add3A_1107 = arith.addf %add3A_1100, %mul3A_1106 : vector<16xf32>
        %add3A_1108 = arith.constant 192 : i32
        %add3A_1109 = arith.addi %add3A_1108, %scan3A_1013 : i32
        %get3A_1110 = arith.index_cast %add3A_1109 : i32 to index
        %get3A_1111 = arith.constant 32 : index
        %get3A_1112 = tpu.vector_load %arg20[%get3A_1110, %get3A_1111] {strides = array<i32>} : memref<256x128xf32, #tpu.memory_space<vmem>>, vector<16xf32>,
        %mul3A_1113 = arith.mulf %gather3A_1027, %get3A_1112 : vector<16xf32>
        %add3A_1114 = arith.addf %add3A_1107, %mul3A_1113 : vector<16xf32>
        %mul3A_1115 = arith.constant 128 : i32
        %mul3A_1116 = arith.muli %scan3A_1013, %mul3A_1115 : i32
        %add3A_1117 = arith.constant 32 : i32
        %add3A_1118 = arith.addi %mul3A_1116, %add3A_1117 : i32
        %swap3A_1119 = arith.index_cast %add3A_1118 : i32 to index
        %swap3A_1120 = tpu.vector_load %arg22[%swap3A_1119] {strides = array<i32>} : memref<8192xf32, #tpu.memory_space<vmem>>, vector<16xf32>,
        tpu.vector_store %arg22[%swap3A_1119], %add3A_1114 {strides = array<i32>} : memref<8192xf32, #tpu.memory_space<vmem>>, vector<16xf32>,
        %get3A_1121 = arith.index_cast %scan3A_1013 : i32 to index
        %get3A_1122 = arith.constant 48 : index
        %get3A_1123 = tpu.vector_load %arg20[%get3A_1121, %get3A_1122] {strides = array<i32>} : memref<256x128xf32, #tpu.memory_space<vmem>>, vector<16xf32>,
        %mul3A_1124 = arith.mulf %gather3A_1015, %get3A_1123 : vector<16xf32>
        %add3A_1125 = arith.constant 64 : i32
        %add3A_1126 = arith.addi %add3A_1125, %scan3A_1013 : i32
        %get3A_1127 = arith.index_cast %add3A_1126 : i32 to index
        %get3A_1128 = arith.constant 48 : index
        %get3A_1129 = tpu.vector_load %arg20[%get3A_1127, %get3A_1128] {strides = array<i32>} : memref<256x128xf32, #tpu.memory_space<vmem>>, vector<16xf32>,
        %mul3A_1130 = arith.mulf %gather3A_1019, %get3A_1129 : vector<16xf32>
        %add3A_1131 = arith.addf %mul3A_1124, %mul3A_1130 : vector<16xf32>
        %add3A_1132 = arith.constant 128 : i32
        %add3A_1133 = arith.addi %add3A_1132, %scan3A_1013 : i32
        %get3A_1134 = arith.index_cast %add3A_1133 : i32 to index
        %get3A_1135 = arith.constant 48 : index
        %get3A_1136 = tpu.vector_load %arg20[%get3A_1134, %get3A_1135] {strides = array<i32>} : memref<256x128xf32, #tpu.memory_space<vmem>>, vector<16xf32>,
        %mul3A_1137 = arith.mulf %gather3A_1023, %get3A_1136 : vector<16xf32>
        %add3A_1138 = arith.addf %add3A_1131, %mul3A_1137 : vector<16xf32>
        %add3A_1139 = arith.constant 192 : i32
        %add3A_1140 = arith.addi %add3A_1139, %scan3A_1013 : i32
        %get3A_1141 = arith.index_cast %add3A_1140 : i32 to index
        %get3A_1142 = arith.constant 48 : index
        %get3A_1143 = tpu.vector_load %arg20[%get3A_1141, %get3A_1142] {strides = array<i32>} : memref<256x128xf32, #tpu.memory_space<vmem>>, vector<16xf32>,
        %mul3A_1144 = arith.mulf %gather3A_1027, %get3A_1143 : vector<16xf32>
        %add3A_1145 = arith.addf %add3A_1138, %mul3A_1144 : vector<16xf32>
        %mul3A_1146 = arith.constant 128 : i32
        %mul3A_1147 = arith.muli %scan3A_1013, %mul3A_1146 : i32
        %add3A_1148 = arith.constant 48 : i32
        %add3A_1149 = arith.addi %mul3A_1147, %add3A_1148 : i32
        %swap3A_1150 = arith.index_cast %add3A_1149 : i32 to index
        %swap3A_1151 = tpu.vector_load %arg22[%swap3A_1150] {strides = array<i32>} : memref<8192xf32, #tpu.memory_space<vmem>>, vector<16xf32>,
        tpu.vector_store %arg22[%swap3A_1150], %add3A_1145 {strides = array<i32>} : memref<8192xf32, #tpu.memory_space<vmem>>, vector<16xf32>,
        %get3A_1152 = arith.index_cast %scan3A_1013 : i32 to index
        %get3A_1153 = arith.constant 64 : index
        %get3A_1154 = tpu.vector_load %arg20[%get3A_1152, %get3A_1153] {strides = array<i32>} : memref<256x128xf32, #tpu.memory_space<vmem>>, vector<16xf32>,
        %mul3A_1155 = arith.mulf %gather3A_1015, %get3A_1154 : vector<16xf32>
        %add3A_1156 = arith.constant 64 : i32
        %add3A_1157 = arith.addi %add3A_1156, %scan3A_1013 : i32
        %get3A_1158 = arith.index_cast %add3A_1157 : i32 to index
        %get3A_1159 = arith.constant 64 : index
        %get3A_1160 = tpu.vector_load %arg20[%get3A_1158, %get3A_1159] {strides = array<i32>} : memref<256x128xf32, #tpu.memory_space<vmem>>, vector<16xf32>,
        %mul3A_1161 = arith.mulf %gather3A_1019, %get3A_1160 : vector<16xf32>
        %add3A_1162 = arith.addf %mul3A_1155, %mul3A_1161 : vector<16xf32>
        %add3A_1163 = arith.constant 128 : i32
        %add3A_1164 = arith.addi %add3A_1163, %scan3A_1013 : i32
        %get3A_1165 = arith.index_cast %add3A_1164 : i32 to index
        %get3A_1166 = arith.constant 64 : index
        %get3A_1167 = tpu.vector_load %arg20[%get3A_1165, %get3A_1166] {strides = array<i32>} : memref<256x128xf32, #tpu.memory_space<vmem>>, vector<16xf32>,
        %mul3A_1168 = arith.mulf %gather3A_1023, %get3A_1167 : vector<16xf32>
        %add3A_1169 = arith.addf %add3A_1162, %mul3A_1168 : vector<16xf32>
        %add3A_1170 = arith.constant 192 : i32
        %add3A_1171 = arith.addi %add3A_1170, %scan3A_1013 : i32
        %get3A_1172 = arith.index_cast %add3A_1171 : i32 to index
        %get3A_1173 = arith.constant 64 : index
        %get3A_1174 = tpu.vector_load %arg20[%get3A_1172, %get3A_1173] {strides = array<i32>} : memref<256x128xf32, #tpu.memory_space<vmem>>, vector<16xf32>,
        %mul3A_1175 = arith.mulf %gather3A_1027, %get3A_1174 : vector<16xf32>
        %add3A_1176 = arith.addf %add3A_1169, %mul3A_1175 : vector<16xf32>
        %mul3A_1177 = arith.constant 128 : i32
        %mul3A_1178 = arith.muli %scan3A_1013, %mul3A_1177 : i32
        %add3A_1179 = arith.constant 64 : i32
        %add3A_1180 = arith.addi %mul3A_1178, %add3A_1179 : i32
        %swap3A_1181 = arith.index_cast %add3A_1180 : i32 to index
        %swap3A_1182 = tpu.vector_load %arg22[%swap3A_1181] {strides = array<i32>} : memref<8192xf32, #tpu.memory_space<vmem>>, vector<16xf32>,
        tpu.vector_store %arg22[%swap3A_1181], %add3A_1176 {strides = array<i32>} : memref<8192xf32, #tpu.memory_space<vmem>>, vector<16xf32>,
        %get3A_1183 = arith.index_cast %scan3A_1013 : i32 to index
        %get3A_1184 = arith.constant 80 : index
        %get3A_1185 = tpu.vector_load %arg20[%get3A_1183, %get3A_1184] {strides = array<i32>} : memref<256x128xf32, #tpu.memory_space<vmem>>, vector<16xf32>,
        %mul3A_1186 = arith.mulf %gather3A_1015, %get3A_1185 : vector<16xf32>
        %add3A_1187 = arith.constant 64 : i32
        %add3A_1188 = arith.addi %add3A_1187, %scan3A_1013 : i32
        %get3A_1189 = arith.index_cast %add3A_1188 : i32 to index
        %get3A_1190 = arith.constant 80 : index
        %get3A_1191 = tpu.vector_load %arg20[%get3A_1189, %get3A_1190] {strides = array<i32>} : memref<256x128xf32, #tpu.memory_space<vmem>>, vector<16xf32>,
        %mul3A_1192 = arith.mulf %gather3A_1019, %get3A_1191 : vector<16xf32>
        %add3A_1193 = arith.addf %mul3A_1186, %mul3A_1192 : vector<16xf32>
        %add3A_1194 = arith.constant 128 : i32
        %add3A_1195 = arith.addi %add3A_1194, %scan3A_1013 : i32
        %get3A_1196 = arith.index_cast %add3A_1195 : i32 to index
        %get3A_1197 = arith.constant 80 : index
        %get3A_1198 = tpu.vector_load %arg20[%get3A_1196, %get3A_1197] {strides = array<i32>} : memref<256x128xf32, #tpu.memory_space<vmem>>, vector<16xf32>,
        %mul3A_1199 = arith.mulf %gather3A_1023, %get3A_1198 : vector<16xf32>
        %add3A_1200 = arith.addf %add3A_1193, %mul3A_1199 : vector<16xf32>
        %add3A_1201 = arith.constant 192 : i32
        %add3A_1202 = arith.addi %add3A_1201, %scan3A_1013 : i32
        %get3A_1203 = arith.index_cast %add3A_1202 : i32 to index
        %get3A_1204 = arith.constant 80 : index
        %get3A_1205 = tpu.vector_load %arg20[%get3A_1203, %get3A_1204] {strides = array<i32>} : memref<256x128xf32, #tpu.memory_space<vmem>>, vector<16xf32>,
        %mul3A_1206 = arith.mulf %gather3A_1027, %get3A_1205 : vector<16xf32>
        %add3A_1207 = arith.addf %add3A_1200, %mul3A_1206 : vector<16xf32>
        %mul3A_1208 = arith.constant 128 : i32
        %mul3A_1209 = arith.muli %scan3A_1013, %mul3A_1208 : i32
        %add3A_1210 = arith.constant 80 : i32
        %add3A_1211 = arith.addi %mul3A_1209, %add3A_1210 : i32
        %swap3A_1212 = arith.index_cast %add3A_1211 : i32 to index
        %swap3A_1213 = tpu.vector_load %arg22[%swap3A_1212] {strides = array<i32>} : memref<8192xf32, #tpu.memory_space<vmem>>, vector<16xf32>,
        tpu.vector_store %arg22[%swap3A_1212], %add3A_1207 {strides = array<i32>} : memref<8192xf32, #tpu.memory_space<vmem>>, vector<16xf32>,
        %scan3A_1214 = arith.constant 3 : i32
        %scan3A_1215 = arith.addi %scan3A_611, %scan3A_1214 : i32
        %broadcast_in_dim3A_1216 = vector.broadcast %scan3A_1215 : i32 to vector<16xi32>
        %gather3A_1217 = tpu.vector_load_idx %arg18[%broadcast_in_dim3A_1216] : memref<256xf32, #tpu.memory_space<vmem>>[vector<16xi32>], vector<16xf32>,
        %add3A_1218 = arith.constant 64 : i32
        %add3A_1219 = vector.broadcast %add3A_1218 : i32 to vector<16xi32>
        %add3A_1220 = arith.addi %broadcast_in_dim3A_1216, %add3A_1219 : vector<16xi32>
        %gather3A_1221 = tpu.vector_load_idx %arg18[%add3A_1220] : memref<256xf32, #tpu.memory_space<vmem>>[vector<16xi32>], vector<16xf32>,
        %add3A_1222 = arith.constant 128 : i32
        %add3A_1223 = vector.broadcast %add3A_1222 : i32 to vector<16xi32>
        %add3A_1224 = arith.addi %broadcast_in_dim3A_1216, %add3A_1223 : vector<16xi32>
        %gather3A_1225 = tpu.vector_load_idx %arg18[%add3A_1224] : memref<256xf32, #tpu.memory_space<vmem>>[vector<16xi32>], vector<16xf32>,
        %add3A_1226 = arith.constant 192 : i32
        %add3A_1227 = vector.broadcast %add3A_1226 : i32 to vector<16xi32>
        %add3A_1228 = arith.addi %broadcast_in_dim3A_1216, %add3A_1227 : vector<16xi32>
        %gather3A_1229 = tpu.vector_load_idx %arg18[%add3A_1228] : memref<256xf32, #tpu.memory_space<vmem>>[vector<16xi32>], vector<16xf32>,
        %get3A_1230 = arith.index_cast %scan3A_1215 : i32 to index
        %get3A_1231 = arith.constant 0 : index
        %get3A_1232 = tpu.vector_load %arg20[%get3A_1230, %get3A_1231] {strides = array<i32>} : memref<256x128xf32, #tpu.memory_space<vmem>>, vector<16xf32>,
        %mul3A_1233 = arith.mulf %gather3A_1217, %get3A_1232 : vector<16xf32>
        %add3A_1234 = arith.constant 64 : i32
        %add3A_1235 = arith.addi %add3A_1234, %scan3A_1215 : i32
        %get3A_1236 = arith.index_cast %add3A_1235 : i32 to index
        %get3A_1237 = arith.constant 0 : index
        %get3A_1238 = tpu.vector_load %arg20[%get3A_1236, %get3A_1237] {strides = array<i32>} : memref<256x128xf32, #tpu.memory_space<vmem>>, vector<16xf32>,
        %mul3A_1239 = arith.mulf %gather3A_1221, %get3A_1238 : vector<16xf32>
        %add3A_1240 = arith.addf %mul3A_1233, %mul3A_1239 : vector<16xf32>
        %add3A_1241 = arith.constant 128 : i32
        %add3A_1242 = arith.addi %add3A_1241, %scan3A_1215 : i32
        %get3A_1243 = arith.index_cast %add3A_1242 : i32 to index
        %get3A_1244 = arith.constant 0 : index
        %get3A_1245 = tpu.vector_load %arg20[%get3A_1243, %get3A_1244] {strides = array<i32>} : memref<256x128xf32, #tpu.memory_space<vmem>>, vector<16xf32>,
        %mul3A_1246 = arith.mulf %gather3A_1225, %get3A_1245 : vector<16xf32>
        %add3A_1247 = arith.addf %add3A_1240, %mul3A_1246 : vector<16xf32>
        %add3A_1248 = arith.constant 192 : i32
        %add3A_1249 = arith.addi %add3A_1248, %scan3A_1215 : i32
        %get3A_1250 = arith.index_cast %add3A_1249 : i32 to index
        %get3A_1251 = arith.constant 0 : index
        %get3A_1252 = tpu.vector_load %arg20[%get3A_1250, %get3A_1251] {strides = array<i32>} : memref<256x128xf32, #tpu.memory_space<vmem>>, vector<16xf32>,
        %mul3A_1253 = arith.mulf %gather3A_1229, %get3A_1252 : vector<16xf32>
        %add3A_1254 = arith.addf %add3A_1247, %mul3A_1253 : vector<16xf32>
        %mul3A_1255 = arith.constant 128 : i32
        %mul3A_1256 = arith.muli %scan3A_1215, %mul3A_1255 : i32
        %add3A_1257 = arith.constant 0 : i32
        %add3A_1258 = arith.addi %mul3A_1256, %add3A_1257 : i32
        %swap3A_1259 = arith.index_cast %add3A_1258 : i32 to index
        %swap3A_1260 = tpu.vector_load %arg22[%swap3A_1259] {strides = array<i32>} : memref<8192xf32, #tpu.memory_space<vmem>>, vector<16xf32>,
        tpu.vector_store %arg22[%swap3A_1259], %add3A_1254 {strides = array<i32>} : memref<8192xf32, #tpu.memory_space<vmem>>, vector<16xf32>,
        %get3A_1261 = arith.index_cast %scan3A_1215 : i32 to index
        %get3A_1262 = arith.constant 16 : index
        %get3A_1263 = tpu.vector_load %arg20[%get3A_1261, %get3A_1262] {strides = array<i32>} : memref<256x128xf32, #tpu.memory_space<vmem>>, vector<16xf32>,
        %mul3A_1264 = arith.mulf %gather3A_1217, %get3A_1263 : vector<16xf32>
        %add3A_1265 = arith.constant 64 : i32
        %add3A_1266 = arith.addi %add3A_1265, %scan3A_1215 : i32
        %get3A_1267 = arith.index_cast %add3A_1266 : i32 to index
        %get3A_1268 = arith.constant 16 : index
        %get3A_1269 = tpu.vector_load %arg20[%get3A_1267, %get3A_1268] {strides = array<i32>} : memref<256x128xf32, #tpu.memory_space<vmem>>, vector<16xf32>,
        %mul3A_1270 = arith.mulf %gather3A_1221, %get3A_1269 : vector<16xf32>
        %add3A_1271 = arith.addf %mul3A_1264, %mul3A_1270 : vector<16xf32>
        %add3A_1272 = arith.constant 128 : i32
        %add3A_1273 = arith.addi %add3A_1272, %scan3A_1215 : i32
        %get3A_1274 = arith.index_cast %add3A_1273 : i32 to index
        %get3A_1275 = arith.constant 16 : index
        %get3A_1276 = tpu.vector_load %arg20[%get3A_1274, %get3A_1275] {strides = array<i32>} : memref<256x128xf32, #tpu.memory_space<vmem>>, vector<16xf32>,
        %mul3A_1277 = arith.mulf %gather3A_1225, %get3A_1276 : vector<16xf32>
        %add3A_1278 = arith.addf %add3A_1271, %mul3A_1277 : vector<16xf32>
        %add3A_1279 = arith.constant 192 : i32
        %add3A_1280 = arith.addi %add3A_1279, %scan3A_1215 : i32
        %get3A_1281 = arith.index_cast %add3A_1280 : i32 to index
        %get3A_1282 = arith.constant 16 : index
        %get3A_1283 = tpu.vector_load %arg20[%get3A_1281, %get3A_1282] {strides = array<i32>} : memref<256x128xf32, #tpu.memory_space<vmem>>, vector<16xf32>,
        %mul3A_1284 = arith.mulf %gather3A_1229, %get3A_1283 : vector<16xf32>
        %add3A_1285 = arith.addf %add3A_1278, %mul3A_1284 : vector<16xf32>
        %mul3A_1286 = arith.constant 128 : i32
        %mul3A_1287 = arith.muli %scan3A_1215, %mul3A_1286 : i32
        %add3A_1288 = arith.constant 16 : i32
        %add3A_1289 = arith.addi %mul3A_1287, %add3A_1288 : i32
        %swap3A_1290 = arith.index_cast %add3A_1289 : i32 to index
        %swap3A_1291 = tpu.vector_load %arg22[%swap3A_1290] {strides = array<i32>} : memref<8192xf32, #tpu.memory_space<vmem>>, vector<16xf32>,
        tpu.vector_store %arg22[%swap3A_1290], %add3A_1285 {strides = array<i32>} : memref<8192xf32, #tpu.memory_space<vmem>>, vector<16xf32>,
        %get3A_1292 = arith.index_cast %scan3A_1215 : i32 to index
        %get3A_1293 = arith.constant 32 : index
        %get3A_1294 = tpu.vector_load %arg20[%get3A_1292, %get3A_1293] {strides = array<i32>} : memref<256x128xf32, #tpu.memory_space<vmem>>, vector<16xf32>,
        %mul3A_1295 = arith.mulf %gather3A_1217, %get3A_1294 : vector<16xf32>
        %add3A_1296 = arith.constant 64 : i32
        %add3A_1297 = arith.addi %add3A_1296, %scan3A_1215 : i32
        %get3A_1298 = arith.index_cast %add3A_1297 : i32 to index
        %get3A_1299 = arith.constant 32 : index
        %get3A_1300 = tpu.vector_load %arg20[%get3A_1298, %get3A_1299] {strides = array<i32>} : memref<256x128xf32, #tpu.memory_space<vmem>>, vector<16xf32>,
        %mul3A_1301 = arith.mulf %gather3A_1221, %get3A_1300 : vector<16xf32>
        %add3A_1302 = arith.addf %mul3A_1295, %mul3A_1301 : vector<16xf32>
        %add3A_1303 = arith.constant 128 : i32
        %add3A_1304 = arith.addi %add3A_1303, %scan3A_1215 : i32
        %get3A_1305 = arith.index_cast %add3A_1304 : i32 to index
        %get3A_1306 = arith.constant 32 : index
        %get3A_1307 = tpu.vector_load %arg20[%get3A_1305, %get3A_1306] {strides = array<i32>} : memref<256x128xf32, #tpu.memory_space<vmem>>, vector<16xf32>,
        %mul3A_1308 = arith.mulf %gather3A_1225, %get3A_1307 : vector<16xf32>
        %add3A_1309 = arith.addf %add3A_1302, %mul3A_1308 : vector<16xf32>
        %add3A_1310 = arith.constant 192 : i32
        %add3A_1311 = arith.addi %add3A_1310, %scan3A_1215 : i32
        %get3A_1312 = arith.index_cast %add3A_1311 : i32 to index
        %get3A_1313 = arith.constant 32 : index
        %get3A_1314 = tpu.vector_load %arg20[%get3A_1312, %get3A_1313] {strides = array<i32>} : memref<256x128xf32, #tpu.memory_space<vmem>>, vector<16xf32>,
        %mul3A_1315 = arith.mulf %gather3A_1229, %get3A_1314 : vector<16xf32>
        %add3A_1316 = arith.addf %add3A_1309, %mul3A_1315 : vector<16xf32>
        %mul3A_1317 = arith.constant 128 : i32
        %mul3A_1318 = arith.muli %scan3A_1215, %mul3A_1317 : i32
        %add3A_1319 = arith.constant 32 : i32
        %add3A_1320 = arith.addi %mul3A_1318, %add3A_1319 : i32
        %swap3A_1321 = arith.index_cast %add3A_1320 : i32 to index
        %swap3A_1322 = tpu.vector_load %arg22[%swap3A_1321] {strides = array<i32>} : memref<8192xf32, #tpu.memory_space<vmem>>, vector<16xf32>,
        tpu.vector_store %arg22[%swap3A_1321], %add3A_1316 {strides = array<i32>} : memref<8192xf32, #tpu.memory_space<vmem>>, vector<16xf32>,
        %get3A_1323 = arith.index_cast %scan3A_1215 : i32 to index
        %get3A_1324 = arith.constant 48 : index
        %get3A_1325 = tpu.vector_load %arg20[%get3A_1323, %get3A_1324] {strides = array<i32>} : memref<256x128xf32, #tpu.memory_space<vmem>>, vector<16xf32>,
        %mul3A_1326 = arith.mulf %gather3A_1217, %get3A_1325 : vector<16xf32>
        %add3A_1327 = arith.constant 64 : i32
        %add3A_1328 = arith.addi %add3A_1327, %scan3A_1215 : i32
        %get3A_1329 = arith.index_cast %add3A_1328 : i32 to index
        %get3A_1330 = arith.constant 48 : index
        %get3A_1331 = tpu.vector_load %arg20[%get3A_1329, %get3A_1330] {strides = array<i32>} : memref<256x128xf32, #tpu.memory_space<vmem>>, vector<16xf32>,
        %mul3A_1332 = arith.mulf %gather3A_1221, %get3A_1331 : vector<16xf32>
        %add3A_1333 = arith.addf %mul3A_1326, %mul3A_1332 : vector<16xf32>
        %add3A_1334 = arith.constant 128 : i32
        %add3A_1335 = arith.addi %add3A_1334, %scan3A_1215 : i32
        %get3A_1336 = arith.index_cast %add3A_1335 : i32 to index
        %get3A_1337 = arith.constant 48 : index
        %get3A_1338 = tpu.vector_load %arg20[%get3A_1336, %get3A_1337] {strides = array<i32>} : memref<256x128xf32, #tpu.memory_space<vmem>>, vector<16xf32>,
        %mul3A_1339 = arith.mulf %gather3A_1225, %get3A_1338 : vector<16xf32>
        %add3A_1340 = arith.addf %add3A_1333, %mul3A_1339 : vector<16xf32>
        %add3A_1341 = arith.constant 192 : i32
        %add3A_1342 = arith.addi %add3A_1341, %scan3A_1215 : i32
        %get3A_1343 = arith.index_cast %add3A_1342 : i32 to index
        %get3A_1344 = arith.constant 48 : index
        %get3A_1345 = tpu.vector_load %arg20[%get3A_1343, %get3A_1344] {strides = array<i32>} : memref<256x128xf32, #tpu.memory_space<vmem>>, vector<16xf32>,
        %mul3A_1346 = arith.mulf %gather3A_1229, %get3A_1345 : vector<16xf32>
        %add3A_1347 = arith.addf %add3A_1340, %mul3A_1346 : vector<16xf32>
        %mul3A_1348 = arith.constant 128 : i32
        %mul3A_1349 = arith.muli %scan3A_1215, %mul3A_1348 : i32
        %add3A_1350 = arith.constant 48 : i32
        %add3A_1351 = arith.addi %mul3A_1349, %add3A_1350 : i32
        %swap3A_1352 = arith.index_cast %add3A_1351 : i32 to index
        %swap3A_1353 = tpu.vector_load %arg22[%swap3A_1352] {strides = array<i32>} : memref<8192xf32, #tpu.memory_space<vmem>>, vector<16xf32>,
        tpu.vector_store %arg22[%swap3A_1352], %add3A_1347 {strides = array<i32>} : memref<8192xf32, #tpu.memory_space<vmem>>, vector<16xf32>,
        %get3A_1354 = arith.index_cast %scan3A_1215 : i32 to index
        %get3A_1355 = arith.constant 64 : index
        %get3A_1356 = tpu.vector_load %arg20[%get3A_1354, %get3A_1355] {strides = array<i32>} : memref<256x128xf32, #tpu.memory_space<vmem>>, vector<16xf32>,
        %mul3A_1357 = arith.mulf %gather3A_1217, %get3A_1356 : vector<16xf32>
        %add3A_1358 = arith.constant 64 : i32
        %add3A_1359 = arith.addi %add3A_1358, %scan3A_1215 : i32
        %get3A_1360 = arith.index_cast %add3A_1359 : i32 to index
        %get3A_1361 = arith.constant 64 : index
        %get3A_1362 = tpu.vector_load %arg20[%get3A_1360, %get3A_1361] {strides = array<i32>} : memref<256x128xf32, #tpu.memory_space<vmem>>, vector<16xf32>,
        %mul3A_1363 = arith.mulf %gather3A_1221, %get3A_1362 : vector<16xf32>
        %add3A_1364 = arith.addf %mul3A_1357, %mul3A_1363 : vector<16xf32>
        %add3A_1365 = arith.constant 128 : i32
        %add3A_1366 = arith.addi %add3A_1365, %scan3A_1215 : i32
        %get3A_1367 = arith.index_cast %add3A_1366 : i32 to index
        %get3A_1368 = arith.constant 64 : index
        %get3A_1369 = tpu.vector_load %arg20[%get3A_1367, %get3A_1368] {strides = array<i32>} : memref<256x128xf32, #tpu.memory_space<vmem>>, vector<16xf32>,
        %mul3A_1370 = arith.mulf %gather3A_1225, %get3A_1369 : vector<16xf32>
        %add3A_1371 = arith.addf %add3A_1364, %mul3A_1370 : vector<16xf32>
        %add3A_1372 = arith.constant 192 : i32
        %add3A_1373 = arith.addi %add3A_1372, %scan3A_1215 : i32
        %get3A_1374 = arith.index_cast %add3A_1373 : i32 to index
        %get3A_1375 = arith.constant 64 : index
        %get3A_1376 = tpu.vector_load %arg20[%get3A_1374, %get3A_1375] {strides = array<i32>} : memref<256x128xf32, #tpu.memory_space<vmem>>, vector<16xf32>,
        %mul3A_1377 = arith.mulf %gather3A_1229, %get3A_1376 : vector<16xf32>
        %add3A_1378 = arith.addf %add3A_1371, %mul3A_1377 : vector<16xf32>
        %mul3A_1379 = arith.constant 128 : i32
        %mul3A_1380 = arith.muli %scan3A_1215, %mul3A_1379 : i32
        %add3A_1381 = arith.constant 64 : i32
        %add3A_1382 = arith.addi %mul3A_1380, %add3A_1381 : i32
        %swap3A_1383 = arith.index_cast %add3A_1382 : i32 to index
        %swap3A_1384 = tpu.vector_load %arg22[%swap3A_1383] {strides = array<i32>} : memref<8192xf32, #tpu.memory_space<vmem>>, vector<16xf32>,
        tpu.vector_store %arg22[%swap3A_1383], %add3A_1378 {strides = array<i32>} : memref<8192xf32, #tpu.memory_space<vmem>>, vector<16xf32>,
        %get3A_1385 = arith.index_cast %scan3A_1215 : i32 to index
        %get3A_1386 = arith.constant 80 : index
        %get3A_1387 = tpu.vector_load %arg20[%get3A_1385, %get3A_1386] {strides = array<i32>} : memref<256x128xf32, #tpu.memory_space<vmem>>, vector<16xf32>,
        %mul3A_1388 = arith.mulf %gather3A_1217, %get3A_1387 : vector<16xf32>
        %add3A_1389 = arith.constant 64 : i32
        %add3A_1390 = arith.addi %add3A_1389, %scan3A_1215 : i32
        %get3A_1391 = arith.index_cast %add3A_1390 : i32 to index
        %get3A_1392 = arith.constant 80 : index
        %get3A_1393 = tpu.vector_load %arg20[%get3A_1391, %get3A_1392] {strides = array<i32>} : memref<256x128xf32, #tpu.memory_space<vmem>>, vector<16xf32>,
        %mul3A_1394 = arith.mulf %gather3A_1221, %get3A_1393 : vector<16xf32>
        %add3A_1395 = arith.addf %mul3A_1388, %mul3A_1394 : vector<16xf32>
        %add3A_1396 = arith.constant 128 : i32
        %add3A_1397 = arith.addi %add3A_1396, %scan3A_1215 : i32
        %get3A_1398 = arith.index_cast %add3A_1397 : i32 to index
        %get3A_1399 = arith.constant 80 : index
        %get3A_1400 = tpu.vector_load %arg20[%get3A_1398, %get3A_1399] {strides = array<i32>} : memref<256x128xf32, #tpu.memory_space<vmem>>, vector<16xf32>,
        %mul3A_1401 = arith.mulf %gather3A_1225, %get3A_1400 : vector<16xf32>
        %add3A_1402 = arith.addf %add3A_1395, %mul3A_1401 : vector<16xf32>
        %add3A_1403 = arith.constant 192 : i32
        %add3A_1404 = arith.addi %add3A_1403, %scan3A_1215 : i32
        %get3A_1405 = arith.index_cast %add3A_1404 : i32 to index
        %get3A_1406 = arith.constant 80 : index
        %get3A_1407 = tpu.vector_load %arg20[%get3A_1405, %get3A_1406] {strides = array<i32>} : memref<256x128xf32, #tpu.memory_space<vmem>>, vector<16xf32>,
        %mul3A_1408 = arith.mulf %gather3A_1229, %get3A_1407 : vector<16xf32>
        %add3A_1409 = arith.addf %add3A_1402, %mul3A_1408 : vector<16xf32>
        %mul3A_1410 = arith.constant 128 : i32
        %mul3A_1411 = arith.muli %scan3A_1215, %mul3A_1410 : i32
        %add3A_1412 = arith.constant 80 : i32
        %add3A_1413 = arith.addi %mul3A_1411, %add3A_1412 : i32
        %swap3A_1414 = arith.index_cast %add3A_1413 : i32 to index
        %swap3A_1415 = tpu.vector_load %arg22[%swap3A_1414] {strides = array<i32>} : memref<8192xf32, #tpu.memory_space<vmem>>, vector<16xf32>,
        tpu.vector_store %arg22[%swap3A_1414], %add3A_1409 {strides = array<i32>} : memref<8192xf32, #tpu.memory_space<vmem>>, vector<16xf32>,
      }
      %scan3A_546 = arith.constant 64 : i32
      %mul3A_547 = arith.constant 128 : i32
      %mul3A_548 = arith.muli %add3A_500, %mul3A_547 : i32
      %dma_start3A_549 = tpu.memref_slice %arg5[%mul3A_548] : memref<75497472xf32, #tpu.memory_space<hbm>> -> memref<8192xf32, #tpu.memory_space<hbm>>
      %dma_start3A_550 = tpu.memref_slice %arg5[%mul3A_548] : memref<75497472xf32, #tpu.memory_space<hbm>> -> memref<8192xf32, #tpu.memory_space<hbm>>
      tpu.enqueue_dma source(%arg22 : memref<8192xf32, #tpu.memory_space<vmem>>) target(%dma_start3A_550 : memref<8192xf32, #tpu.memory_space<hbm>>) target_semaphore(%arg28 : memref<!tpu.dma_semaphore, #tpu.memory_space<semaphore_mem>>)
      %mul3A_551 = arith.constant 2 : i32
      %mul3A_552 = arith.muli %mul3A_551, %scan3A_495 : i32
      %add3A_553 = arith.constant 1 : i32
      %add3A_554 = arith.addi %mul3A_552, %add3A_553 : i32
      %mul3A_555 = arith.constant 64 : i32
      %mul3A_556 = arith.muli %add3A_554, %mul3A_555 : i32
      %add3A_557 = arith.addi %mul3A_2, %mul3A_556 : i32
      %add3A_558 = arith.constant 1 : i32
      %add3A_559 = arith.addi %add3A_554, %add3A_558 : i32
      %lt3A_560 = arith.constant 288 : i32
      %lt3A_561 = arith.cmpi slt, %add3A_559, %lt3A_560 : i32
      %convert_element_type3A_562 = arith.extui %lt3A_561 : i1 to i32
      %cond3A_563 = arith.constant 0 : i32
      %cond3A_564 = arith.cmpi ne, %convert_element_type3A_562, %cond3A_563 : i32
      scf.if %cond3A_564 {
        %add3A_611 = arith.constant 64 : i32
        %add3A_612 = arith.addi %add3A_557, %add3A_611 : i32
        %dma_wait3A_613 = tpu.memref_slice %arg3[%add3A_612] : memref<589824xf32, #tpu.memory_space<hbm>> -> memref<64xf32, #tpu.memory_space<hbm>>
        %dma_wait3A_614 = tpu.memref_slice %arg3[%add3A_612] : memref<589824xf32, #tpu.memory_space<hbm>> -> memref<64xf32, #tpu.memory_space<hbm>>
        tpu.wait_dma2 semaphore(%arg24 : memref<!tpu.dma_semaphore, #tpu.memory_space<semaphore_mem>>) src(%dma_wait3A_614 : memref<64xf32, #tpu.memory_space<hbm>>) dst(%arg6 : memref<64xf32, #tpu.memory_space<vmem>>)
        %dma_wait3A_615 = tpu.memref_slice %arg4[%add3A_612] : memref<589824xf32, #tpu.memory_space<hbm>> -> memref<64xf32, #tpu.memory_space<hbm>>
        %dma_wait3A_616 = tpu.memref_slice %arg4[%add3A_612] : memref<589824xf32, #tpu.memory_space<hbm>> -> memref<64xf32, #tpu.memory_space<hbm>>
        tpu.wait_dma2 semaphore(%arg24 : memref<!tpu.dma_semaphore, #tpu.memory_space<semaphore_mem>>) src(%dma_wait3A_616 : memref<64xf32, #tpu.memory_space<hbm>>) dst(%arg8 : memref<64xf32, #tpu.memory_space<vmem>>)
        %add3A_617 = arith.constant 64 : i32
        %add3A_618 = arith.addi %add3A_557, %add3A_617 : i32
        %add3A_619 = arith.constant 0 : i32
        %add3A_620 = arith.addi %add3A_618, %add3A_619 : i32
        %iota3A_621 = tpu.iota {dimensions = array<i32: 0>} : vector<16xi32>
        %add3A_622 = vector.broadcast %add3A_620 : i32 to vector<16xi32>
        %add3A_623 = arith.addi %add3A_622, %iota3A_621 : vector<16xi32>
        %shift_right_arithmetic3A_624 = arith.constant 7 : i32
        %shift_right_arithmetic3A_625 = vector.broadcast %shift_right_arithmetic3A_624 : i32 to vector<16xi32>
        %shift_right_arithmetic3A_626 = arith.shrsi %add3A_623, %shift_right_arithmetic3A_625 : vector<16xi32>
        %mul3A_627 = arith.constant 43691 : i32
        %mul3A_628 = vector.broadcast %mul3A_627 : i32 to vector<16xi32>
        %mul3A_629 = arith.muli %shift_right_arithmetic3A_626, %mul3A_628 : vector<16xi32>
        %shift_right_arithmetic3A_630 = arith.constant 17 : i32
        %shift_right_arithmetic3A_631 = vector.broadcast %shift_right_arithmetic3A_630 : i32 to vector<16xi32>
        %shift_right_arithmetic3A_632 = arith.shrsi %mul3A_629, %shift_right_arithmetic3A_631 : vector<16xi32>
        %mul3A_633 = arith.constant 384 : i32
        %mul3A_634 = vector.broadcast %mul3A_633 : i32 to vector<16xi32>
        %mul3A_635 = arith.muli %shift_right_arithmetic3A_632, %mul3A_634 : vector<16xi32>
        %sub3A_636 = arith.subi %add3A_623, %mul3A_635 : vector<16xi32>
        %shift_right_arithmetic3A_637 = arith.constant 7 : i32
        %shift_right_arithmetic3A_638 = vector.broadcast %shift_right_arithmetic3A_637 : i32 to vector<16xi32>
        %shift_right_arithmetic3A_639 = arith.shrsi %shift_right_arithmetic3A_632, %shift_right_arithmetic3A_638 : vector<16xi32>
        %mul3A_640 = arith.constant 43691 : i32
        %mul3A_641 = vector.broadcast %mul3A_640 : i32 to vector<16xi32>
        %mul3A_642 = arith.muli %shift_right_arithmetic3A_639, %mul3A_641 : vector<16xi32>
        %shift_right_arithmetic3A_643 = arith.constant 17 : i32
        %shift_right_arithmetic3A_644 = vector.broadcast %shift_right_arithmetic3A_643 : i32 to vector<16xi32>
        %shift_right_arithmetic3A_645 = arith.shrsi %mul3A_642, %shift_right_arithmetic3A_644 : vector<16xi32>
        %mul3A_646 = arith.constant 384 : i32
        %mul3A_647 = vector.broadcast %mul3A_646 : i32 to vector<16xi32>
        %mul3A_648 = arith.muli %shift_right_arithmetic3A_645, %mul3A_647 : vector<16xi32>
        %sub3A_649 = arith.subi %shift_right_arithmetic3A_632, %mul3A_648 : vector<16xi32>
        %convert_element_type3A_650 = arith.sitofp %sub3A_649 : vector<16xi32> to vector<16xf32>
        %get3A_651 = arith.constant 0 : index
        %get3A_652 = tpu.vector_load %arg6[%get3A_651] {strides = array<i32>} : memref<64xf32, #tpu.memory_space<vmem>>, vector<16xf32>,
        %sub3A_653 = arith.subf %convert_element_type3A_650, %get3A_652 : vector<16xf32>
        %convert_element_type3A_654 = arith.sitofp %sub3A_636 : vector<16xi32> to vector<16xf32>
        %get3A_655 = arith.constant 0 : index
        %get3A_656 = tpu.vector_load %arg8[%get3A_655] {strides = array<i32>} : memref<64xf32, #tpu.memory_space<vmem>>, vector<16xf32>,
        %sub3A_657 = arith.subf %convert_element_type3A_654, %get3A_656 : vector<16xf32>
        %jit3A_658 = arith.constant 0.000000e+00 : f32
        %jit3A_659 = arith.constant 3.820000e+02 : f32
        %max3A_660 = vector.broadcast %jit3A_658 : f32 to vector<16xf32>
        %max3A_661 = arith.maximumf %max3A_660, %sub3A_653 : vector<16xf32>
        %min3A_662 = vector.broadcast %jit3A_659 : f32 to vector<16xf32>
        %min3A_663 = arith.minimumf %min3A_662, %max3A_661 : vector<16xf32>
        %jit3A_664 = arith.constant 0.000000e+00 : f32
        %jit3A_665 = arith.constant 3.820000e+02 : f32
        %max3A_666 = vector.broadcast %jit3A_664 : f32 to vector<16xf32>
        %max3A_667 = arith.maximumf %max3A_666, %sub3A_657 : vector<16xf32>
        %min3A_668 = vector.broadcast %jit3A_665 : f32 to vector<16xf32>
        %min3A_669 = arith.minimumf %min3A_668, %max3A_667 : vector<16xf32>
        %convert_element_type3A_670 = arith.fptosi %min3A_663 : vector<16xf32> to vector<16xi32>
        %convert_element_type3A_671 = arith.fptosi %min3A_669 : vector<16xf32> to vector<16xi32>
        %convert_element_type3A_672 = arith.sitofp %convert_element_type3A_670 : vector<16xi32> to vector<16xf32>
        %sub3A_673 = arith.subf %sub3A_653, %convert_element_type3A_672 : vector<16xf32>
        %jit3A_674 = arith.constant 0.000000e+00 : f32
        %jit3A_675 = arith.constant 1.000000e+00 : f32
        %max3A_676 = vector.broadcast %jit3A_674 : f32 to vector<16xf32>
        %max3A_677 = arith.maximumf %max3A_676, %sub3A_673 : vector<16xf32>
        %min3A_678 = vector.broadcast %jit3A_675 : f32 to vector<16xf32>
        %min3A_679 = arith.minimumf %min3A_678, %max3A_677 : vector<16xf32>
        %convert_element_type3A_680 = arith.sitofp %convert_element_type3A_671 : vector<16xi32> to vector<16xf32>
        %sub3A_681 = arith.subf %sub3A_657, %convert_element_type3A_680 : vector<16xf32>
        %jit3A_682 = arith.constant 0.000000e+00 : f32
        %jit3A_683 = arith.constant 1.000000e+00 : f32
        %max3A_684 = vector.broadcast %jit3A_682 : f32 to vector<16xf32>
        %max3A_685 = arith.maximumf %max3A_684, %sub3A_681 : vector<16xf32>
        %min3A_686 = vector.broadcast %jit3A_683 : f32 to vector<16xf32>
        %min3A_687 = arith.minimumf %min3A_686, %max3A_685 : vector<16xf32>
        %mul3A_688 = arith.constant 147456 : i32
        %mul3A_689 = vector.broadcast %mul3A_688 : i32 to vector<16xi32>
        %mul3A_690 = arith.muli %shift_right_arithmetic3A_645, %mul3A_689 : vector<16xi32>
        %mul3A_691 = arith.constant 384 : i32
        %mul3A_692 = vector.broadcast %mul3A_691 : i32 to vector<16xi32>
        %mul3A_693 = arith.muli %convert_element_type3A_670, %mul3A_692 : vector<16xi32>
        %add3A_694 = arith.addi %mul3A_690, %mul3A_693 : vector<16xi32>
        %add3A_695 = arith.addi %add3A_694, %convert_element_type3A_671 : vector<16xi32>
        %swap3A_696 = arith.constant 0 : index
        %swap3A_697 = tpu.vector_load %arg10[%swap3A_696] {strides = array<i32>} : memref<64xi32, #tpu.memory_space<vmem>>, vector<16xi32>,
        tpu.vector_store %arg10[%swap3A_696], %add3A_695 {strides = array<i32>} : memref<64xi32, #tpu.memory_space<vmem>>, vector<16xi32>,
        %add3A_698 = arith.constant 1 : i32
        %add3A_699 = vector.broadcast %add3A_698 : i32 to vector<16xi32>
        %add3A_700 = arith.addi %add3A_695, %add3A_699 : vector<16xi32>
        %swap3A_701 = arith.constant 0 : index
        %swap3A_702 = tpu.vector_load %arg11[%swap3A_701] {strides = array<i32>} : memref<64xi32, #tpu.memory_space<vmem>>, vector<16xi32>,
        tpu.vector_store %arg11[%swap3A_701], %add3A_700 {strides = array<i32>} : memref<64xi32, #tpu.memory_space<vmem>>, vector<16xi32>,
        %add3A_703 = arith.constant 384 : i32
        %add3A_704 = vector.broadcast %add3A_703 : i32 to vector<16xi32>
        %add3A_705 = arith.addi %add3A_695, %add3A_704 : vector<16xi32>
        %swap3A_706 = arith.constant 0 : index
        %swap3A_707 = tpu.vector_load %arg12[%swap3A_706] {strides = array<i32>} : memref<64xi32, #tpu.memory_space<vmem>>, vector<16xi32>,
        tpu.vector_store %arg12[%swap3A_706], %add3A_705 {strides = array<i32>} : memref<64xi32, #tpu.memory_space<vmem>>, vector<16xi32>,
        %add3A_708 = arith.constant 384 : i32
        %add3A_709 = vector.broadcast %add3A_708 : i32 to vector<16xi32>
        %add3A_710 = arith.addi %add3A_695, %add3A_709 : vector<16xi32>
        %add3A_711 = arith.constant 1 : i32
        %add3A_712 = vector.broadcast %add3A_711 : i32 to vector<16xi32>
        %add3A_713 = arith.addi %add3A_710, %add3A_712 : vector<16xi32>
        %swap3A_714 = arith.constant 0 : index
        %swap3A_715 = tpu.vector_load %arg13[%swap3A_714] {strides = array<i32>} : memref<64xi32, #tpu.memory_space<vmem>>, vector<16xi32>,
        tpu.vector_store %arg13[%swap3A_714], %add3A_713 {strides = array<i32>} : memref<64xi32, #tpu.memory_space<vmem>>, vector<16xi32>,
        %sub3A_716 = arith.constant 1.000000e+00 : f32
        %sub3A_717 = vector.broadcast %sub3A_716 : f32 to vector<16xf32>
        %sub3A_718 = arith.subf %sub3A_717, %min3A_679 : vector<16xf32>
        %sub3A_719 = arith.constant 1.000000e+00 : f32
        %sub3A_720 = vector.broadcast %sub3A_719 : f32 to vector<16xf32>
        %sub3A_721 = arith.subf %sub3A_720, %min3A_687 : vector<16xf32>
        %mul3A_722 = arith.mulf %sub3A_718, %sub3A_721 : vector<16xf32>
        %swap3A_723 = arith.constant 0 : index
        %swap3A_724 = tpu.vector_load %arg18[%swap3A_723] {strides = array<i32>} : memref<256xf32, #tpu.memory_space<vmem>>, vector<16xf32>,
        tpu.vector_store %arg18[%swap3A_723], %mul3A_722 {strides = array<i32>} : memref<256xf32, #tpu.memory_space<vmem>>, vector<16xf32>,
        %mul3A_725 = arith.mulf %sub3A_718, %min3A_687 : vector<16xf32>
        %swap3A_726 = arith.constant 64 : index
        %swap3A_727 = tpu.vector_load %arg18[%swap3A_726] {strides = array<i32>} : memref<256xf32, #tpu.memory_space<vmem>>, vector<16xf32>,
        tpu.vector_store %arg18[%swap3A_726], %mul3A_725 {strides = array<i32>} : memref<256xf32, #tpu.memory_space<vmem>>, vector<16xf32>,
        %mul3A_728 = arith.mulf %min3A_679, %sub3A_721 : vector<16xf32>
        %swap3A_729 = arith.constant 128 : index
        %swap3A_730 = tpu.vector_load %arg18[%swap3A_729] {strides = array<i32>} : memref<256xf32, #tpu.memory_space<vmem>>, vector<16xf32>,
        tpu.vector_store %arg18[%swap3A_729], %mul3A_728 {strides = array<i32>} : memref<256xf32, #tpu.memory_space<vmem>>, vector<16xf32>,
        %mul3A_731 = arith.mulf %min3A_679, %min3A_687 : vector<16xf32>
        %swap3A_732 = arith.constant 192 : index
        %swap3A_733 = tpu.vector_load %arg18[%swap3A_732] {strides = array<i32>} : memref<256xf32, #tpu.memory_space<vmem>>, vector<16xf32>,
        tpu.vector_store %arg18[%swap3A_732], %mul3A_731 {strides = array<i32>} : memref<256xf32, #tpu.memory_space<vmem>>, vector<16xf32>,
        %add3A_734 = arith.constant 16 : i32
        %add3A_735 = arith.addi %add3A_618, %add3A_734 : i32
        %iota3A_736 = tpu.iota {dimensions = array<i32: 0>} : vector<16xi32>
        %add3A_737 = vector.broadcast %add3A_735 : i32 to vector<16xi32>
        %add3A_738 = arith.addi %add3A_737, %iota3A_736 : vector<16xi32>
        %shift_right_arithmetic3A_739 = arith.constant 7 : i32
        %shift_right_arithmetic3A_740 = vector.broadcast %shift_right_arithmetic3A_739 : i32 to vector<16xi32>
        %shift_right_arithmetic3A_741 = arith.shrsi %add3A_738, %shift_right_arithmetic3A_740 : vector<16xi32>
        %mul3A_742 = arith.constant 43691 : i32
        %mul3A_743 = vector.broadcast %mul3A_742 : i32 to vector<16xi32>
        %mul3A_744 = arith.muli %shift_right_arithmetic3A_741, %mul3A_743 : vector<16xi32>
        %shift_right_arithmetic3A_745 = arith.constant 17 : i32
        %shift_right_arithmetic3A_746 = vector.broadcast %shift_right_arithmetic3A_745 : i32 to vector<16xi32>
        %shift_right_arithmetic3A_747 = arith.shrsi %mul3A_744, %shift_right_arithmetic3A_746 : vector<16xi32>
        %mul3A_748 = arith.constant 384 : i32
        %mul3A_749 = vector.broadcast %mul3A_748 : i32 to vector<16xi32>
        %mul3A_750 = arith.muli %shift_right_arithmetic3A_747, %mul3A_749 : vector<16xi32>
        %sub3A_751 = arith.subi %add3A_738, %mul3A_750 : vector<16xi32>
        %shift_right_arithmetic3A_752 = arith.constant 7 : i32
        %shift_right_arithmetic3A_753 = vector.broadcast %shift_right_arithmetic3A_752 : i32 to vector<16xi32>
        %shift_right_arithmetic3A_754 = arith.shrsi %shift_right_arithmetic3A_747, %shift_right_arithmetic3A_753 : vector<16xi32>
        %mul3A_755 = arith.constant 43691 : i32
        %mul3A_756 = vector.broadcast %mul3A_755 : i32 to vector<16xi32>
        %mul3A_757 = arith.muli %shift_right_arithmetic3A_754, %mul3A_756 : vector<16xi32>
        %shift_right_arithmetic3A_758 = arith.constant 17 : i32
        %shift_right_arithmetic3A_759 = vector.broadcast %shift_right_arithmetic3A_758 : i32 to vector<16xi32>
        %shift_right_arithmetic3A_760 = arith.shrsi %mul3A_757, %shift_right_arithmetic3A_759 : vector<16xi32>
        %mul3A_761 = arith.constant 384 : i32
        %mul3A_762 = vector.broadcast %mul3A_761 : i32 to vector<16xi32>
        %mul3A_763 = arith.muli %shift_right_arithmetic3A_760, %mul3A_762 : vector<16xi32>
        %sub3A_764 = arith.subi %shift_right_arithmetic3A_747, %mul3A_763 : vector<16xi32>
        %convert_element_type3A_765 = arith.sitofp %sub3A_764 : vector<16xi32> to vector<16xf32>
        %get3A_766 = arith.constant 16 : index
        %get3A_767 = tpu.vector_load %arg6[%get3A_766] {strides = array<i32>} : memref<64xf32, #tpu.memory_space<vmem>>, vector<16xf32>,
        %sub3A_768 = arith.subf %convert_element_type3A_765, %get3A_767 : vector<16xf32>
        %convert_element_type3A_769 = arith.sitofp %sub3A_751 : vector<16xi32> to vector<16xf32>
        %get3A_770 = arith.constant 16 : index
        %get3A_771 = tpu.vector_load %arg8[%get3A_770] {strides = array<i32>} : memref<64xf32, #tpu.memory_space<vmem>>, vector<16xf32>,
        %sub3A_772 = arith.subf %convert_element_type3A_769, %get3A_771 : vector<16xf32>
        %jit3A_773 = arith.constant 0.000000e+00 : f32
        %jit3A_774 = arith.constant 3.820000e+02 : f32
        %max3A_775 = vector.broadcast %jit3A_773 : f32 to vector<16xf32>
        %max3A_776 = arith.maximumf %max3A_775, %sub3A_768 : vector<16xf32>
        %min3A_777 = vector.broadcast %jit3A_774 : f32 to vector<16xf32>
        %min3A_778 = arith.minimumf %min3A_777, %max3A_776 : vector<16xf32>
        %jit3A_779 = arith.constant 0.000000e+00 : f32
        %jit3A_780 = arith.constant 3.820000e+02 : f32
        %max3A_781 = vector.broadcast %jit3A_779 : f32 to vector<16xf32>
        %max3A_782 = arith.maximumf %max3A_781, %sub3A_772 : vector<16xf32>
        %min3A_783 = vector.broadcast %jit3A_780 : f32 to vector<16xf32>
        %min3A_784 = arith.minimumf %min3A_783, %max3A_782 : vector<16xf32>
        %convert_element_type3A_785 = arith.fptosi %min3A_778 : vector<16xf32> to vector<16xi32>
        %convert_element_type3A_786 = arith.fptosi %min3A_784 : vector<16xf32> to vector<16xi32>
        %convert_element_type3A_787 = arith.sitofp %convert_element_type3A_785 : vector<16xi32> to vector<16xf32>
        %sub3A_788 = arith.subf %sub3A_768, %convert_element_type3A_787 : vector<16xf32>
        %jit3A_789 = arith.constant 0.000000e+00 : f32
        %jit3A_790 = arith.constant 1.000000e+00 : f32
        %max3A_791 = vector.broadcast %jit3A_789 : f32 to vector<16xf32>
        %max3A_792 = arith.maximumf %max3A_791, %sub3A_788 : vector<16xf32>
        %min3A_793 = vector.broadcast %jit3A_790 : f32 to vector<16xf32>
        %min3A_794 = arith.minimumf %min3A_793, %max3A_792 : vector<16xf32>
        %convert_element_type3A_795 = arith.sitofp %convert_element_type3A_786 : vector<16xi32> to vector<16xf32>
        %sub3A_796 = arith.subf %sub3A_772, %convert_element_type3A_795 : vector<16xf32>
        %jit3A_797 = arith.constant 0.000000e+00 : f32
        %jit3A_798 = arith.constant 1.000000e+00 : f32
        %max3A_799 = vector.broadcast %jit3A_797 : f32 to vector<16xf32>
        %max3A_800 = arith.maximumf %max3A_799, %sub3A_796 : vector<16xf32>
        %min3A_801 = vector.broadcast %jit3A_798 : f32 to vector<16xf32>
        %min3A_802 = arith.minimumf %min3A_801, %max3A_800 : vector<16xf32>
        %mul3A_803 = arith.constant 147456 : i32
        %mul3A_804 = vector.broadcast %mul3A_803 : i32 to vector<16xi32>
        %mul3A_805 = arith.muli %shift_right_arithmetic3A_760, %mul3A_804 : vector<16xi32>
        %mul3A_806 = arith.constant 384 : i32
        %mul3A_807 = vector.broadcast %mul3A_806 : i32 to vector<16xi32>
        %mul3A_808 = arith.muli %convert_element_type3A_785, %mul3A_807 : vector<16xi32>
        %add3A_809 = arith.addi %mul3A_805, %mul3A_808 : vector<16xi32>
        %add3A_810 = arith.addi %add3A_809, %convert_element_type3A_786 : vector<16xi32>
        %swap3A_811 = arith.constant 16 : index
        %swap3A_812 = tpu.vector_load %arg10[%swap3A_811] {strides = array<i32>} : memref<64xi32, #tpu.memory_space<vmem>>, vector<16xi32>,
        tpu.vector_store %arg10[%swap3A_811], %add3A_810 {strides = array<i32>} : memref<64xi32, #tpu.memory_space<vmem>>, vector<16xi32>,
        %add3A_813 = arith.constant 1 : i32
        %add3A_814 = vector.broadcast %add3A_813 : i32 to vector<16xi32>
        %add3A_815 = arith.addi %add3A_810, %add3A_814 : vector<16xi32>
        %swap3A_816 = arith.constant 16 : index
        %swap3A_817 = tpu.vector_load %arg11[%swap3A_816] {strides = array<i32>} : memref<64xi32, #tpu.memory_space<vmem>>, vector<16xi32>,
        tpu.vector_store %arg11[%swap3A_816], %add3A_815 {strides = array<i32>} : memref<64xi32, #tpu.memory_space<vmem>>, vector<16xi32>,
        %add3A_818 = arith.constant 384 : i32
        %add3A_819 = vector.broadcast %add3A_818 : i32 to vector<16xi32>
        %add3A_820 = arith.addi %add3A_810, %add3A_819 : vector<16xi32>
        %swap3A_821 = arith.constant 16 : index
        %swap3A_822 = tpu.vector_load %arg12[%swap3A_821] {strides = array<i32>} : memref<64xi32, #tpu.memory_space<vmem>>, vector<16xi32>,
        tpu.vector_store %arg12[%swap3A_821], %add3A_820 {strides = array<i32>} : memref<64xi32, #tpu.memory_space<vmem>>, vector<16xi32>,
        %add3A_823 = arith.constant 384 : i32
        %add3A_824 = vector.broadcast %add3A_823 : i32 to vector<16xi32>
        %add3A_825 = arith.addi %add3A_810, %add3A_824 : vector<16xi32>
        %add3A_826 = arith.constant 1 : i32
        %add3A_827 = vector.broadcast %add3A_826 : i32 to vector<16xi32>
        %add3A_828 = arith.addi %add3A_825, %add3A_827 : vector<16xi32>
        %swap3A_829 = arith.constant 16 : index
        %swap3A_830 = tpu.vector_load %arg13[%swap3A_829] {strides = array<i32>} : memref<64xi32, #tpu.memory_space<vmem>>, vector<16xi32>,
        tpu.vector_store %arg13[%swap3A_829], %add3A_828 {strides = array<i32>} : memref<64xi32, #tpu.memory_space<vmem>>, vector<16xi32>,
        %sub3A_831 = arith.constant 1.000000e+00 : f32
        %sub3A_832 = vector.broadcast %sub3A_831 : f32 to vector<16xf32>
        %sub3A_833 = arith.subf %sub3A_832, %min3A_794 : vector<16xf32>
        %sub3A_834 = arith.constant 1.000000e+00 : f32
        %sub3A_835 = vector.broadcast %sub3A_834 : f32 to vector<16xf32>
        %sub3A_836 = arith.subf %sub3A_835, %min3A_802 : vector<16xf32>
        %mul3A_837 = arith.mulf %sub3A_833, %sub3A_836 : vector<16xf32>
        %swap3A_838 = arith.constant 16 : index
        %swap3A_839 = tpu.vector_load %arg18[%swap3A_838] {strides = array<i32>} : memref<256xf32, #tpu.memory_space<vmem>>, vector<16xf32>,
        tpu.vector_store %arg18[%swap3A_838], %mul3A_837 {strides = array<i32>} : memref<256xf32, #tpu.memory_space<vmem>>, vector<16xf32>,
        %mul3A_840 = arith.mulf %sub3A_833, %min3A_802 : vector<16xf32>
        %swap3A_841 = arith.constant 80 : index
        %swap3A_842 = tpu.vector_load %arg18[%swap3A_841] {strides = array<i32>} : memref<256xf32, #tpu.memory_space<vmem>>, vector<16xf32>,
        tpu.vector_store %arg18[%swap3A_841], %mul3A_840 {strides = array<i32>} : memref<256xf32, #tpu.memory_space<vmem>>, vector<16xf32>,
        %mul3A_843 = arith.mulf %min3A_794, %sub3A_836 : vector<16xf32>
        %swap3A_844 = arith.constant 144 : index
        %swap3A_845 = tpu.vector_load %arg18[%swap3A_844] {strides = array<i32>} : memref<256xf32, #tpu.memory_space<vmem>>, vector<16xf32>,
        tpu.vector_store %arg18[%swap3A_844], %mul3A_843 {strides = array<i32>} : memref<256xf32, #tpu.memory_space<vmem>>, vector<16xf32>,
        %mul3A_846 = arith.mulf %min3A_794, %min3A_802 : vector<16xf32>
        %swap3A_847 = arith.constant 208 : index
        %swap3A_848 = tpu.vector_load %arg18[%swap3A_847] {strides = array<i32>} : memref<256xf32, #tpu.memory_space<vmem>>, vector<16xf32>,
        tpu.vector_store %arg18[%swap3A_847], %mul3A_846 {strides = array<i32>} : memref<256xf32, #tpu.memory_space<vmem>>, vector<16xf32>,
        %add3A_849 = arith.constant 32 : i32
        %add3A_850 = arith.addi %add3A_618, %add3A_849 : i32
        %iota3A_851 = tpu.iota {dimensions = array<i32: 0>} : vector<16xi32>
        %add3A_852 = vector.broadcast %add3A_850 : i32 to vector<16xi32>
        %add3A_853 = arith.addi %add3A_852, %iota3A_851 : vector<16xi32>
        %shift_right_arithmetic3A_854 = arith.constant 7 : i32
        %shift_right_arithmetic3A_855 = vector.broadcast %shift_right_arithmetic3A_854 : i32 to vector<16xi32>
        %shift_right_arithmetic3A_856 = arith.shrsi %add3A_853, %shift_right_arithmetic3A_855 : vector<16xi32>
        %mul3A_857 = arith.constant 43691 : i32
        %mul3A_858 = vector.broadcast %mul3A_857 : i32 to vector<16xi32>
        %mul3A_859 = arith.muli %shift_right_arithmetic3A_856, %mul3A_858 : vector<16xi32>
        %shift_right_arithmetic3A_860 = arith.constant 17 : i32
        %shift_right_arithmetic3A_861 = vector.broadcast %shift_right_arithmetic3A_860 : i32 to vector<16xi32>
        %shift_right_arithmetic3A_862 = arith.shrsi %mul3A_859, %shift_right_arithmetic3A_861 : vector<16xi32>
        %mul3A_863 = arith.constant 384 : i32
        %mul3A_864 = vector.broadcast %mul3A_863 : i32 to vector<16xi32>
        %mul3A_865 = arith.muli %shift_right_arithmetic3A_862, %mul3A_864 : vector<16xi32>
        %sub3A_866 = arith.subi %add3A_853, %mul3A_865 : vector<16xi32>
        %shift_right_arithmetic3A_867 = arith.constant 7 : i32
        %shift_right_arithmetic3A_868 = vector.broadcast %shift_right_arithmetic3A_867 : i32 to vector<16xi32>
        %shift_right_arithmetic3A_869 = arith.shrsi %shift_right_arithmetic3A_862, %shift_right_arithmetic3A_868 : vector<16xi32>
        %mul3A_870 = arith.constant 43691 : i32
        %mul3A_871 = vector.broadcast %mul3A_870 : i32 to vector<16xi32>
        %mul3A_872 = arith.muli %shift_right_arithmetic3A_869, %mul3A_871 : vector<16xi32>
        %shift_right_arithmetic3A_873 = arith.constant 17 : i32
        %shift_right_arithmetic3A_874 = vector.broadcast %shift_right_arithmetic3A_873 : i32 to vector<16xi32>
        %shift_right_arithmetic3A_875 = arith.shrsi %mul3A_872, %shift_right_arithmetic3A_874 : vector<16xi32>
        %mul3A_876 = arith.constant 384 : i32
        %mul3A_877 = vector.broadcast %mul3A_876 : i32 to vector<16xi32>
        %mul3A_878 = arith.muli %shift_right_arithmetic3A_875, %mul3A_877 : vector<16xi32>
        %sub3A_879 = arith.subi %shift_right_arithmetic3A_862, %mul3A_878 : vector<16xi32>
        %convert_element_type3A_880 = arith.sitofp %sub3A_879 : vector<16xi32> to vector<16xf32>
        %get3A_881 = arith.constant 32 : index
        %get3A_882 = tpu.vector_load %arg6[%get3A_881] {strides = array<i32>} : memref<64xf32, #tpu.memory_space<vmem>>, vector<16xf32>,
        %sub3A_883 = arith.subf %convert_element_type3A_880, %get3A_882 : vector<16xf32>
        %convert_element_type3A_884 = arith.sitofp %sub3A_866 : vector<16xi32> to vector<16xf32>
        %get3A_885 = arith.constant 32 : index
        %get3A_886 = tpu.vector_load %arg8[%get3A_885] {strides = array<i32>} : memref<64xf32, #tpu.memory_space<vmem>>, vector<16xf32>,
        %sub3A_887 = arith.subf %convert_element_type3A_884, %get3A_886 : vector<16xf32>
        %jit3A_888 = arith.constant 0.000000e+00 : f32
        %jit3A_889 = arith.constant 3.820000e+02 : f32
        %max3A_890 = vector.broadcast %jit3A_888 : f32 to vector<16xf32>
        %max3A_891 = arith.maximumf %max3A_890, %sub3A_883 : vector<16xf32>
        %min3A_892 = vector.broadcast %jit3A_889 : f32 to vector<16xf32>
        %min3A_893 = arith.minimumf %min3A_892, %max3A_891 : vector<16xf32>
        %jit3A_894 = arith.constant 0.000000e+00 : f32
        %jit3A_895 = arith.constant 3.820000e+02 : f32
        %max3A_896 = vector.broadcast %jit3A_894 : f32 to vector<16xf32>
        %max3A_897 = arith.maximumf %max3A_896, %sub3A_887 : vector<16xf32>
        %min3A_898 = vector.broadcast %jit3A_895 : f32 to vector<16xf32>
        %min3A_899 = arith.minimumf %min3A_898, %max3A_897 : vector<16xf32>
        %convert_element_type3A_900 = arith.fptosi %min3A_893 : vector<16xf32> to vector<16xi32>
        %convert_element_type3A_901 = arith.fptosi %min3A_899 : vector<16xf32> to vector<16xi32>
        %convert_element_type3A_902 = arith.sitofp %convert_element_type3A_900 : vector<16xi32> to vector<16xf32>
        %sub3A_903 = arith.subf %sub3A_883, %convert_element_type3A_902 : vector<16xf32>
        %jit3A_904 = arith.constant 0.000000e+00 : f32
        %jit3A_905 = arith.constant 1.000000e+00 : f32
        %max3A_906 = vector.broadcast %jit3A_904 : f32 to vector<16xf32>
        %max3A_907 = arith.maximumf %max3A_906, %sub3A_903 : vector<16xf32>
        %min3A_908 = vector.broadcast %jit3A_905 : f32 to vector<16xf32>
        %min3A_909 = arith.minimumf %min3A_908, %max3A_907 : vector<16xf32>
        %convert_element_type3A_910 = arith.sitofp %convert_element_type3A_901 : vector<16xi32> to vector<16xf32>
        %sub3A_911 = arith.subf %sub3A_887, %convert_element_type3A_910 : vector<16xf32>
        %jit3A_912 = arith.constant 0.000000e+00 : f32
        %jit3A_913 = arith.constant 1.000000e+00 : f32
        %max3A_914 = vector.broadcast %jit3A_912 : f32 to vector<16xf32>
        %max3A_915 = arith.maximumf %max3A_914, %sub3A_911 : vector<16xf32>
        %min3A_916 = vector.broadcast %jit3A_913 : f32 to vector<16xf32>
        %min3A_917 = arith.minimumf %min3A_916, %max3A_915 : vector<16xf32>
        %mul3A_918 = arith.constant 147456 : i32
        %mul3A_919 = vector.broadcast %mul3A_918 : i32 to vector<16xi32>
        %mul3A_920 = arith.muli %shift_right_arithmetic3A_875, %mul3A_919 : vector<16xi32>
        %mul3A_921 = arith.constant 384 : i32
        %mul3A_922 = vector.broadcast %mul3A_921 : i32 to vector<16xi32>
        %mul3A_923 = arith.muli %convert_element_type3A_900, %mul3A_922 : vector<16xi32>
        %add3A_924 = arith.addi %mul3A_920, %mul3A_923 : vector<16xi32>
        %add3A_925 = arith.addi %add3A_924, %convert_element_type3A_901 : vector<16xi32>
        %swap3A_926 = arith.constant 32 : index
        %swap3A_927 = tpu.vector_load %arg10[%swap3A_926] {strides = array<i32>} : memref<64xi32, #tpu.memory_space<vmem>>, vector<16xi32>,
        tpu.vector_store %arg10[%swap3A_926], %add3A_925 {strides = array<i32>} : memref<64xi32, #tpu.memory_space<vmem>>, vector<16xi32>,
        %add3A_928 = arith.constant 1 : i32
        %add3A_929 = vector.broadcast %add3A_928 : i32 to vector<16xi32>
        %add3A_930 = arith.addi %add3A_925, %add3A_929 : vector<16xi32>
        %swap3A_931 = arith.constant 32 : index
        %swap3A_932 = tpu.vector_load %arg11[%swap3A_931] {strides = array<i32>} : memref<64xi32, #tpu.memory_space<vmem>>, vector<16xi32>,
        tpu.vector_store %arg11[%swap3A_931], %add3A_930 {strides = array<i32>} : memref<64xi32, #tpu.memory_space<vmem>>, vector<16xi32>,
        %add3A_933 = arith.constant 384 : i32
        %add3A_934 = vector.broadcast %add3A_933 : i32 to vector<16xi32>
        %add3A_935 = arith.addi %add3A_925, %add3A_934 : vector<16xi32>
        %swap3A_936 = arith.constant 32 : index
        %swap3A_937 = tpu.vector_load %arg12[%swap3A_936] {strides = array<i32>} : memref<64xi32, #tpu.memory_space<vmem>>, vector<16xi32>,
        tpu.vector_store %arg12[%swap3A_936], %add3A_935 {strides = array<i32>} : memref<64xi32, #tpu.memory_space<vmem>>, vector<16xi32>,
        %add3A_938 = arith.constant 384 : i32
        %add3A_939 = vector.broadcast %add3A_938 : i32 to vector<16xi32>
        %add3A_940 = arith.addi %add3A_925, %add3A_939 : vector<16xi32>
        %add3A_941 = arith.constant 1 : i32
        %add3A_942 = vector.broadcast %add3A_941 : i32 to vector<16xi32>
        %add3A_943 = arith.addi %add3A_940, %add3A_942 : vector<16xi32>
        %swap3A_944 = arith.constant 32 : index
        %swap3A_945 = tpu.vector_load %arg13[%swap3A_944] {strides = array<i32>} : memref<64xi32, #tpu.memory_space<vmem>>, vector<16xi32>,
        tpu.vector_store %arg13[%swap3A_944], %add3A_943 {strides = array<i32>} : memref<64xi32, #tpu.memory_space<vmem>>, vector<16xi32>,
        %sub3A_946 = arith.constant 1.000000e+00 : f32
        %sub3A_947 = vector.broadcast %sub3A_946 : f32 to vector<16xf32>
        %sub3A_948 = arith.subf %sub3A_947, %min3A_909 : vector<16xf32>
        %sub3A_949 = arith.constant 1.000000e+00 : f32
        %sub3A_950 = vector.broadcast %sub3A_949 : f32 to vector<16xf32>
        %sub3A_951 = arith.subf %sub3A_950, %min3A_917 : vector<16xf32>
        %mul3A_952 = arith.mulf %sub3A_948, %sub3A_951 : vector<16xf32>
        %swap3A_953 = arith.constant 32 : index
        %swap3A_954 = tpu.vector_load %arg18[%swap3A_953] {strides = array<i32>} : memref<256xf32, #tpu.memory_space<vmem>>, vector<16xf32>,
        tpu.vector_store %arg18[%swap3A_953], %mul3A_952 {strides = array<i32>} : memref<256xf32, #tpu.memory_space<vmem>>, vector<16xf32>,
        %mul3A_955 = arith.mulf %sub3A_948, %min3A_917 : vector<16xf32>
        %swap3A_956 = arith.constant 96 : index
        %swap3A_957 = tpu.vector_load %arg18[%swap3A_956] {strides = array<i32>} : memref<256xf32, #tpu.memory_space<vmem>>, vector<16xf32>,
        tpu.vector_store %arg18[%swap3A_956], %mul3A_955 {strides = array<i32>} : memref<256xf32, #tpu.memory_space<vmem>>, vector<16xf32>,
        %mul3A_958 = arith.mulf %min3A_909, %sub3A_951 : vector<16xf32>
        %swap3A_959 = arith.constant 160 : index
        %swap3A_960 = tpu.vector_load %arg18[%swap3A_959] {strides = array<i32>} : memref<256xf32, #tpu.memory_space<vmem>>, vector<16xf32>,
        tpu.vector_store %arg18[%swap3A_959], %mul3A_958 {strides = array<i32>} : memref<256xf32, #tpu.memory_space<vmem>>, vector<16xf32>,
        %mul3A_961 = arith.mulf %min3A_909, %min3A_917 : vector<16xf32>
        %swap3A_962 = arith.constant 224 : index
        %swap3A_963 = tpu.vector_load %arg18[%swap3A_962] {strides = array<i32>} : memref<256xf32, #tpu.memory_space<vmem>>, vector<16xf32>,
        tpu.vector_store %arg18[%swap3A_962], %mul3A_961 {strides = array<i32>} : memref<256xf32, #tpu.memory_space<vmem>>, vector<16xf32>,
        %add3A_964 = arith.constant 48 : i32
        %add3A_965 = arith.addi %add3A_618, %add3A_964 : i32
        %iota3A_966 = tpu.iota {dimensions = array<i32: 0>} : vector<16xi32>
        %add3A_967 = vector.broadcast %add3A_965 : i32 to vector<16xi32>
        %add3A_968 = arith.addi %add3A_967, %iota3A_966 : vector<16xi32>
        %shift_right_arithmetic3A_969 = arith.constant 7 : i32
        %shift_right_arithmetic3A_970 = vector.broadcast %shift_right_arithmetic3A_969 : i32 to vector<16xi32>
        %shift_right_arithmetic3A_971 = arith.shrsi %add3A_968, %shift_right_arithmetic3A_970 : vector<16xi32>
        %mul3A_972 = arith.constant 43691 : i32
        %mul3A_973 = vector.broadcast %mul3A_972 : i32 to vector<16xi32>
        %mul3A_974 = arith.muli %shift_right_arithmetic3A_971, %mul3A_973 : vector<16xi32>
        %shift_right_arithmetic3A_975 = arith.constant 17 : i32
        %shift_right_arithmetic3A_976 = vector.broadcast %shift_right_arithmetic3A_975 : i32 to vector<16xi32>
        %shift_right_arithmetic3A_977 = arith.shrsi %mul3A_974, %shift_right_arithmetic3A_976 : vector<16xi32>
        %mul3A_978 = arith.constant 384 : i32
        %mul3A_979 = vector.broadcast %mul3A_978 : i32 to vector<16xi32>
        %mul3A_980 = arith.muli %shift_right_arithmetic3A_977, %mul3A_979 : vector<16xi32>
        %sub3A_981 = arith.subi %add3A_968, %mul3A_980 : vector<16xi32>
        %shift_right_arithmetic3A_982 = arith.constant 7 : i32
        %shift_right_arithmetic3A_983 = vector.broadcast %shift_right_arithmetic3A_982 : i32 to vector<16xi32>
        %shift_right_arithmetic3A_984 = arith.shrsi %shift_right_arithmetic3A_977, %shift_right_arithmetic3A_983 : vector<16xi32>
        %mul3A_985 = arith.constant 43691 : i32
        %mul3A_986 = vector.broadcast %mul3A_985 : i32 to vector<16xi32>
        %mul3A_987 = arith.muli %shift_right_arithmetic3A_984, %mul3A_986 : vector<16xi32>
        %shift_right_arithmetic3A_988 = arith.constant 17 : i32
        %shift_right_arithmetic3A_989 = vector.broadcast %shift_right_arithmetic3A_988 : i32 to vector<16xi32>
        %shift_right_arithmetic3A_990 = arith.shrsi %mul3A_987, %shift_right_arithmetic3A_989 : vector<16xi32>
        %mul3A_991 = arith.constant 384 : i32
        %mul3A_992 = vector.broadcast %mul3A_991 : i32 to vector<16xi32>
        %mul3A_993 = arith.muli %shift_right_arithmetic3A_990, %mul3A_992 : vector<16xi32>
        %sub3A_994 = arith.subi %shift_right_arithmetic3A_977, %mul3A_993 : vector<16xi32>
        %convert_element_type3A_995 = arith.sitofp %sub3A_994 : vector<16xi32> to vector<16xf32>
        %get3A_996 = arith.constant 48 : index
        %get3A_997 = tpu.vector_load %arg6[%get3A_996] {strides = array<i32>} : memref<64xf32, #tpu.memory_space<vmem>>, vector<16xf32>,
        %sub3A_998 = arith.subf %convert_element_type3A_995, %get3A_997 : vector<16xf32>
        %convert_element_type3A_999 = arith.sitofp %sub3A_981 : vector<16xi32> to vector<16xf32>
        %get3A_1000 = arith.constant 48 : index
        %get3A_1001 = tpu.vector_load %arg8[%get3A_1000] {strides = array<i32>} : memref<64xf32, #tpu.memory_space<vmem>>, vector<16xf32>,
        %sub3A_1002 = arith.subf %convert_element_type3A_999, %get3A_1001 : vector<16xf32>
        %jit3A_1003 = arith.constant 0.000000e+00 : f32
        %jit3A_1004 = arith.constant 3.820000e+02 : f32
        %max3A_1005 = vector.broadcast %jit3A_1003 : f32 to vector<16xf32>
        %max3A_1006 = arith.maximumf %max3A_1005, %sub3A_998 : vector<16xf32>
        %min3A_1007 = vector.broadcast %jit3A_1004 : f32 to vector<16xf32>
        %min3A_1008 = arith.minimumf %min3A_1007, %max3A_1006 : vector<16xf32>
        %jit3A_1009 = arith.constant 0.000000e+00 : f32
        %jit3A_1010 = arith.constant 3.820000e+02 : f32
        %max3A_1011 = vector.broadcast %jit3A_1009 : f32 to vector<16xf32>
        %max3A_1012 = arith.maximumf %max3A_1011, %sub3A_1002 : vector<16xf32>
        %min3A_1013 = vector.broadcast %jit3A_1010 : f32 to vector<16xf32>
        %min3A_1014 = arith.minimumf %min3A_1013, %max3A_1012 : vector<16xf32>
        %convert_element_type3A_1015 = arith.fptosi %min3A_1008 : vector<16xf32> to vector<16xi32>
        %convert_element_type3A_1016 = arith.fptosi %min3A_1014 : vector<16xf32> to vector<16xi32>
        %convert_element_type3A_1017 = arith.sitofp %convert_element_type3A_1015 : vector<16xi32> to vector<16xf32>
        %sub3A_1018 = arith.subf %sub3A_998, %convert_element_type3A_1017 : vector<16xf32>
        %jit3A_1019 = arith.constant 0.000000e+00 : f32
        %jit3A_1020 = arith.constant 1.000000e+00 : f32
        %max3A_1021 = vector.broadcast %jit3A_1019 : f32 to vector<16xf32>
        %max3A_1022 = arith.maximumf %max3A_1021, %sub3A_1018 : vector<16xf32>
        %min3A_1023 = vector.broadcast %jit3A_1020 : f32 to vector<16xf32>
        %min3A_1024 = arith.minimumf %min3A_1023, %max3A_1022 : vector<16xf32>
        %convert_element_type3A_1025 = arith.sitofp %convert_element_type3A_1016 : vector<16xi32> to vector<16xf32>
        %sub3A_1026 = arith.subf %sub3A_1002, %convert_element_type3A_1025 : vector<16xf32>
        %jit3A_1027 = arith.constant 0.000000e+00 : f32
        %jit3A_1028 = arith.constant 1.000000e+00 : f32
        %max3A_1029 = vector.broadcast %jit3A_1027 : f32 to vector<16xf32>
        %max3A_1030 = arith.maximumf %max3A_1029, %sub3A_1026 : vector<16xf32>
        %min3A_1031 = vector.broadcast %jit3A_1028 : f32 to vector<16xf32>
        %min3A_1032 = arith.minimumf %min3A_1031, %max3A_1030 : vector<16xf32>
        %mul3A_1033 = arith.constant 147456 : i32
        %mul3A_1034 = vector.broadcast %mul3A_1033 : i32 to vector<16xi32>
        %mul3A_1035 = arith.muli %shift_right_arithmetic3A_990, %mul3A_1034 : vector<16xi32>
        %mul3A_1036 = arith.constant 384 : i32
        %mul3A_1037 = vector.broadcast %mul3A_1036 : i32 to vector<16xi32>
        %mul3A_1038 = arith.muli %convert_element_type3A_1015, %mul3A_1037 : vector<16xi32>
        %add3A_1039 = arith.addi %mul3A_1035, %mul3A_1038 : vector<16xi32>
        %add3A_1040 = arith.addi %add3A_1039, %convert_element_type3A_1016 : vector<16xi32>
        %swap3A_1041 = arith.constant 48 : index
        %swap3A_1042 = tpu.vector_load %arg10[%swap3A_1041] {strides = array<i32>} : memref<64xi32, #tpu.memory_space<vmem>>, vector<16xi32>,
        tpu.vector_store %arg10[%swap3A_1041], %add3A_1040 {strides = array<i32>} : memref<64xi32, #tpu.memory_space<vmem>>, vector<16xi32>,
        %add3A_1043 = arith.constant 1 : i32
        %add3A_1044 = vector.broadcast %add3A_1043 : i32 to vector<16xi32>
        %add3A_1045 = arith.addi %add3A_1040, %add3A_1044 : vector<16xi32>
        %swap3A_1046 = arith.constant 48 : index
        %swap3A_1047 = tpu.vector_load %arg11[%swap3A_1046] {strides = array<i32>} : memref<64xi32, #tpu.memory_space<vmem>>, vector<16xi32>,
        tpu.vector_store %arg11[%swap3A_1046], %add3A_1045 {strides = array<i32>} : memref<64xi32, #tpu.memory_space<vmem>>, vector<16xi32>,
        %add3A_1048 = arith.constant 384 : i32
        %add3A_1049 = vector.broadcast %add3A_1048 : i32 to vector<16xi32>
        %add3A_1050 = arith.addi %add3A_1040, %add3A_1049 : vector<16xi32>
        %swap3A_1051 = arith.constant 48 : index
        %swap3A_1052 = tpu.vector_load %arg12[%swap3A_1051] {strides = array<i32>} : memref<64xi32, #tpu.memory_space<vmem>>, vector<16xi32>,
        tpu.vector_store %arg12[%swap3A_1051], %add3A_1050 {strides = array<i32>} : memref<64xi32, #tpu.memory_space<vmem>>, vector<16xi32>,
        %add3A_1053 = arith.constant 384 : i32
        %add3A_1054 = vector.broadcast %add3A_1053 : i32 to vector<16xi32>
        %add3A_1055 = arith.addi %add3A_1040, %add3A_1054 : vector<16xi32>
        %add3A_1056 = arith.constant 1 : i32
        %add3A_1057 = vector.broadcast %add3A_1056 : i32 to vector<16xi32>
        %add3A_1058 = arith.addi %add3A_1055, %add3A_1057 : vector<16xi32>
        %swap3A_1059 = arith.constant 48 : index
        %swap3A_1060 = tpu.vector_load %arg13[%swap3A_1059] {strides = array<i32>} : memref<64xi32, #tpu.memory_space<vmem>>, vector<16xi32>,
        tpu.vector_store %arg13[%swap3A_1059], %add3A_1058 {strides = array<i32>} : memref<64xi32, #tpu.memory_space<vmem>>, vector<16xi32>,
        %sub3A_1061 = arith.constant 1.000000e+00 : f32
        %sub3A_1062 = vector.broadcast %sub3A_1061 : f32 to vector<16xf32>
        %sub3A_1063 = arith.subf %sub3A_1062, %min3A_1024 : vector<16xf32>
        %sub3A_1064 = arith.constant 1.000000e+00 : f32
        %sub3A_1065 = vector.broadcast %sub3A_1064 : f32 to vector<16xf32>
        %sub3A_1066 = arith.subf %sub3A_1065, %min3A_1032 : vector<16xf32>
        %mul3A_1067 = arith.mulf %sub3A_1063, %sub3A_1066 : vector<16xf32>
        %swap3A_1068 = arith.constant 48 : index
        %swap3A_1069 = tpu.vector_load %arg18[%swap3A_1068] {strides = array<i32>} : memref<256xf32, #tpu.memory_space<vmem>>, vector<16xf32>,
        tpu.vector_store %arg18[%swap3A_1068], %mul3A_1067 {strides = array<i32>} : memref<256xf32, #tpu.memory_space<vmem>>, vector<16xf32>,
        %mul3A_1070 = arith.mulf %sub3A_1063, %min3A_1032 : vector<16xf32>
        %swap3A_1071 = arith.constant 112 : index
        %swap3A_1072 = tpu.vector_load %arg18[%swap3A_1071] {strides = array<i32>} : memref<256xf32, #tpu.memory_space<vmem>>, vector<16xf32>,
        tpu.vector_store %arg18[%swap3A_1071], %mul3A_1070 {strides = array<i32>} : memref<256xf32, #tpu.memory_space<vmem>>, vector<16xf32>,
        %mul3A_1073 = arith.mulf %min3A_1024, %sub3A_1066 : vector<16xf32>
        %swap3A_1074 = arith.constant 176 : index
        %swap3A_1075 = tpu.vector_load %arg18[%swap3A_1074] {strides = array<i32>} : memref<256xf32, #tpu.memory_space<vmem>>, vector<16xf32>,
        tpu.vector_store %arg18[%swap3A_1074], %mul3A_1073 {strides = array<i32>} : memref<256xf32, #tpu.memory_space<vmem>>, vector<16xf32>,
        %mul3A_1076 = arith.mulf %min3A_1024, %min3A_1032 : vector<16xf32>
        %swap3A_1077 = arith.constant 240 : index
        %swap3A_1078 = tpu.vector_load %arg18[%swap3A_1077] {strides = array<i32>} : memref<256xf32, #tpu.memory_space<vmem>>, vector<16xf32>,
        tpu.vector_store %arg18[%swap3A_1077], %mul3A_1076 {strides = array<i32>} : memref<256xf32, #tpu.memory_space<vmem>>, vector<16xf32>,
        %dma_start3A_1079 = arith.constant 0 : i32
        %dma_start3A_1080 = arith.constant 0 : i32
        %dma_start3A_1081 = tpu.memref_slice %arg20[%dma_start3A_1079, %dma_start3A_1080] : memref<256x128xf32, #tpu.memory_space<vmem>> -> memref<64x128xf32, #tpu.memory_space<vmem>>
        %dma_start3A_1082 = arith.constant 0 : i32
        %dma_start3A_1083 = arith.constant 0 : i32
        %dma_start3A_1084 = tpu.memref_slice %arg2[%dma_start3A_1082, %dma_start3A_1083] : memref<589824x128xf32, #tpu.memory_space<hbm>> -> memref<589824x128xf32, #tpu.memory_space<hbm>>
        tpu.enqueue_indirect_dma source(%dma_start3A_1084 : memref<589824x128xf32, #tpu.memory_space<hbm>>) target(%dma_start3A_1081 : memref<64x128xf32, #tpu.memory_space<vmem>>) offsets(%arg10 : memref<64xi32, #tpu.memory_space<vmem>>) semaphore(%arg26 : memref<!tpu.dma_semaphore, #tpu.memory_space<semaphore_mem>>)
        %dma_start3A_1085 = arith.constant 64 : i32
        %dma_start3A_1086 = arith.constant 0 : i32
        %dma_start3A_1087 = tpu.memref_slice %arg20[%dma_start3A_1085, %dma_start3A_1086] : memref<256x128xf32, #tpu.memory_space<vmem>> -> memref<64x128xf32, #tpu.memory_space<vmem>>
        %dma_start3A_1088 = arith.constant 0 : i32
        %dma_start3A_1089 = arith.constant 0 : i32
        %dma_start3A_1090 = tpu.memref_slice %arg2[%dma_start3A_1088, %dma_start3A_1089] : memref<589824x128xf32, #tpu.memory_space<hbm>> -> memref<589824x128xf32, #tpu.memory_space<hbm>>
        tpu.enqueue_indirect_dma source(%dma_start3A_1090 : memref<589824x128xf32, #tpu.memory_space<hbm>>) target(%dma_start3A_1087 : memref<64x128xf32, #tpu.memory_space<vmem>>) offsets(%arg11 : memref<64xi32, #tpu.memory_space<vmem>>) semaphore(%arg26 : memref<!tpu.dma_semaphore, #tpu.memory_space<semaphore_mem>>)
        %dma_start3A_1091 = arith.constant 128 : i32
        %dma_start3A_1092 = arith.constant 0 : i32
        %dma_start3A_1093 = tpu.memref_slice %arg20[%dma_start3A_1091, %dma_start3A_1092] : memref<256x128xf32, #tpu.memory_space<vmem>> -> memref<64x128xf32, #tpu.memory_space<vmem>>
        %dma_start3A_1094 = arith.constant 0 : i32
        %dma_start3A_1095 = arith.constant 0 : i32
        %dma_start3A_1096 = tpu.memref_slice %arg2[%dma_start3A_1094, %dma_start3A_1095] : memref<589824x128xf32, #tpu.memory_space<hbm>> -> memref<589824x128xf32, #tpu.memory_space<hbm>>
        tpu.enqueue_indirect_dma source(%dma_start3A_1096 : memref<589824x128xf32, #tpu.memory_space<hbm>>) target(%dma_start3A_1093 : memref<64x128xf32, #tpu.memory_space<vmem>>) offsets(%arg12 : memref<64xi32, #tpu.memory_space<vmem>>) semaphore(%arg26 : memref<!tpu.dma_semaphore, #tpu.memory_space<semaphore_mem>>)
        %dma_start3A_1097 = arith.constant 192 : i32
        %dma_start3A_1098 = arith.constant 0 : i32
        %dma_start3A_1099 = tpu.memref_slice %arg20[%dma_start3A_1097, %dma_start3A_1098] : memref<256x128xf32, #tpu.memory_space<vmem>> -> memref<64x128xf32, #tpu.memory_space<vmem>>
        %dma_start3A_1100 = arith.constant 0 : i32
        %dma_start3A_1101 = arith.constant 0 : i32
        %dma_start3A_1102 = tpu.memref_slice %arg2[%dma_start3A_1100, %dma_start3A_1101] : memref<589824x128xf32, #tpu.memory_space<hbm>> -> memref<589824x128xf32, #tpu.memory_space<hbm>>
        tpu.enqueue_indirect_dma source(%dma_start3A_1102 : memref<589824x128xf32, #tpu.memory_space<hbm>>) target(%dma_start3A_1099 : memref<64x128xf32, #tpu.memory_space<vmem>>) offsets(%arg13 : memref<64xi32, #tpu.memory_space<vmem>>) semaphore(%arg26 : memref<!tpu.dma_semaphore, #tpu.memory_space<semaphore_mem>>)
      } else {
      }
      %add3A_565 = arith.constant 2 : i32
      %add3A_566 = arith.addi %add3A_554, %add3A_565 : i32
      %lt3A_567 = arith.constant 288 : i32
      %lt3A_568 = arith.cmpi slt, %add3A_566, %lt3A_567 : i32
      %convert_element_type3A_569 = arith.extui %lt3A_568 : i1 to i32
      %cond3A_570 = arith.constant 0 : i32
      %cond3A_571 = arith.cmpi ne, %convert_element_type3A_569, %cond3A_570 : i32
      scf.if %cond3A_571 {
        %add3A_611 = arith.constant 128 : i32
        %add3A_612 = arith.addi %add3A_557, %add3A_611 : i32
        %dma_start3A_613 = tpu.memref_slice %arg3[%add3A_612] : memref<589824xf32, #tpu.memory_space<hbm>> -> memref<64xf32, #tpu.memory_space<hbm>>
        %dma_start3A_614 = tpu.memref_slice %arg3[%add3A_612] : memref<589824xf32, #tpu.memory_space<hbm>> -> memref<64xf32, #tpu.memory_space<hbm>>
        tpu.enqueue_dma source(%dma_start3A_614 : memref<64xf32, #tpu.memory_space<hbm>>) target(%arg7 : memref<64xf32, #tpu.memory_space<vmem>>) target_semaphore(%arg25 : memref<!tpu.dma_semaphore, #tpu.memory_space<semaphore_mem>>)
        %dma_start3A_615 = tpu.memref_slice %arg4[%add3A_612] : memref<589824xf32, #tpu.memory_space<hbm>> -> memref<64xf32, #tpu.memory_space<hbm>>
        %dma_start3A_616 = tpu.memref_slice %arg4[%add3A_612] : memref<589824xf32, #tpu.memory_space<hbm>> -> memref<64xf32, #tpu.memory_space<hbm>>
        tpu.enqueue_dma source(%dma_start3A_616 : memref<64xf32, #tpu.memory_space<hbm>>) target(%arg9 : memref<64xf32, #tpu.memory_space<vmem>>) target_semaphore(%arg25 : memref<!tpu.dma_semaphore, #tpu.memory_space<semaphore_mem>>)
      } else {
      }
      %dma_wait3A_572 = arith.constant 0 : i32
      %dma_wait3A_573 = arith.constant 0 : i32
      %dma_wait3A_574 = tpu.memref_slice %arg21[%dma_wait3A_572, %dma_wait3A_573] : memref<256x128xf32, #tpu.memory_space<vmem>> -> memref<64x128xf32, #tpu.memory_space<vmem>>
      %dma_wait3A_575 = arith.constant 0 : i32
      %dma_wait3A_576 = arith.constant 0 : i32
      %dma_wait3A_577 = tpu.memref_slice %arg2[%dma_wait3A_575, %dma_wait3A_576] : memref<589824x128xf32, #tpu.memory_space<hbm>> -> memref<589824x128xf32, #tpu.memory_space<hbm>>
      tpu.wait_indirect_dma semaphore(%arg27 : memref<!tpu.dma_semaphore, #tpu.memory_space<semaphore_mem>>) src(%dma_wait3A_577 : memref<589824x128xf32, #tpu.memory_space<hbm>>) dst(%dma_wait3A_574 : memref<64x128xf32, #tpu.memory_space<vmem>>)
      %dma_wait3A_578 = arith.constant 64 : i32
      %dma_wait3A_579 = arith.constant 0 : i32
      %dma_wait3A_580 = tpu.memref_slice %arg21[%dma_wait3A_578, %dma_wait3A_579] : memref<256x128xf32, #tpu.memory_space<vmem>> -> memref<64x128xf32, #tpu.memory_space<vmem>>
      %dma_wait3A_581 = arith.constant 0 : i32
      %dma_wait3A_582 = arith.constant 0 : i32
      %dma_wait3A_583 = tpu.memref_slice %arg2[%dma_wait3A_581, %dma_wait3A_582] : memref<589824x128xf32, #tpu.memory_space<hbm>> -> memref<589824x128xf32, #tpu.memory_space<hbm>>
      tpu.wait_indirect_dma semaphore(%arg27 : memref<!tpu.dma_semaphore, #tpu.memory_space<semaphore_mem>>) src(%dma_wait3A_583 : memref<589824x128xf32, #tpu.memory_space<hbm>>) dst(%dma_wait3A_580 : memref<64x128xf32, #tpu.memory_space<vmem>>)
      %dma_wait3A_584 = arith.constant 128 : i32
      %dma_wait3A_585 = arith.constant 0 : i32
      %dma_wait3A_586 = tpu.memref_slice %arg21[%dma_wait3A_584, %dma_wait3A_585] : memref<256x128xf32, #tpu.memory_space<vmem>> -> memref<64x128xf32, #tpu.memory_space<vmem>>
      %dma_wait3A_587 = arith.constant 0 : i32
      %dma_wait3A_588 = arith.constant 0 : i32
      %dma_wait3A_589 = tpu.memref_slice %arg2[%dma_wait3A_587, %dma_wait3A_588] : memref<589824x128xf32, #tpu.memory_space<hbm>> -> memref<589824x128xf32, #tpu.memory_space<hbm>>
      tpu.wait_indirect_dma semaphore(%arg27 : memref<!tpu.dma_semaphore, #tpu.memory_space<semaphore_mem>>) src(%dma_wait3A_589 : memref<589824x128xf32, #tpu.memory_space<hbm>>) dst(%dma_wait3A_586 : memref<64x128xf32, #tpu.memory_space<vmem>>)
      %dma_wait3A_590 = arith.constant 192 : i32
      %dma_wait3A_591 = arith.constant 0 : i32
      %dma_wait3A_592 = tpu.memref_slice %arg21[%dma_wait3A_590, %dma_wait3A_591] : memref<256x128xf32, #tpu.memory_space<vmem>> -> memref<64x128xf32, #tpu.memory_space<vmem>>
      %dma_wait3A_593 = arith.constant 0 : i32
      %dma_wait3A_594 = arith.constant 0 : i32
      %dma_wait3A_595 = tpu.memref_slice %arg2[%dma_wait3A_593, %dma_wait3A_594] : memref<589824x128xf32, #tpu.memory_space<hbm>> -> memref<589824x128xf32, #tpu.memory_space<hbm>>
      tpu.wait_indirect_dma semaphore(%arg27 : memref<!tpu.dma_semaphore, #tpu.memory_space<semaphore_mem>>) src(%dma_wait3A_595 : memref<589824x128xf32, #tpu.memory_space<hbm>>) dst(%dma_wait3A_592 : memref<64x128xf32, #tpu.memory_space<vmem>>)
      %ge3A_596 = arith.constant 2 : i32
      %ge3A_597 = arith.cmpi sge, %add3A_554, %ge3A_596 : i32
      %convert_element_type3A_598 = arith.extui %ge3A_597 : i1 to i32
      %cond3A_599 = arith.constant 0 : i32
      %cond3A_600 = arith.cmpi ne, %convert_element_type3A_598, %cond3A_599 : i32
      scf.if %cond3A_600 {
        %mul3A_611 = arith.constant 128 : i32
        %mul3A_612 = arith.muli %add3A_557, %mul3A_611 : i32
        %dma_wait3A_613 = tpu.memref_slice %arg5[%mul3A_612] : memref<75497472xf32, #tpu.memory_space<hbm>> -> memref<8192xf32, #tpu.memory_space<hbm>>
        %dma_wait3A_614 = tpu.memref_slice %arg5[%mul3A_612] : memref<75497472xf32, #tpu.memory_space<hbm>> -> memref<8192xf32, #tpu.memory_space<hbm>>
        tpu.wait_dma2 semaphore(%arg29 : memref<!tpu.dma_semaphore, #tpu.memory_space<semaphore_mem>>) src(%arg23 : memref<8192xf32, #tpu.memory_space<vmem>>) dst(%dma_wait3A_614 : memref<8192xf32, #tpu.memory_space<hbm>>)
      } else {
      }
      %scan3A_601 = arith.constant 0 : i32
      %scan3A_602 = arith.constant 0 : i32
      %scan3A_603 = arith.constant 64 : i32
      %scan3A_604 = arith.addi %scan3A_602, %scan3A_603 : i32
      %scan3A_605 = arith.constant 4 : i32
      scf.for %scan3A_611 = %scan3A_602 to %scan3A_604 step %scan3A_605  : i32 {
        %broadcast_in_dim3A = vector.broadcast %scan3A_611 : i32 to vector<16xi32>
        %gather3A = tpu.vector_load_idx %arg19[%broadcast_in_dim3A] : memref<256xf32, #tpu.memory_space<vmem>>[vector<16xi32>], vector<16xf32>,
        %add3A_612 = arith.constant 64 : i32
        %add3A_613 = vector.broadcast %add3A_612 : i32 to vector<16xi32>
        %add3A_614 = arith.addi %broadcast_in_dim3A, %add3A_613 : vector<16xi32>
        %gather3A_615 = tpu.vector_load_idx %arg19[%add3A_614] : memref<256xf32, #tpu.memory_space<vmem>>[vector<16xi32>], vector<16xf32>,
        %add3A_616 = arith.constant 128 : i32
        %add3A_617 = vector.broadcast %add3A_616 : i32 to vector<16xi32>
        %add3A_618 = arith.addi %broadcast_in_dim3A, %add3A_617 : vector<16xi32>
        %gather3A_619 = tpu.vector_load_idx %arg19[%add3A_618] : memref<256xf32, #tpu.memory_space<vmem>>[vector<16xi32>], vector<16xf32>,
        %add3A_620 = arith.constant 192 : i32
        %add3A_621 = vector.broadcast %add3A_620 : i32 to vector<16xi32>
        %add3A_622 = arith.addi %broadcast_in_dim3A, %add3A_621 : vector<16xi32>
        %gather3A_623 = tpu.vector_load_idx %arg19[%add3A_622] : memref<256xf32, #tpu.memory_space<vmem>>[vector<16xi32>], vector<16xf32>,
        %get3A_624 = arith.index_cast %scan3A_611 : i32 to index
        %get3A_625 = arith.constant 0 : index
        %get3A_626 = tpu.vector_load %arg21[%get3A_624, %get3A_625] {strides = array<i32>} : memref<256x128xf32, #tpu.memory_space<vmem>>, vector<16xf32>,
        %mul3A_627 = arith.mulf %gather3A, %get3A_626 : vector<16xf32>
        %add3A_628 = arith.constant 64 : i32
        %add3A_629 = arith.addi %add3A_628, %scan3A_611 : i32
        %get3A_630 = arith.index_cast %add3A_629 : i32 to index
        %get3A_631 = arith.constant 0 : index
        %get3A_632 = tpu.vector_load %arg21[%get3A_630, %get3A_631] {strides = array<i32>} : memref<256x128xf32, #tpu.memory_space<vmem>>, vector<16xf32>,
        %mul3A_633 = arith.mulf %gather3A_615, %get3A_632 : vector<16xf32>
        %add3A_634 = arith.addf %mul3A_627, %mul3A_633 : vector<16xf32>
        %add3A_635 = arith.constant 128 : i32
        %add3A_636 = arith.addi %add3A_635, %scan3A_611 : i32
        %get3A_637 = arith.index_cast %add3A_636 : i32 to index
        %get3A_638 = arith.constant 0 : index
        %get3A_639 = tpu.vector_load %arg21[%get3A_637, %get3A_638] {strides = array<i32>} : memref<256x128xf32, #tpu.memory_space<vmem>>, vector<16xf32>,
        %mul3A_640 = arith.mulf %gather3A_619, %get3A_639 : vector<16xf32>
        %add3A_641 = arith.addf %add3A_634, %mul3A_640 : vector<16xf32>
        %add3A_642 = arith.constant 192 : i32
        %add3A_643 = arith.addi %add3A_642, %scan3A_611 : i32
        %get3A_644 = arith.index_cast %add3A_643 : i32 to index
        %get3A_645 = arith.constant 0 : index
        %get3A_646 = tpu.vector_load %arg21[%get3A_644, %get3A_645] {strides = array<i32>} : memref<256x128xf32, #tpu.memory_space<vmem>>, vector<16xf32>,
        %mul3A_647 = arith.mulf %gather3A_623, %get3A_646 : vector<16xf32>
        %add3A_648 = arith.addf %add3A_641, %mul3A_647 : vector<16xf32>
        %mul3A_649 = arith.constant 128 : i32
        %mul3A_650 = arith.muli %scan3A_611, %mul3A_649 : i32
        %add3A_651 = arith.constant 0 : i32
        %add3A_652 = arith.addi %mul3A_650, %add3A_651 : i32
        %swap3A_653 = arith.index_cast %add3A_652 : i32 to index
        %swap3A_654 = tpu.vector_load %arg23[%swap3A_653] {strides = array<i32>} : memref<8192xf32, #tpu.memory_space<vmem>>, vector<16xf32>,
        tpu.vector_store %arg23[%swap3A_653], %add3A_648 {strides = array<i32>} : memref<8192xf32, #tpu.memory_space<vmem>>, vector<16xf32>,
        %get3A_655 = arith.index_cast %scan3A_611 : i32 to index
        %get3A_656 = arith.constant 16 : index
        %get3A_657 = tpu.vector_load %arg21[%get3A_655, %get3A_656] {strides = array<i32>} : memref<256x128xf32, #tpu.memory_space<vmem>>, vector<16xf32>,
        %mul3A_658 = arith.mulf %gather3A, %get3A_657 : vector<16xf32>
        %add3A_659 = arith.constant 64 : i32
        %add3A_660 = arith.addi %add3A_659, %scan3A_611 : i32
        %get3A_661 = arith.index_cast %add3A_660 : i32 to index
        %get3A_662 = arith.constant 16 : index
        %get3A_663 = tpu.vector_load %arg21[%get3A_661, %get3A_662] {strides = array<i32>} : memref<256x128xf32, #tpu.memory_space<vmem>>, vector<16xf32>,
        %mul3A_664 = arith.mulf %gather3A_615, %get3A_663 : vector<16xf32>
        %add3A_665 = arith.addf %mul3A_658, %mul3A_664 : vector<16xf32>
        %add3A_666 = arith.constant 128 : i32
        %add3A_667 = arith.addi %add3A_666, %scan3A_611 : i32
        %get3A_668 = arith.index_cast %add3A_667 : i32 to index
        %get3A_669 = arith.constant 16 : index
        %get3A_670 = tpu.vector_load %arg21[%get3A_668, %get3A_669] {strides = array<i32>} : memref<256x128xf32, #tpu.memory_space<vmem>>, vector<16xf32>,
        %mul3A_671 = arith.mulf %gather3A_619, %get3A_670 : vector<16xf32>
        %add3A_672 = arith.addf %add3A_665, %mul3A_671 : vector<16xf32>
        %add3A_673 = arith.constant 192 : i32
        %add3A_674 = arith.addi %add3A_673, %scan3A_611 : i32
        %get3A_675 = arith.index_cast %add3A_674 : i32 to index
        %get3A_676 = arith.constant 16 : index
        %get3A_677 = tpu.vector_load %arg21[%get3A_675, %get3A_676] {strides = array<i32>} : memref<256x128xf32, #tpu.memory_space<vmem>>, vector<16xf32>,
        %mul3A_678 = arith.mulf %gather3A_623, %get3A_677 : vector<16xf32>
        %add3A_679 = arith.addf %add3A_672, %mul3A_678 : vector<16xf32>
        %mul3A_680 = arith.constant 128 : i32
        %mul3A_681 = arith.muli %scan3A_611, %mul3A_680 : i32
        %add3A_682 = arith.constant 16 : i32
        %add3A_683 = arith.addi %mul3A_681, %add3A_682 : i32
        %swap3A_684 = arith.index_cast %add3A_683 : i32 to index
        %swap3A_685 = tpu.vector_load %arg23[%swap3A_684] {strides = array<i32>} : memref<8192xf32, #tpu.memory_space<vmem>>, vector<16xf32>,
        tpu.vector_store %arg23[%swap3A_684], %add3A_679 {strides = array<i32>} : memref<8192xf32, #tpu.memory_space<vmem>>, vector<16xf32>,
        %get3A_686 = arith.index_cast %scan3A_611 : i32 to index
        %get3A_687 = arith.constant 32 : index
        %get3A_688 = tpu.vector_load %arg21[%get3A_686, %get3A_687] {strides = array<i32>} : memref<256x128xf32, #tpu.memory_space<vmem>>, vector<16xf32>,
        %mul3A_689 = arith.mulf %gather3A, %get3A_688 : vector<16xf32>
        %add3A_690 = arith.constant 64 : i32
        %add3A_691 = arith.addi %add3A_690, %scan3A_611 : i32
        %get3A_692 = arith.index_cast %add3A_691 : i32 to index
        %get3A_693 = arith.constant 32 : index
        %get3A_694 = tpu.vector_load %arg21[%get3A_692, %get3A_693] {strides = array<i32>} : memref<256x128xf32, #tpu.memory_space<vmem>>, vector<16xf32>,
        %mul3A_695 = arith.mulf %gather3A_615, %get3A_694 : vector<16xf32>
        %add3A_696 = arith.addf %mul3A_689, %mul3A_695 : vector<16xf32>
        %add3A_697 = arith.constant 128 : i32
        %add3A_698 = arith.addi %add3A_697, %scan3A_611 : i32
        %get3A_699 = arith.index_cast %add3A_698 : i32 to index
        %get3A_700 = arith.constant 32 : index
        %get3A_701 = tpu.vector_load %arg21[%get3A_699, %get3A_700] {strides = array<i32>} : memref<256x128xf32, #tpu.memory_space<vmem>>, vector<16xf32>,
        %mul3A_702 = arith.mulf %gather3A_619, %get3A_701 : vector<16xf32>
        %add3A_703 = arith.addf %add3A_696, %mul3A_702 : vector<16xf32>
        %add3A_704 = arith.constant 192 : i32
        %add3A_705 = arith.addi %add3A_704, %scan3A_611 : i32
        %get3A_706 = arith.index_cast %add3A_705 : i32 to index
        %get3A_707 = arith.constant 32 : index
        %get3A_708 = tpu.vector_load %arg21[%get3A_706, %get3A_707] {strides = array<i32>} : memref<256x128xf32, #tpu.memory_space<vmem>>, vector<16xf32>,
        %mul3A_709 = arith.mulf %gather3A_623, %get3A_708 : vector<16xf32>
        %add3A_710 = arith.addf %add3A_703, %mul3A_709 : vector<16xf32>
        %mul3A_711 = arith.constant 128 : i32
        %mul3A_712 = arith.muli %scan3A_611, %mul3A_711 : i32
        %add3A_713 = arith.constant 32 : i32
        %add3A_714 = arith.addi %mul3A_712, %add3A_713 : i32
        %swap3A_715 = arith.index_cast %add3A_714 : i32 to index
        %swap3A_716 = tpu.vector_load %arg23[%swap3A_715] {strides = array<i32>} : memref<8192xf32, #tpu.memory_space<vmem>>, vector<16xf32>,
        tpu.vector_store %arg23[%swap3A_715], %add3A_710 {strides = array<i32>} : memref<8192xf32, #tpu.memory_space<vmem>>, vector<16xf32>,
        %get3A_717 = arith.index_cast %scan3A_611 : i32 to index
        %get3A_718 = arith.constant 48 : index
        %get3A_719 = tpu.vector_load %arg21[%get3A_717, %get3A_718] {strides = array<i32>} : memref<256x128xf32, #tpu.memory_space<vmem>>, vector<16xf32>,
        %mul3A_720 = arith.mulf %gather3A, %get3A_719 : vector<16xf32>
        %add3A_721 = arith.constant 64 : i32
        %add3A_722 = arith.addi %add3A_721, %scan3A_611 : i32
        %get3A_723 = arith.index_cast %add3A_722 : i32 to index
        %get3A_724 = arith.constant 48 : index
        %get3A_725 = tpu.vector_load %arg21[%get3A_723, %get3A_724] {strides = array<i32>} : memref<256x128xf32, #tpu.memory_space<vmem>>, vector<16xf32>,
        %mul3A_726 = arith.mulf %gather3A_615, %get3A_725 : vector<16xf32>
        %add3A_727 = arith.addf %mul3A_720, %mul3A_726 : vector<16xf32>
        %add3A_728 = arith.constant 128 : i32
        %add3A_729 = arith.addi %add3A_728, %scan3A_611 : i32
        %get3A_730 = arith.index_cast %add3A_729 : i32 to index
        %get3A_731 = arith.constant 48 : index
        %get3A_732 = tpu.vector_load %arg21[%get3A_730, %get3A_731] {strides = array<i32>} : memref<256x128xf32, #tpu.memory_space<vmem>>, vector<16xf32>,
        %mul3A_733 = arith.mulf %gather3A_619, %get3A_732 : vector<16xf32>
        %add3A_734 = arith.addf %add3A_727, %mul3A_733 : vector<16xf32>
        %add3A_735 = arith.constant 192 : i32
        %add3A_736 = arith.addi %add3A_735, %scan3A_611 : i32
        %get3A_737 = arith.index_cast %add3A_736 : i32 to index
        %get3A_738 = arith.constant 48 : index
        %get3A_739 = tpu.vector_load %arg21[%get3A_737, %get3A_738] {strides = array<i32>} : memref<256x128xf32, #tpu.memory_space<vmem>>, vector<16xf32>,
        %mul3A_740 = arith.mulf %gather3A_623, %get3A_739 : vector<16xf32>
        %add3A_741 = arith.addf %add3A_734, %mul3A_740 : vector<16xf32>
        %mul3A_742 = arith.constant 128 : i32
        %mul3A_743 = arith.muli %scan3A_611, %mul3A_742 : i32
        %add3A_744 = arith.constant 48 : i32
        %add3A_745 = arith.addi %mul3A_743, %add3A_744 : i32
        %swap3A_746 = arith.index_cast %add3A_745 : i32 to index
        %swap3A_747 = tpu.vector_load %arg23[%swap3A_746] {strides = array<i32>} : memref<8192xf32, #tpu.memory_space<vmem>>, vector<16xf32>,
        tpu.vector_store %arg23[%swap3A_746], %add3A_741 {strides = array<i32>} : memref<8192xf32, #tpu.memory_space<vmem>>, vector<16xf32>,
        %get3A_748 = arith.index_cast %scan3A_611 : i32 to index
        %get3A_749 = arith.constant 64 : index
        %get3A_750 = tpu.vector_load %arg21[%get3A_748, %get3A_749] {strides = array<i32>} : memref<256x128xf32, #tpu.memory_space<vmem>>, vector<16xf32>,
        %mul3A_751 = arith.mulf %gather3A, %get3A_750 : vector<16xf32>
        %add3A_752 = arith.constant 64 : i32
        %add3A_753 = arith.addi %add3A_752, %scan3A_611 : i32
        %get3A_754 = arith.index_cast %add3A_753 : i32 to index
        %get3A_755 = arith.constant 64 : index
        %get3A_756 = tpu.vector_load %arg21[%get3A_754, %get3A_755] {strides = array<i32>} : memref<256x128xf32, #tpu.memory_space<vmem>>, vector<16xf32>,
        %mul3A_757 = arith.mulf %gather3A_615, %get3A_756 : vector<16xf32>
        %add3A_758 = arith.addf %mul3A_751, %mul3A_757 : vector<16xf32>
        %add3A_759 = arith.constant 128 : i32
        %add3A_760 = arith.addi %add3A_759, %scan3A_611 : i32
        %get3A_761 = arith.index_cast %add3A_760 : i32 to index
        %get3A_762 = arith.constant 64 : index
        %get3A_763 = tpu.vector_load %arg21[%get3A_761, %get3A_762] {strides = array<i32>} : memref<256x128xf32, #tpu.memory_space<vmem>>, vector<16xf32>,
        %mul3A_764 = arith.mulf %gather3A_619, %get3A_763 : vector<16xf32>
        %add3A_765 = arith.addf %add3A_758, %mul3A_764 : vector<16xf32>
        %add3A_766 = arith.constant 192 : i32
        %add3A_767 = arith.addi %add3A_766, %scan3A_611 : i32
        %get3A_768 = arith.index_cast %add3A_767 : i32 to index
        %get3A_769 = arith.constant 64 : index
        %get3A_770 = tpu.vector_load %arg21[%get3A_768, %get3A_769] {strides = array<i32>} : memref<256x128xf32, #tpu.memory_space<vmem>>, vector<16xf32>,
        %mul3A_771 = arith.mulf %gather3A_623, %get3A_770 : vector<16xf32>
        %add3A_772 = arith.addf %add3A_765, %mul3A_771 : vector<16xf32>
        %mul3A_773 = arith.constant 128 : i32
        %mul3A_774 = arith.muli %scan3A_611, %mul3A_773 : i32
        %add3A_775 = arith.constant 64 : i32
        %add3A_776 = arith.addi %mul3A_774, %add3A_775 : i32
        %swap3A_777 = arith.index_cast %add3A_776 : i32 to index
        %swap3A_778 = tpu.vector_load %arg23[%swap3A_777] {strides = array<i32>} : memref<8192xf32, #tpu.memory_space<vmem>>, vector<16xf32>,
        tpu.vector_store %arg23[%swap3A_777], %add3A_772 {strides = array<i32>} : memref<8192xf32, #tpu.memory_space<vmem>>, vector<16xf32>,
        %get3A_779 = arith.index_cast %scan3A_611 : i32 to index
        %get3A_780 = arith.constant 80 : index
        %get3A_781 = tpu.vector_load %arg21[%get3A_779, %get3A_780] {strides = array<i32>} : memref<256x128xf32, #tpu.memory_space<vmem>>, vector<16xf32>,
        %mul3A_782 = arith.mulf %gather3A, %get3A_781 : vector<16xf32>
        %add3A_783 = arith.constant 64 : i32
        %add3A_784 = arith.addi %add3A_783, %scan3A_611 : i32
        %get3A_785 = arith.index_cast %add3A_784 : i32 to index
        %get3A_786 = arith.constant 80 : index
        %get3A_787 = tpu.vector_load %arg21[%get3A_785, %get3A_786] {strides = array<i32>} : memref<256x128xf32, #tpu.memory_space<vmem>>, vector<16xf32>,
        %mul3A_788 = arith.mulf %gather3A_615, %get3A_787 : vector<16xf32>
        %add3A_789 = arith.addf %mul3A_782, %mul3A_788 : vector<16xf32>
        %add3A_790 = arith.constant 128 : i32
        %add3A_791 = arith.addi %add3A_790, %scan3A_611 : i32
        %get3A_792 = arith.index_cast %add3A_791 : i32 to index
        %get3A_793 = arith.constant 80 : index
        %get3A_794 = tpu.vector_load %arg21[%get3A_792, %get3A_793] {strides = array<i32>} : memref<256x128xf32, #tpu.memory_space<vmem>>, vector<16xf32>,
        %mul3A_795 = arith.mulf %gather3A_619, %get3A_794 : vector<16xf32>
        %add3A_796 = arith.addf %add3A_789, %mul3A_795 : vector<16xf32>
        %add3A_797 = arith.constant 192 : i32
        %add3A_798 = arith.addi %add3A_797, %scan3A_611 : i32
        %get3A_799 = arith.index_cast %add3A_798 : i32 to index
        %get3A_800 = arith.constant 80 : index
        %get3A_801 = tpu.vector_load %arg21[%get3A_799, %get3A_800] {strides = array<i32>} : memref<256x128xf32, #tpu.memory_space<vmem>>, vector<16xf32>,
        %mul3A_802 = arith.mulf %gather3A_623, %get3A_801 : vector<16xf32>
        %add3A_803 = arith.addf %add3A_796, %mul3A_802 : vector<16xf32>
        %mul3A_804 = arith.constant 128 : i32
        %mul3A_805 = arith.muli %scan3A_611, %mul3A_804 : i32
        %add3A_806 = arith.constant 80 : i32
        %add3A_807 = arith.addi %mul3A_805, %add3A_806 : i32
        %swap3A_808 = arith.index_cast %add3A_807 : i32 to index
        %swap3A_809 = tpu.vector_load %arg23[%swap3A_808] {strides = array<i32>} : memref<8192xf32, #tpu.memory_space<vmem>>, vector<16xf32>,
        tpu.vector_store %arg23[%swap3A_808], %add3A_803 {strides = array<i32>} : memref<8192xf32, #tpu.memory_space<vmem>>, vector<16xf32>,
        %scan3A_810 = arith.constant 1 : i32
        %scan3A_811 = arith.addi %scan3A_611, %scan3A_810 : i32
        %broadcast_in_dim3A_812 = vector.broadcast %scan3A_811 : i32 to vector<16xi32>
        %gather3A_813 = tpu.vector_load_idx %arg19[%broadcast_in_dim3A_812] : memref<256xf32, #tpu.memory_space<vmem>>[vector<16xi32>], vector<16xf32>,
        %add3A_814 = arith.constant 64 : i32
        %add3A_815 = vector.broadcast %add3A_814 : i32 to vector<16xi32>
        %add3A_816 = arith.addi %broadcast_in_dim3A_812, %add3A_815 : vector<16xi32>
        %gather3A_817 = tpu.vector_load_idx %arg19[%add3A_816] : memref<256xf32, #tpu.memory_space<vmem>>[vector<16xi32>], vector<16xf32>,
        %add3A_818 = arith.constant 128 : i32
        %add3A_819 = vector.broadcast %add3A_818 : i32 to vector<16xi32>
        %add3A_820 = arith.addi %broadcast_in_dim3A_812, %add3A_819 : vector<16xi32>
        %gather3A_821 = tpu.vector_load_idx %arg19[%add3A_820] : memref<256xf32, #tpu.memory_space<vmem>>[vector<16xi32>], vector<16xf32>,
        %add3A_822 = arith.constant 192 : i32
        %add3A_823 = vector.broadcast %add3A_822 : i32 to vector<16xi32>
        %add3A_824 = arith.addi %broadcast_in_dim3A_812, %add3A_823 : vector<16xi32>
        %gather3A_825 = tpu.vector_load_idx %arg19[%add3A_824] : memref<256xf32, #tpu.memory_space<vmem>>[vector<16xi32>], vector<16xf32>,
        %get3A_826 = arith.index_cast %scan3A_811 : i32 to index
        %get3A_827 = arith.constant 0 : index
        %get3A_828 = tpu.vector_load %arg21[%get3A_826, %get3A_827] {strides = array<i32>} : memref<256x128xf32, #tpu.memory_space<vmem>>, vector<16xf32>,
        %mul3A_829 = arith.mulf %gather3A_813, %get3A_828 : vector<16xf32>
        %add3A_830 = arith.constant 64 : i32
        %add3A_831 = arith.addi %add3A_830, %scan3A_811 : i32
        %get3A_832 = arith.index_cast %add3A_831 : i32 to index
        %get3A_833 = arith.constant 0 : index
        %get3A_834 = tpu.vector_load %arg21[%get3A_832, %get3A_833] {strides = array<i32>} : memref<256x128xf32, #tpu.memory_space<vmem>>, vector<16xf32>,
        %mul3A_835 = arith.mulf %gather3A_817, %get3A_834 : vector<16xf32>
        %add3A_836 = arith.addf %mul3A_829, %mul3A_835 : vector<16xf32>
        %add3A_837 = arith.constant 128 : i32
        %add3A_838 = arith.addi %add3A_837, %scan3A_811 : i32
        %get3A_839 = arith.index_cast %add3A_838 : i32 to index
        %get3A_840 = arith.constant 0 : index
        %get3A_841 = tpu.vector_load %arg21[%get3A_839, %get3A_840] {strides = array<i32>} : memref<256x128xf32, #tpu.memory_space<vmem>>, vector<16xf32>,
        %mul3A_842 = arith.mulf %gather3A_821, %get3A_841 : vector<16xf32>
        %add3A_843 = arith.addf %add3A_836, %mul3A_842 : vector<16xf32>
        %add3A_844 = arith.constant 192 : i32
        %add3A_845 = arith.addi %add3A_844, %scan3A_811 : i32
        %get3A_846 = arith.index_cast %add3A_845 : i32 to index
        %get3A_847 = arith.constant 0 : index
        %get3A_848 = tpu.vector_load %arg21[%get3A_846, %get3A_847] {strides = array<i32>} : memref<256x128xf32, #tpu.memory_space<vmem>>, vector<16xf32>,
        %mul3A_849 = arith.mulf %gather3A_825, %get3A_848 : vector<16xf32>
        %add3A_850 = arith.addf %add3A_843, %mul3A_849 : vector<16xf32>
        %mul3A_851 = arith.constant 128 : i32
        %mul3A_852 = arith.muli %scan3A_811, %mul3A_851 : i32
        %add3A_853 = arith.constant 0 : i32
        %add3A_854 = arith.addi %mul3A_852, %add3A_853 : i32
        %swap3A_855 = arith.index_cast %add3A_854 : i32 to index
        %swap3A_856 = tpu.vector_load %arg23[%swap3A_855] {strides = array<i32>} : memref<8192xf32, #tpu.memory_space<vmem>>, vector<16xf32>,
        tpu.vector_store %arg23[%swap3A_855], %add3A_850 {strides = array<i32>} : memref<8192xf32, #tpu.memory_space<vmem>>, vector<16xf32>,
        %get3A_857 = arith.index_cast %scan3A_811 : i32 to index
        %get3A_858 = arith.constant 16 : index
        %get3A_859 = tpu.vector_load %arg21[%get3A_857, %get3A_858] {strides = array<i32>} : memref<256x128xf32, #tpu.memory_space<vmem>>, vector<16xf32>,
        %mul3A_860 = arith.mulf %gather3A_813, %get3A_859 : vector<16xf32>
        %add3A_861 = arith.constant 64 : i32
        %add3A_862 = arith.addi %add3A_861, %scan3A_811 : i32
        %get3A_863 = arith.index_cast %add3A_862 : i32 to index
        %get3A_864 = arith.constant 16 : index
        %get3A_865 = tpu.vector_load %arg21[%get3A_863, %get3A_864] {strides = array<i32>} : memref<256x128xf32, #tpu.memory_space<vmem>>, vector<16xf32>,
        %mul3A_866 = arith.mulf %gather3A_817, %get3A_865 : vector<16xf32>
        %add3A_867 = arith.addf %mul3A_860, %mul3A_866 : vector<16xf32>
        %add3A_868 = arith.constant 128 : i32
        %add3A_869 = arith.addi %add3A_868, %scan3A_811 : i32
        %get3A_870 = arith.index_cast %add3A_869 : i32 to index
        %get3A_871 = arith.constant 16 : index
        %get3A_872 = tpu.vector_load %arg21[%get3A_870, %get3A_871] {strides = array<i32>} : memref<256x128xf32, #tpu.memory_space<vmem>>, vector<16xf32>,
        %mul3A_873 = arith.mulf %gather3A_821, %get3A_872 : vector<16xf32>
        %add3A_874 = arith.addf %add3A_867, %mul3A_873 : vector<16xf32>
        %add3A_875 = arith.constant 192 : i32
        %add3A_876 = arith.addi %add3A_875, %scan3A_811 : i32
        %get3A_877 = arith.index_cast %add3A_876 : i32 to index
        %get3A_878 = arith.constant 16 : index
        %get3A_879 = tpu.vector_load %arg21[%get3A_877, %get3A_878] {strides = array<i32>} : memref<256x128xf32, #tpu.memory_space<vmem>>, vector<16xf32>,
        %mul3A_880 = arith.mulf %gather3A_825, %get3A_879 : vector<16xf32>
        %add3A_881 = arith.addf %add3A_874, %mul3A_880 : vector<16xf32>
        %mul3A_882 = arith.constant 128 : i32
        %mul3A_883 = arith.muli %scan3A_811, %mul3A_882 : i32
        %add3A_884 = arith.constant 16 : i32
        %add3A_885 = arith.addi %mul3A_883, %add3A_884 : i32
        %swap3A_886 = arith.index_cast %add3A_885 : i32 to index
        %swap3A_887 = tpu.vector_load %arg23[%swap3A_886] {strides = array<i32>} : memref<8192xf32, #tpu.memory_space<vmem>>, vector<16xf32>,
        tpu.vector_store %arg23[%swap3A_886], %add3A_881 {strides = array<i32>} : memref<8192xf32, #tpu.memory_space<vmem>>, vector<16xf32>,
        %get3A_888 = arith.index_cast %scan3A_811 : i32 to index
        %get3A_889 = arith.constant 32 : index
        %get3A_890 = tpu.vector_load %arg21[%get3A_888, %get3A_889] {strides = array<i32>} : memref<256x128xf32, #tpu.memory_space<vmem>>, vector<16xf32>,
        %mul3A_891 = arith.mulf %gather3A_813, %get3A_890 : vector<16xf32>
        %add3A_892 = arith.constant 64 : i32
        %add3A_893 = arith.addi %add3A_892, %scan3A_811 : i32
        %get3A_894 = arith.index_cast %add3A_893 : i32 to index
        %get3A_895 = arith.constant 32 : index
        %get3A_896 = tpu.vector_load %arg21[%get3A_894, %get3A_895] {strides = array<i32>} : memref<256x128xf32, #tpu.memory_space<vmem>>, vector<16xf32>,
        %mul3A_897 = arith.mulf %gather3A_817, %get3A_896 : vector<16xf32>
        %add3A_898 = arith.addf %mul3A_891, %mul3A_897 : vector<16xf32>
        %add3A_899 = arith.constant 128 : i32
        %add3A_900 = arith.addi %add3A_899, %scan3A_811 : i32
        %get3A_901 = arith.index_cast %add3A_900 : i32 to index
        %get3A_902 = arith.constant 32 : index
        %get3A_903 = tpu.vector_load %arg21[%get3A_901, %get3A_902] {strides = array<i32>} : memref<256x128xf32, #tpu.memory_space<vmem>>, vector<16xf32>,
        %mul3A_904 = arith.mulf %gather3A_821, %get3A_903 : vector<16xf32>
        %add3A_905 = arith.addf %add3A_898, %mul3A_904 : vector<16xf32>
        %add3A_906 = arith.constant 192 : i32
        %add3A_907 = arith.addi %add3A_906, %scan3A_811 : i32
        %get3A_908 = arith.index_cast %add3A_907 : i32 to index
        %get3A_909 = arith.constant 32 : index
        %get3A_910 = tpu.vector_load %arg21[%get3A_908, %get3A_909] {strides = array<i32>} : memref<256x128xf32, #tpu.memory_space<vmem>>, vector<16xf32>,
        %mul3A_911 = arith.mulf %gather3A_825, %get3A_910 : vector<16xf32>
        %add3A_912 = arith.addf %add3A_905, %mul3A_911 : vector<16xf32>
        %mul3A_913 = arith.constant 128 : i32
        %mul3A_914 = arith.muli %scan3A_811, %mul3A_913 : i32
        %add3A_915 = arith.constant 32 : i32
        %add3A_916 = arith.addi %mul3A_914, %add3A_915 : i32
        %swap3A_917 = arith.index_cast %add3A_916 : i32 to index
        %swap3A_918 = tpu.vector_load %arg23[%swap3A_917] {strides = array<i32>} : memref<8192xf32, #tpu.memory_space<vmem>>, vector<16xf32>,
        tpu.vector_store %arg23[%swap3A_917], %add3A_912 {strides = array<i32>} : memref<8192xf32, #tpu.memory_space<vmem>>, vector<16xf32>,
        %get3A_919 = arith.index_cast %scan3A_811 : i32 to index
        %get3A_920 = arith.constant 48 : index
        %get3A_921 = tpu.vector_load %arg21[%get3A_919, %get3A_920] {strides = array<i32>} : memref<256x128xf32, #tpu.memory_space<vmem>>, vector<16xf32>,
        %mul3A_922 = arith.mulf %gather3A_813, %get3A_921 : vector<16xf32>
        %add3A_923 = arith.constant 64 : i32
        %add3A_924 = arith.addi %add3A_923, %scan3A_811 : i32
        %get3A_925 = arith.index_cast %add3A_924 : i32 to index
        %get3A_926 = arith.constant 48 : index
        %get3A_927 = tpu.vector_load %arg21[%get3A_925, %get3A_926] {strides = array<i32>} : memref<256x128xf32, #tpu.memory_space<vmem>>, vector<16xf32>,
        %mul3A_928 = arith.mulf %gather3A_817, %get3A_927 : vector<16xf32>
        %add3A_929 = arith.addf %mul3A_922, %mul3A_928 : vector<16xf32>
        %add3A_930 = arith.constant 128 : i32
        %add3A_931 = arith.addi %add3A_930, %scan3A_811 : i32
        %get3A_932 = arith.index_cast %add3A_931 : i32 to index
        %get3A_933 = arith.constant 48 : index
        %get3A_934 = tpu.vector_load %arg21[%get3A_932, %get3A_933] {strides = array<i32>} : memref<256x128xf32, #tpu.memory_space<vmem>>, vector<16xf32>,
        %mul3A_935 = arith.mulf %gather3A_821, %get3A_934 : vector<16xf32>
        %add3A_936 = arith.addf %add3A_929, %mul3A_935 : vector<16xf32>
        %add3A_937 = arith.constant 192 : i32
        %add3A_938 = arith.addi %add3A_937, %scan3A_811 : i32
        %get3A_939 = arith.index_cast %add3A_938 : i32 to index
        %get3A_940 = arith.constant 48 : index
        %get3A_941 = tpu.vector_load %arg21[%get3A_939, %get3A_940] {strides = array<i32>} : memref<256x128xf32, #tpu.memory_space<vmem>>, vector<16xf32>,
        %mul3A_942 = arith.mulf %gather3A_825, %get3A_941 : vector<16xf32>
        %add3A_943 = arith.addf %add3A_936, %mul3A_942 : vector<16xf32>
        %mul3A_944 = arith.constant 128 : i32
        %mul3A_945 = arith.muli %scan3A_811, %mul3A_944 : i32
        %add3A_946 = arith.constant 48 : i32
        %add3A_947 = arith.addi %mul3A_945, %add3A_946 : i32
        %swap3A_948 = arith.index_cast %add3A_947 : i32 to index
        %swap3A_949 = tpu.vector_load %arg23[%swap3A_948] {strides = array<i32>} : memref<8192xf32, #tpu.memory_space<vmem>>, vector<16xf32>,
        tpu.vector_store %arg23[%swap3A_948], %add3A_943 {strides = array<i32>} : memref<8192xf32, #tpu.memory_space<vmem>>, vector<16xf32>,
        %get3A_950 = arith.index_cast %scan3A_811 : i32 to index
        %get3A_951 = arith.constant 64 : index
        %get3A_952 = tpu.vector_load %arg21[%get3A_950, %get3A_951] {strides = array<i32>} : memref<256x128xf32, #tpu.memory_space<vmem>>, vector<16xf32>,
        %mul3A_953 = arith.mulf %gather3A_813, %get3A_952 : vector<16xf32>
        %add3A_954 = arith.constant 64 : i32
        %add3A_955 = arith.addi %add3A_954, %scan3A_811 : i32
        %get3A_956 = arith.index_cast %add3A_955 : i32 to index
        %get3A_957 = arith.constant 64 : index
        %get3A_958 = tpu.vector_load %arg21[%get3A_956, %get3A_957] {strides = array<i32>} : memref<256x128xf32, #tpu.memory_space<vmem>>, vector<16xf32>,
        %mul3A_959 = arith.mulf %gather3A_817, %get3A_958 : vector<16xf32>
        %add3A_960 = arith.addf %mul3A_953, %mul3A_959 : vector<16xf32>
        %add3A_961 = arith.constant 128 : i32
        %add3A_962 = arith.addi %add3A_961, %scan3A_811 : i32
        %get3A_963 = arith.index_cast %add3A_962 : i32 to index
        %get3A_964 = arith.constant 64 : index
        %get3A_965 = tpu.vector_load %arg21[%get3A_963, %get3A_964] {strides = array<i32>} : memref<256x128xf32, #tpu.memory_space<vmem>>, vector<16xf32>,
        %mul3A_966 = arith.mulf %gather3A_821, %get3A_965 : vector<16xf32>
        %add3A_967 = arith.addf %add3A_960, %mul3A_966 : vector<16xf32>
        %add3A_968 = arith.constant 192 : i32
        %add3A_969 = arith.addi %add3A_968, %scan3A_811 : i32
        %get3A_970 = arith.index_cast %add3A_969 : i32 to index
        %get3A_971 = arith.constant 64 : index
        %get3A_972 = tpu.vector_load %arg21[%get3A_970, %get3A_971] {strides = array<i32>} : memref<256x128xf32, #tpu.memory_space<vmem>>, vector<16xf32>,
        %mul3A_973 = arith.mulf %gather3A_825, %get3A_972 : vector<16xf32>
        %add3A_974 = arith.addf %add3A_967, %mul3A_973 : vector<16xf32>
        %mul3A_975 = arith.constant 128 : i32
        %mul3A_976 = arith.muli %scan3A_811, %mul3A_975 : i32
        %add3A_977 = arith.constant 64 : i32
        %add3A_978 = arith.addi %mul3A_976, %add3A_977 : i32
        %swap3A_979 = arith.index_cast %add3A_978 : i32 to index
        %swap3A_980 = tpu.vector_load %arg23[%swap3A_979] {strides = array<i32>} : memref<8192xf32, #tpu.memory_space<vmem>>, vector<16xf32>,
        tpu.vector_store %arg23[%swap3A_979], %add3A_974 {strides = array<i32>} : memref<8192xf32, #tpu.memory_space<vmem>>, vector<16xf32>,
        %get3A_981 = arith.index_cast %scan3A_811 : i32 to index
        %get3A_982 = arith.constant 80 : index
        %get3A_983 = tpu.vector_load %arg21[%get3A_981, %get3A_982] {strides = array<i32>} : memref<256x128xf32, #tpu.memory_space<vmem>>, vector<16xf32>,
        %mul3A_984 = arith.mulf %gather3A_813, %get3A_983 : vector<16xf32>
        %add3A_985 = arith.constant 64 : i32
        %add3A_986 = arith.addi %add3A_985, %scan3A_811 : i32
        %get3A_987 = arith.index_cast %add3A_986 : i32 to index
        %get3A_988 = arith.constant 80 : index
        %get3A_989 = tpu.vector_load %arg21[%get3A_987, %get3A_988] {strides = array<i32>} : memref<256x128xf32, #tpu.memory_space<vmem>>, vector<16xf32>,
        %mul3A_990 = arith.mulf %gather3A_817, %get3A_989 : vector<16xf32>
        %add3A_991 = arith.addf %mul3A_984, %mul3A_990 : vector<16xf32>
        %add3A_992 = arith.constant 128 : i32
        %add3A_993 = arith.addi %add3A_992, %scan3A_811 : i32
        %get3A_994 = arith.index_cast %add3A_993 : i32 to index
        %get3A_995 = arith.constant 80 : index
        %get3A_996 = tpu.vector_load %arg21[%get3A_994, %get3A_995] {strides = array<i32>} : memref<256x128xf32, #tpu.memory_space<vmem>>, vector<16xf32>,
        %mul3A_997 = arith.mulf %gather3A_821, %get3A_996 : vector<16xf32>
        %add3A_998 = arith.addf %add3A_991, %mul3A_997 : vector<16xf32>
        %add3A_999 = arith.constant 192 : i32
        %add3A_1000 = arith.addi %add3A_999, %scan3A_811 : i32
        %get3A_1001 = arith.index_cast %add3A_1000 : i32 to index
        %get3A_1002 = arith.constant 80 : index
        %get3A_1003 = tpu.vector_load %arg21[%get3A_1001, %get3A_1002] {strides = array<i32>} : memref<256x128xf32, #tpu.memory_space<vmem>>, vector<16xf32>,
        %mul3A_1004 = arith.mulf %gather3A_825, %get3A_1003 : vector<16xf32>
        %add3A_1005 = arith.addf %add3A_998, %mul3A_1004 : vector<16xf32>
        %mul3A_1006 = arith.constant 128 : i32
        %mul3A_1007 = arith.muli %scan3A_811, %mul3A_1006 : i32
        %add3A_1008 = arith.constant 80 : i32
        %add3A_1009 = arith.addi %mul3A_1007, %add3A_1008 : i32
        %swap3A_1010 = arith.index_cast %add3A_1009 : i32 to index
        %swap3A_1011 = tpu.vector_load %arg23[%swap3A_1010] {strides = array<i32>} : memref<8192xf32, #tpu.memory_space<vmem>>, vector<16xf32>,
        tpu.vector_store %arg23[%swap3A_1010], %add3A_1005 {strides = array<i32>} : memref<8192xf32, #tpu.memory_space<vmem>>, vector<16xf32>,
        %scan3A_1012 = arith.constant 2 : i32
        %scan3A_1013 = arith.addi %scan3A_611, %scan3A_1012 : i32
        %broadcast_in_dim3A_1014 = vector.broadcast %scan3A_1013 : i32 to vector<16xi32>
        %gather3A_1015 = tpu.vector_load_idx %arg19[%broadcast_in_dim3A_1014] : memref<256xf32, #tpu.memory_space<vmem>>[vector<16xi32>], vector<16xf32>,
        %add3A_1016 = arith.constant 64 : i32
        %add3A_1017 = vector.broadcast %add3A_1016 : i32 to vector<16xi32>
        %add3A_1018 = arith.addi %broadcast_in_dim3A_1014, %add3A_1017 : vector<16xi32>
        %gather3A_1019 = tpu.vector_load_idx %arg19[%add3A_1018] : memref<256xf32, #tpu.memory_space<vmem>>[vector<16xi32>], vector<16xf32>,
        %add3A_1020 = arith.constant 128 : i32
        %add3A_1021 = vector.broadcast %add3A_1020 : i32 to vector<16xi32>
        %add3A_1022 = arith.addi %broadcast_in_dim3A_1014, %add3A_1021 : vector<16xi32>
        %gather3A_1023 = tpu.vector_load_idx %arg19[%add3A_1022] : memref<256xf32, #tpu.memory_space<vmem>>[vector<16xi32>], vector<16xf32>,
        %add3A_1024 = arith.constant 192 : i32
        %add3A_1025 = vector.broadcast %add3A_1024 : i32 to vector<16xi32>
        %add3A_1026 = arith.addi %broadcast_in_dim3A_1014, %add3A_1025 : vector<16xi32>
        %gather3A_1027 = tpu.vector_load_idx %arg19[%add3A_1026] : memref<256xf32, #tpu.memory_space<vmem>>[vector<16xi32>], vector<16xf32>,
        %get3A_1028 = arith.index_cast %scan3A_1013 : i32 to index
        %get3A_1029 = arith.constant 0 : index
        %get3A_1030 = tpu.vector_load %arg21[%get3A_1028, %get3A_1029] {strides = array<i32>} : memref<256x128xf32, #tpu.memory_space<vmem>>, vector<16xf32>,
        %mul3A_1031 = arith.mulf %gather3A_1015, %get3A_1030 : vector<16xf32>
        %add3A_1032 = arith.constant 64 : i32
        %add3A_1033 = arith.addi %add3A_1032, %scan3A_1013 : i32
        %get3A_1034 = arith.index_cast %add3A_1033 : i32 to index
        %get3A_1035 = arith.constant 0 : index
        %get3A_1036 = tpu.vector_load %arg21[%get3A_1034, %get3A_1035] {strides = array<i32>} : memref<256x128xf32, #tpu.memory_space<vmem>>, vector<16xf32>,
        %mul3A_1037 = arith.mulf %gather3A_1019, %get3A_1036 : vector<16xf32>
        %add3A_1038 = arith.addf %mul3A_1031, %mul3A_1037 : vector<16xf32>
        %add3A_1039 = arith.constant 128 : i32
        %add3A_1040 = arith.addi %add3A_1039, %scan3A_1013 : i32
        %get3A_1041 = arith.index_cast %add3A_1040 : i32 to index
        %get3A_1042 = arith.constant 0 : index
        %get3A_1043 = tpu.vector_load %arg21[%get3A_1041, %get3A_1042] {strides = array<i32>} : memref<256x128xf32, #tpu.memory_space<vmem>>, vector<16xf32>,
        %mul3A_1044 = arith.mulf %gather3A_1023, %get3A_1043 : vector<16xf32>
        %add3A_1045 = arith.addf %add3A_1038, %mul3A_1044 : vector<16xf32>
        %add3A_1046 = arith.constant 192 : i32
        %add3A_1047 = arith.addi %add3A_1046, %scan3A_1013 : i32
        %get3A_1048 = arith.index_cast %add3A_1047 : i32 to index
        %get3A_1049 = arith.constant 0 : index
        %get3A_1050 = tpu.vector_load %arg21[%get3A_1048, %get3A_1049] {strides = array<i32>} : memref<256x128xf32, #tpu.memory_space<vmem>>, vector<16xf32>,
        %mul3A_1051 = arith.mulf %gather3A_1027, %get3A_1050 : vector<16xf32>
        %add3A_1052 = arith.addf %add3A_1045, %mul3A_1051 : vector<16xf32>
        %mul3A_1053 = arith.constant 128 : i32
        %mul3A_1054 = arith.muli %scan3A_1013, %mul3A_1053 : i32
        %add3A_1055 = arith.constant 0 : i32
        %add3A_1056 = arith.addi %mul3A_1054, %add3A_1055 : i32
        %swap3A_1057 = arith.index_cast %add3A_1056 : i32 to index
        %swap3A_1058 = tpu.vector_load %arg23[%swap3A_1057] {strides = array<i32>} : memref<8192xf32, #tpu.memory_space<vmem>>, vector<16xf32>,
        tpu.vector_store %arg23[%swap3A_1057], %add3A_1052 {strides = array<i32>} : memref<8192xf32, #tpu.memory_space<vmem>>, vector<16xf32>,
        %get3A_1059 = arith.index_cast %scan3A_1013 : i32 to index
        %get3A_1060 = arith.constant 16 : index
        %get3A_1061 = tpu.vector_load %arg21[%get3A_1059, %get3A_1060] {strides = array<i32>} : memref<256x128xf32, #tpu.memory_space<vmem>>, vector<16xf32>,
        %mul3A_1062 = arith.mulf %gather3A_1015, %get3A_1061 : vector<16xf32>
        %add3A_1063 = arith.constant 64 : i32
        %add3A_1064 = arith.addi %add3A_1063, %scan3A_1013 : i32
        %get3A_1065 = arith.index_cast %add3A_1064 : i32 to index
        %get3A_1066 = arith.constant 16 : index
        %get3A_1067 = tpu.vector_load %arg21[%get3A_1065, %get3A_1066] {strides = array<i32>} : memref<256x128xf32, #tpu.memory_space<vmem>>, vector<16xf32>,
        %mul3A_1068 = arith.mulf %gather3A_1019, %get3A_1067 : vector<16xf32>
        %add3A_1069 = arith.addf %mul3A_1062, %mul3A_1068 : vector<16xf32>
        %add3A_1070 = arith.constant 128 : i32
        %add3A_1071 = arith.addi %add3A_1070, %scan3A_1013 : i32
        %get3A_1072 = arith.index_cast %add3A_1071 : i32 to index
        %get3A_1073 = arith.constant 16 : index
        %get3A_1074 = tpu.vector_load %arg21[%get3A_1072, %get3A_1073] {strides = array<i32>} : memref<256x128xf32, #tpu.memory_space<vmem>>, vector<16xf32>,
        %mul3A_1075 = arith.mulf %gather3A_1023, %get3A_1074 : vector<16xf32>
        %add3A_1076 = arith.addf %add3A_1069, %mul3A_1075 : vector<16xf32>
        %add3A_1077 = arith.constant 192 : i32
        %add3A_1078 = arith.addi %add3A_1077, %scan3A_1013 : i32
        %get3A_1079 = arith.index_cast %add3A_1078 : i32 to index
        %get3A_1080 = arith.constant 16 : index
        %get3A_1081 = tpu.vector_load %arg21[%get3A_1079, %get3A_1080] {strides = array<i32>} : memref<256x128xf32, #tpu.memory_space<vmem>>, vector<16xf32>,
        %mul3A_1082 = arith.mulf %gather3A_1027, %get3A_1081 : vector<16xf32>
        %add3A_1083 = arith.addf %add3A_1076, %mul3A_1082 : vector<16xf32>
        %mul3A_1084 = arith.constant 128 : i32
        %mul3A_1085 = arith.muli %scan3A_1013, %mul3A_1084 : i32
        %add3A_1086 = arith.constant 16 : i32
        %add3A_1087 = arith.addi %mul3A_1085, %add3A_1086 : i32
        %swap3A_1088 = arith.index_cast %add3A_1087 : i32 to index
        %swap3A_1089 = tpu.vector_load %arg23[%swap3A_1088] {strides = array<i32>} : memref<8192xf32, #tpu.memory_space<vmem>>, vector<16xf32>,
        tpu.vector_store %arg23[%swap3A_1088], %add3A_1083 {strides = array<i32>} : memref<8192xf32, #tpu.memory_space<vmem>>, vector<16xf32>,
        %get3A_1090 = arith.index_cast %scan3A_1013 : i32 to index
        %get3A_1091 = arith.constant 32 : index
        %get3A_1092 = tpu.vector_load %arg21[%get3A_1090, %get3A_1091] {strides = array<i32>} : memref<256x128xf32, #tpu.memory_space<vmem>>, vector<16xf32>,
        %mul3A_1093 = arith.mulf %gather3A_1015, %get3A_1092 : vector<16xf32>
        %add3A_1094 = arith.constant 64 : i32
        %add3A_1095 = arith.addi %add3A_1094, %scan3A_1013 : i32
        %get3A_1096 = arith.index_cast %add3A_1095 : i32 to index
        %get3A_1097 = arith.constant 32 : index
        %get3A_1098 = tpu.vector_load %arg21[%get3A_1096, %get3A_1097] {strides = array<i32>} : memref<256x128xf32, #tpu.memory_space<vmem>>, vector<16xf32>,
        %mul3A_1099 = arith.mulf %gather3A_1019, %get3A_1098 : vector<16xf32>
        %add3A_1100 = arith.addf %mul3A_1093, %mul3A_1099 : vector<16xf32>
        %add3A_1101 = arith.constant 128 : i32
        %add3A_1102 = arith.addi %add3A_1101, %scan3A_1013 : i32
        %get3A_1103 = arith.index_cast %add3A_1102 : i32 to index
        %get3A_1104 = arith.constant 32 : index
        %get3A_1105 = tpu.vector_load %arg21[%get3A_1103, %get3A_1104] {strides = array<i32>} : memref<256x128xf32, #tpu.memory_space<vmem>>, vector<16xf32>,
        %mul3A_1106 = arith.mulf %gather3A_1023, %get3A_1105 : vector<16xf32>
        %add3A_1107 = arith.addf %add3A_1100, %mul3A_1106 : vector<16xf32>
        %add3A_1108 = arith.constant 192 : i32
        %add3A_1109 = arith.addi %add3A_1108, %scan3A_1013 : i32
        %get3A_1110 = arith.index_cast %add3A_1109 : i32 to index
        %get3A_1111 = arith.constant 32 : index
        %get3A_1112 = tpu.vector_load %arg21[%get3A_1110, %get3A_1111] {strides = array<i32>} : memref<256x128xf32, #tpu.memory_space<vmem>>, vector<16xf32>,
        %mul3A_1113 = arith.mulf %gather3A_1027, %get3A_1112 : vector<16xf32>
        %add3A_1114 = arith.addf %add3A_1107, %mul3A_1113 : vector<16xf32>
        %mul3A_1115 = arith.constant 128 : i32
        %mul3A_1116 = arith.muli %scan3A_1013, %mul3A_1115 : i32
        %add3A_1117 = arith.constant 32 : i32
        %add3A_1118 = arith.addi %mul3A_1116, %add3A_1117 : i32
        %swap3A_1119 = arith.index_cast %add3A_1118 : i32 to index
        %swap3A_1120 = tpu.vector_load %arg23[%swap3A_1119] {strides = array<i32>} : memref<8192xf32, #tpu.memory_space<vmem>>, vector<16xf32>,
        tpu.vector_store %arg23[%swap3A_1119], %add3A_1114 {strides = array<i32>} : memref<8192xf32, #tpu.memory_space<vmem>>, vector<16xf32>,
        %get3A_1121 = arith.index_cast %scan3A_1013 : i32 to index
        %get3A_1122 = arith.constant 48 : index
        %get3A_1123 = tpu.vector_load %arg21[%get3A_1121, %get3A_1122] {strides = array<i32>} : memref<256x128xf32, #tpu.memory_space<vmem>>, vector<16xf32>,
        %mul3A_1124 = arith.mulf %gather3A_1015, %get3A_1123 : vector<16xf32>
        %add3A_1125 = arith.constant 64 : i32
        %add3A_1126 = arith.addi %add3A_1125, %scan3A_1013 : i32
        %get3A_1127 = arith.index_cast %add3A_1126 : i32 to index
        %get3A_1128 = arith.constant 48 : index
        %get3A_1129 = tpu.vector_load %arg21[%get3A_1127, %get3A_1128] {strides = array<i32>} : memref<256x128xf32, #tpu.memory_space<vmem>>, vector<16xf32>,
        %mul3A_1130 = arith.mulf %gather3A_1019, %get3A_1129 : vector<16xf32>
        %add3A_1131 = arith.addf %mul3A_1124, %mul3A_1130 : vector<16xf32>
        %add3A_1132 = arith.constant 128 : i32
        %add3A_1133 = arith.addi %add3A_1132, %scan3A_1013 : i32
        %get3A_1134 = arith.index_cast %add3A_1133 : i32 to index
        %get3A_1135 = arith.constant 48 : index
        %get3A_1136 = tpu.vector_load %arg21[%get3A_1134, %get3A_1135] {strides = array<i32>} : memref<256x128xf32, #tpu.memory_space<vmem>>, vector<16xf32>,
        %mul3A_1137 = arith.mulf %gather3A_1023, %get3A_1136 : vector<16xf32>
        %add3A_1138 = arith.addf %add3A_1131, %mul3A_1137 : vector<16xf32>
        %add3A_1139 = arith.constant 192 : i32
        %add3A_1140 = arith.addi %add3A_1139, %scan3A_1013 : i32
        %get3A_1141 = arith.index_cast %add3A_1140 : i32 to index
        %get3A_1142 = arith.constant 48 : index
        %get3A_1143 = tpu.vector_load %arg21[%get3A_1141, %get3A_1142] {strides = array<i32>} : memref<256x128xf32, #tpu.memory_space<vmem>>, vector<16xf32>,
        %mul3A_1144 = arith.mulf %gather3A_1027, %get3A_1143 : vector<16xf32>
        %add3A_1145 = arith.addf %add3A_1138, %mul3A_1144 : vector<16xf32>
        %mul3A_1146 = arith.constant 128 : i32
        %mul3A_1147 = arith.muli %scan3A_1013, %mul3A_1146 : i32
        %add3A_1148 = arith.constant 48 : i32
        %add3A_1149 = arith.addi %mul3A_1147, %add3A_1148 : i32
        %swap3A_1150 = arith.index_cast %add3A_1149 : i32 to index
        %swap3A_1151 = tpu.vector_load %arg23[%swap3A_1150] {strides = array<i32>} : memref<8192xf32, #tpu.memory_space<vmem>>, vector<16xf32>,
        tpu.vector_store %arg23[%swap3A_1150], %add3A_1145 {strides = array<i32>} : memref<8192xf32, #tpu.memory_space<vmem>>, vector<16xf32>,
        %get3A_1152 = arith.index_cast %scan3A_1013 : i32 to index
        %get3A_1153 = arith.constant 64 : index
        %get3A_1154 = tpu.vector_load %arg21[%get3A_1152, %get3A_1153] {strides = array<i32>} : memref<256x128xf32, #tpu.memory_space<vmem>>, vector<16xf32>,
        %mul3A_1155 = arith.mulf %gather3A_1015, %get3A_1154 : vector<16xf32>
        %add3A_1156 = arith.constant 64 : i32
        %add3A_1157 = arith.addi %add3A_1156, %scan3A_1013 : i32
        %get3A_1158 = arith.index_cast %add3A_1157 : i32 to index
        %get3A_1159 = arith.constant 64 : index
        %get3A_1160 = tpu.vector_load %arg21[%get3A_1158, %get3A_1159] {strides = array<i32>} : memref<256x128xf32, #tpu.memory_space<vmem>>, vector<16xf32>,
        %mul3A_1161 = arith.mulf %gather3A_1019, %get3A_1160 : vector<16xf32>
        %add3A_1162 = arith.addf %mul3A_1155, %mul3A_1161 : vector<16xf32>
        %add3A_1163 = arith.constant 128 : i32
        %add3A_1164 = arith.addi %add3A_1163, %scan3A_1013 : i32
        %get3A_1165 = arith.index_cast %add3A_1164 : i32 to index
        %get3A_1166 = arith.constant 64 : index
        %get3A_1167 = tpu.vector_load %arg21[%get3A_1165, %get3A_1166] {strides = array<i32>} : memref<256x128xf32, #tpu.memory_space<vmem>>, vector<16xf32>,
        %mul3A_1168 = arith.mulf %gather3A_1023, %get3A_1167 : vector<16xf32>
        %add3A_1169 = arith.addf %add3A_1162, %mul3A_1168 : vector<16xf32>
        %add3A_1170 = arith.constant 192 : i32
        %add3A_1171 = arith.addi %add3A_1170, %scan3A_1013 : i32
        %get3A_1172 = arith.index_cast %add3A_1171 : i32 to index
        %get3A_1173 = arith.constant 64 : index
        %get3A_1174 = tpu.vector_load %arg21[%get3A_1172, %get3A_1173] {strides = array<i32>} : memref<256x128xf32, #tpu.memory_space<vmem>>, vector<16xf32>,
        %mul3A_1175 = arith.mulf %gather3A_1027, %get3A_1174 : vector<16xf32>
        %add3A_1176 = arith.addf %add3A_1169, %mul3A_1175 : vector<16xf32>
        %mul3A_1177 = arith.constant 128 : i32
        %mul3A_1178 = arith.muli %scan3A_1013, %mul3A_1177 : i32
        %add3A_1179 = arith.constant 64 : i32
        %add3A_1180 = arith.addi %mul3A_1178, %add3A_1179 : i32
        %swap3A_1181 = arith.index_cast %add3A_1180 : i32 to index
        %swap3A_1182 = tpu.vector_load %arg23[%swap3A_1181] {strides = array<i32>} : memref<8192xf32, #tpu.memory_space<vmem>>, vector<16xf32>,
        tpu.vector_store %arg23[%swap3A_1181], %add3A_1176 {strides = array<i32>} : memref<8192xf32, #tpu.memory_space<vmem>>, vector<16xf32>,
        %get3A_1183 = arith.index_cast %scan3A_1013 : i32 to index
        %get3A_1184 = arith.constant 80 : index
        %get3A_1185 = tpu.vector_load %arg21[%get3A_1183, %get3A_1184] {strides = array<i32>} : memref<256x128xf32, #tpu.memory_space<vmem>>, vector<16xf32>,
        %mul3A_1186 = arith.mulf %gather3A_1015, %get3A_1185 : vector<16xf32>
        %add3A_1187 = arith.constant 64 : i32
        %add3A_1188 = arith.addi %add3A_1187, %scan3A_1013 : i32
        %get3A_1189 = arith.index_cast %add3A_1188 : i32 to index
        %get3A_1190 = arith.constant 80 : index
        %get3A_1191 = tpu.vector_load %arg21[%get3A_1189, %get3A_1190] {strides = array<i32>} : memref<256x128xf32, #tpu.memory_space<vmem>>, vector<16xf32>,
        %mul3A_1192 = arith.mulf %gather3A_1019, %get3A_1191 : vector<16xf32>
        %add3A_1193 = arith.addf %mul3A_1186, %mul3A_1192 : vector<16xf32>
        %add3A_1194 = arith.constant 128 : i32
        %add3A_1195 = arith.addi %add3A_1194, %scan3A_1013 : i32
        %get3A_1196 = arith.index_cast %add3A_1195 : i32 to index
        %get3A_1197 = arith.constant 80 : index
        %get3A_1198 = tpu.vector_load %arg21[%get3A_1196, %get3A_1197] {strides = array<i32>} : memref<256x128xf32, #tpu.memory_space<vmem>>, vector<16xf32>,
        %mul3A_1199 = arith.mulf %gather3A_1023, %get3A_1198 : vector<16xf32>
        %add3A_1200 = arith.addf %add3A_1193, %mul3A_1199 : vector<16xf32>
        %add3A_1201 = arith.constant 192 : i32
        %add3A_1202 = arith.addi %add3A_1201, %scan3A_1013 : i32
        %get3A_1203 = arith.index_cast %add3A_1202 : i32 to index
        %get3A_1204 = arith.constant 80 : index
        %get3A_1205 = tpu.vector_load %arg21[%get3A_1203, %get3A_1204] {strides = array<i32>} : memref<256x128xf32, #tpu.memory_space<vmem>>, vector<16xf32>,
        %mul3A_1206 = arith.mulf %gather3A_1027, %get3A_1205 : vector<16xf32>
        %add3A_1207 = arith.addf %add3A_1200, %mul3A_1206 : vector<16xf32>
        %mul3A_1208 = arith.constant 128 : i32
        %mul3A_1209 = arith.muli %scan3A_1013, %mul3A_1208 : i32
        %add3A_1210 = arith.constant 80 : i32
        %add3A_1211 = arith.addi %mul3A_1209, %add3A_1210 : i32
        %swap3A_1212 = arith.index_cast %add3A_1211 : i32 to index
        %swap3A_1213 = tpu.vector_load %arg23[%swap3A_1212] {strides = array<i32>} : memref<8192xf32, #tpu.memory_space<vmem>>, vector<16xf32>,
        tpu.vector_store %arg23[%swap3A_1212], %add3A_1207 {strides = array<i32>} : memref<8192xf32, #tpu.memory_space<vmem>>, vector<16xf32>,
        %scan3A_1214 = arith.constant 3 : i32
        %scan3A_1215 = arith.addi %scan3A_611, %scan3A_1214 : i32
        %broadcast_in_dim3A_1216 = vector.broadcast %scan3A_1215 : i32 to vector<16xi32>
        %gather3A_1217 = tpu.vector_load_idx %arg19[%broadcast_in_dim3A_1216] : memref<256xf32, #tpu.memory_space<vmem>>[vector<16xi32>], vector<16xf32>,
        %add3A_1218 = arith.constant 64 : i32
        %add3A_1219 = vector.broadcast %add3A_1218 : i32 to vector<16xi32>
        %add3A_1220 = arith.addi %broadcast_in_dim3A_1216, %add3A_1219 : vector<16xi32>
        %gather3A_1221 = tpu.vector_load_idx %arg19[%add3A_1220] : memref<256xf32, #tpu.memory_space<vmem>>[vector<16xi32>], vector<16xf32>,
        %add3A_1222 = arith.constant 128 : i32
        %add3A_1223 = vector.broadcast %add3A_1222 : i32 to vector<16xi32>
        %add3A_1224 = arith.addi %broadcast_in_dim3A_1216, %add3A_1223 : vector<16xi32>
        %gather3A_1225 = tpu.vector_load_idx %arg19[%add3A_1224] : memref<256xf32, #tpu.memory_space<vmem>>[vector<16xi32>], vector<16xf32>,
        %add3A_1226 = arith.constant 192 : i32
        %add3A_1227 = vector.broadcast %add3A_1226 : i32 to vector<16xi32>
        %add3A_1228 = arith.addi %broadcast_in_dim3A_1216, %add3A_1227 : vector<16xi32>
        %gather3A_1229 = tpu.vector_load_idx %arg19[%add3A_1228] : memref<256xf32, #tpu.memory_space<vmem>>[vector<16xi32>], vector<16xf32>,
        %get3A_1230 = arith.index_cast %scan3A_1215 : i32 to index
        %get3A_1231 = arith.constant 0 : index
        %get3A_1232 = tpu.vector_load %arg21[%get3A_1230, %get3A_1231] {strides = array<i32>} : memref<256x128xf32, #tpu.memory_space<vmem>>, vector<16xf32>,
        %mul3A_1233 = arith.mulf %gather3A_1217, %get3A_1232 : vector<16xf32>
        %add3A_1234 = arith.constant 64 : i32
        %add3A_1235 = arith.addi %add3A_1234, %scan3A_1215 : i32
        %get3A_1236 = arith.index_cast %add3A_1235 : i32 to index
        %get3A_1237 = arith.constant 0 : index
        %get3A_1238 = tpu.vector_load %arg21[%get3A_1236, %get3A_1237] {strides = array<i32>} : memref<256x128xf32, #tpu.memory_space<vmem>>, vector<16xf32>,
        %mul3A_1239 = arith.mulf %gather3A_1221, %get3A_1238 : vector<16xf32>
        %add3A_1240 = arith.addf %mul3A_1233, %mul3A_1239 : vector<16xf32>
        %add3A_1241 = arith.constant 128 : i32
        %add3A_1242 = arith.addi %add3A_1241, %scan3A_1215 : i32
        %get3A_1243 = arith.index_cast %add3A_1242 : i32 to index
        %get3A_1244 = arith.constant 0 : index
        %get3A_1245 = tpu.vector_load %arg21[%get3A_1243, %get3A_1244] {strides = array<i32>} : memref<256x128xf32, #tpu.memory_space<vmem>>, vector<16xf32>,
        %mul3A_1246 = arith.mulf %gather3A_1225, %get3A_1245 : vector<16xf32>
        %add3A_1247 = arith.addf %add3A_1240, %mul3A_1246 : vector<16xf32>
        %add3A_1248 = arith.constant 192 : i32
        %add3A_1249 = arith.addi %add3A_1248, %scan3A_1215 : i32
        %get3A_1250 = arith.index_cast %add3A_1249 : i32 to index
        %get3A_1251 = arith.constant 0 : index
        %get3A_1252 = tpu.vector_load %arg21[%get3A_1250, %get3A_1251] {strides = array<i32>} : memref<256x128xf32, #tpu.memory_space<vmem>>, vector<16xf32>,
        %mul3A_1253 = arith.mulf %gather3A_1229, %get3A_1252 : vector<16xf32>
        %add3A_1254 = arith.addf %add3A_1247, %mul3A_1253 : vector<16xf32>
        %mul3A_1255 = arith.constant 128 : i32
        %mul3A_1256 = arith.muli %scan3A_1215, %mul3A_1255 : i32
        %add3A_1257 = arith.constant 0 : i32
        %add3A_1258 = arith.addi %mul3A_1256, %add3A_1257 : i32
        %swap3A_1259 = arith.index_cast %add3A_1258 : i32 to index
        %swap3A_1260 = tpu.vector_load %arg23[%swap3A_1259] {strides = array<i32>} : memref<8192xf32, #tpu.memory_space<vmem>>, vector<16xf32>,
        tpu.vector_store %arg23[%swap3A_1259], %add3A_1254 {strides = array<i32>} : memref<8192xf32, #tpu.memory_space<vmem>>, vector<16xf32>,
        %get3A_1261 = arith.index_cast %scan3A_1215 : i32 to index
        %get3A_1262 = arith.constant 16 : index
        %get3A_1263 = tpu.vector_load %arg21[%get3A_1261, %get3A_1262] {strides = array<i32>} : memref<256x128xf32, #tpu.memory_space<vmem>>, vector<16xf32>,
        %mul3A_1264 = arith.mulf %gather3A_1217, %get3A_1263 : vector<16xf32>
        %add3A_1265 = arith.constant 64 : i32
        %add3A_1266 = arith.addi %add3A_1265, %scan3A_1215 : i32
        %get3A_1267 = arith.index_cast %add3A_1266 : i32 to index
        %get3A_1268 = arith.constant 16 : index
        %get3A_1269 = tpu.vector_load %arg21[%get3A_1267, %get3A_1268] {strides = array<i32>} : memref<256x128xf32, #tpu.memory_space<vmem>>, vector<16xf32>,
        %mul3A_1270 = arith.mulf %gather3A_1221, %get3A_1269 : vector<16xf32>
        %add3A_1271 = arith.addf %mul3A_1264, %mul3A_1270 : vector<16xf32>
        %add3A_1272 = arith.constant 128 : i32
        %add3A_1273 = arith.addi %add3A_1272, %scan3A_1215 : i32
        %get3A_1274 = arith.index_cast %add3A_1273 : i32 to index
        %get3A_1275 = arith.constant 16 : index
        %get3A_1276 = tpu.vector_load %arg21[%get3A_1274, %get3A_1275] {strides = array<i32>} : memref<256x128xf32, #tpu.memory_space<vmem>>, vector<16xf32>,
        %mul3A_1277 = arith.mulf %gather3A_1225, %get3A_1276 : vector<16xf32>
        %add3A_1278 = arith.addf %add3A_1271, %mul3A_1277 : vector<16xf32>
        %add3A_1279 = arith.constant 192 : i32
        %add3A_1280 = arith.addi %add3A_1279, %scan3A_1215 : i32
        %get3A_1281 = arith.index_cast %add3A_1280 : i32 to index
        %get3A_1282 = arith.constant 16 : index
        %get3A_1283 = tpu.vector_load %arg21[%get3A_1281, %get3A_1282] {strides = array<i32>} : memref<256x128xf32, #tpu.memory_space<vmem>>, vector<16xf32>,
        %mul3A_1284 = arith.mulf %gather3A_1229, %get3A_1283 : vector<16xf32>
        %add3A_1285 = arith.addf %add3A_1278, %mul3A_1284 : vector<16xf32>
        %mul3A_1286 = arith.constant 128 : i32
        %mul3A_1287 = arith.muli %scan3A_1215, %mul3A_1286 : i32
        %add3A_1288 = arith.constant 16 : i32
        %add3A_1289 = arith.addi %mul3A_1287, %add3A_1288 : i32
        %swap3A_1290 = arith.index_cast %add3A_1289 : i32 to index
        %swap3A_1291 = tpu.vector_load %arg23[%swap3A_1290] {strides = array<i32>} : memref<8192xf32, #tpu.memory_space<vmem>>, vector<16xf32>,
        tpu.vector_store %arg23[%swap3A_1290], %add3A_1285 {strides = array<i32>} : memref<8192xf32, #tpu.memory_space<vmem>>, vector<16xf32>,
        %get3A_1292 = arith.index_cast %scan3A_1215 : i32 to index
        %get3A_1293 = arith.constant 32 : index
        %get3A_1294 = tpu.vector_load %arg21[%get3A_1292, %get3A_1293] {strides = array<i32>} : memref<256x128xf32, #tpu.memory_space<vmem>>, vector<16xf32>,
        %mul3A_1295 = arith.mulf %gather3A_1217, %get3A_1294 : vector<16xf32>
        %add3A_1296 = arith.constant 64 : i32
        %add3A_1297 = arith.addi %add3A_1296, %scan3A_1215 : i32
        %get3A_1298 = arith.index_cast %add3A_1297 : i32 to index
        %get3A_1299 = arith.constant 32 : index
        %get3A_1300 = tpu.vector_load %arg21[%get3A_1298, %get3A_1299] {strides = array<i32>} : memref<256x128xf32, #tpu.memory_space<vmem>>, vector<16xf32>,
        %mul3A_1301 = arith.mulf %gather3A_1221, %get3A_1300 : vector<16xf32>
        %add3A_1302 = arith.addf %mul3A_1295, %mul3A_1301 : vector<16xf32>
        %add3A_1303 = arith.constant 128 : i32
        %add3A_1304 = arith.addi %add3A_1303, %scan3A_1215 : i32
        %get3A_1305 = arith.index_cast %add3A_1304 : i32 to index
        %get3A_1306 = arith.constant 32 : index
        %get3A_1307 = tpu.vector_load %arg21[%get3A_1305, %get3A_1306] {strides = array<i32>} : memref<256x128xf32, #tpu.memory_space<vmem>>, vector<16xf32>,
        %mul3A_1308 = arith.mulf %gather3A_1225, %get3A_1307 : vector<16xf32>
        %add3A_1309 = arith.addf %add3A_1302, %mul3A_1308 : vector<16xf32>
        %add3A_1310 = arith.constant 192 : i32
        %add3A_1311 = arith.addi %add3A_1310, %scan3A_1215 : i32
        %get3A_1312 = arith.index_cast %add3A_1311 : i32 to index
        %get3A_1313 = arith.constant 32 : index
        %get3A_1314 = tpu.vector_load %arg21[%get3A_1312, %get3A_1313] {strides = array<i32>} : memref<256x128xf32, #tpu.memory_space<vmem>>, vector<16xf32>,
        %mul3A_1315 = arith.mulf %gather3A_1229, %get3A_1314 : vector<16xf32>
        %add3A_1316 = arith.addf %add3A_1309, %mul3A_1315 : vector<16xf32>
        %mul3A_1317 = arith.constant 128 : i32
        %mul3A_1318 = arith.muli %scan3A_1215, %mul3A_1317 : i32
        %add3A_1319 = arith.constant 32 : i32
        %add3A_1320 = arith.addi %mul3A_1318, %add3A_1319 : i32
        %swap3A_1321 = arith.index_cast %add3A_1320 : i32 to index
        %swap3A_1322 = tpu.vector_load %arg23[%swap3A_1321] {strides = array<i32>} : memref<8192xf32, #tpu.memory_space<vmem>>, vector<16xf32>,
        tpu.vector_store %arg23[%swap3A_1321], %add3A_1316 {strides = array<i32>} : memref<8192xf32, #tpu.memory_space<vmem>>, vector<16xf32>,
        %get3A_1323 = arith.index_cast %scan3A_1215 : i32 to index
        %get3A_1324 = arith.constant 48 : index
        %get3A_1325 = tpu.vector_load %arg21[%get3A_1323, %get3A_1324] {strides = array<i32>} : memref<256x128xf32, #tpu.memory_space<vmem>>, vector<16xf32>,
        %mul3A_1326 = arith.mulf %gather3A_1217, %get3A_1325 : vector<16xf32>
        %add3A_1327 = arith.constant 64 : i32
        %add3A_1328 = arith.addi %add3A_1327, %scan3A_1215 : i32
        %get3A_1329 = arith.index_cast %add3A_1328 : i32 to index
        %get3A_1330 = arith.constant 48 : index
        %get3A_1331 = tpu.vector_load %arg21[%get3A_1329, %get3A_1330] {strides = array<i32>} : memref<256x128xf32, #tpu.memory_space<vmem>>, vector<16xf32>,
        %mul3A_1332 = arith.mulf %gather3A_1221, %get3A_1331 : vector<16xf32>
        %add3A_1333 = arith.addf %mul3A_1326, %mul3A_1332 : vector<16xf32>
        %add3A_1334 = arith.constant 128 : i32
        %add3A_1335 = arith.addi %add3A_1334, %scan3A_1215 : i32
        %get3A_1336 = arith.index_cast %add3A_1335 : i32 to index
        %get3A_1337 = arith.constant 48 : index
        %get3A_1338 = tpu.vector_load %arg21[%get3A_1336, %get3A_1337] {strides = array<i32>} : memref<256x128xf32, #tpu.memory_space<vmem>>, vector<16xf32>,
        %mul3A_1339 = arith.mulf %gather3A_1225, %get3A_1338 : vector<16xf32>
        %add3A_1340 = arith.addf %add3A_1333, %mul3A_1339 : vector<16xf32>
        %add3A_1341 = arith.constant 192 : i32
        %add3A_1342 = arith.addi %add3A_1341, %scan3A_1215 : i32
        %get3A_1343 = arith.index_cast %add3A_1342 : i32 to index
        %get3A_1344 = arith.constant 48 : index
        %get3A_1345 = tpu.vector_load %arg21[%get3A_1343, %get3A_1344] {strides = array<i32>} : memref<256x128xf32, #tpu.memory_space<vmem>>, vector<16xf32>,
        %mul3A_1346 = arith.mulf %gather3A_1229, %get3A_1345 : vector<16xf32>
        %add3A_1347 = arith.addf %add3A_1340, %mul3A_1346 : vector<16xf32>
        %mul3A_1348 = arith.constant 128 : i32
        %mul3A_1349 = arith.muli %scan3A_1215, %mul3A_1348 : i32
        %add3A_1350 = arith.constant 48 : i32
        %add3A_1351 = arith.addi %mul3A_1349, %add3A_1350 : i32
        %swap3A_1352 = arith.index_cast %add3A_1351 : i32 to index
        %swap3A_1353 = tpu.vector_load %arg23[%swap3A_1352] {strides = array<i32>} : memref<8192xf32, #tpu.memory_space<vmem>>, vector<16xf32>,
        tpu.vector_store %arg23[%swap3A_1352], %add3A_1347 {strides = array<i32>} : memref<8192xf32, #tpu.memory_space<vmem>>, vector<16xf32>,
        %get3A_1354 = arith.index_cast %scan3A_1215 : i32 to index
        %get3A_1355 = arith.constant 64 : index
        %get3A_1356 = tpu.vector_load %arg21[%get3A_1354, %get3A_1355] {strides = array<i32>} : memref<256x128xf32, #tpu.memory_space<vmem>>, vector<16xf32>,
        %mul3A_1357 = arith.mulf %gather3A_1217, %get3A_1356 : vector<16xf32>
        %add3A_1358 = arith.constant 64 : i32
        %add3A_1359 = arith.addi %add3A_1358, %scan3A_1215 : i32
        %get3A_1360 = arith.index_cast %add3A_1359 : i32 to index
        %get3A_1361 = arith.constant 64 : index
        %get3A_1362 = tpu.vector_load %arg21[%get3A_1360, %get3A_1361] {strides = array<i32>} : memref<256x128xf32, #tpu.memory_space<vmem>>, vector<16xf32>,
        %mul3A_1363 = arith.mulf %gather3A_1221, %get3A_1362 : vector<16xf32>
        %add3A_1364 = arith.addf %mul3A_1357, %mul3A_1363 : vector<16xf32>
        %add3A_1365 = arith.constant 128 : i32
        %add3A_1366 = arith.addi %add3A_1365, %scan3A_1215 : i32
        %get3A_1367 = arith.index_cast %add3A_1366 : i32 to index
        %get3A_1368 = arith.constant 64 : index
        %get3A_1369 = tpu.vector_load %arg21[%get3A_1367, %get3A_1368] {strides = array<i32>} : memref<256x128xf32, #tpu.memory_space<vmem>>, vector<16xf32>,
        %mul3A_1370 = arith.mulf %gather3A_1225, %get3A_1369 : vector<16xf32>
        %add3A_1371 = arith.addf %add3A_1364, %mul3A_1370 : vector<16xf32>
        %add3A_1372 = arith.constant 192 : i32
        %add3A_1373 = arith.addi %add3A_1372, %scan3A_1215 : i32
        %get3A_1374 = arith.index_cast %add3A_1373 : i32 to index
        %get3A_1375 = arith.constant 64 : index
        %get3A_1376 = tpu.vector_load %arg21[%get3A_1374, %get3A_1375] {strides = array<i32>} : memref<256x128xf32, #tpu.memory_space<vmem>>, vector<16xf32>,
        %mul3A_1377 = arith.mulf %gather3A_1229, %get3A_1376 : vector<16xf32>
        %add3A_1378 = arith.addf %add3A_1371, %mul3A_1377 : vector<16xf32>
        %mul3A_1379 = arith.constant 128 : i32
        %mul3A_1380 = arith.muli %scan3A_1215, %mul3A_1379 : i32
        %add3A_1381 = arith.constant 64 : i32
        %add3A_1382 = arith.addi %mul3A_1380, %add3A_1381 : i32
        %swap3A_1383 = arith.index_cast %add3A_1382 : i32 to index
        %swap3A_1384 = tpu.vector_load %arg23[%swap3A_1383] {strides = array<i32>} : memref<8192xf32, #tpu.memory_space<vmem>>, vector<16xf32>,
        tpu.vector_store %arg23[%swap3A_1383], %add3A_1378 {strides = array<i32>} : memref<8192xf32, #tpu.memory_space<vmem>>, vector<16xf32>,
        %get3A_1385 = arith.index_cast %scan3A_1215 : i32 to index
        %get3A_1386 = arith.constant 80 : index
        %get3A_1387 = tpu.vector_load %arg21[%get3A_1385, %get3A_1386] {strides = array<i32>} : memref<256x128xf32, #tpu.memory_space<vmem>>, vector<16xf32>,
        %mul3A_1388 = arith.mulf %gather3A_1217, %get3A_1387 : vector<16xf32>
        %add3A_1389 = arith.constant 64 : i32
        %add3A_1390 = arith.addi %add3A_1389, %scan3A_1215 : i32
        %get3A_1391 = arith.index_cast %add3A_1390 : i32 to index
        %get3A_1392 = arith.constant 80 : index
        %get3A_1393 = tpu.vector_load %arg21[%get3A_1391, %get3A_1392] {strides = array<i32>} : memref<256x128xf32, #tpu.memory_space<vmem>>, vector<16xf32>,
        %mul3A_1394 = arith.mulf %gather3A_1221, %get3A_1393 : vector<16xf32>
        %add3A_1395 = arith.addf %mul3A_1388, %mul3A_1394 : vector<16xf32>
        %add3A_1396 = arith.constant 128 : i32
        %add3A_1397 = arith.addi %add3A_1396, %scan3A_1215 : i32
        %get3A_1398 = arith.index_cast %add3A_1397 : i32 to index
        %get3A_1399 = arith.constant 80 : index
        %get3A_1400 = tpu.vector_load %arg21[%get3A_1398, %get3A_1399] {strides = array<i32>} : memref<256x128xf32, #tpu.memory_space<vmem>>, vector<16xf32>,
        %mul3A_1401 = arith.mulf %gather3A_1225, %get3A_1400 : vector<16xf32>
        %add3A_1402 = arith.addf %add3A_1395, %mul3A_1401 : vector<16xf32>
        %add3A_1403 = arith.constant 192 : i32
        %add3A_1404 = arith.addi %add3A_1403, %scan3A_1215 : i32
        %get3A_1405 = arith.index_cast %add3A_1404 : i32 to index
        %get3A_1406 = arith.constant 80 : index
        %get3A_1407 = tpu.vector_load %arg21[%get3A_1405, %get3A_1406] {strides = array<i32>} : memref<256x128xf32, #tpu.memory_space<vmem>>, vector<16xf32>,
        %mul3A_1408 = arith.mulf %gather3A_1229, %get3A_1407 : vector<16xf32>
        %add3A_1409 = arith.addf %add3A_1402, %mul3A_1408 : vector<16xf32>
        %mul3A_1410 = arith.constant 128 : i32
        %mul3A_1411 = arith.muli %scan3A_1215, %mul3A_1410 : i32
        %add3A_1412 = arith.constant 80 : i32
        %add3A_1413 = arith.addi %mul3A_1411, %add3A_1412 : i32
        %swap3A_1414 = arith.index_cast %add3A_1413 : i32 to index
        %swap3A_1415 = tpu.vector_load %arg23[%swap3A_1414] {strides = array<i32>} : memref<8192xf32, #tpu.memory_space<vmem>>, vector<16xf32>,
        tpu.vector_store %arg23[%swap3A_1414], %add3A_1409 {strides = array<i32>} : memref<8192xf32, #tpu.memory_space<vmem>>, vector<16xf32>,
      }
      %scan3A_606 = arith.constant 64 : i32
      %mul3A_607 = arith.constant 128 : i32
      %mul3A_608 = arith.muli %add3A_557, %mul3A_607 : i32
      %dma_start3A_609 = tpu.memref_slice %arg5[%mul3A_608] : memref<75497472xf32, #tpu.memory_space<hbm>> -> memref<8192xf32, #tpu.memory_space<hbm>>
      %dma_start3A_610 = tpu.memref_slice %arg5[%mul3A_608] : memref<75497472xf32, #tpu.memory_space<hbm>> -> memref<8192xf32, #tpu.memory_space<hbm>>
      tpu.enqueue_dma source(%arg23 : memref<8192xf32, #tpu.memory_space<vmem>>) target(%dma_start3A_610 : memref<8192xf32, #tpu.memory_space<hbm>>) target_semaphore(%arg29 : memref<!tpu.dma_semaphore, #tpu.memory_space<semaphore_mem>>)
    }
    %scan3A_487 = arith.constant 144 : i32
    %mul3A_488 = arith.constant 128 : i32
    %mul3A_489 = arith.muli %mul3A_2, %mul3A_488 : i32
    %dma_wait3A = tpu.memref_slice %arg5[%mul3A_489] : memref<75497472xf32, #tpu.memory_space<hbm>> -> memref<8192xf32, #tpu.memory_space<hbm>>
    %dma_wait3A_490 = tpu.memref_slice %arg5[%mul3A_489] : memref<75497472xf32, #tpu.memory_space<hbm>> -> memref<8192xf32, #tpu.memory_space<hbm>>
    tpu.wait_dma2 semaphore(%arg28 : memref<!tpu.dma_semaphore, #tpu.memory_space<semaphore_mem>>) src(%arg22 : memref<8192xf32, #tpu.memory_space<vmem>>) dst(%dma_wait3A_490 : memref<8192xf32, #tpu.memory_space<hbm>>)
    %mul3A_491 = arith.constant 128 : i32
    %mul3A_492 = arith.muli %mul3A_2, %mul3A_491 : i32
    %dma_wait3A_493 = tpu.memref_slice %arg5[%mul3A_492] : memref<75497472xf32, #tpu.memory_space<hbm>> -> memref<8192xf32, #tpu.memory_space<hbm>>
    %dma_wait3A_494 = tpu.memref_slice %arg5[%mul3A_492] : memref<75497472xf32, #tpu.memory_space<hbm>> -> memref<8192xf32, #tpu.memory_space<hbm>>
    tpu.wait_dma2 semaphore(%arg29 : memref<!tpu.dma_semaphore, #tpu.memory_space<semaphore_mem>>) src(%arg23 : memref<8192xf32, #tpu.memory_space<vmem>>) dst(%dma_wait3A_494 : memref<8192xf32, #tpu.memory_space<hbm>>)
    return
  }
}

</mosaic_0001>

<sc_bundles>
// kernel: kernel.3.cloned.1.call-start
scs
__scs_entry_jumppad:
0x0: {  	(pc) =	sbr.rel $0x88, $3  }
0x1: {  	(tag) =	ssettag $0x0;
	lr =	simm.s32 $0x1  }
0x2: {  	[smem:$0x3F9F] =	sst lr;
	_ =	strace $0xD0000000  }
0x3: {  	_ = 	snop  }
0x4: {  	_ = 	snop  }
0x5: {  	_ = 	snop  }
0x6: {  	_ = 	snop  }
0x7: {  	_ = 	snop  }
__scs_overlays_trampoline_lowered:
0x8: {  	[smem:$0x3FAE] =	sst s0  }
0x9: {  	[smem:$0x3FAF] =	sst s1  }
0xa: {  	[smem:$0x3FB0] =	sst s2  }
0xb: {  	[smem:$0x3FB1] =	sst s3  }
0xc: {  	[smem:$0x3FB2] =	sst s4  }
0xd: {  	[smem:$0x3FB3] =	sst s5  }
0xe: {  	[smem:$0x3FB4] =	sst s6  }
0xf: {  	[smem:$0x3FB5] =	sst s7  }
0x10: {  	[smem:$0x3FB6] =	sst s8  }
0x11: {  	[smem:$0x3FB7] =	sst s9;
	s0 =	simm.s32 @!p0 $0x0  }
0x12: {  	s1 =	sld [smem:$0x3F9D];
	s0 =	simm.s32 @p0 $0x1  }
0x13: {  	[smem:$0x3FB8] =	sst s0;
	s0 =	simm.s32 @!p1 $0x0  }
0x14: {  	s2 =	sld [smem:$0x3F9C];
	s0 =	simm.s32 @p1 $0x1  }
0x15: {  	[smem:$0x3FB9] =	sst s0;
	s0 =	simm.s32 @!p2 $0x0  }
0x16: {  	s3 =	sld [smem:$0x3FDB];
	s0 =	simm.s32 @p2 $0x1  }
0x17: {  	s4 =	simm.s32 $0x1BF5;
	[smem:$0x3FBB] =	sst s0  }
0x18: {  	s0 =	sld [smem:$0x3F9E];
	_ =	swait.ge [sflag:s4], $0x0  }
0x19: {  	s7 =	sld [smem:$0x3F9F]  }
0x1a: {  	s8 =	sadd.s32 $0xFFFFE003, lr  }
0x1b: {  	s9 =	sadd.s32 $0xFFFFFEF7, lr;
	s5 =	simm.s32 $0xFFFFFFFF;
	p2 =	slt.u32 s8, $0xFFFFF086  }
0x1c: {  	p1 =	slt.u32 s9, $0xF7A;
	s5 =	simm.s32 @!p2 $0x0  }
0x1d: {  	s5 =	simm.s32 @p1 $0x1;
	p0 =	seq.s32 s7, s2  }
0x1e: {  	s7 =	smul.u32 @!p0 $0xF7A, s2;
	p2 =	seq.s32 @!p0 s5, $0x0  }
0x1f: {  	s9 =	smul.u32 $0xF7A, s1;
	s8 =	simm.s32 @!p0 $0x1BF5;
	p2 =	por !p2, p0  }
0x20: {  	[sflag:s8] =	ssyncset.s32 @!p0 $0xFFFFF086;
	s6 =	sadd.s32 @!p0 s3, s7;
	s7 =	simm.s32 @!p0 $0x108  }
0x21: {  	s3 =	sadd.s32 s3, s9;
	s6 =	sadd.s32 @!p0 $0x88, s6;
	s7 =	simm.s32 @p2 $0x1082  }
0x22: {  	[simem:s7], [sflag:s8] =	dma.local @!p0 [hbm:s6], $0xF7A  }
0x23: {  	s9 =	sor.u32 $0xD0000000, s2;
	s6 =	simm.s32 $0x108;
	_ =	swait.ge @!p0 [sflag:s8], $0x0  }
0x24: {  	s3 =	sadd.s32 $0x88, s3;
	s6 =	simm.s32 @!p1 $0x1082;
	[sflag:s4] =	ssyncset.s32 $0xFFFFF086  }
0x25: {  	[simem:s6], [sflag:s4] =	dma.local [hbm:s3], $0xF7A  }
0x26: {  	[smem:$0x3F9F] =	sst s1;
	(tag) =	ssettag s2;
	_ =	strace s9  }
0x27: {  	s1 =	sld [smem:$0x3FAF]  }
0x28: {  	s2 =	sld [smem:$0x3FB0]  }
0x29: {  	s4 =	sld [smem:$0x3FB2]  }
0x2a: {  	p0 =	seq.s32 s5, $0x0;
	s5 =	sld [smem:$0x3FB3]  }
0x2b: {  	s6 =	sld [smem:$0x3FB4]  }
0x2c: {  	s7 =	sld [smem:$0x3FB5]  }
0x2d: {  	s3 =	simm.s32 $0x108;
	s8 =	sld [smem:$0x3FB6]  }
0x2e: {  	s3 =	simm.s32 @!p0 $0x1082;
	s9 =	sld [smem:$0x3FB7]  }
0x2f: {  	lr =	sadd.s32 s0, s3;
	s0 =	sld [smem:$0x3FAE]  }
0x30: {  	s3 =	sld [smem:$0x3FB1]  }
0x31: {  	[smem:$0x3FBA] =	sst s10  }
0x32: {  	s10 =	sld [smem:$0x3FB8];
	_ =	sdelay $0x3  }
0x33: {  	p0 =	seq.s32 s10, $0x1;
	s10 =	sld [smem:$0x3FBA];
	_ =	sdelay $0x3  }
0x34: {  	[smem:$0x3FBA] =	sst s10  }
0x35: {  	s10 =	sld [smem:$0x3FB9];
	_ =	sdelay $0x3  }
0x36: {  	p1 =	seq.s32 s10, $0x1;
	s10 =	sld [smem:$0x3FBA];
	_ =	sdelay $0x3  }
0x37: {  	[smem:$0x3FBA] =	sst s10  }
0x38: {  	s10 =	sld [smem:$0x3FBB]  }
0x39: {  	_ = 	snop;
	(pc) =	sbr.ind lr, $3  }
0x3a: {  	_ = 	snop  }
0x3b: {  	_ = 	snop  }
0x3c: {  	p2 =	seq.s32 s10, $0x1;
	s10 =	sld [smem:$0x3FBA]  }
0x3d: {  	_ =	shalt  }
0x3e: {  	_ =	shalt  }
0x3f: {  	_ =	shalt  }
0x40: {  	_ =	shalt  }
0x41: {  	_ =	shalt  }
0x42: {  	_ =	shalt  }
0x43: {  	_ =	shalt  }
0x44: {  	_ =	shalt  }
0x45: {  	_ =	shalt  }
0x46: {  	_ =	shalt  }
0x47: {  	_ =	shalt  }
0x48: {  	_ =	shalt  }
0x49: {  	_ =	shalt  }
0x4a: {  	_ =	shalt  }
0x4b: {  	_ =	shalt  }
0x4c: {  	_ =	shalt  }
0x4d: {  	_ =	shalt  }
0x4e: {  	_ =	shalt  }
0x4f: {  	_ =	shalt  }
0x50: {  	_ =	shalt  }
0x51: {  	_ =	shalt  }
0x52: {  	_ =	shalt  }
0x53: {  	_ =	shalt  }
0x54: {  	_ =	shalt  }
0x55: {  	_ =	shalt  }
0x56: {  	_ =	shalt  }
0x57: {  	_ =	shalt  }
0x58: {  	_ =	shalt  }
0x59: {  	_ =	shalt  }
0x5a: {  	_ =	shalt  }
0x5b: {  	_ =	shalt  }
0x5c: {  	_ =	shalt  }
0x5d: {  	_ =	shalt  }
0x5e: {  	_ =	shalt  }
0x5f: {  	_ =	shalt  }
0x60: {  	_ =	shalt  }
0x61: {  	_ =	shalt  }
0x62: {  	_ =	shalt  }
0x63: {  	_ =	shalt  }
0x64: {  	_ =	shalt  }
0x65: {  	_ =	shalt  }
0x66: {  	_ =	shalt  }
0x67: {  	_ =	shalt  }
0x68: {  	_ =	shalt  }
0x69: {  	_ =	shalt  }
0x6a: {  	_ =	shalt  }
0x6b: {  	_ =	shalt  }
0x6c: {  	_ =	shalt  }
0x6d: {  	_ =	shalt  }
0x6e: {  	_ =	shalt  }
0x6f: {  	_ =	shalt  }
0x70: {  	_ =	shalt  }
0x71: {  	_ =	shalt  }
0x72: {  	_ =	shalt  }
0x73: {  	_ =	shalt  }
0x74: {  	_ =	shalt  }
0x75: {  	_ =	shalt  }
0x76: {  	_ =	shalt  }
0x77: {  	_ =	shalt  }
0x78: {  	_ =	shalt  }
0x79: {  	_ =	shalt  }
0x7a: {  	_ =	shalt  }
0x7b: {  	_ =	shalt  }
0x7c: {  	_ =	shalt  }
0x7d: {  	_ =	shalt  }
0x7e: {  	_ =	shalt  }
0x7f: {  	_ =	shalt  }
0x80: {  	_ =	shalt  }
0x81: {  	_ =	shalt  }
0x82: {  	_ =	shalt  }
0x83: {  	_ =	shalt  }
0x84: {  	_ =	shalt  }
0x85: {  	_ =	shalt  }
0x86: {  	_ =	shalt  }
0x87: {  	_ =	shalt  }
.Lfunc_end0:
.L_simem_size_0:
called_computation.1_lowered:
.L_overlay_start_0:
0x88: {  	s2 =	sld [smem:$0x3FD9]  }
0x89: {  	s3 =	sld [smem:$0x3FFE];
	_ =	sdelay $0x1  }
0x8a: {  	s1 =	srdreg.scid  }
0x8b: {  	s0 =	sand.u32 $0x1, s1  }
0x8c: {  	s17 =	sshll.u32 s0, $0xA;
	s2 =	sadd.s32 s3, s2  }
0x8d: {  	s2 =	sadd.s32 s2, s17  }
0x8e: {  	[smem:$0x3FC6] =	sst s2  }
0x8f: {  	_ = 	snop  }
0x90: {  	s2 =	sld [smem:$0x3FD0];
	(tm) =	ssettm $0x1  }
0x91: {  	s18 =	sld [smem:$0x3FFB];
	_ =	sdelay $0x3  }
0x92: {  	_ =	strace s18  }
0x93: {  	s3 =	sld [smem:$0x3FFC];
	_ =	sdelay $0x3  }
0x94: {  	_ =	strace s3  }
0x95: {  	s3 =	sld [smem:$0x3FFD];
	_ =	sdelay $0x3  }
0x96: {  	_ =	strace s3  }
0x97: {  	_ =	strace $0x8FFFFFFF  }
0x98: {  	s19 =	sld [smem:$0x3FDB];
	_ =	sdelay $0x1  }
0x99: {  	s4 =	simm.s32 $_scs_section_size  }
0x9a: {  	s5 =	simm.s32 $_size__tile_overlayer_lowered;
	s6 =	simm.s32 $_tile_overlayer_lowered  }
0x9b: {  	s22 =	simm.s32 $0x1BFF;
	s21 =	sshll.u32 s6, $0x1;
	s3 =	sadd.s32 s4, s19  }
0x9c: {  	s7 =	simm.s32 $0x0;
	s20 =	sshll.u32 s5, $0x1;
	s5 =	sadd.s32 s21, s3  }
0x9d: {  	[timem:s7], [sflag:s22] =	dma.local [hbm:s5], s20  }
0x9e: {  	_ =	swait.ge [sflag:s22], s20  }
0x9f: {  	s4 =	ssub.s32 $0x0, s20;
	[sflag:s22] =	ssyncset.done $0x0  }
0xa0: {  	[sflag:s22] =	ssyncadd.s32 s4;
	_ =	sdelay $0x1  }
0xa1: {  	s23 =	simm.s32 $0x1B8B  }
0xa2: {  	_ =	swait.ge [sflag:s23], $0x1  }
0xa3: {  	[sflag:s23] =	ssyncset.done $0x0  }
0xa4: {  	s25 =	simm.s32 $0x1B8E;
	s24 =	sld [smem:$0x3FFE];
	[sflag:s23] =	ssyncadd.s32 $0xFFFFFFFF  }
0xa5: {  	s26 =	simm.s32 $execute0_lowered;
	[smem:$0x3FD2] =	sst s25  }
0xa6: {  	s5 =	sshll.u32 s26, $0x1;
	_ =	strace $0x80000046;
	[dreg:$0x1] =	wrdreg $0xFFFFFFFF  }
0xa7: {  	s28 =	simm.s32 $_size_execute0_lowered;
	s3 =	sadd.s32 s3, s5;
	[dreg:$0x0] =	wrdreg $0x0  }
0xa8: {  	s5 =	sshll.u32 s28, $0x1;
	[dreg:$0x2] =	wrdreg s3  }
0xa9: {  	[dreg:$0x3] =	wrdreg s5  }
0xaa: {  	[dreg:$0x4] =	wrdreg $0xC0  }
0xab: {  	_ =	task [dreg:s7], $0x5FFFF  }
0xac: {  	[dreg:$0x1] =	wrdreg $0xFFFFFFFF  }
0xad: {  	[dreg:$0x0] =	wrdreg $0x60  }
0xae: {  	[dreg:$0x2] =	wrdreg s24  }
0xaf: {  	[dreg:$0x3] =	wrdreg s2  }
0xb0: {  	[dreg:$0x4] =	wrdreg $0x9  }
0xb1: {  	_ =	task.clear_ibuf [dreg:s7], $0x5FFFF;
	_ =	strace $0x90000046  }
0xb2: {  	s29 =	simm.s32 $0x9;
	_ =	strace $0x80000048  }
0xb3: {  	_ =	swait.ge [sflag:s29], $0x1  }
0xb4: {  	[sflag:s29] =	ssyncadd.s32 $0xFFFFFFFF  }
0xb5: {  	_ =	strace $0x90000048  }
0xb6: {  	_ =	sfence  }
0xb7: {  	s30 =	sld [smem:$0x0];
	_ =	sdelay $0x2  }
0xb8: {  	s31 =	sshll.u32 s1, $0xD;
	s1 =	sshrl.u32 s1, $0x2  }
0xb9: {  	s3 =	sand.u32 $0x4000, s31;
	s1 =	sadd.s32 s1, s30  }
0xba: {  	s0 =	sor.u32 s3, s0;
	s1 =	sshll.u32 s1, $0x11  }
0xbb: {  	s0 =	sor.u32 s1, s0  }
0xbc: {  	s0 =	sadd.s32 $0x8F2B, s0  }
0xbd: {  	[sflag:s0] =	ssyncadd.remote.s32 $0x1  }
0xbe: {  	_ =	sfence.sel $0xFFFF  }
0xbf: {  	[dreg:$0x0] =	wrdreg $0xFFFFFFFF;
	(pc) =	sbr.abs _section_cstart, $3  }
0xc0: {  	[dreg:$0x1] =	wrdreg $0xFFFFFFFF  }
0xc1: {  	_ =	task.clear_ibuf [dreg:s7], $0x2FFFF;
	_ =	strace $0x9FFFFFFF  }
0xc2: {  	(tm) =	ssettm $0x7FFFFFFF  }
0xc3: {  	_ =	shalt  }
tec
execute0_lowered:
.L_overlay_start_1:
0x0: {  	(tag) =	ssettag $0x1  }
0x1: {  	s0 =	srdreg.scid;
	s1 =	stileid.u32  }
0x2: {  	s0 =	sand.u32 $0x1, s0;
	s1 =	sshll.u32 s1, $0x1  }
0x3: {  	s1 =	sor.u32 s0, s1  }
0x4: {  	s1 =	smul.u32 $0x4800, s1;
	_ =	sdelay $0x1  }
0x5: {  	v0 =	vmov s1  }
0x6: {  	v0 =	vshrl.u32 v0, $0x7  }
0x7: {  	v0 =	vmul.u32 $0xAAAB, v0;
	_ =	sdelay $0x1  }
0x8: {  	v1 =	vshrl.u32 v0, $0x18  }
0x9: {  	s8 =	sor.u32 $0x10, s1;
	v2 =	vshrl.u32 v0, $0x11;
	v1 =	vmul.u32 $0xAAAB, v1  }
0xa: {  	v5 =	vmov s8;
	v3 =	vmul.u32 $0xFFFFFE80, v2  }
0xb: {  	v5 =	vshrl.u32 v5, $0x7;
	v4 =	vshrl.u32 v1, $0x11  }
0xc: {  	s10 =	sor.u32 $0x30, s1;
	v0 =	vlaneseq.u32;
	v3 =	vadd.s32 s1, v3;
	v1 =	vmul.u32 $0xFFFFFE80, v4  }
0xd: {  	s9 =	sor.u32 $0x20, s1;
	v7 =	vmov s10;
	v5 =	vmul.u32 $0xAAAB, v5;
	v3 =	vor.u32 v0, v3  }
0xe: {  	s2 =	rddreg [dreg:$0x0];
	v1 =	vadd.s32 v2, v1;
	v2 =	vcvt.s32.f32 v3;
	v3 =	vmov s9  }
0xf: {  	s3 =	rddreg [dreg:$0x1];
	s4 =	simm.s32 $0x0;
	v7 =	vshrl.u32 v7, $0x7;
	v6 =	vshra.s32 v5, $0x11;
	v3 =	vshrl.u32 v3, $0x7  }
0x10: {  	s15 =	simm.s32 $0x40;
	s28 =	simm.s32 $0x400;
	s29 =	simm.s32 $0x8800;
	v8 =	vmul.u32 $0xFFFFFE80, v6;
	v1 =	vcvt.s32.f32 v1;
	v9 =	vmul.u32 $0xAAAB, v3  }
0x11: {  	s30 =	simm.s32 $0x480;
	s31 =	simm.s32 $0xA800;
	s14 =	simm.s32 $0x580;
	v3 =	vmul.u32 $0x24000, v4;
	v4 =	vshra.s32 v5, $0x18;
	v5 =	vmul.u32 $0xAAAB, v7  }
0x12: {  	s12 =	simm.s32 $0x4;
	s13 =	simm.s32 $0x700;
	s16 =	simm.s32 $0x12800;
	v7 =	vadd.s32 s8, v8;
	v4 =	vmul.u32 $0xAAAB, v4;
	v8 =	vshra.s32 v9, $0x11  }
0x13: {  	s17 =	simm.s32 $0x1;
	s20 =	simm.s32 $0x0;
	s0 =	ssub.s32 $0x2, s0;
	v9 =	vshra.s32 v9, $0x18;
	v11 =	vshra.s32 v5, $0x11;
	v10 =	vmul.u32 $0xFFFFFE80, v8  }
0x14: {  	[smem:$0x7FF] =	sst s4;
	s5 =	sadd.s32 $0x912A00, s2;
	s23 =	sshrl.u32 s0, $0x1;
	v12 =	vshra.s32 v4, $0x11;
	v4 =	vmul.u32 $0xAAAB, v9;
	v9 =	vmul.u32 $0xFFFFFE80, v11  }
0x15: {  	s6 =	sadd.s32 $0xA00, s2;
	s7 =	sadd.s32 $0x12A00, s2;
	s0 =	ssub.s32 s0, s23;
	v5 =	vshra.s32 v5, $0x18;
	v13 =	vmul.u32 $0xFFFFFE80, v12;
	v10 =	vadd.s32 s9, v10  }
0x16: {  	_ =	strace $0x80000047;
	s11 =	sshrl.u32 s1, $0x3;
	s0 =	smax.u32 s0, $0x1;
	v14 =	vshra.s32 v4, $0x11;
	v15 =	vadd.s32 s10, v9;
	v9 =	vmul.u32 $0xAAAB, v5  }
0x17: {  	s24 =	sadd.s32 s6, s11;
	s25 =	sor.u32 $0x8, s11;
	[dreg:$0x7] =	wrdreg s0;
	v5 =	vor.u32 v0, v7;
	v4 =	vadd.s32 v6, v13;
	v6 =	vmul.u32 $0xFFFFFE80, v14  }
0x18: {  	s11 =	sadd.s32 s3, s11;
	s0 =	simm.s32 $0xC800;
	[dreg:$0x3] =	wrdreg s24;
	v5 =	vcvt.s32.f32 v5;
	v4 =	vcvt.s32.f32 v4;
	v13 =	vshra.s32 v9, $0x11  }
0x19: {  	[dreg:$0x4] =	wrdreg s11;
	s26 =	sadd.s32 s6, s25;
	s2 =	sadd.s32 s3, s25;
	v9 =	vor.u32 v0, v10;
	v7 =	vadd.s32 v8, v6;
	v10 =	vmul.u32 $0xFFFFFE80, v13  }
0x1a: {  	s25 =	simm.s32 $0x180;
	s11 =	simm.s32 $0x10800;
	[dreg:$0x5] =	wrdreg s26;
	v6 =	vmul.u32 $0x24000, v12;
	v8 =	vcvt.s32.f32 v9;
	v9 =	vmul.u32 $0x24000, v14  }
0x1b: {  	[dreg:$0x6] =	wrdreg s2;
	s26 =	simm.s32 $0x2;
	s2 =	simm.s32 $0x500;
	v12 =	vor.u32 v0, v15;
	v7 =	vcvt.s32.f32 v7;
	v10 =	vadd.s32 v11, v10  }
0x1c: {  	s8 =	simm.s32 $0xE800;
	s9 =	simm.s32 $0x3;
	s10 =	simm.s32 $0x600;
	v11 =	vcvt.s32.f32 v12;
	v12 =	vmul.u32 $0x24000, v13;
	v10 =	vcvt.s32.f32 v10  }
.LBB2_1:
0x1d: {  	[dreg:$0x8] =	wrdreg s20  }
0x1e: {  	s18 =	rddreg [dreg:$0x3];
	s19 =	simm.s32 $0x7  }
0x1f: {  	[tilespmem:s4], [sflag:$0x7] =	stream.linear.gather [hbm4b:s18+s4], $0x40, $0x38;
	[tilespmem:$0x14800] =	vst v63  }
0x20: {  	_ =	swait.ge [sflag:s19], $0x40  }
0x21: {  	[sflag:s19] =	ssyncset.done $0x0  }
0x22: {  	s24 =	simm.s32 $0x100;
	s23 =	rddreg [dreg:$0x4];
	[sflag:s19] =	ssyncadd.s32 $0xFFFFFFC0  }
0x23: {  	[tilespmem:s24], [sflag:$0x7] =	stream.linear.gather [hbm4b:s23+s4], $0x40, $0x38;
	[tilespmem:$0x14800] =	vst v63  }
0x24: {  	_ =	swait.ge [sflag:s19], $0x40  }
0x25: {  	[sflag:s19] =	ssyncset.done $0x0  }
0x26: {  	[sflag:s19] =	ssyncadd.s32 $0xFFFFFFC0  }
0x27: {  	v13 =	vld [tilespmem:$0x0]  }
0x28: {  	v14 =	vld [tilespmem:$0x100]  }
0x29: {  	v17 =	vld [tilespmem:$0x10]  }
0x2a: {  	v20 =	vld [tilespmem:$0x110]  }
0x2b: {  	v22 =	vld [tilespmem:$0x120]  }
0x2c: {  	v37 =	vld [tilespmem:$0x30];
	_ =	sdelay $0x2  }
0x2d: {  	v41 =	vld [tilespmem:$0x130];
	v13 =	vsub.f32 v1, v13;
	v14 =	vsub.f32 v2, v14  }
0x2e: {  	v17 =	vsub.f32 v4, v17;
	v61 =	vsub.f32 v5, v20  }
0x2f: {  	v22 =	vsub.f32 v8, v22;
	v46 =	vsub.f32 v10, v37;
	v15 =	vmax.f32 v13, $0.0e+00  }
0x30: {  	v16 =	vmax.f32 v14, $0.0e+00;
	v21 =	vmax.f32 v61, $0.0e+00;
	v15 =	vmin.f32 v15, $3.820000000e+02  }
0x31: {  	v16 =	vmin.f32 v16, $3.820000000e+02;
	v21 =	vmin.f32 v21, $3.820000000e+02;
	v15 =	vtrunc.f32 v15  }
0x32: {  	v48 =	vsub.f32 v11, v41;
	v16 =	vtrunc.f32 v16;
	v21 =	vtrunc.f32 v21  }
0x33: {  	v60 =	vmax.f32 v17, $0.0e+00;
	v15 =	vcvt.f32.s32 v15;
	v16 =	vcvt.f32.s32 v16  }
0x34: {  	v63 =	vld [tilespmem:$0x20];
	v35 =	vmax.f32 v22, $0.0e+00;
	v49 =	vmax.f32 v46, $0.0e+00;
	v21 =	vcvt.f32.s32 v21  }
0x35: {  	v18 =	vcvt.s32.f32 v15;
	v19 =	vcvt.s32.f32 v16;
	v15 =	vmul.u32 $0x180, v15  }
0x36: {  	v50 =	vmax.f32 v48, $0.0e+00;
	v20 =	vmin.f32 v49, $3.820000000e+02;
	v33 =	vcvt.s32.f32 v21  }
0x37: {  	v13 =	vsub.f32 v13, v18;
	v14 =	vsub.f32 v14, v19;
	v15 =	vadd.s32 v3, v15  }
0x38: {  	v18 =	vmin.f32 v60, $3.820000000e+02;
	v34 =	vsub.f32 v61, v33;
	v19 =	vmin.f32 v35, $3.820000000e+02  }
0x39: {  	v15 =	vadd.s32 v16, v15;
	v62 =	vtrunc.f32 v18;
	v18 =	vsub.f32 v7, v63  }
0x3a: {  	v19 =	vtrunc.f32 v19;
	v13 =	vmax.f32 v13, $0.0e+00;
	v14 =	vmax.f32 v14, $0.0e+00  }
0x3b: {  	v32 =	vadd.s32 $0x1, v15;
	v13 =	vmin.f32 v13, $1.000000000e+00;
	v14 =	vmin.f32 v14, $1.000000000e+00  }
0x3c: {  	v16 =	vcvt.f32.s32 v62;
	[tilespmem:$0x200] =	vst v15;
	v23 =	vsub.f32 $1.000000000e+00, v13;
	v24 =	vsub.f32 $1.000000000e+00, v14  }
0x3d: {  	v25 =	vadd.s32 $0x180, v15;
	v27 =	vadd.s32 $0x181, v15;
	v19 =	vcvt.f32.s32 v19;
	[tilespmem:$0x280] =	vst v32  }
0x3e: {  	v15 =	vmax.f32 v18, $0.0e+00;
	[tilespmem:$0x300] =	vst v25;
	v26 =	vcvt.s32.f32 v16;
	v28 =	vmul.f32 v24, v23  }
0x3f: {  	[tilespmem:$0x380] =	vst v27;
	v15 =	vmin.f32 v15, $3.820000000e+02;
	v16 =	vmul.u32 $0x180, v16;
	v23 =	vmul.f32 v14, v23  }
0x40: {  	v15 =	vtrunc.f32 v15;
	v17 =	vsub.f32 v17, v26;
	v24 =	vmul.f32 v24, v13;
	[tilespmem:$0x600] =	vst v28  }
0x41: {  	v13 =	vmul.f32 v14, v13;
	v15 =	vcvt.f32.s32 v15;
	v16 =	vadd.s32 v6, v16;
	[tilespmem:$0x640] =	vst v23  }
0x42: {  	v40 =	vcvt.s32.f32 v19;
	v16 =	vadd.s32 v21, v16;
	v14 =	vmax.f32 v17, $0.0e+00;
	[tilespmem:$0x680] =	vst v24  }
0x43: {  	v17 =	vmax.f32 v34, $0.0e+00;
	v36 =	vcvt.s32.f32 v15;
	[tilespmem:$0x6C0] =	vst v13;
	v42 =	vadd.s32 $0x1, v16  }
0x44: {  	[tilespmem:$0x210] =	vst v16;
	v15 =	vmul.u32 $0x180, v15;
	v14 =	vmin.f32 v14, $1.000000000e+00;
	v17 =	vmin.f32 v17, $1.000000000e+00  }
0x45: {  	v43 =	vadd.s32 $0x180, v16;
	[tilespmem:$0x290] =	vst v42;
	v38 =	vsub.f32 $1.000000000e+00, v14;
	v39 =	vsub.f32 $1.000000000e+00, v17  }
0x46: {  	v51 =	vmin.f32 v50, $3.820000000e+02;
	v16 =	vadd.s32 $0x181, v16;
	[tilespmem:$0x310] =	vst v43;
	v15 =	vadd.s32 v9, v15  }
0x47: {  	v44 =	vsub.f32 v22, v40;
	[tilespmem:$0x390] =	vst v16;
	v15 =	vadd.s32 v19, v15;
	v45 =	vmul.f32 v39, v38  }
0x48: {  	v20 =	vtrunc.f32 v20;
	v13 =	vsub.f32 v18, v36;
	v23 =	vmul.f32 v17, v38;
	[tilespmem:$0x220] =	vst v15  }
0x49: {  	v20 =	vcvt.f32.s32 v20;
	v47 =	vmax.f32 v44, $0.0e+00;
	v24 =	vmul.f32 v39, v14;
	[tilespmem:$0x610] =	vst v45  }
0x4a: {  	v16 =	vmin.f32 v47, $1.000000000e+00;
	v14 =	vmul.f32 v17, v14;
	v13 =	vmax.f32 v13, $0.0e+00;
	[tilespmem:$0x650] =	vst v23  }
0x4b: {  	v53 =	vsub.f32 $1.000000000e+00, v16;
	v19 =	vtrunc.f32 v51;
	v13 =	vmin.f32 v13, $1.000000000e+00;
	[tilespmem:$0x690] =	vst v24  }
0x4c: {  	v19 =	vcvt.f32.s32 v19;
	[tilespmem:$0x6D0] =	vst v14;
	v14 =	vadd.s32 $0x1, v15;
	v52 =	vsub.f32 $1.000000000e+00, v13  }
0x4d: {  	v54 =	vcvt.s32.f32 v20;
	[tilespmem:$0x2A0] =	vst v14;
	v14 =	vadd.s32 $0x180, v15  }
0x4e: {  	v55 =	vcvt.s32.f32 v19;
	[tilespmem:$0x320] =	vst v14;
	v14 =	vadd.s32 $0x181, v15;
	v15 =	vmul.f32 v53, v52  }
0x4f: {  	v20 =	vmul.u32 $0x180, v20;
	v57 =	vmul.f32 v53, v13;
	[tilespmem:$0x3A0] =	vst v14  }
0x50: {  	v13 =	vmul.f32 v16, v13;
	v14 =	vsub.f32 v46, v54;
	[tilespmem:$0x620] =	vst v15;
	v15 =	vsub.f32 v48, v55  }
0x51: {  	v56 =	vmul.f32 v16, v52;
	[tilespmem:$0x6A0] =	vst v57  }
0x52: {  	v58 =	vadd.s32 v12, v20;
	[tilespmem:$0x6E0] =	vst v13;
	v14 =	vmax.f32 v14, $0.0e+00;
	v15 =	vmax.f32 v15, $0.0e+00  }
0x53: {  	[tilespmem:$0x660] =	vst v56;
	v13 =	vmin.f32 v14, $1.000000000e+00;
	v14 =	vmin.f32 v15, $1.000000000e+00;
	v15 =	vadd.s32 v19, v58  }
0x54: {  	v59 =	vsub.f32 $1.000000000e+00, v13;
	[tilespmem:$0x230] =	vst v15;
	v16 =	vadd.s32 $0x1, v15  }
0x55: {  	v60 =	vsub.f32 $1.000000000e+00, v14;
	v61 =	vadd.s32 $0x180, v15;
	v15 =	vadd.s32 $0x181, v15;
	[tilespmem:$0x2B0] =	vst v16  }
0x56: {  	[tilespmem:$0x3B0] =	vst v15;
	v15 =	vmul.f32 v14, v59  }
0x57: {  	[tilespmem:$0x330] =	vst v61;
	v62 =	vmul.f32 v60, v59  }
0x58: {  	v63 =	vmul.f32 v60, v13;
	[tilespmem:$0x670] =	vst v15  }
0x59: {  	v13 =	vmul.f32 v14, v13;
	[tilespmem:$0x630] =	vst v62  }
0x5a: {  	[tilespmem:$0x6B0] =	vst v63  }
0x5b: {  	s20 =	simm.s32 $0x800;
	s19 =	simm.s32 $0x200;
	[tilespmem:$0x6F0] =	vst v13  }
0x5c: {  	[tilespmem:s20], [sflag:$0x3] =	stream.indirect.gather [hbm4b:s5+s15], $0x80, s19, s15, $0xb8;
	[tilespmem:$0x14800] =	vst v63  }
0x5d: {  	s21 =	simm.s32 $0x280;
	s22 =	simm.s32 $0x2800  }
0x5e: {  	[tilespmem:s22], [sflag:$0x3] =	stream.indirect.gather [hbm4b:s5+s15], $0x80, s21, s15, $0xb8;
	[tilespmem:$0x14800] =	vst v63  }
0x5f: {  	s23 =	simm.s32 $0x300;
	s24 =	simm.s32 $0x4800  }
0x60: {  	[tilespmem:s24], [sflag:$0x3] =	stream.indirect.gather [hbm4b:s5+s15], $0x80, s23, s15, $0xb8;
	[tilespmem:$0x14800] =	vst v63  }
0x61: {  	s20 =	simm.s32 $0x380;
	s21 =	simm.s32 $0x6800  }
0x62: {  	[tilespmem:s21], [sflag:$0x3] =	stream.indirect.gather [hbm4b:s5+s15], $0x80, s20, s15, $0xb8;
	[tilespmem:$0x14800] =	vst v63  }
0x63: {  	s22 =	rddreg [dreg:$0x5];
	s23 =	simm.s32 $0x80  }
0x64: {  	[tilespmem:s23], [sflag:$0x2] =	stream.linear.gather [hbm4b:s22+s4], $0x40, $0x38;
	[tilespmem:$0x14800] =	vst v63  }
0x65: {  	s18 =	simm.s32 $0x0;
	s24 =	rddreg [dreg:$0x6]  }
0x66: {  	[tilespmem:s25], [sflag:$0x2] =	stream.linear.gather [hbm4b:s24+s4], $0x40, $0x38;
	[tilespmem:$0x14800] =	vst v63  }
.LBB2_2:
0x67: {  	s19 =	sshll.u32 s18, $0x7  }
0x68: {  	s20 =	sadd.s32 s1, s19  }
0x69: {  	s21 =	sor.u32 $0x40, s20  }
0x6a: {  	v13 =	vmov s21  }
0x6b: {  	v13 =	vshrl.u32 v13, $0x7  }
0x6c: {  	_ =	swait.ge [sflag:s26], $0x40;
	v13 =	vmul.u32 $0xAAAB, v13  }
0x6d: {  	[sflag:s26] =	ssyncset.done $0x0  }
0x6e: {  	[sflag:s26] =	ssyncadd.s32 $0xFFFFFFC0;
	v14 =	vshra.s32 v13, $0x18  }
0x6f: {  	_ =	swait.ge [sflag:s26], $0x40;
	v14 =	vmul.u32 $0xAAAB, v14  }
0x70: {  	[sflag:s26] =	ssyncset.done $0x0  }
0x71: {  	s23 =	sor.u32 $0x50, s20;
	[sflag:s26] =	ssyncadd.s32 $0xFFFFFFC0;
	v14 =	vshra.s32 v14, $0x11  }
0x72: {  	v18 =	vmov s23;
	v16 =	vld [tilespmem:$0x80];
	v15 =	vmul.u32 $0xFFFFFE80, v14  }
0x73: {  	v18 =	vshrl.u32 v18, $0x7;
	v13 =	vshra.s32 v13, $0x11  }
0x74: {  	v38 =	vmul.u32 $0xAAAB, v18;
	v15 =	vadd.s32 v13, v15  }
0x75: {  	v13 =	vmul.u32 $0xFFFFFE80, v13;
	v15 =	vcvt.s32.f32 v15  }
0x76: {  	v17 =	vld [tilespmem:$0x180];
	v19 =	vshra.s32 v38, $0x18  }
0x77: {  	s24 =	sor.u32 $0x60, s20;
	v19 =	vmul.u32 $0xAAAB, v19;
	v13 =	vadd.s32 s21, v13;
	v15 =	vsub.f32 v15, v16  }
0x78: {  	v44 =	vmov s24;
	v13 =	vadd.s32 v0, v13  }
0x79: {  	s22 =	sor.u32 $0x70, s20;
	v19 =	vshra.s32 v19, $0x11;
	v13 =	vcvt.s32.f32 v13;
	v16 =	vmax.f32 v15, $0.0e+00  }
0x7a: {  	v54 =	vmov s22;
	v21 =	vld [tilespmem:$0x90];
	v40 =	vmul.u32 $0xFFFFFE80, v19;
	v16 =	vmin.f32 v16, $3.820000000e+02  }
0x7b: {  	v13 =	vsub.f32 v13, v17;
	v17 =	vshra.s32 v38, $0x11;
	v16 =	vtrunc.f32 v16  }
0x7c: {  	v23 =	vmul.u32 $0xFFFFFE80, v17;
	v17 =	vadd.s32 v17, v40;
	v16 =	vcvt.f32.s32 v16  }
0x7d: {  	v14 =	vmul.u32 $0x24000, v14;
	v39 =	vmax.f32 v13, $0.0e+00;
	v17 =	vcvt.s32.f32 v17  }
0x7e: {  	v19 =	vmul.u32 $0x24000, v19;
	v18 =	vmin.f32 v39, $3.820000000e+02;
	v20 =	vcvt.s32.f32 v16  }
0x7f: {  	v18 =	vtrunc.f32 v18;
	v16 =	vmul.u32 $0x180, v16;
	v17 =	vsub.f32 v17, v21  }
0x80: {  	v42 =	vadd.s32 s23, v23;
	v18 =	vcvt.f32.s32 v18;
	v15 =	vsub.f32 v15, v20  }
0x81: {  	v14 =	vadd.s32 v14, v16;
	v45 =	vmax.f32 v17, $0.0e+00;
	v16 =	vshrl.u32 v44, $0x7  }
0x82: {  	v22 =	vcvt.s32.f32 v18;
	v14 =	vadd.s32 v18, v14;
	v46 =	vmin.f32 v45, $3.820000000e+02  }
0x83: {  	v16 =	vmul.u32 $0xAAAB, v16;
	v15 =	vmax.f32 v15, $0.0e+00;
	v47 =	vadd.s32 $0x1, v14  }
0x84: {  	v41 =	vld [tilespmem:$0x190];
	v18 =	vtrunc.f32 v46;
	v24 =	vadd.s32 $0x180, v14;
	v25 =	vadd.s32 $0x181, v14  }
0x85: {  	v15 =	vmin.f32 v15, $1.000000000e+00;
	v13 =	vsub.f32 v13, v22;
	v22 =	vadd.s32 v0, v42  }
0x86: {  	v18 =	vcvt.f32.s32 v18;
	v49 =	vshra.s32 v16, $0x18;
	v16 =	vshra.s32 v16, $0x11  }
0x87: {  	v43 =	vcvt.s32.f32 v22;
	v23 =	vmul.u32 $0xAAAB, v49;
	v27 =	vsub.f32 $1.000000000e+00, v15  }
0x88: {  	v13 =	vmax.f32 v13, $0.0e+00;
	v26 =	vcvt.s32.f32 v18;
	v18 =	vmul.u32 $0x180, v18  }
0x89: {  	v13 =	vmin.f32 v13, $1.000000000e+00;
	v20 =	vsub.f32 v43, v41;
	v23 =	vshra.s32 v23, $0x11  }
0x8a: {  	v28 =	vsub.f32 $1.000000000e+00, v13;
	v17 =	vsub.f32 v17, v26;
	v29 =	vmul.u32 $0xFFFFFE80, v23  }
0x8b: {  	v18 =	vadd.s32 v19, v18;
	v41 =	vmul.u32 $0x24000, v23;
	v48 =	vmax.f32 v20, $0.0e+00  }
0x8c: {  	v30 =	vld [tilespmem:$0xA0];
	v22 =	vmin.f32 v48, $3.820000000e+02;
	v31 =	vmul.f32 v28, v27;
	v27 =	vmul.f32 v13, v27  }
0x8d: {  	v28 =	vmul.f32 v28, v15;
	v51 =	vadd.s32 v16, v29;
	v13 =	vmul.f32 v13, v15  }
0x8e: {  	v15 =	vmax.f32 v17, $0.0e+00;
	v16 =	vmul.u32 $0xFFFFFE80, v16;
	v29 =	vshrl.u32 v54, $0x7  }
0x8f: {  	v22 =	vtrunc.f32 v22;
	v52 =	vcvt.s32.f32 v51;
	v15 =	vmin.f32 v15, $1.000000000e+00  }
0x90: {  	v29 =	vmul.u32 $0xAAAB, v29;
	v22 =	vcvt.f32.s32 v22;
	v16 =	vadd.s32 s24, v16  }
0x91: {  	v53 =	vld [tilespmem:$0x1A0];
	v59 =	vsub.f32 $1.000000000e+00, v15;
	v17 =	vsub.f32 v52, v30;
	v16 =	vadd.s32 v0, v16  }
0x92: {  	v56 =	vshra.s32 v29, $0x18;
	v63 =	vshra.s32 v29, $0x11;
	v50 =	vcvt.s32.f32 v22  }
0x93: {  	v16 =	vcvt.s32.f32 v16;
	v58 =	vmul.u32 $0xAAAB, v56;
	v18 =	vadd.s32 v22, v18  }
0x94: {  	[tilespmem:$0x400] =	vst v14;
	v34 =	vmul.u32 $0xFFFFFE80, v63;
	v30 =	vmax.f32 v17, $0.0e+00;
	v36 =	vadd.s32 $0x1, v18  }
0x95: {  	v39 =	vadd.s32 $0x180, v18;
	[tilespmem:$0x410] =	vst v18;
	v18 =	vadd.s32 $0x181, v18;
	v20 =	vsub.f32 v20, v50  }
0x96: {  	[tilespmem:$0x480] =	vst v47;
	v30 =	vmin.f32 v30, $3.820000000e+02;
	v14 =	vsub.f32 v16, v53;
	v19 =	vshra.s32 v58, $0x11  }
0x97: {  	v37 =	vld [tilespmem:$0x1B0];
	[tilespmem:$0x500] =	vst v24;
	v26 =	vadd.s32 s22, v34;
	v55 =	vtrunc.f32 v30;
	v33 =	vmul.u32 $0xFFFFFE80, v19  }
0x98: {  	[tilespmem:$0x580] =	vst v25;
	v26 =	vadd.s32 v0, v26;
	v20 =	vmax.f32 v20, $0.0e+00;
	v61 =	vmax.f32 v14, $0.0e+00  }
0x99: {  	[tilespmem:$0x700] =	vst v31;
	v57 =	vcvt.f32.s32 v55;
	v26 =	vcvt.s32.f32 v26;
	v24 =	vmin.f32 v61, $3.820000000e+02  }
0x9a: {  	v35 =	vld [tilespmem:$0xB0];
	[tilespmem:$0x740] =	vst v27;
	v20 =	vmin.f32 v20, $1.000000000e+00;
	v25 =	vadd.s32 v63, v33;
	v24 =	vtrunc.f32 v24  }
0x9b: {  	[tilespmem:$0x780] =	vst v28;
	v60 =	vsub.f32 $1.000000000e+00, v20;
	v62 =	vcvt.s32.f32 v57;
	v24 =	vcvt.f32.s32 v24  }
0x9c: {  	[tilespmem:$0x7C0] =	vst v13;
	v21 =	vmul.f32 v20, v59;
	v25 =	vcvt.s32.f32 v25;
	v40 =	vsub.f32 v26, v37  }
0x9d: {  	[tilespmem:$0x490] =	vst v36;
	v16 =	vmul.u32 $0x180, v57;
	v38 =	vmul.f32 v60, v59;
	v13 =	vcvt.s32.f32 v24  }
0x9e: {  	[tilespmem:$0x510] =	vst v39;
	v17 =	vsub.f32 v17, v62;
	v22 =	vmul.f32 v60, v15;
	v15 =	vmul.f32 v20, v15  }
0x9f: {  	[tilespmem:$0x590] =	vst v18;
	v43 =	vmax.f32 v40, $0.0e+00;
	v13 =	vsub.f32 v14, v13;
	v14 =	vsub.f32 v25, v35  }
0xa0: {  	[tilespmem:$0x750] =	vst v21;
	v16 =	vadd.s32 v41, v16;
	v45 =	vmin.f32 v43, $3.820000000e+02;
	v17 =	vmax.f32 v17, $0.0e+00  }
0xa1: {  	v47 =	vtrunc.f32 v45;
	[tilespmem:$0x7D0] =	vst v15;
	v15 =	vadd.s32 v24, v16;
	v42 =	vmax.f32 v14, $0.0e+00  }
0xa2: {  	[tilespmem:$0x710] =	vst v38;
	v17 =	vmin.f32 v17, $1.000000000e+00;
	v49 =	vcvt.f32.s32 v47;
	v44 =	vmin.f32 v42, $3.820000000e+02  }
0xa3: {  	[tilespmem:$0x790] =	vst v22;
	v50 =	vadd.s32 $0x1, v15;
	v53 =	vadd.s32 $0x180, v15;
	v46 =	vtrunc.f32 v44  }
0xa4: {  	[tilespmem:$0x420] =	vst v15;
	v51 =	vsub.f32 $1.000000000e+00, v17;
	v13 =	vmax.f32 v13, $0.0e+00;
	v48 =	vcvt.f32.s32 v46  }
0xa5: {  	v15 =	vadd.s32 $0x181, v15;
	[tilespmem:$0x4A0] =	vst v50;
	v55 =	vcvt.s32.f32 v49;
	v13 =	vmin.f32 v13, $1.000000000e+00  }
0xa6: {  	[tilespmem:$0x520] =	vst v53;
	v52 =	vsub.f32 $1.000000000e+00, v13;
	v57 =	vmul.f32 v13, v51;
	v54 =	vcvt.s32.f32 v48  }
0xa7: {  	v19 =	vmul.u32 $0x24000, v19;
	[tilespmem:$0x5A0] =	vst v15;
	v15 =	vsub.f32 v40, v55;
	v13 =	vmul.f32 v13, v17  }
0xa8: {  	v56 =	vmul.f32 v52, v51;
	[tilespmem:$0x760] =	vst v57;
	v16 =	vmul.u32 $0x180, v48;
	v14 =	vsub.f32 v14, v54  }
0xa9: {  	v58 =	vmul.f32 v52, v17;
	[tilespmem:$0x7E0] =	vst v13  }
0xaa: {  	v15 =	vmax.f32 v15, $0.0e+00;
	[tilespmem:$0x720] =	vst v56;
	v16 =	vadd.s32 v19, v16;
	v14 =	vmax.f32 v14, $0.0e+00  }
0xab: {  	[tilespmem:$0x7A0] =	vst v58;
	v13 =	vmin.f32 v14, $1.000000000e+00;
	v14 =	vmin.f32 v15, $1.000000000e+00;
	v15 =	vadd.s32 v49, v16  }
0xac: {  	[tilespmem:$0x430] =	vst v15;
	v16 =	vadd.s32 $0x1, v15;
	v59 =	vsub.f32 $1.000000000e+00, v13;
	v60 =	vsub.f32 $1.000000000e+00, v14  }
0xad: {  	v61 =	vadd.s32 $0x180, v15;
	[tilespmem:$0x4B0] =	vst v16  }
0xae: {  	v15 =	vadd.s32 $0x181, v15;
	[tilespmem:$0x530] =	vst v61;
	v62 =	vmul.f32 v60, v59  }
0xaf: {  	[tilespmem:$0x5B0] =	vst v15;
	v15 =	vmul.f32 v14, v59  }
0xb0: {  	v63 =	vmul.f32 v60, v13;
	[tilespmem:$0x730] =	vst v62  }
0xb1: {  	v13 =	vmul.f32 v14, v13;
	[tilespmem:$0x770] =	vst v15  }
0xb2: {  	[tilespmem:$0x7B0] =	vst v63  }
0xb3: {  	[tilespmem:$0x7F0] =	vst v13  }
0xb4: {  	[tilespmem:s29], [sflag:$0x4] =	stream.indirect.gather [hbm4b:s5+s15], $0x80, s28, s15, $0xb8;
	[tilespmem:$0x14800] =	vst v63  }
0xb5: {  	p1 =	seq.s32 s18, $0x8F  }
0xb6: {  	[tilespmem:s31], [sflag:$0x4] =	stream.indirect.gather [hbm4b:s5+s15], $0x80, s30, s15, $0xb8;
	[tilespmem:$0x14800] =	vst v63  }
0xb7: {  	s21 =	sshrl.u32 @!p1 s20, $0x3  }
0xb8: {  	[tilespmem:s0], [sflag:$0x4] =	stream.indirect.gather [hbm4b:s5+s15], $0x80, s2, s15, $0xb8;
	[tilespmem:$0x14800] =	vst v63  }
0xb9: {  	s21 =	sadd.s32 @!p1 $0x10, s21  }
0xba: {  	[tilespmem:s8], [sflag:$0x4] =	stream.indirect.gather [hbm4b:s5+s15], $0x80, s14, s15, $0xb8;
	[tilespmem:$0x14800] =	vst v63  }
0xbb: {  	s23 =	simm.s32 @!p1 $0x0;
	s22 =	sadd.s32 @!p1 s6, s21  }
0xbc: {  	[tilespmem:s23], [sflag:$0x1] =	stream.linear.gather @!p1 [hbm4b:s22+s23], $0x40, $0x38;
	[tilespmem:$0x14800] =	vst v63  }
0xbd: {  	s21 =	sadd.s32 @!p1 s3, s21;
	s22 =	simm.s32 @!p1 $0x100  }
0xbe: {  	[tilespmem:s22], [sflag:$0x1] =	stream.linear.gather @!p1 [hbm4b:s21+s23], $0x40, $0x38;
	[tilespmem:$0x14800] =	vst v63  }
0xbf: {  	_ =	swait.ge [sflag:s9], $0x2000  }
0xc0: {  	[sflag:s9] =	ssyncset.done $0x0  }
0xc1: {  	[sflag:s9] =	ssyncadd.s32 $0xFFFFE000  }
0xc2: {  	_ =	swait.ge [sflag:s9], $0x2000  }
0xc3: {  	[sflag:s9] =	ssyncset.done $0x0  }
0xc4: {  	[sflag:s9] =	ssyncadd.s32 $0xFFFFE000  }
0xc5: {  	_ =	swait.ge [sflag:s9], $0x2000  }
0xc6: {  	[sflag:s9] =	ssyncset.done $0x0  }
0xc7: {  	[sflag:s9] =	ssyncadd.s32 $0xFFFFE000  }
0xc8: {  	_ =	swait.ge [sflag:s9], $0x2000  }
0xc9: {  	p0 =	seq.s32 s18, $0x0;
	[sflag:s9] =	ssyncset.done $0x0  }
0xca: {  	s21 =	simm.s32 @!p0 $0x5;
	[sflag:s9] =	ssyncadd.s32 $0xFFFFE000  }
0xcb: {  	_ =	swait.ge @!p0 [sflag:s21], $0x2000  }
0xcc: {  	[sflag:s21] =	ssyncset.done @!p0 $0x0  }
0xcd: {  	s22 =	simm.s32 $0x0;
	[sflag:s21] =	ssyncadd.s32 @!p0 $0xFFFFE000;
	s21 =	simm.s32 $0x0  }
.LBB2_3:
0xce: {  	s23 =	sshra.s32 s21, $0x2  }
0xcf: {  	v17 =	vld [tilespmem:s23+$0x800]  }
0xd0: {  	v18 =	vld [tilespmem:s23+$0x2800]  }
0xd1: {  	v19 =	vld [tilespmem:s23+$0x4800]  }
0xd2: {  	v20 =	vld [tilespmem:s23+$0x6800]  }
0xd3: {  	v21 =	vld [tilespmem:s23+$0x810]  }
0xd4: {  	v22 =	vld [tilespmem:s23+$0x2810]  }
0xd5: {  	v23 =	vld [tilespmem:s23+$0x4810]  }
0xd6: {  	v24 =	vld [tilespmem:s23+$0x6810]  }
0xd7: {  	v25 =	vld [tilespmem:s23+$0x820]  }
0xd8: {  	v26 =	vld [tilespmem:s23+$0x2820]  }
0xd9: {  	v27 =	vld [tilespmem:s23+$0x4820]  }
0xda: {  	v28 =	vld [tilespmem:s23+$0x6820]  }
0xdb: {  	v29 =	vld [tilespmem:s23+$0x830]  }
0xdc: {  	v13 =	vmov s22;
	v30 =	vld [tilespmem:s23+$0x2830]  }
0xdd: {  	v31 =	vld [tilespmem:s23+$0x4830]  }
0xde: {  	v14 =	vor.u32 $0x40, v13;
	v32 =	vld [tilespmem:s23+$0x6830]  }
0xdf: {  	v15 =	vor.u32 $0x80, v13;
	v61 =	vld [tilespmem:s23+$0x840]  }
0xe0: {  	v16 =	vor.u32 $0xC0, v13;
	v63 =	vld [tilespmem:s23+$0x2840]  }
0xe1: {  	v13 =	vld.idx.msk [tilespmem:v13+s10+$0x0], $0xffff  }
0xe2: {  	v35 =	vld [tilespmem:s23+$0x850]  }
0xe3: {  	v14 =	vld.idx.msk [tilespmem:v14+s10+$0x0], $0xffff  }
0xe4: {  	v15 =	vld.idx.msk [tilespmem:v15+s10+$0x0], $0xffff  }
0xe5: {  	v16 =	vld.idx.msk [tilespmem:v16+s10+$0x0], $0xffff  }
0xe6: {  	v38 =	vld [tilespmem:s23+$0x2850];
	v17 =	vmul.f32 v17, v13  }
0xe7: {  	v41 =	vld [tilespmem:s23+$0x4840];
	v21 =	vmul.f32 v21, v13;
	v36 =	vmul.f32 v25, v13  }
0xe8: {  	v44 =	vld [tilespmem:s23+$0x4850];
	v39 =	vmul.f32 v29, v13;
	v18 =	vmul.f32 v18, v14  }
0xe9: {  	v47 =	vld [tilespmem:s23+$0x6840];
	v22 =	vmul.f32 v22, v14;
	v60 =	vmul.f32 v19, v15  }
0xea: {  	v49 =	vld [tilespmem:s23+$0x6850];
	v62 =	vmul.f32 v23, v15;
	v33 =	vmul.f32 v20, v16  }
0xeb: {  	v56 =	vld [tilespmem:s23+$0x880];
	v34 =	vmul.f32 v24, v16;
	v37 =	vmul.f32 v26, v14  }
0xec: {  	v57 =	vld [tilespmem:s23+$0x2880];
	v40 =	vmul.f32 v30, v14;
	v43 =	vmul.f32 v27, v15  }
0xed: {  	v58 =	vld [tilespmem:s23+$0x4880];
	v46 =	vmul.f32 v31, v15;
	v19 =	vmul.f32 v61, v13  }
0xee: {  	v59 =	vld [tilespmem:s23+$0x6880];
	v48 =	vmul.f32 v63, v14;
	v13 =	vmul.f32 v35, v13  }
0xef: {  	v14 =	vmul.f32 v38, v14;
	v61 =	vld [tilespmem:s23+$0x2890];
	v17 =	vadd.f32 v18, v17;
	v21 =	vadd.f32 v22, v21  }
0xf0: {  	v50 =	vmul.f32 v32, v16;
	v63 =	vld [tilespmem:s23+$0x6890];
	v42 =	vadd.f32 v37, v36;
	v18 =	vadd.f32 v40, v39  }
0xf1: {  	v51 =	vmul.f32 v41, v15;
	v38 =	vld [tilespmem:s23+$0x48A0];
	v19 =	vadd.f32 v48, v19;
	v17 =	vadd.f32 v60, v17  }
0xf2: {  	v41 =	vld [tilespmem:s23+$0x28B0];
	v13 =	vadd.f32 v14, v13;
	v14 =	vmul.f32 v44, v15;
	v21 =	vadd.f32 v62, v21  }
0xf3: {  	v53 =	vmul.f32 v47, v16;
	v47 =	vld [tilespmem:s23+$0x28C0];
	v18 =	vadd.f32 v46, v18;
	v17 =	vadd.f32 v33, v17  }
0xf4: {  	v31 =	vld [tilespmem:s23+$0x68D0];
	v13 =	vadd.f32 v14, v13;
	v14 =	vmul.f32 v49, v16;
	v20 =	vadd.f32 v34, v21  }
0xf5: {  	s24 =	sadd.s32 $0x1, s22;
	v45 =	vmul.f32 v28, v16;
	v36 =	vld [tilespmem:s23+$0x8A0];
	v21 =	vadd.f32 v43, v42;
	v15 =	vadd.f32 v50, v18;
	[tilespmem:s23+$0x10800] =	vst v17  }
0xf6: {  	v54 =	vmov s24;
	v37 =	vld [tilespmem:s23+$0x28A0];
	v52 =	vadd.f32 v51, v19;
	v13 =	vadd.f32 v14, v13;
	[tilespmem:s23+$0x10810] =	vst v20  }
0xf7: {  	v55 =	vor.u32 $0x40, v54;
	v39 =	vld [tilespmem:s23+$0x68A0];
	v21 =	vadd.f32 v45, v21;
	[tilespmem:s23+$0x10830] =	vst v15  }
0xf8: {  	v40 =	vld [tilespmem:s23+$0x8B0];
	v17 =	vadd.f32 v53, v52;
	[tilespmem:s23+$0x10850] =	vst v13  }
0xf9: {  	v60 =	vld [tilespmem:s23+$0x890];
	v14 =	vor.u32 $0x80, v54;
	[tilespmem:s23+$0x10820] =	vst v21  }
0xfa: {  	v62 =	vld [tilespmem:s23+$0x4890];
	[tilespmem:s23+$0x10840] =	vst v17  }
0xfb: {  	v13 =	vld.idx.msk [tilespmem:v54+s10+$0x0], $0xffff  }
0xfc: {  	v16 =	vld.idx.msk [tilespmem:v55+s10+$0x0], $0xffff  }
0xfd: {  	v42 =	vld [tilespmem:s23+$0x48B0]  }
0xfe: {  	v15 =	vor.u32 $0xC0, v54;
	v14 =	vld.idx.msk [tilespmem:v14+s10+$0x0], $0xffff  }
0xff: {  	v43 =	vld [tilespmem:s23+$0x68B0]  }
0x100: {  	v50 =	vld [tilespmem:s23+$0x8D0]  }
0x101: {  	v45 =	vld [tilespmem:s23+$0x8C0];
	v17 =	vmul.f32 v56, v13;
	v18 =	vmul.f32 v57, v16  }
0x102: {  	v53 =	vld [tilespmem:s23+$0x28D0];
	v21 =	vmul.f32 v60, v13;
	v22 =	vmul.f32 v61, v16  }
0x103: {  	v15 =	vld.idx.msk [tilespmem:v15+s10+$0x0], $0xffff;
	v44 =	vmul.f32 v58, v14;
	v46 =	vmul.f32 v62, v14  }
0x104: {  	v51 =	vmul.f32 v36, v13;
	v52 =	vmul.f32 v37, v16;
	v56 =	vld [tilespmem:s23+$0x48C0]  }
0x105: {  	v54 =	vmul.f32 v40, v13;
	v55 =	vmul.f32 v41, v16;
	v62 =	vld [tilespmem:s23+$0x68C0]  }
0x106: {  	v58 =	vmul.f32 v38, v14;
	v61 =	vmul.f32 v42, v14;
	v40 =	vld [tilespmem:s23+$0x900]  }
0x107: {  	v19 =	vmul.f32 v45, v13;
	v13 =	vmul.f32 v50, v13;
	v41 =	vld [tilespmem:s23+$0x2900]  }
0x108: {  	v42 =	vld [tilespmem:s23+$0x4900];
	v17 =	vadd.f32 v18, v17;
	v21 =	vadd.f32 v22, v21;
	v48 =	vmul.f32 v59, v15  }
0x109: {  	v49 =	vmul.f32 v63, v15;
	v57 =	vadd.f32 v52, v51;
	v59 =	vld [tilespmem:s23+$0x48D0];
	v18 =	vadd.f32 v55, v54  }
0x10a: {  	v45 =	vld [tilespmem:s23+$0x2910];
	v60 =	vmul.f32 v39, v15;
	v63 =	vmul.f32 v47, v16;
	v17 =	vadd.f32 v44, v17  }
0x10b: {  	v50 =	vld [tilespmem:s23+$0x4920];
	v16 =	vmul.f32 v53, v16;
	v21 =	vadd.f32 v46, v21;
	v18 =	vadd.f32 v61, v18  }
0x10c: {  	v33 =	vmul.f32 v43, v15;
	v43 =	vld [tilespmem:s23+$0x6900];
	v19 =	vadd.f32 v63, v19;
	v17 =	vadd.f32 v48, v17  }
0x10d: {  	v47 =	vld [tilespmem:s23+$0x6910];
	v34 =	vmul.f32 v56, v14;
	v20 =	vadd.f32 v49, v21;
	v21 =	vadd.f32 v58, v57  }
0x10e: {  	v51 =	vld [tilespmem:s23+$0x6920];
	v13 =	vadd.f32 v16, v13;
	v35 =	vadd.f32 v33, v18;
	v14 =	vmul.f32 v59, v14  }
0x10f: {  	s24 =	sadd.s32 $0x2, s22;
	v52 =	vld [tilespmem:s23+$0x930];
	v37 =	vmul.f32 v62, v15;
	v36 =	vadd.f32 v34, v19;
	v21 =	vadd.f32 v60, v21;
	[tilespmem:s23+$0x10880] =	vst v17  }
0x110: {  	v53 =	vld [tilespmem:s23+$0x2930];
	[tilespmem:s23+$0x10890] =	vst v20;
	v13 =	vadd.f32 v14, v13;
	v14 =	vmul.f32 v31, v15;
	v15 =	vmov s24  }
0x111: {  	v54 =	vld [tilespmem:s23+$0x4930];
	[tilespmem:s23+$0x108B0] =	vst v35;
	v17 =	vadd.f32 v37, v36  }
0x112: {  	v44 =	vld [tilespmem:s23+$0x910];
	[tilespmem:s23+$0x108A0] =	vst v21;
	v13 =	vadd.f32 v14, v13  }
0x113: {  	v46 =	vld [tilespmem:s23+$0x4910];
	v38 =	vor.u32 $0x40, v15;
	[tilespmem:s23+$0x108C0] =	vst v17  }
0x114: {  	v62 =	vld [tilespmem:s23+$0x950];
	v39 =	vor.u32 $0xC0, v15;
	[tilespmem:s23+$0x108D0] =	vst v13  }
0x115: {  	v13 =	vld.idx.msk [tilespmem:v15+s10+$0x0], $0xffff  }
0x116: {  	v48 =	vld [tilespmem:s23+$0x920]  }
0x117: {  	v57 =	vld [tilespmem:s23+$0x940]  }
0x118: {  	v14 =	vor.u32 $0x80, v15;
	v15 =	vld.idx.msk [tilespmem:v38+s10+$0x0], $0xffff  }
0x119: {  	v16 =	vld.idx.msk [tilespmem:v39+s10+$0x0], $0xffff  }
0x11a: {  	v49 =	vld [tilespmem:s23+$0x2920];
	v17 =	vmul.f32 v40, v13  }
0x11b: {  	v59 =	vld [tilespmem:s23+$0x2940];
	v21 =	vmul.f32 v44, v13;
	v63 =	vmul.f32 v48, v13  }
0x11c: {  	v34 =	vld [tilespmem:s23+$0x2950];
	v35 =	vmul.f32 v52, v13;
	v19 =	vmul.f32 v57, v13  }
0x11d: {  	v14 =	vld.idx.msk [tilespmem:v14+s10+$0x0], $0xffff;
	v13 =	vmul.f32 v62, v13;
	v18 =	vmul.f32 v41, v15  }
0x11e: {  	v55 =	vld [tilespmem:s23+$0x6930];
	v22 =	vmul.f32 v45, v15;
	v60 =	vmul.f32 v43, v16  }
0x11f: {  	v37 =	vld [tilespmem:s23+$0x4940];
	v61 =	vmul.f32 v47, v16;
	v33 =	vmul.f32 v49, v15  }
0x120: {  	v40 =	vld [tilespmem:s23+$0x4950];
	v36 =	vmul.f32 v53, v15;
	v41 =	vmul.f32 v51, v16  }
0x121: {  	v52 =	vld [tilespmem:s23+$0x980];
	v44 =	vmul.f32 v59, v15;
	v15 =	vmul.f32 v34, v15  }
0x122: {  	v57 =	vld [tilespmem:s23+$0x2990];
	v56 =	vmul.f32 v42, v14;
	v58 =	vmul.f32 v46, v14  }
0x123: {  	v62 =	vld [tilespmem:s23+$0x49A0];
	v39 =	vmul.f32 v50, v14;
	v17 =	vadd.f32 v18, v17;
	v21 =	vadd.f32 v22, v21  }
0x124: {  	v43 =	vld [tilespmem:s23+$0x6940];
	v42 =	vmul.f32 v54, v14;
	v38 =	vadd.f32 v33, v63;
	v18 =	vadd.f32 v36, v35  }
0x125: {  	v45 =	vld [tilespmem:s23+$0x6950];
	v46 =	vmul.f32 v55, v16;
	v19 =	vadd.f32 v44, v19;
	v17 =	vadd.f32 v56, v17  }
0x126: {  	s24 =	sadd.s32 $0x3, s22;
	v53 =	vld [tilespmem:s23+$0x2980];
	v47 =	vmul.f32 v37, v14;
	v13 =	vadd.f32 v15, v13;
	v21 =	vadd.f32 v58, v21  }
0x127: {  	v59 =	vld [tilespmem:s23+$0x6990];
	v50 =	vmov s24;
	v18 =	vadd.f32 v42, v18;
	v17 =	vadd.f32 v60, v17  }
0x128: {  	v54 =	vld [tilespmem:s23+$0x4980];
	v14 =	vmul.f32 v40, v14;
	v20 =	vadd.f32 v61, v21;
	v21 =	vadd.f32 v39, v38  }
0x129: {  	v55 =	vld [tilespmem:s23+$0x6980];
	v48 =	vadd.f32 v47, v19;
	v49 =	vmul.f32 v43, v16;
	v15 =	vadd.f32 v46, v18;
	[tilespmem:s23+$0x10900] =	vst v17  }
0x12a: {  	v37 =	vld [tilespmem:s23+$0x29B0];
	v13 =	vadd.f32 v14, v13;
	v14 =	vmul.f32 v45, v16;
	v21 =	vadd.f32 v41, v21;
	[tilespmem:s23+$0x10910] =	vst v20  }
0x12b: {  	v51 =	vor.u32 $0x40, v50;
	v36 =	vld [tilespmem:s23+$0x9B0];
	v17 =	vadd.f32 v49, v48;
	[tilespmem:s23+$0x10930] =	vst v15  }
0x12c: {  	v33 =	vld [tilespmem:s23+$0x9C0];
	v13 =	vadd.f32 v14, v13;
	[tilespmem:s23+$0x10920] =	vst v21  }
0x12d: {  	v56 =	vld [tilespmem:s23+$0x990];
	[tilespmem:s23+$0x10940] =	vst v17  }
0x12e: {  	v42 =	vld [tilespmem:s23+$0x29C0];
	[tilespmem:s23+$0x10950] =	vst v13  }
0x12f: {  	v13 =	vld.idx.msk [tilespmem:v50+s10+$0x0], $0xffff  }
0x130: {  	v14 =	vor.u32 $0x80, v50;
	v16 =	vld.idx.msk [tilespmem:v51+s10+$0x0], $0xffff  }
0x131: {  	v60 =	vld [tilespmem:s23+$0x9A0];
	v15 =	vor.u32 $0xC0, v50  }
0x132: {  	v61 =	vld [tilespmem:s23+$0x29A0]  }
0x133: {  	v45 =	vld [tilespmem:s23+$0x9D0]  }
0x134: {  	v48 =	vld [tilespmem:s23+$0x29D0]  }
0x135: {  	v14 =	vld.idx.msk [tilespmem:v14+s10+$0x0], $0xffff;
	v17 =	vmul.f32 v52, v13;
	v18 =	vmul.f32 v53, v16  }
0x136: {  	v15 =	vld.idx.msk [tilespmem:v15+s10+$0x0], $0xffff;
	v21 =	vmul.f32 v56, v13;
	v22 =	vmul.f32 v57, v16  }
0x137: {  	v58 =	vld [tilespmem:s23+$0x4990];
	v46 =	vmul.f32 v60, v13;
	v47 =	vmul.f32 v61, v16  }
0x138: {  	v38 =	vld [tilespmem:s23+$0x49B0];
	v49 =	vmul.f32 v36, v13;
	v50 =	vmul.f32 v37, v16  }
0x139: {  	v63 =	vld [tilespmem:s23+$0x69A0];
	v56 =	vmul.f32 v33, v13;
	v20 =	vmul.f32 v42, v16  }
0x13a: {  	v51 =	vld [tilespmem:s23+$0x49C0];
	v13 =	vmul.f32 v45, v13;
	v16 =	vmul.f32 v48, v16;
	v17 =	vadd.f32 v18, v17  }
0x13b: {  	v39 =	vld [tilespmem:s23+$0x69B0];
	v40 =	vmul.f32 v54, v14;
	v41 =	vmul.f32 v55, v15;
	v21 =	vadd.f32 v22, v21  }
0x13c: {  	v53 =	vld [tilespmem:s23+$0x49D0];
	v43 =	vmul.f32 v58, v14;
	v44 =	vmul.f32 v59, v15;
	v18 =	vadd.f32 v47, v46  }
0x13d: {  	v52 =	vmul.f32 v62, v14;
	v22 =	vadd.f32 v50, v49;
	v54 =	vmul.f32 v38, v14;
	v55 =	vld [tilespmem:s23+$0x69C0]  }
0x13e: {  	v57 =	vld [tilespmem:s23+$0x69D0];
	v19 =	vadd.f32 v20, v56;
	v58 =	vmul.f32 v63, v15;
	v17 =	vadd.f32 v40, v17  }
0x13f: {  	v59 =	vmul.f32 v51, v14;
	v13 =	vadd.f32 v16, v13;
	v21 =	vadd.f32 v43, v21  }
0x140: {  	v60 =	vmul.f32 v39, v15;
	v18 =	vadd.f32 v52, v18;
	v17 =	vadd.f32 v41, v17  }
0x141: {  	v22 =	vadd.f32 v54, v22;
	v14 =	vmul.f32 v53, v14;
	v21 =	vadd.f32 v44, v21  }
0x142: {  	p2 =	slt.u32 s22, $0x3C;
	v62 =	vadd.f32 v59, v19;
	v61 =	vadd.f32 v58, v18;
	v63 =	vmul.f32 v55, v15;
	[tilespmem:s23+$0x10980] =	vst v17  }
.Ltmp0:
0x143: {  	v16 =	vadd.f32 v60, v22;
	v13 =	vadd.f32 v14, v13;
	v14 =	vmul.f32 v57, v15;
	[tilespmem:s23+$0x10990] =	vst v21;
	(pc) =	sbr.rel @p2 .LBB2_3-.Ltmp0, $4  }
0x144: {  	[tilespmem:s23+$0x109A0] =	vst v61;
	v15 =	vadd.f32 v63, v62  }
0x145: {  	[tilespmem:s23+$0x109B0] =	vst v16;
	v13 =	vadd.f32 v14, v13  }
0x146: {  	[tilespmem:s23+$0x109C0] =	vst v15  }
0x147: {  	s21 =	sadd.s32 $0x800, s21;
	s22 =	sadd.s32 $0x4, s22;
	[tilespmem:s23+$0x109D0] =	vst v13  }
.Ltmp1:
0x148: {  	(pc) =	sbr.rel @p1 .LBB2_6-.Ltmp1, $4  }
0x149: {  	_ = 	snop  }
0x14a: {  	s20 =	sshll.u32 s20, $0x4;
	s19 =	sadd.s32 s19, s1  }
0x14b: {  	s20 =	sadd.s32 s7, s20;
	s19 =	sadd.s32 $0x40, s19  }
0x14c: {  	[hbm4b:s20+s4] =	stream.linear.scatter [tilespmem:s11], [sflag:$0x5], $0x2000, $0x38;
	[tilespmem:$0x14800] =	vst v63  }
0x14d: {  	s20 =	sadd.s32 $0x40, s19  }
0x14e: {  	v13 =	vmov s20  }
0x14f: {  	v13 =	vshrl.u32 v13, $0x7  }
0x150: {  	_ =	swait.ge [sflag:s17], $0x40;
	v13 =	vmul.u32 $0xAAAB, v13  }
0x151: {  	[sflag:s17] =	ssyncset.done $0x0  }
0x152: {  	[sflag:s17] =	ssyncadd.s32 $0xFFFFFFC0;
	v14 =	vshra.s32 v13, $0x18  }
0x153: {  	_ =	swait.ge [sflag:s17], $0x40;
	v14 =	vmul.u32 $0xAAAB, v14  }
0x154: {  	[sflag:s17] =	ssyncset.done $0x0  }
0x155: {  	s21 =	sadd.s32 $0x50, s19;
	[sflag:s17] =	ssyncadd.s32 $0xFFFFFFC0;
	v14 =	vshra.s32 v14, $0x11  }
0x156: {  	v18 =	vmov s21;
	v16 =	vld [tilespmem:$0x0];
	v15 =	vmul.u32 $0xFFFFFE80, v14  }
0x157: {  	v18 =	vshrl.u32 v18, $0x7;
	v13 =	vshra.s32 v13, $0x11  }
0x158: {  	v38 =	vmul.u32 $0xAAAB, v18;
	v15 =	vadd.s32 v13, v15  }
0x159: {  	v13 =	vmul.u32 $0xFFFFFE80, v13;
	v15 =	vcvt.s32.f32 v15  }
0x15a: {  	v19 =	vshra.s32 v38, $0x18;
	v17 =	vld [tilespmem:$0x100]  }
0x15b: {  	s22 =	sadd.s32 $0x60, s19;
	v19 =	vmul.u32 $0xAAAB, v19;
	v13 =	vadd.s32 s20, v13;
	v15 =	vsub.f32 v15, v16  }
0x15c: {  	v44 =	vmov s22;
	v13 =	vadd.s32 v0, v13  }
0x15d: {  	v19 =	vshra.s32 v19, $0x11;
	v13 =	vcvt.s32.f32 v13;
	v16 =	vmax.f32 v15, $0.0e+00  }
0x15e: {  	v21 =	vld [tilespmem:$0x10];
	v40 =	vmul.u32 $0xFFFFFE80, v19;
	v14 =	vmul.u32 $0x24000, v14;
	v16 =	vmin.f32 v16, $3.820000000e+02  }
0x15f: {  	v13 =	vsub.f32 v13, v17;
	v17 =	vshra.s32 v38, $0x11;
	v16 =	vtrunc.f32 v16  }
0x160: {  	v23 =	vmul.u32 $0xFFFFFE80, v17;
	v17 =	vadd.s32 v17, v40;
	v16 =	vcvt.f32.s32 v16  }
0x161: {  	v19 =	vmul.u32 $0x24000, v19;
	v39 =	vmax.f32 v13, $0.0e+00;
	v17 =	vcvt.s32.f32 v17  }
0x162: {  	v18 =	vmin.f32 v39, $3.820000000e+02;
	v42 =	vadd.s32 s21, v23;
	v20 =	vcvt.s32.f32 v16  }
0x163: {  	s21 =	sadd.s32 $0x70, s19;
	v18 =	vtrunc.f32 v18;
	v16 =	vmul.u32 $0x180, v16;
	v17 =	vsub.f32 v17, v21  }
0x164: {  	v54 =	vmov s21;
	v18 =	vcvt.f32.s32 v18;
	v15 =	vsub.f32 v15, v20  }
0x165: {  	v14 =	vadd.s32 v14, v16;
	v45 =	vmax.f32 v17, $0.0e+00;
	v16 =	vshrl.u32 v44, $0x7  }
0x166: {  	v22 =	vcvt.s32.f32 v18;
	v14 =	vadd.s32 v18, v14;
	v46 =	vmin.f32 v45, $3.820000000e+02  }
0x167: {  	v16 =	vmul.u32 $0xAAAB, v16;
	v15 =	vmax.f32 v15, $0.0e+00;
	v47 =	vadd.s32 $0x1, v14  }
0x168: {  	v41 =	vld [tilespmem:$0x110];
	v18 =	vtrunc.f32 v46;
	v24 =	vadd.s32 $0x180, v14;
	v25 =	vadd.s32 $0x181, v14  }
0x169: {  	v15 =	vmin.f32 v15, $1.000000000e+00;
	v13 =	vsub.f32 v13, v22;
	v22 =	vadd.s32 v0, v42  }
0x16a: {  	v18 =	vcvt.f32.s32 v18;
	v49 =	vshra.s32 v16, $0x18;
	v16 =	vshra.s32 v16, $0x11  }
0x16b: {  	v43 =	vcvt.s32.f32 v22;
	v23 =	vmul.u32 $0xAAAB, v49;
	v27 =	vsub.f32 $1.000000000e+00, v15  }
0x16c: {  	v13 =	vmax.f32 v13, $0.0e+00;
	v26 =	vcvt.s32.f32 v18;
	v18 =	vmul.u32 $0x180, v18  }
0x16d: {  	v13 =	vmin.f32 v13, $1.000000000e+00;
	v20 =	vsub.f32 v43, v41;
	v23 =	vshra.s32 v23, $0x11  }
0x16e: {  	v28 =	vsub.f32 $1.000000000e+00, v13;
	v17 =	vsub.f32 v17, v26;
	v29 =	vmul.u32 $0xFFFFFE80, v23  }
0x16f: {  	v18 =	vadd.s32 v19, v18;
	v41 =	vmul.u32 $0x24000, v23;
	v48 =	vmax.f32 v20, $0.0e+00  }
0x170: {  	v30 =	vld [tilespmem:$0x20];
	v22 =	vmin.f32 v48, $3.820000000e+02;
	v31 =	vmul.f32 v28, v27;
	v27 =	vmul.f32 v13, v27  }
0x171: {  	v28 =	vmul.f32 v28, v15;
	v51 =	vadd.s32 v16, v29;
	v13 =	vmul.f32 v13, v15  }
0x172: {  	v15 =	vmax.f32 v17, $0.0e+00;
	v16 =	vmul.u32 $0xFFFFFE80, v16;
	v29 =	vshrl.u32 v54, $0x7  }
0x173: {  	v22 =	vtrunc.f32 v22;
	v52 =	vcvt.s32.f32 v51;
	v15 =	vmin.f32 v15, $1.000000000e+00  }
0x174: {  	v29 =	vmul.u32 $0xAAAB, v29;
	v22 =	vcvt.f32.s32 v22;
	v16 =	vadd.s32 s22, v16  }
0x175: {  	v53 =	vld [tilespmem:$0x120];
	v59 =	vsub.f32 $1.000000000e+00, v15;
	v17 =	vsub.f32 v52, v30;
	v16 =	vadd.s32 v0, v16  }
0x176: {  	v56 =	vshra.s32 v29, $0x18;
	v63 =	vshra.s32 v29, $0x11;
	v50 =	vcvt.s32.f32 v22  }
0x177: {  	v16 =	vcvt.s32.f32 v16;
	v58 =	vmul.u32 $0xAAAB, v56;
	v18 =	vadd.s32 v22, v18  }
0x178: {  	[tilespmem:$0x200] =	vst v14;
	v34 =	vmul.u32 $0xFFFFFE80, v63;
	v30 =	vmax.f32 v17, $0.0e+00;
	v36 =	vadd.s32 $0x1, v18  }
0x179: {  	v39 =	vadd.s32 $0x180, v18;
	[tilespmem:$0x210] =	vst v18;
	v18 =	vadd.s32 $0x181, v18;
	v20 =	vsub.f32 v20, v50  }
0x17a: {  	[tilespmem:$0x280] =	vst v47;
	v30 =	vmin.f32 v30, $3.820000000e+02;
	v14 =	vsub.f32 v16, v53;
	v19 =	vshra.s32 v58, $0x11  }
0x17b: {  	v37 =	vld [tilespmem:$0x130];
	[tilespmem:$0x300] =	vst v24;
	v26 =	vadd.s32 s21, v34;
	v55 =	vtrunc.f32 v30;
	v33 =	vmul.u32 $0xFFFFFE80, v19  }
0x17c: {  	[tilespmem:$0x380] =	vst v25;
	v26 =	vadd.s32 v0, v26;
	v20 =	vmax.f32 v20, $0.0e+00;
	v61 =	vmax.f32 v14, $0.0e+00  }
0x17d: {  	[tilespmem:$0x600] =	vst v31;
	v57 =	vcvt.f32.s32 v55;
	v26 =	vcvt.s32.f32 v26;
	v24 =	vmin.f32 v61, $3.820000000e+02  }
0x17e: {  	v35 =	vld [tilespmem:$0x30];
	[tilespmem:$0x640] =	vst v27;
	v20 =	vmin.f32 v20, $1.000000000e+00;
	v25 =	vadd.s32 v63, v33;
	v24 =	vtrunc.f32 v24  }
0x17f: {  	[tilespmem:$0x680] =	vst v28;
	v60 =	vsub.f32 $1.000000000e+00, v20;
	v62 =	vcvt.s32.f32 v57;
	v24 =	vcvt.f32.s32 v24  }
0x180: {  	[tilespmem:$0x6C0] =	vst v13;
	v21 =	vmul.f32 v20, v59;
	v25 =	vcvt.s32.f32 v25;
	v40 =	vsub.f32 v26, v37  }
0x181: {  	[tilespmem:$0x290] =	vst v36;
	v16 =	vmul.u32 $0x180, v57;
	v38 =	vmul.f32 v60, v59;
	v13 =	vcvt.s32.f32 v24  }
0x182: {  	[tilespmem:$0x310] =	vst v39;
	v17 =	vsub.f32 v17, v62;
	v22 =	vmul.f32 v60, v15;
	v15 =	vmul.f32 v20, v15  }
0x183: {  	[tilespmem:$0x390] =	vst v18;
	v43 =	vmax.f32 v40, $0.0e+00;
	v13 =	vsub.f32 v14, v13;
	v14 =	vsub.f32 v25, v35  }
0x184: {  	[tilespmem:$0x650] =	vst v21;
	v16 =	vadd.s32 v41, v16;
	v45 =	vmin.f32 v43, $3.820000000e+02;
	v17 =	vmax.f32 v17, $0.0e+00  }
0x185: {  	v47 =	vtrunc.f32 v45;
	[tilespmem:$0x6D0] =	vst v15;
	v15 =	vadd.s32 v24, v16;
	v42 =	vmax.f32 v14, $0.0e+00  }
0x186: {  	[tilespmem:$0x610] =	vst v38;
	v17 =	vmin.f32 v17, $1.000000000e+00;
	v49 =	vcvt.f32.s32 v47;
	v44 =	vmin.f32 v42, $3.820000000e+02  }
0x187: {  	[tilespmem:$0x690] =	vst v22;
	v50 =	vadd.s32 $0x1, v15;
	v53 =	vadd.s32 $0x180, v15;
	v46 =	vtrunc.f32 v44  }
0x188: {  	[tilespmem:$0x220] =	vst v15;
	v51 =	vsub.f32 $1.000000000e+00, v17;
	v13 =	vmax.f32 v13, $0.0e+00;
	v48 =	vcvt.f32.s32 v46  }
0x189: {  	v15 =	vadd.s32 $0x181, v15;
	[tilespmem:$0x2A0] =	vst v50;
	v55 =	vcvt.s32.f32 v49;
	v13 =	vmin.f32 v13, $1.000000000e+00  }
0x18a: {  	[tilespmem:$0x320] =	vst v53;
	v52 =	vsub.f32 $1.000000000e+00, v13;
	v57 =	vmul.f32 v13, v51;
	v54 =	vcvt.s32.f32 v48  }
0x18b: {  	v19 =	vmul.u32 $0x24000, v19;
	[tilespmem:$0x3A0] =	vst v15;
	v15 =	vsub.f32 v40, v55;
	v13 =	vmul.f32 v13, v17  }
0x18c: {  	v56 =	vmul.f32 v52, v51;
	[tilespmem:$0x660] =	vst v57;
	v16 =	vmul.u32 $0x180, v48;
	v14 =	vsub.f32 v14, v54  }
0x18d: {  	v58 =	vmul.f32 v52, v17;
	[tilespmem:$0x6E0] =	vst v13  }
0x18e: {  	v15 =	vmax.f32 v15, $0.0e+00;
	[tilespmem:$0x620] =	vst v56;
	v16 =	vadd.s32 v19, v16;
	v14 =	vmax.f32 v14, $0.0e+00  }
0x18f: {  	[tilespmem:$0x6A0] =	vst v58;
	v13 =	vmin.f32 v14, $1.000000000e+00;
	v14 =	vmin.f32 v15, $1.000000000e+00;
	v15 =	vadd.s32 v49, v16  }
0x190: {  	[tilespmem:$0x230] =	vst v15;
	v16 =	vadd.s32 $0x1, v15;
	v59 =	vsub.f32 $1.000000000e+00, v13;
	v60 =	vsub.f32 $1.000000000e+00, v14  }
0x191: {  	v61 =	vadd.s32 $0x180, v15;
	[tilespmem:$0x2B0] =	vst v16  }
0x192: {  	v15 =	vadd.s32 $0x181, v15;
	[tilespmem:$0x330] =	vst v61;
	v62 =	vmul.f32 v60, v59  }
0x193: {  	[tilespmem:$0x3B0] =	vst v15;
	v15 =	vmul.f32 v14, v59  }
0x194: {  	v63 =	vmul.f32 v60, v13;
	[tilespmem:$0x630] =	vst v62  }
0x195: {  	v13 =	vmul.f32 v14, v13;
	[tilespmem:$0x670] =	vst v15  }
0x196: {  	[tilespmem:$0x6B0] =	vst v63  }
0x197: {  	s23 =	simm.s32 $0x200;
	s24 =	simm.s32 $0x800;
	[tilespmem:$0x6F0] =	vst v13  }
0x198: {  	[tilespmem:s24], [sflag:$0x3] =	stream.indirect.gather [hbm4b:s5+s15], $0x80, s23, s15, $0xb8;
	[tilespmem:$0x14800] =	vst v63  }
0x199: {  	s22 =	simm.s32 $0x2800;
	s21 =	simm.s32 $0x280  }
0x19a: {  	[tilespmem:s22], [sflag:$0x3] =	stream.indirect.gather [hbm4b:s5+s15], $0x80, s21, s15, $0xb8;
	[tilespmem:$0x14800] =	vst v63  }
0x19b: {  	s23 =	simm.s32 $0x300;
	s24 =	simm.s32 $0x4800  }
0x19c: {  	[tilespmem:s24], [sflag:$0x3] =	stream.indirect.gather [hbm4b:s5+s15], $0x80, s23, s15, $0xb8;
	[tilespmem:$0x14800] =	vst v63  }
0x19d: {  	s23 =	sshrl.u32 s19, $0x3  }
0x19e: {  	s21 =	simm.s32 $0x380;
	s22 =	simm.s32 $0x6800;
	s20 =	sadd.s32 $0x10, s23  }
0x19f: {  	[tilespmem:s22], [sflag:$0x3] =	stream.indirect.gather [hbm4b:s5+s15], $0x80, s21, s15, $0xb8;
	[tilespmem:$0x14800] =	vst v63  }
0x1a0: {  	s24 =	sadd.s32 s6, s20;
	s22 =	simm.s32 $0x80  }
0x1a1: {  	[tilespmem:s22], [sflag:$0x2] =	stream.linear.gather [hbm4b:s24+s4], $0x40, $0x38;
	[tilespmem:$0x14800] =	vst v63  }
0x1a2: {  	s20 =	sadd.s32 s3, s20  }
0x1a3: {  	[tilespmem:s25], [sflag:$0x2] =	stream.linear.gather [hbm4b:s20+s4], $0x40, $0x38;
	[tilespmem:$0x14800] =	vst v63  }
.LBB2_6:
0x1a4: {  	_ =	swait.ge [sflag:s12], $0x2000  }
0x1a5: {  	[sflag:s12] =	ssyncset.done $0x0  }
0x1a6: {  	[sflag:s12] =	ssyncadd.s32 $0xFFFFE000  }
0x1a7: {  	_ =	swait.ge [sflag:s12], $0x2000  }
0x1a8: {  	[sflag:s12] =	ssyncset.done $0x0  }
0x1a9: {  	[sflag:s12] =	ssyncadd.s32 $0xFFFFE000  }
0x1aa: {  	_ =	swait.ge [sflag:s12], $0x2000  }
0x1ab: {  	[sflag:s12] =	ssyncset.done $0x0  }
0x1ac: {  	[sflag:s12] =	ssyncadd.s32 $0xFFFFE000  }
0x1ad: {  	_ =	swait.ge [sflag:s12], $0x2000  }
0x1ae: {  	[sflag:s12] =	ssyncset.done $0x0  }
0x1af: {  	s20 =	simm.s32 @!p0 $0x6;
	[sflag:s12] =	ssyncadd.s32 $0xFFFFE000  }
0x1b0: {  	_ =	swait.ge @!p0 [sflag:s20], $0x2000  }
0x1b1: {  	[sflag:s20] =	ssyncset.done @!p0 $0x0  }
0x1b2: {  	s21 =	simm.s32 $0x0;
	[sflag:s20] =	ssyncadd.s32 @!p0 $0xFFFFE000;
	s20 =	simm.s32 $0x0  }
.LBB2_7:
0x1b3: {  	s22 =	sshra.s32 s20, $0x2  }
0x1b4: {  	v17 =	vld [tilespmem:s22+$0x8800]  }
0x1b5: {  	v18 =	vld [tilespmem:s22+$0xA800]  }
0x1b6: {  	v19 =	vld [tilespmem:s22+$0xC800]  }
0x1b7: {  	v20 =	vld [tilespmem:s22+$0xE800]  }
0x1b8: {  	v21 =	vld [tilespmem:s22+$0x8810]  }
0x1b9: {  	v22 =	vld [tilespmem:s22+$0xA810]  }
0x1ba: {  	v23 =	vld [tilespmem:s22+$0xC810]  }
0x1bb: {  	v24 =	vld [tilespmem:s22+$0xE810]  }
0x1bc: {  	v25 =	vld [tilespmem:s22+$0x8820]  }
0x1bd: {  	v26 =	vld [tilespmem:s22+$0xA820]  }
0x1be: {  	v27 =	vld [tilespmem:s22+$0xC820]  }
0x1bf: {  	v28 =	vld [tilespmem:s22+$0xE820]  }
0x1c0: {  	v29 =	vld [tilespmem:s22+$0x8830]  }
0x1c1: {  	v13 =	vmov s21;
	v30 =	vld [tilespmem:s22+$0xA830]  }
0x1c2: {  	v31 =	vld [tilespmem:s22+$0xC830]  }
0x1c3: {  	v14 =	vor.u32 $0x40, v13;
	v32 =	vld [tilespmem:s22+$0xE830]  }
0x1c4: {  	v15 =	vor.u32 $0x80, v13;
	v61 =	vld [tilespmem:s22+$0x8840]  }
0x1c5: {  	v16 =	vor.u32 $0xC0, v13;
	v63 =	vld [tilespmem:s22+$0xA840]  }
0x1c6: {  	v13 =	vld.idx.msk [tilespmem:v13+s13+$0x0], $0xffff  }
0x1c7: {  	v35 =	vld [tilespmem:s22+$0x8850]  }
0x1c8: {  	v14 =	vld.idx.msk [tilespmem:v14+s13+$0x0], $0xffff  }
0x1c9: {  	v15 =	vld.idx.msk [tilespmem:v15+s13+$0x0], $0xffff  }
0x1ca: {  	v16 =	vld.idx.msk [tilespmem:v16+s13+$0x0], $0xffff  }
0x1cb: {  	v38 =	vld [tilespmem:s22+$0xA850];
	v17 =	vmul.f32 v17, v13  }
0x1cc: {  	v41 =	vld [tilespmem:s22+$0xC840];
	v21 =	vmul.f32 v21, v13;
	v36 =	vmul.f32 v25, v13  }
0x1cd: {  	v44 =	vld [tilespmem:s22+$0xC850];
	v39 =	vmul.f32 v29, v13;
	v18 =	vmul.f32 v18, v14  }
0x1ce: {  	v47 =	vld [tilespmem:s22+$0xE840];
	v22 =	vmul.f32 v22, v14;
	v60 =	vmul.f32 v19, v15  }
0x1cf: {  	v49 =	vld [tilespmem:s22+$0xE850];
	v62 =	vmul.f32 v23, v15;
	v33 =	vmul.f32 v20, v16  }
0x1d0: {  	v56 =	vld [tilespmem:s22+$0x8880];
	v34 =	vmul.f32 v24, v16;
	v37 =	vmul.f32 v26, v14  }
0x1d1: {  	v57 =	vld [tilespmem:s22+$0xA880];
	v40 =	vmul.f32 v30, v14;
	v43 =	vmul.f32 v27, v15  }
0x1d2: {  	v58 =	vld [tilespmem:s22+$0xC880];
	v46 =	vmul.f32 v31, v15;
	v19 =	vmul.f32 v61, v13  }
0x1d3: {  	v59 =	vld [tilespmem:s22+$0xE880];
	v48 =	vmul.f32 v63, v14;
	v13 =	vmul.f32 v35, v13  }
0x1d4: {  	v14 =	vmul.f32 v38, v14;
	v61 =	vld [tilespmem:s22+$0xA890];
	v17 =	vadd.f32 v18, v17;
	v21 =	vadd.f32 v22, v21  }
0x1d5: {  	v50 =	vmul.f32 v32, v16;
	v63 =	vld [tilespmem:s22+$0xE890];
	v42 =	vadd.f32 v37, v36;
	v18 =	vadd.f32 v40, v39  }
0x1d6: {  	v51 =	vmul.f32 v41, v15;
	v38 =	vld [tilespmem:s22+$0xC8A0];
	v19 =	vadd.f32 v48, v19;
	v17 =	vadd.f32 v60, v17  }
0x1d7: {  	v41 =	vld [tilespmem:s22+$0xA8B0];
	v13 =	vadd.f32 v14, v13;
	v14 =	vmul.f32 v44, v15;
	v21 =	vadd.f32 v62, v21  }
0x1d8: {  	v53 =	vmul.f32 v47, v16;
	v47 =	vld [tilespmem:s22+$0xA8C0];
	v18 =	vadd.f32 v46, v18;
	v17 =	vadd.f32 v33, v17  }
0x1d9: {  	v31 =	vld [tilespmem:s22+$0xE8D0];
	v13 =	vadd.f32 v14, v13;
	v14 =	vmul.f32 v49, v16;
	v20 =	vadd.f32 v34, v21  }
0x1da: {  	s23 =	sadd.s32 $0x1, s21;
	v45 =	vmul.f32 v28, v16;
	v36 =	vld [tilespmem:s22+$0x88A0];
	v21 =	vadd.f32 v43, v42;
	v15 =	vadd.f32 v50, v18;
	[tilespmem:s22+$0x12800] =	vst v17  }
0x1db: {  	v54 =	vmov s23;
	v37 =	vld [tilespmem:s22+$0xA8A0];
	v52 =	vadd.f32 v51, v19;
	v13 =	vadd.f32 v14, v13;
	[tilespmem:s22+$0x12810] =	vst v20  }
0x1dc: {  	v55 =	vor.u32 $0x40, v54;
	v39 =	vld [tilespmem:s22+$0xE8A0];
	v21 =	vadd.f32 v45, v21;
	[tilespmem:s22+$0x12830] =	vst v15  }
0x1dd: {  	v40 =	vld [tilespmem:s22+$0x88B0];
	v17 =	vadd.f32 v53, v52;
	[tilespmem:s22+$0x12850] =	vst v13  }
0x1de: {  	v60 =	vld [tilespmem:s22+$0x8890];
	v14 =	vor.u32 $0x80, v54;
	[tilespmem:s22+$0x12820] =	vst v21  }
0x1df: {  	v62 =	vld [tilespmem:s22+$0xC890];
	[tilespmem:s22+$0x12840] =	vst v17  }
0x1e0: {  	v13 =	vld.idx.msk [tilespmem:v54+s13+$0x0], $0xffff  }
0x1e1: {  	v16 =	vld.idx.msk [tilespmem:v55+s13+$0x0], $0xffff  }
0x1e2: {  	v42 =	vld [tilespmem:s22+$0xC8B0]  }
0x1e3: {  	v15 =	vor.u32 $0xC0, v54;
	v14 =	vld.idx.msk [tilespmem:v14+s13+$0x0], $0xffff  }
0x1e4: {  	v43 =	vld [tilespmem:s22+$0xE8B0]  }
0x1e5: {  	v50 =	vld [tilespmem:s22+$0x88D0]  }
0x1e6: {  	v45 =	vld [tilespmem:s22+$0x88C0];
	v17 =	vmul.f32 v56, v13;
	v18 =	vmul.f32 v57, v16  }
0x1e7: {  	v53 =	vld [tilespmem:s22+$0xA8D0];
	v21 =	vmul.f32 v60, v13;
	v22 =	vmul.f32 v61, v16  }
0x1e8: {  	v15 =	vld.idx.msk [tilespmem:v15+s13+$0x0], $0xffff;
	v44 =	vmul.f32 v58, v14;
	v46 =	vmul.f32 v62, v14  }
0x1e9: {  	v51 =	vmul.f32 v36, v13;
	v52 =	vmul.f32 v37, v16;
	v56 =	vld [tilespmem:s22+$0xC8C0]  }
0x1ea: {  	v54 =	vmul.f32 v40, v13;
	v55 =	vmul.f32 v41, v16;
	v62 =	vld [tilespmem:s22+$0xE8C0]  }
0x1eb: {  	v58 =	vmul.f32 v38, v14;
	v61 =	vmul.f32 v42, v14;
	v40 =	vld [tilespmem:s22+$0x8900]  }
0x1ec: {  	v19 =	vmul.f32 v45, v13;
	v13 =	vmul.f32 v50, v13;
	v41 =	vld [tilespmem:s22+$0xA900]  }
0x1ed: {  	v42 =	vld [tilespmem:s22+$0xC900];
	v17 =	vadd.f32 v18, v17;
	v21 =	vadd.f32 v22, v21;
	v48 =	vmul.f32 v59, v15  }
0x1ee: {  	v49 =	vmul.f32 v63, v15;
	v57 =	vadd.f32 v52, v51;
	v59 =	vld [tilespmem:s22+$0xC8D0];
	v18 =	vadd.f32 v55, v54  }
0x1ef: {  	v45 =	vld [tilespmem:s22+$0xA910];
	v60 =	vmul.f32 v39, v15;
	v63 =	vmul.f32 v47, v16;
	v17 =	vadd.f32 v44, v17  }
0x1f0: {  	v50 =	vld [tilespmem:s22+$0xC920];
	v16 =	vmul.f32 v53, v16;
	v21 =	vadd.f32 v46, v21;
	v18 =	vadd.f32 v61, v18  }
0x1f1: {  	v33 =	vmul.f32 v43, v15;
	v43 =	vld [tilespmem:s22+$0xE900];
	v19 =	vadd.f32 v63, v19;
	v17 =	vadd.f32 v48, v17  }
0x1f2: {  	v47 =	vld [tilespmem:s22+$0xE910];
	v34 =	vmul.f32 v56, v14;
	v20 =	vadd.f32 v49, v21;
	v21 =	vadd.f32 v58, v57  }
0x1f3: {  	v51 =	vld [tilespmem:s22+$0xE920];
	v13 =	vadd.f32 v16, v13;
	v35 =	vadd.f32 v33, v18;
	v14 =	vmul.f32 v59, v14  }
0x1f4: {  	s24 =	sadd.s32 $0x2, s21;
	v52 =	vld [tilespmem:s22+$0x8930];
	v37 =	vmul.f32 v62, v15;
	v36 =	vadd.f32 v34, v19;
	v21 =	vadd.f32 v60, v21;
	[tilespmem:s22+$0x12880] =	vst v17  }
0x1f5: {  	v53 =	vld [tilespmem:s22+$0xA930];
	[tilespmem:s22+$0x12890] =	vst v20;
	v13 =	vadd.f32 v14, v13;
	v14 =	vmul.f32 v31, v15;
	v15 =	vmov s24  }
0x1f6: {  	v54 =	vld [tilespmem:s22+$0xC930];
	[tilespmem:s22+$0x128B0] =	vst v35;
	v17 =	vadd.f32 v37, v36  }
0x1f7: {  	v44 =	vld [tilespmem:s22+$0x8910];
	[tilespmem:s22+$0x128A0] =	vst v21;
	v13 =	vadd.f32 v14, v13  }
0x1f8: {  	v46 =	vld [tilespmem:s22+$0xC910];
	v38 =	vor.u32 $0x40, v15;
	[tilespmem:s22+$0x128C0] =	vst v17  }
0x1f9: {  	v62 =	vld [tilespmem:s22+$0x8950];
	v39 =	vor.u32 $0xC0, v15;
	[tilespmem:s22+$0x128D0] =	vst v13  }
0x1fa: {  	v13 =	vld.idx.msk [tilespmem:v15+s13+$0x0], $0xffff  }
0x1fb: {  	v48 =	vld [tilespmem:s22+$0x8920]  }
0x1fc: {  	v57 =	vld [tilespmem:s22+$0x8940]  }
0x1fd: {  	v14 =	vor.u32 $0x80, v15;
	v15 =	vld.idx.msk [tilespmem:v38+s13+$0x0], $0xffff  }
0x1fe: {  	v16 =	vld.idx.msk [tilespmem:v39+s13+$0x0], $0xffff  }
0x1ff: {  	v49 =	vld [tilespmem:s22+$0xA920];
	v17 =	vmul.f32 v40, v13  }
0x200: {  	v59 =	vld [tilespmem:s22+$0xA940];
	v21 =	vmul.f32 v44, v13;
	v63 =	vmul.f32 v48, v13  }
0x201: {  	v34 =	vld [tilespmem:s22+$0xA950];
	v35 =	vmul.f32 v52, v13;
	v19 =	vmul.f32 v57, v13  }
0x202: {  	v14 =	vld.idx.msk [tilespmem:v14+s13+$0x0], $0xffff;
	v13 =	vmul.f32 v62, v13;
	v18 =	vmul.f32 v41, v15  }
0x203: {  	v55 =	vld [tilespmem:s22+$0xE930];
	v22 =	vmul.f32 v45, v15;
	v60 =	vmul.f32 v43, v16  }
0x204: {  	v37 =	vld [tilespmem:s22+$0xC940];
	v61 =	vmul.f32 v47, v16;
	v33 =	vmul.f32 v49, v15  }
0x205: {  	v40 =	vld [tilespmem:s22+$0xC950];
	v36 =	vmul.f32 v53, v15;
	v41 =	vmul.f32 v51, v16  }
0x206: {  	v52 =	vld [tilespmem:s22+$0x8980];
	v44 =	vmul.f32 v59, v15;
	v15 =	vmul.f32 v34, v15  }
0x207: {  	v57 =	vld [tilespmem:s22+$0xA990];
	v56 =	vmul.f32 v42, v14;
	v58 =	vmul.f32 v46, v14  }
0x208: {  	v62 =	vld [tilespmem:s22+$0xC9A0];
	v39 =	vmul.f32 v50, v14;
	v17 =	vadd.f32 v18, v17;
	v21 =	vadd.f32 v22, v21  }
0x209: {  	v43 =	vld [tilespmem:s22+$0xE940];
	v42 =	vmul.f32 v54, v14;
	v38 =	vadd.f32 v33, v63;
	v18 =	vadd.f32 v36, v35  }
0x20a: {  	v45 =	vld [tilespmem:s22+$0xE950];
	v46 =	vmul.f32 v55, v16;
	v19 =	vadd.f32 v44, v19;
	v17 =	vadd.f32 v56, v17  }
0x20b: {  	s24 =	sadd.s32 $0x3, s21;
	v53 =	vld [tilespmem:s22+$0xA980];
	v47 =	vmul.f32 v37, v14;
	v13 =	vadd.f32 v15, v13;
	v21 =	vadd.f32 v58, v21  }
0x20c: {  	v59 =	vld [tilespmem:s22+$0xE990];
	v50 =	vmov s24;
	v18 =	vadd.f32 v42, v18;
	v17 =	vadd.f32 v60, v17  }
0x20d: {  	v54 =	vld [tilespmem:s22+$0xC980];
	v14 =	vmul.f32 v40, v14;
	v20 =	vadd.f32 v61, v21;
	v21 =	vadd.f32 v39, v38  }
0x20e: {  	v55 =	vld [tilespmem:s22+$0xE980];
	v48 =	vadd.f32 v47, v19;
	v49 =	vmul.f32 v43, v16;
	v15 =	vadd.f32 v46, v18;
	[tilespmem:s22+$0x12900] =	vst v17  }
0x20f: {  	v37 =	vld [tilespmem:s22+$0xA9B0];
	v13 =	vadd.f32 v14, v13;
	v14 =	vmul.f32 v45, v16;
	v21 =	vadd.f32 v41, v21;
	[tilespmem:s22+$0x12910] =	vst v20  }
0x210: {  	v51 =	vor.u32 $0x40, v50;
	v36 =	vld [tilespmem:s22+$0x89B0];
	v17 =	vadd.f32 v49, v48;
	[tilespmem:s22+$0x12930] =	vst v15  }
0x211: {  	v33 =	vld [tilespmem:s22+$0x89C0];
	v13 =	vadd.f32 v14, v13;
	[tilespmem:s22+$0x12920] =	vst v21  }
0x212: {  	v56 =	vld [tilespmem:s22+$0x8990];
	[tilespmem:s22+$0x12940] =	vst v17  }
0x213: {  	v42 =	vld [tilespmem:s22+$0xA9C0];
	[tilespmem:s22+$0x12950] =	vst v13  }
0x214: {  	v13 =	vld.idx.msk [tilespmem:v50+s13+$0x0], $0xffff  }
0x215: {  	v14 =	vor.u32 $0x80, v50;
	v16 =	vld.idx.msk [tilespmem:v51+s13+$0x0], $0xffff  }
0x216: {  	v60 =	vld [tilespmem:s22+$0x89A0];
	v15 =	vor.u32 $0xC0, v50  }
0x217: {  	v61 =	vld [tilespmem:s22+$0xA9A0]  }
0x218: {  	v45 =	vld [tilespmem:s22+$0x89D0]  }
0x219: {  	v48 =	vld [tilespmem:s22+$0xA9D0]  }
0x21a: {  	v14 =	vld.idx.msk [tilespmem:v14+s13+$0x0], $0xffff;
	v17 =	vmul.f32 v52, v13;
	v18 =	vmul.f32 v53, v16  }
0x21b: {  	v15 =	vld.idx.msk [tilespmem:v15+s13+$0x0], $0xffff;
	v21 =	vmul.f32 v56, v13;
	v22 =	vmul.f32 v57, v16  }
0x21c: {  	v58 =	vld [tilespmem:s22+$0xC990];
	v46 =	vmul.f32 v60, v13;
	v47 =	vmul.f32 v61, v16  }
0x21d: {  	v38 =	vld [tilespmem:s22+$0xC9B0];
	v49 =	vmul.f32 v36, v13;
	v50 =	vmul.f32 v37, v16  }
0x21e: {  	v63 =	vld [tilespmem:s22+$0xE9A0];
	v56 =	vmul.f32 v33, v13;
	v20 =	vmul.f32 v42, v16  }
0x21f: {  	v51 =	vld [tilespmem:s22+$0xC9C0];
	v13 =	vmul.f32 v45, v13;
	v16 =	vmul.f32 v48, v16;
	v17 =	vadd.f32 v18, v17  }
0x220: {  	v39 =	vld [tilespmem:s22+$0xE9B0];
	v40 =	vmul.f32 v54, v14;
	v41 =	vmul.f32 v55, v15;
	v21 =	vadd.f32 v22, v21  }
0x221: {  	v53 =	vld [tilespmem:s22+$0xC9D0];
	v43 =	vmul.f32 v58, v14;
	v44 =	vmul.f32 v59, v15;
	v18 =	vadd.f32 v47, v46  }
0x222: {  	v52 =	vmul.f32 v62, v14;
	v22 =	vadd.f32 v50, v49;
	v54 =	vmul.f32 v38, v14;
	v55 =	vld [tilespmem:s22+$0xE9C0]  }
0x223: {  	v57 =	vld [tilespmem:s22+$0xE9D0];
	v19 =	vadd.f32 v20, v56;
	v58 =	vmul.f32 v63, v15;
	v17 =	vadd.f32 v40, v17  }
0x224: {  	v59 =	vmul.f32 v51, v14;
	v13 =	vadd.f32 v16, v13;
	v21 =	vadd.f32 v43, v21  }
0x225: {  	v60 =	vmul.f32 v39, v15;
	v18 =	vadd.f32 v52, v18;
	v17 =	vadd.f32 v41, v17  }
0x226: {  	v22 =	vadd.f32 v54, v22;
	v14 =	vmul.f32 v53, v14;
	v21 =	vadd.f32 v44, v21  }
0x227: {  	p0 =	slt.u32 s21, $0x3C;
	v62 =	vadd.f32 v59, v19;
	v61 =	vadd.f32 v58, v18;
	v63 =	vmul.f32 v55, v15;
	[tilespmem:s22+$0x12980] =	vst v17  }
.Ltmp2:
0x228: {  	v16 =	vadd.f32 v60, v22;
	v13 =	vadd.f32 v14, v13;
	v14 =	vmul.f32 v57, v15;
	[tilespmem:s22+$0x12990] =	vst v21;
	(pc) =	sbr.rel @p0 .LBB2_7-.Ltmp2, $4  }
0x229: {  	[tilespmem:s22+$0x129A0] =	vst v61;
	v15 =	vadd.f32 v63, v62  }
0x22a: {  	[tilespmem:s22+$0x129B0] =	vst v16;
	v13 =	vadd.f32 v14, v13  }
0x22b: {  	[tilespmem:s22+$0x129C0] =	vst v15  }
0x22c: {  	s20 =	sadd.s32 $0x800, s20;
	s21 =	sadd.s32 $0x4, s21;
	[tilespmem:s22+$0x129D0] =	vst v13  }
0x22d: {  	s18 =	sadd.s32 $0x1, s18  }
0x22e: {  	p0 =	sne.s32 s18, $0x90  }
.Ltmp3:
0x22f: {  	_ = 	snop;
	(pc) =	sbr.rel @p0 .LBB2_2-.Ltmp3, $4  }
0x230: {  	s19 =	sshll.u32 s19, $0x4  }
0x231: {  	s19 =	sand.u32 $0x1FFFFC00, s19  }
0x232: {  	s19 =	sadd.s32 s7, s19  }
0x233: {  	[hbm4b:s19+s4] =	stream.linear.scatter [tilespmem:s16], [sflag:$0x6], $0x2000, $0x38;
	[tilespmem:$0x14800] =	vst v63  }
0x234: {  	s18 =	simm.s32 $0x5  }
0x235: {  	_ =	swait.ge [sflag:s18], $0x2000  }
0x236: {  	[sflag:s18] =	ssyncset.done $0x0  }
0x237: {  	s19 =	simm.s32 $0x6;
	[sflag:s18] =	ssyncadd.s32 $0xFFFFE000  }
0x238: {  	_ =	swait.ge [sflag:s19], $0x2000  }
0x239: {  	s20 =	rddreg [dreg:$0x8]  }
0x23a: {  	s24 =	rddreg [dreg:$0x7];
	s20 =	sadd.s32 $0x1, s20  }
0x23b: {  	p0 =	sne.s32 s20, s24  }
.Ltmp4:
0x23c: {  	_ = 	snop;
	(pc) =	sbr.rel @p0 .LBB2_1-.Ltmp4, $3  }
0x23d: {  	_ =	sdelay $0x1  }
0x23e: {  	[sflag:s19] =	ssyncset.done $0x0  }
0x23f: {  	[sflag:s19] =	ssyncadd.s32 $0xFFFFE000  }
0x240: {  	_ =	sfence.sel $0x180000  }
0x241: {  	[bflag:$0x0] =	sbarrier.arrive $0xFFFF  }
0x242: {  	_ =	strace $0x90000047  }
0x243: {  	s0 =	stileid.u32;
	[bflag:$0x2] =	sbarrier.arrive $0xFFFF  }
0x244: {  	p0 =	sne.s32 s0, $0x0;
	s0 =	rddreg [dreg:$0x2]  }
0x245: {  	s0 =	sadd.s32 @!p0 $0x100000, s0  }
0x246: {  	[sflag:s0] =	ssyncadd.tile.s32 @!p0 $0x1;
	_ =	shalt  }
.Lfunc_end2:
_tile_overlayer_lowered:
.L_overlay_start_2:
0x247: {  	(tag) =	ssettag $0x2  }
0x248: {  	s0 =	rddreg [dreg:$0x0];
	s2 =	stileid.u32  }
0x249: {  	s1 =	rddreg [dreg:$0x1];
	p0 =	sne.s32 s2, $0x0  }
0x24a: {  	s3 =	rddreg [dreg:$0x2];
	[bflag:$0x3] =	sbarrier.arrive $0xFFFF;
	s2 =	simm.s32 @!p0 $0x1C07  }
0x24b: {  	[timem:s3], [sflag:s2] =	dma.local @!p0 [hbm:s0], s1  }
0x24c: {  	s0 =	simm.s32 @!p0 $0x7  }
0x24d: {  	_ =	swait.ge @!p0 [sflag:s0], s1  }
0x24e: {  	s1 =	ssub.s32 @!p0 $0x0, s1;
	[sflag:s0] =	ssyncset.done @!p0 $0x0  }
0x24f: {  	[sflag:s0] =	ssyncadd.s32 @!p0 s1  }
0x250: {  	[bflag:$0x3] =	sbarrier.arrive $0xFFFF  }
0x251: {  	_ =	shalt  }

// kernel: sparse-core-data-format-call.cloned.1.call-start
scs
called_computation_lowered:
.L_overlay_start_0:
0x0: {  	s2 =	sld [smem:$0x3FD9]  }
0x1: {  	s3 =	sld [smem:$0x3FFE];
	_ =	sdelay $0x1  }
0x2: {  	s1 =	srdreg.scid  }
0x3: {  	s0 =	sand.u32 $0x1, s1  }
0x4: {  	s18 =	sshll.u32 s0, $0xA;
	s2 =	sadd.s32 s3, s2  }
0x5: {  	s2 =	sadd.s32 s2, s18  }
0x6: {  	[smem:$0x3FC6] =	sst s2  }
0x7: {  	_ = 	snop  }
0x8: {  	s2 =	sld [smem:$0x3FD0];
	(tm) =	ssettm $0x1  }
0x9: {  	s19 =	sld [smem:$0x3FFB];
	_ =	sdelay $0x3  }
0xa: {  	_ =	strace s19  }
0xb: {  	s3 =	sld [smem:$0x3FFC];
	_ =	sdelay $0x3  }
0xc: {  	_ =	strace s3  }
0xd: {  	s3 =	sld [smem:$0x3FFD];
	_ =	sdelay $0x3  }
0xe: {  	_ =	strace s3  }
0xf: {  	_ =	strace $0x8FFFFFFF  }
0x10: {  	s20 =	sld [smem:$0x3FDB];
	_ =	sdelay $0x1  }
0x11: {  	s4 =	simm.s32 $_scs_section_size  }
0x12: {  	s5 =	simm.s32 $_size__tile_overlayer_lowered;
	s6 =	simm.s32 $_tile_overlayer_lowered  }
0x13: {  	s23 =	simm.s32 $0x1BFF;
	s22 =	sshll.u32 s6, $0x1;
	s3 =	sadd.s32 s4, s20  }
0x14: {  	s7 =	simm.s32 $0x0;
	s21 =	sshll.u32 s5, $0x1;
	s5 =	sadd.s32 s22, s3  }
0x15: {  	[timem:s7], [sflag:s23] =	dma.local [hbm:s5], s21  }
0x16: {  	_ =	swait.ge [sflag:s23], s21  }
0x17: {  	s4 =	ssub.s32 $0x0, s21;
	[sflag:s23] =	ssyncset.done $0x0  }
0x18: {  	[sflag:s23] =	ssyncadd.s32 s4;
	_ =	sdelay $0x1  }
0x19: {  	s24 =	simm.s32 $0x1B8B  }
0x1a: {  	_ =	swait.ge [sflag:s24], $0x1  }
0x1b: {  	[sflag:s24] =	ssyncset.done $0x0  }
0x1c: {  	s26 =	simm.s32 $0x1B8E;
	s25 =	sld [smem:$0x3FFE];
	[sflag:s24] =	ssyncadd.s32 $0xFFFFFFFF  }
0x1d: {  	s27 =	simm.s32 $execute0_lowered;
	[smem:$0x3FD2] =	sst s26  }
0x1e: {  	s5 =	sshll.u32 s27, $0x1;
	_ =	strace $0x80000049;
	[dreg:$0x1] =	wrdreg $0xFFFFFFFF  }
0x1f: {  	s28 =	simm.s32 $_size_execute0_lowered;
	s3 =	sadd.s32 s3, s5;
	[dreg:$0x0] =	wrdreg $0x0  }
0x20: {  	s5 =	sshll.u32 s28, $0x1;
	[dreg:$0x2] =	wrdreg s3  }
0x21: {  	[dreg:$0x3] =	wrdreg s5  }
0x22: {  	[dreg:$0x4] =	wrdreg $0xC0  }
0x23: {  	_ =	task [dreg:s7], $0x5FFFF  }
0x24: {  	[dreg:$0x1] =	wrdreg $0xFFFFFFFF  }
0x25: {  	[dreg:$0x0] =	wrdreg $0x60  }
0x26: {  	[dreg:$0x2] =	wrdreg s25  }
0x27: {  	[dreg:$0x3] =	wrdreg s2  }
0x28: {  	[dreg:$0x4] =	wrdreg $0x9  }
0x29: {  	_ =	task.clear_ibuf [dreg:s7], $0x5FFFF;
	_ =	strace $0x90000049  }
0x2a: {  	s29 =	simm.s32 $0x9;
	_ =	strace $0x8000004B  }
0x2b: {  	_ =	swait.ge [sflag:s29], $0x1  }
0x2c: {  	[sflag:s29] =	ssyncadd.s32 $0xFFFFFFFF  }
0x2d: {  	_ =	strace $0x9000004B  }
0x2e: {  	_ =	sfence  }
0x2f: {  	s30 =	sld [smem:$0x0];
	_ =	sdelay $0x2  }
0x30: {  	s31 =	sshll.u32 s1, $0xD;
	s1 =	sshrl.u32 s1, $0x2  }
0x31: {  	s3 =	sand.u32 $0x4000, s31;
	s1 =	sadd.s32 s1, s30  }
0x32: {  	s0 =	sor.u32 s3, s0;
	s1 =	sshll.u32 s1, $0x11  }
0x33: {  	s0 =	sor.u32 s1, s0  }
0x34: {  	s0 =	sadd.s32 $0x8F2B, s0  }
0x35: {  	[sflag:s0] =	ssyncadd.remote.s32 $0x1  }
0x36: {  	_ =	sfence.sel $0xFFFF  }
0x37: {  	[dreg:$0x0] =	wrdreg $0xFFFFFFFF;
	(pc) =	sbr.abs _section_cstart, $3  }
0x38: {  	[dreg:$0x1] =	wrdreg $0xFFFFFFFF  }
0x39: {  	_ =	task.clear_ibuf [dreg:s7], $0x2FFFF;
	_ =	strace $0x9FFFFFFF  }
0x3a: {  	(tm) =	ssettm $0x7FFFFFFF  }
0x3b: {  	_ =	shalt  }
tec
execute0_lowered:
.L_overlay_start_1:
0x0: {  	(tag) =	ssettag $0x1  }
0x1: {  	s3 =	rddreg [dreg:$0x0]  }
0x2: {  	s2 =	rddreg [dreg:$0x1]  }
0x3: {  	s1 =	srdreg.scid;
	s0 =	rddreg [dreg:$0x2];
	_ =	strace $0x8000004A  }
0x4: {  	s7 =	simm.s32 $0x2;
	s15 =	simm.s32 $0x0;
	p0 =	por $0x0, $0x0  }
0x5: {  	s16 =	simm.s32 $0x0;
	s17 =	simm.s32 $0x0;
	s8 =	simm.s32 $0x0  }
0x6: {  	s10 =	simm.s32 $0x0;
	s11 =	simm.s32 $0x0;
	s12 =	simm.s32 $0x0  }
.Ltmp0:
0x7: {  	s9 =	simm.s32 $0x0;
	s4 =	sshll.u32 s1, $0x4;
	(pc) =	sbr.rel .LBB1_1-.Ltmp0, $4  }
0x8: {  	s1 =	stileid.u32;
	s3 =	sadd.s32 $0x12A00, s3;
	s4 =	sand.u32 $0x10, s4  }
0x9: {  	s5 =	sand.u32 $0x3, s1;
	s6 =	sor.u32 s1, s4;
	s4 =	simm.s32 $0x1  }
0xa: {  	s14 =	smov.u32 s5;
	[sflag:s4] =	ssyncpa.u1 $0x0;
	s6 =	sshrl.u32 s6, $0x2  }
0xb: {  	[sflag:s7] =	ssyncpa.u1 $0x0;
	s7 =	simm.s32 $0xC00;
	s13 =	smov.u32 s6  }
.LBB1_5:
0xc: {  	p1 =	slt.u32 s9, $0x2;
	s18 =	smov.u32 s17  }
0xd: {  	p2 =	sgt.s32 @!p1 s17, $0x3;
	s19 =	sshra.s32 @!p1 s17, $0x1F;
	s20 =	sshra.s32 @!p1 s16, $0x1F  }
0xe: {  	p2 =	por !p2, p1;
	s17 =	sand.u32 @!p1 s19, s17;
	s19 =	smov.u32 s16  }
0xf: {  	s18 =	simm.s32 @p2 $0x3;
	p2 =	sgt.s32 @!p1 s16, $0x17F;
	s16 =	sand.u32 @!p1 s20, s16  }
0x10: {  	s20 =	sshra.s32 @!p1 s15, $0x1F;
	s17 =	ssub.s32 @!p1 s18, s17;
	p3 =	por !p2, p1  }
0x11: {  	s18 =	sadd.s32 @!p1 $0xFFFFFFFD, s17;
	s19 =	simm.s32 @p3 $0x17F;
	s17 =	ssub.s32 @!p1 $0x4, s17  }
0x12: {  	p3 =	sgt.s32 @!p1 s15, $0x100;
	p2 =	sgt.s32 @!p1 s18, $0x0;
	s16 =	ssub.s32 @!p1 s19, s16  }
0x13: {  	p3 =	por !p3, p1;
	s19 =	smov.u32 s15;
	s15 =	sand.u32 @!p1 s20, s15  }
0x14: {  	s17 =	smul.u32 @!p1 $0x60, s17;
	s18 =	sadd.s32 @!p1 $0xFFFFFE81, s16;
	s19 =	simm.s32 @p3 $0x100  }
0x15: {  	s16 =	ssub.s32 @!p1 $0x180, s16;
	p3 =	sgt.s32 @!p1 s18, $0x0;
	s15 =	ssub.s32 @!p1 s19, s15  }
0x16: {  	p2 =	por !p2, p1;
	p3 =	por !p3, p1;
	s18 =	sadd.s32 @!p1 $0xFFFFFF00, s15  }
0x17: {  	s17 =	simm.s32 @!p2 $0x0;
	s16 =	simm.s32 @!p3 $0x0;
	p3 =	sgt.s32 @!p1 s18, $0x7F  }
0x18: {  	s15 =	ssub.s32 @!p1 $0x180, s15;
	p2 =	por !p3, p1;
	s16 =	smul.u32 @!p1 s16, s17  }
0x19: {  	s19 =	smov.u32 s13;
	s18 =	sadd.s32 $0x80, s12;
	s15 =	simm.s32 @!p2 $0x0  }
0x1a: {  	p2 =	sgt.s32 s18, $0x17F;
	s15 =	smul.u32 @!p1 s15, s16;
	s16 =	sadd.s32 $0x8, s13  }
0x1b: {  	s19 =	smov.u32 @p2 s16  }
0x1c: {  	s21 =	smov.u32 s14;
	s16 =	sadd.s32 $0x4, s14;
	p3 =	sgt.s32 s19, $0x17F  }
0x1d: {  	s9 =	sadd.s32 $0x1, s9;
	p0 =	por !p0, !p0;
	s21 =	smov.u32 @p3 s16  }
0x1e: {  	s20 =	simm.s32 @!p1 $0x2;
	s18 =	simm.s32 @p2 $0x0;
	p2 =	sgt.s32 s21, $0x3  }
0x1f: {  	s17 =	smov.u32 s11;
	s21 =	smov.u32 @p2 s5;
	p2 =	sne.s32 s9, $0x92  }
.Ltmp1:
0x20: {  	s11 =	smov.u32 s14;
	s15 =	sand.u32 @!p1 $0x3FFFFFE0, s15;
	(pc) =	sbr.rel @!p2 .LBB1_6-.Ltmp1, $4  }
0x21: {  	_ =	swait.ge @!p1 [sflag:s20], s15;
	s22 =	ssub.s32 @!p1 $0x0, s15;
	s15 =	smov.u32 s8  }
0x22: {  	s16 =	smov.u32 s10;
	s19 =	smov.u32 @p3 s6;
	s8 =	smov.u32 s12  }
0x23: {  	s10 =	smov.u32 s13;
	s12 =	smov.u32 s18;
	[sflag:s20] =	ssyncset.done @!p1 $0x0  }
0x24: {  	s13 =	smov.u32 s19;
	[sflag:s20] =	ssyncadd.s32 @!p1 s22;
	s14 =	smov.u32 s21  }
.LBB1_1:
0x25: {  	p1 =	sgt.u32 s9, $0x8F  }
0x26: {  	s18 =	sand.u32 @!p1 $0x1FFFFFF, s12  }
0x27: {  	s19 =	smulhi.u32 @!p1 $0xAAAAAB, s18  }
0x28: {  	s20 =	smul.u32 @!p1 $0x240000, s14  }
0x29: {  	s19 =	smul.u32 @!p1 $0x180, s19  }
0x2a: {  	s21 =	smul.u32 @!p1 $0x1800, s13  }
0x2b: {  	s20 =	sadd.s32 @!p1 s3, s20;
	s18 =	ssub.s32 @!p1 s18, s19;
	s19 =	sxor.u32 @!p1 $0xFFFFFFFF, s9  }
0x2c: {  	s20 =	sadd.s32 @!p1 s21, s20;
	s19 =	sshll.u32 @!p1 s19, $0xE;
	s18 =	sshll.u32 @!p1 s18, $0x4  }
0x2d: {  	s19 =	sand.u32 @!p1 $0x4000, s19;
	s18 =	sadd.s32 @!p1 s18, s20;
	s20 =	simm.s32 @!p1 $0x0  }
0x2e: {  	[tilespmem:s19], [sflag:$0x1] =	stream.linear.gather @!p1 [hbm4b:s18+s20], $0x4000, $0x38;
	[tilespmem:$0x10100] =	vst v63  }
0x2f: {  	p1 =	seq.s32 s9, $0x0  }
0x30: {  	p2 =	seq.s32 @!p1 s9, $0x91  }
0x31: {  	p1 =	por p1, p2  }
.Ltmp2:
0x32: {  	_ = 	snop;
	(pc) =	sbr.rel @p1 .LBB1_5-.Ltmp2, $1  }
0x33: {  	_ =	sdelay $0x3  }
0x34: {  	s18 =	simm.s32 $0x1  }
0x35: {  	_ =	swait.ge [sflag:s4], $0x4000;
	s18 =	simm.s32 @!p0 $0x0  }
0x36: {  	[sflag:s4] =	ssyncset.done $0x0;
	s19 =	sshll.u32 s18, $0xE  }
0x37: {  	[sflag:s4] =	ssyncadd.s32 $0xFFFFC000;
	s19 =	sor.u32 $0x40, s19  }
0x38: {  	s18 =	smul.u32 $0x10200, s18;
	v0 =	vld [tilespmem:s19+$0x30]  }
0x39: {  	v1 =	vld [tilespmem:s19+$0xFFFFFFD0]  }
0x3a: {  	s18 =	sshrl.u32 s18, $0x2;
	v5 =	vld [tilespmem:s19+$0xFFFFFFE0]  }
0x3b: {  	v6 =	vld [tilespmem:s19+$0xFFFFFFF0];
	s21 =	sor.u32 $0x8000, s18  }
0x3c: {  	s31 =	sand.u32 $0x1, s9;
	v4 =	vld [tilespmem:s19+$0x0];
	s20 =	sadd.s32 $0x0, s21  }
0x3d: {  	v3 =	vld [tilespmem:s19+$0x10];
	s18 =	smul.u32 $0x10200, s31;
	[tilespmem:s20+$0x3870 ss:$0x81] =	vst.msk $0xffff, v0  }
0x3e: {  	v2 =	vld [tilespmem:s19+$0x20];
	[tilespmem:s20+$0x810 ss:$0x81] =	vst.msk $0xffff, v1  }
0x3f: {  	s18 =	sshrl.u32 s18, $0x2;
	v1 =	vld [tilespmem:s19+$0xFFFFFFC0];
	[tilespmem:s20+$0x1020 ss:$0x81] =	vst.msk $0xffff, v5;
	s19 =	sadd.s32 $0x80, s19  }
0x40: {  	s22 =	simm.s32 $0x4;
	s23 =	simm.s32 $0x8;
	s18 =	sor.u32 $0x8000, s18;
	[tilespmem:s20+$0x1830 ss:$0x81] =	vst.msk $0xffff, v6;
	v0 =	vld [tilespmem:s19+$0x30]  }
.LBB1_3:
0x41: {  	p1 =	sne.s32 s23, $0x1FC;
	v5 =	vld [tilespmem:s19+$0xFFFFFFD0];
	[tilespmem:s20+$0x2040 ss:$0x81] =	vst.msk $0xffff, v4  }
0x42: {  	v6 =	vld [tilespmem:s19+$0xFFFFFFE0];
	[tilespmem:s20+$0x2850 ss:$0x81] =	vst.msk $0xffff, v3  }
0x43: {  	s24 =	sshra.s32 s22, $0x2;
	s22 =	smov.u32 s23;
	v7 =	vld [tilespmem:s19+$0xFFFFFFF0];
	[tilespmem:s20+$0x3060 ss:$0x81] =	vst.msk $0xffff, v2  }
.Ltmp3:
0x44: {  	v4 =	vld [tilespmem:s19+$0x0];
	[tilespmem:s20+$0x0 ss:$0x81] =	vst.msk $0xffff, v1;
	s20 =	sadd.s32 s24, s21;
	(pc) =	sbr.rel @p1 .LBB1_3-.Ltmp3, $4  }
0x45: {  	v3 =	vld [tilespmem:s19+$0x10];
	[tilespmem:s20+$0x3870 ss:$0x81] =	vst.msk $0xffff, v0  }
0x46: {  	[tilespmem:s20+$0x810 ss:$0x81] =	vst.msk $0xffff, v5;
	v2 =	vld [tilespmem:s19+$0x20]  }
0x47: {  	v1 =	vld [tilespmem:s19+$0xFFFFFFC0];
	[tilespmem:s20+$0x1020 ss:$0x81] =	vst.msk $0xffff, v6;
	s19 =	sadd.s32 $0x80, s19  }
0x48: {  	s23 =	sadd.s32 $0x4, s23;
	v0 =	vld [tilespmem:s19+$0x30];
	[tilespmem:s20+$0x1830 ss:$0x81] =	vst.msk $0xffff, v7  }
0x49: {  	s23 =	sshll.u32 s8, $0x3  }
0x4a: {  	s24 =	sand.u32 $0x7F, s8;
	s22 =	sshra.s32 s22, $0x2;
	s23 =	sand.u32 $0xFFFFFC00, s23  }
0x4b: {  	p1 =	sgt.s32 s11, $0x3;
	s24 =	sor.u32 s24, s23;
	s23 =	smulhi.u32 $0xAAAAAAAB, s23  }
0x4c: {  	s26 =	sshra.s32 s11, $0x1F;
	s28 =	sshra.s32 s10, $0x1F;
	s25 =	smulhi.u32 $0xAAAAAAAB, s24  }
0x4d: {  	s21 =	sadd.s32 s22, s21;
	s26 =	sand.u32 s26, s11;
	s28 =	sand.u32 s28, s10  }
0x4e: {  	[tilespmem:s20+$0x2040 ss:$0x81] =	vst.msk $0xffff, v4;
	s23 =	sshrl.u32 s23, $0x8;
	s30 =	sshrl.u32 s25, $0x8;
	s25 =	smov.u32 s11  }
0x4f: {  	[tilespmem:s20+$0x2850 ss:$0x81] =	vst.msk $0xffff, v3;
	s27 =	smulhi.u32 $0x2AAAAAB, s23;
	s25 =	simm.s32 @!p1 $0x3;
	p1 =	sgt.s32 s10, $0x17F  }
0x50: {  	[tilespmem:s20+$0x3060 ss:$0x81] =	vst.msk $0xffff, v2;
	s22 =	smul.u32 $0x180, s30;
	s25 =	ssub.s32 s25, s26;
	s26 =	smov.u32 s10  }
0x51: {  	[tilespmem:s20+$0x0 ss:$0x81] =	vst.msk $0xffff, v1;
	s20 =	smov.u32 s8;
	s27 =	smul.u32 $0x60, s27;
	s26 =	simm.s32 @!p1 $0x17F  }
0x52: {  	v5 =	vld [tilespmem:s19+$0xFFFFFFD0];
	s31 =	sadd.s32 $0xFFFFFFFD, s25;
	s25 =	ssub.s32 $0x4, s25;
	s26 =	ssub.s32 s26, s28  }
0x53: {  	v58 =	vld [tilespmem:s19+$0xFFFFFFE0];
	s30 =	sshra.s32 s8, $0x1F;
	s25 =	smul.u32 $0x60, s25;
	s29 =	sadd.s32 $0xFFFFFE81, s26  }
0x54: {  	v59 =	vld [tilespmem:s19+$0xFFFFFFF0];
	p1 =	sgt.s32 s31, $0x0;
	s26 =	ssub.s32 $0x180, s26;
	p2 =	sgt.s32 s29, $0x0  }
0x55: {  	v60 =	vld [tilespmem:s19+$0x0];
	s25 =	simm.s32 @p1 $0x0;
	s26 =	simm.s32 @p2 $0x0;
	p2 =	sgt.s32 s8, $0x100  }
0x56: {  	v61 =	vld [tilespmem:s19+$0x10];
	[tilespmem:s21+$0x3870 ss:$0x81] =	vst.msk $0xffff, v0;
	s28 =	sand.u32 s30, s8;
	s20 =	simm.s32 @!p2 $0x100;
	s31 =	smul.u32 s26, s25  }
0x57: {  	v62 =	vld [tilespmem:s19+$0x20];
	[tilespmem:s21+$0x810 ss:$0x81] =	vst.msk $0xffff, v5;
	s25 =	ssub.s32 s23, s27;
	s27 =	smul.u32 $0x1B0000, s11;
	s20 =	ssub.s32 s20, s28  }
0x58: {  	v63 =	vld [tilespmem:s19+$0xFFFFFFC0];
	[tilespmem:s21+$0x1020 ss:$0x81] =	vst.msk $0xffff, v58;
	s22 =	ssub.s32 s24, s22;
	s28 =	smul.u32 $0x1200, s10;
	s26 =	sadd.s32 $0xFFFFFF00, s20  }
0x59: {  	[tilespmem:s21+$0x1830 ss:$0x81] =	vst.msk $0xffff, v59;
	s19 =	smul.u32 $0x30, s25;
	s20 =	ssub.s32 $0x180, s20;
	p1 =	sgt.s32 s26, $0x7F  }
.Ltmp4:
0x5a: {  	[tilespmem:s21+$0x2040 ss:$0x81] =	vst.msk $0xffff, v60;
	s25 =	sadd.s32 s2, s27;
	s20 =	simm.s32 @p1 $0x0;
	(pc) =	sbr.rel .LBB1_5-.Ltmp4, $4  }
0x5b: {  	[tilespmem:s21+$0x2850 ss:$0x81] =	vst.msk $0xffff, v61;
	s29 =	sand.u32 $0x7, s22;
	s23 =	sadd.s32 s28, s25;
	s20 =	smul.u32 s20, s31  }
0x5c: {  	[tilespmem:s21+$0x3060 ss:$0x81] =	vst.msk $0xffff, v62;
	s22 =	sshrl.u32 s22, $0x3;
	s30 =	sshll.u32 s29, $0x12;
	s19 =	sadd.s32 s19, s23  }
0x5d: {  	[tilespmem:s21+$0x0 ss:$0x81] =	vst.msk $0xffff, v63;
	s19 =	sadd.s32 s22, s19;
	s31 =	sor.u32 $0x400, s30;
	s20 =	sand.u32 $0x3FFFFFE0, s20  }
0x5e: {  	[hbm4b:s19+s31] =	stream.strided.scatter [tilespmem:s18], [sflag:$0x2], s20, s7, s31, $0x20;
	[tilespmem:$0x10100] =	vst v63  }
.LBB1_6:
0x5f: {  	_ =	sfence.sel $0x180000  }
0x60: {  	s2 =	simm.s32 $0x1;
	[bflag:$0x0] =	sbarrier.arrive $0xFFFF  }
0x61: {  	s31 =	simm.s32 $0x2;
	[sflag:s2] =	ssyncpa.u1 $0x1  }
0x62: {  	[sflag:s31] =	ssyncpa.u1 $0x1  }
0x63: {  	p0 =	sne.s32 s1, $0x0;
	_ =	strace $0x9000004A  }
0x64: {  	s0 =	sadd.s32 @!p0 $0x100000, s0;
	[bflag:$0x2] =	sbarrier.arrive $0xFFFF  }
0x65: {  	[sflag:s0] =	ssyncadd.tile.s32 @!p0 $0x1;
	_ =	shalt  }
.Lfunc_end1:
_tile_overlayer_lowered:
.L_overlay_start_2:
0x66: {  	(tag) =	ssettag $0x2  }
0x67: {  	s0 =	rddreg [dreg:$0x0];
	s2 =	stileid.u32  }
0x68: {  	s1 =	rddreg [dreg:$0x1];
	p0 =	sne.s32 s2, $0x0  }
0x69: {  	s3 =	rddreg [dreg:$0x2];
	[bflag:$0x3] =	sbarrier.arrive $0xFFFF;
	s2 =	simm.s32 @!p0 $0x1C01  }
0x6a: {  	[timem:s3], [sflag:s2] =	dma.local @!p0 [hbm:s0], s1  }
0x6b: {  	s0 =	simm.s32 @!p0 $0x1  }
0x6c: {  	_ =	swait.ge @!p0 [sflag:s0], s1  }
0x6d: {  	s1 =	ssub.s32 @!p0 $0x0, s1;
	[sflag:s0] =	ssyncset.done @!p0 $0x0  }
0x6e: {  	[sflag:s0] =	ssyncadd.s32 @!p0 s1  }
0x6f: {  	[bflag:$0x3] =	sbarrier.arrive $0xFFFF  }
0x70: {  	_ =	shalt  }

</sc_bundles>
